<compile_context>
chip_gen: v7x
topology: tpu7x:2x2x1
jax: 0.10.2.dev20260603
libtpu: 0.0.44.dev20260713+nightly
codegen_flags: <defaults>
</compile_context>

<pallas_src>
import functools

import jax
import jax.numpy as jnp
from jax import lax
from jax.experimental import pallas as pl
from jax.experimental.pallas import tpu as pltpu
from jax.experimental.pallas import tpu_sc as plsc

N_NODES = 10000
N_EDGES = 320000
D_FEAT = 128
D_PACK = D_FEAT // 2
NUM_CORES = 2
NUM_SUBCORES = 16
NUM_WORKERS = NUM_CORES * NUM_SUBCORES
EDGES_PER_WORKER = N_EDGES // NUM_WORKERS
CHUNK = 80
NUM_CHUNKS = EDGES_PER_WORKER // CHUNK


def _pack_bf16(x):
    x16 = x.astype(jnp.bfloat16)
    h = x.shape[1] // 2
    lo = lax.bitcast_convert_type(x16[:, :h], jnp.uint16).astype(jnp.uint32)
    hi = lax.bitcast_convert_type(x16[:, h:], jnp.uint16).astype(jnp.uint32)
    return lo | (hi << 16)


def kernel(src_idx, dst_idx, src_feat, dst_feat):
    mesh = plsc.VectorSubcoreMesh(core_axis_name="c", subcore_axis_name="s")

    @functools.partial(
        pl.kernel,
        mesh=mesh,
        out_type=jax.ShapeDtypeStruct((N_EDGES,), jnp.float32),
        compiler_params=pltpu.CompilerParams(
            needs_layout_passes=False, use_tc_tiling_on_sc=False),
        scratch_types=[
            pltpu.VMEM((EDGES_PER_WORKER,), jnp.int32),
            pltpu.VMEM((EDGES_PER_WORKER,), jnp.int32),
            pltpu.VMEM((CHUNK, D_PACK), jnp.uint32),
            pltpu.VMEM((CHUNK, D_PACK), jnp.uint32),
            pltpu.VMEM((CHUNK, D_PACK), jnp.uint32),
            pltpu.VMEM((CHUNK, D_PACK), jnp.uint32),
            pltpu.VMEM((EDGES_PER_WORKER,), jnp.float32),
            pltpu.SemaphoreType.DMA,
            pltpu.SemaphoreType.DMA,
            pltpu.SemaphoreType.DMA,
            pltpu.SemaphoreType.DMA,
        ],
    )
    def k(sidx_hbm, didx_hbm, sfeat_hbm, dfeat_hbm, out_hbm,
          sidx_v, didx_v, srows0, drows0, srows1, drows1, out_v,
          sem_s0, sem_d0, sem_s1, sem_d1):
        wid = lax.axis_index("s") * NUM_CORES + lax.axis_index("c")
        base0 = wid * EDGES_PER_WORKER
        pltpu.sync_copy(sidx_hbm.at[pl.ds(base0, EDGES_PER_WORKER)], sidx_v)
        pltpu.sync_copy(didx_hbm.at[pl.ds(base0, EDGES_PER_WORKER)], didx_v)

        sbufs = (srows0, srows1)
        dbufs = (drows0, drows1)
        sems = ((sem_s0, sem_d0), (sem_s1, sem_d1))

        def gather_descs(ci, b):
            off = ci * CHUNK
            return (
                pltpu.make_async_copy(
                    sfeat_hbm.at[sidx_v.at[pl.ds(off, CHUNK)]],
                    sbufs[b], sems[b][0]),
                pltpu.make_async_copy(
                    dfeat_hbm.at[didx_v.at[pl.ds(off, CHUNK)]],
                    dbufs[b], sems[b][1]),
            )

        def gather_start(ci, b):
            for cp in gather_descs(ci, b):
                cp.start()

        def gather_wait(ci, b):
            for cp in gather_descs(ci, b):
                cp.wait()

        lane = lax.iota(jnp.int32, 16)

        def dot16(sbuf, dbuf, e):
            prods = []
            for kk in range(D_PACK // 16):
                s2 = plsc.bitcast(sbuf[e, pl.ds(kk * 16, 16)], jnp.bfloat16)
                d2 = plsc.bitcast(dbuf[e, pl.ds(kk * 16, 16)], jnp.bfloat16)
                prods.append(s2 * d2)
            fsums = []
            for i in range(0, len(prods), 2):
                qa, qb = plsc.unpack(prods[i] + prods[i + 1],
                                     format=plsc.PackFormat.INTERLEAVED)
                fsums.append(qa + qb)
            while len(fsums) > 1:
                fsums = [fsums[i] + fsums[i + 1]
                         for i in range(0, len(fsums), 2)]
            return fsums[0]

        def compute_chunk(ci, b):
            sbuf, dbuf = sbufs[b], dbufs[b]
            obase = ci * CHUNK

            @plsc.parallel_loop(0, CHUNK // 16, unroll=2)
            def group_body(g):
                e0 = g * 16
                tot = jnp.zeros((16,), jnp.float32)
                for j in range(16):
                    s = jnp.sum(dot16(sbuf, dbuf, e0 + j))
                    tot = jnp.where(lane == j, s, tot)
                out_v[pl.ds(obase + e0, 16)] = tot

        gather_start(0, 0)

        def pair_body(p, _):
            ci0 = 2 * p
            gather_start(ci0 + 1, 1)
            gather_wait(ci0, 0)
            compute_chunk(ci0, 0)
            gather_start(ci0 + 2, 0)
            gather_wait(ci0 + 1, 1)
            compute_chunk(ci0 + 1, 1)
            return 0

        lax.fori_loop(0, (NUM_CHUNKS - 1) // 2, pair_body, 0)
        gather_wait(NUM_CHUNKS - 1, 0)
        compute_chunk(NUM_CHUNKS - 1, 0)
        pltpu.sync_copy(out_v, out_hbm.at[pl.ds(base0, EDGES_PER_WORKER)])

    return k(src_idx, dst_idx, _pack_bf16(src_feat), _pack_bf16(dst_feat))

# --- scband reference (transcript-rebuilt; emitter-appended) ---
"""Pipeline reference for scband-model-10522669875236 (READ-ONLY COPY).

The authoritative reference and input builder live on the scoring server;
editing this copy changes nothing except your own understanding.
"""

import jax, jax.numpy as jnp
import numpy as np

N_NODES = 10000
N_EDGES = 320000
D_FEAT = 128

def setup_inputs(seed: int = 0) -> dict:
    key = jax.random.key(seed)
    k1, k2, k3, k4 = jax.random.split(key, 4)
    src_idx = jax.random.randint(k1, (N_EDGES,), 0, N_NODES, dtype=jnp.int64 if jax.config.jax_enable_x64 else jnp.int32).astype(jnp.int64) if False else jax.random.randint(k1, (N_EDGES,), 0, N_NODES)
    dst_idx = jax.random.randint(k2, (N_EDGES,), 0, N_NODES)
    src_feat = jax.random.normal(k3, (N_NODES, D_FEAT), dtype=jnp.float32)
    dst_feat = jax.random.normal(k4, (N_NODES, D_FEAT), dtype=jnp.float32)
    return {"src_idx": src_idx, "dst_idx": dst_idx, "src_feat": src_feat, "dst_feat": dst_feat}

def reference(src_idx, dst_idx, src_feat, dst_feat):
    # Edge-only sampled dense-dense matmul (SDDMM-style edge dot products)
    src = jnp.take(src_feat, src_idx, axis=0)
    dst = jnp.take(dst_feat, dst_idx, axis=0)
    return jnp.sum(src * dst, axis=-1)

if __name__ == "__main__":
    import jax
    _d = setup_inputs()
    print(jax.jit(kernel)(*tuple(_d.values())))

</pallas_src>

<mosaic_0001>
#map = affine_map<(d0, d1) -> (0)>
#map1 = affine_map<(d0, d1) -> (0, 0)>
module attributes {stable_mosaic.version = 14 : i64} {
  func.func @k(%arg0: i32, %arg1: i32, %arg2: memref<320000xi32, #tpu.memory_space<hbm>>, %arg3: memref<320000xi32, #tpu.memory_space<hbm>>, %arg4: memref<10000x64xi32, #tpu.memory_space<hbm>>, %arg5: memref<10000x64xi32, #tpu.memory_space<hbm>>, %arg6: memref<320000xf32, #tpu.memory_space<hbm>>, %arg7: memref<10000xi32, #tpu.memory_space<vmem>>, %arg8: memref<10000xi32, #tpu.memory_space<vmem>>, %arg9: memref<80x64xi32, #tpu.memory_space<vmem>>, %arg10: memref<80x64xi32, #tpu.memory_space<vmem>>, %arg11: memref<80x64xi32, #tpu.memory_space<vmem>>, %arg12: memref<80x64xi32, #tpu.memory_space<vmem>>, %arg13: memref<10000xf32, #tpu.memory_space<vmem>>, %arg14: memref<!tpu.dma_semaphore, #tpu.memory_space<semaphore_mem>>, %arg15: memref<!tpu.dma_semaphore, #tpu.memory_space<semaphore_mem>>, %arg16: memref<!tpu.dma_semaphore, #tpu.memory_space<semaphore_mem>>, %arg17: memref<!tpu.dma_semaphore, #tpu.memory_space<semaphore_mem>>) attributes {dimension_semantics = [#tpu.dimension_semantics<core_parallel>, #tpu.dimension_semantics<subcore_parallel>], iteration_bounds = array<i64: 2, 16>, scalar_prefetch = 0 : i64, scratch_operands = 11 : i64, tpu.core_type = #tpu.core_type<sc_vector_subcore>, window_params = [{transform_indices = #map}, {transform_indices = #map}, {transform_indices = #map1}, {transform_indices = #map1}, {transform_indices = #map}]} {
    %mul3A = arith.constant 2 : i32
    %mul3A_0 = arith.muli %arg1, %mul3A : i32
    %add3A = arith.addi %mul3A_0, %arg0 : i32
    %mul3A_1 = arith.constant 10000 : i32
    %mul3A_2 = arith.muli %add3A, %mul3A_1 : i32
    "tpu.region"() ({
      %run_scoped3A = tpu.sem_alloc : memref<!tpu.dma_semaphore, #tpu.memory_space<semaphore_mem>>
      %dma_start3A_29 = tpu.memref_slice %arg2[%mul3A_2] : memref<320000xi32, #tpu.memory_space<hbm>> -> memref<10000xi32, #tpu.memory_space<hbm>>
      %dma_start3A_30 = tpu.memref_slice %arg2[%mul3A_2] : memref<320000xi32, #tpu.memory_space<hbm>> -> memref<10000xi32, #tpu.memory_space<hbm>>
      tpu.enqueue_dma source(%dma_start3A_30 : memref<10000xi32, #tpu.memory_space<hbm>>) target(%arg7 : memref<10000xi32, #tpu.memory_space<vmem>>) target_semaphore(%run_scoped3A : memref<!tpu.dma_semaphore, #tpu.memory_space<semaphore_mem>>)
      %dma_wait3A_31 = tpu.memref_slice %arg2[%mul3A_2] : memref<320000xi32, #tpu.memory_space<hbm>> -> memref<10000xi32, #tpu.memory_space<hbm>>
      %dma_wait3A_32 = tpu.memref_slice %arg2[%mul3A_2] : memref<320000xi32, #tpu.memory_space<hbm>> -> memref<10000xi32, #tpu.memory_space<hbm>>
      tpu.wait_dma2 semaphore(%run_scoped3A : memref<!tpu.dma_semaphore, #tpu.memory_space<semaphore_mem>>) src(%dma_wait3A_32 : memref<10000xi32, #tpu.memory_space<hbm>>) dst(%arg7 : memref<10000xi32, #tpu.memory_space<vmem>>)
      tpu.yield
    }) : () -> ()
    "tpu.region"() ({
      %run_scoped3A = tpu.sem_alloc : memref<!tpu.dma_semaphore, #tpu.memory_space<semaphore_mem>>
      %dma_start3A_29 = tpu.memref_slice %arg3[%mul3A_2] : memref<320000xi32, #tpu.memory_space<hbm>> -> memref<10000xi32, #tpu.memory_space<hbm>>
      %dma_start3A_30 = tpu.memref_slice %arg3[%mul3A_2] : memref<320000xi32, #tpu.memory_space<hbm>> -> memref<10000xi32, #tpu.memory_space<hbm>>
      tpu.enqueue_dma source(%dma_start3A_30 : memref<10000xi32, #tpu.memory_space<hbm>>) target(%arg8 : memref<10000xi32, #tpu.memory_space<vmem>>) target_semaphore(%run_scoped3A : memref<!tpu.dma_semaphore, #tpu.memory_space<semaphore_mem>>)
      %dma_wait3A_31 = tpu.memref_slice %arg3[%mul3A_2] : memref<320000xi32, #tpu.memory_space<hbm>> -> memref<10000xi32, #tpu.memory_space<hbm>>
      %dma_wait3A_32 = tpu.memref_slice %arg3[%mul3A_2] : memref<320000xi32, #tpu.memory_space<hbm>> -> memref<10000xi32, #tpu.memory_space<hbm>>
      tpu.wait_dma2 semaphore(%run_scoped3A : memref<!tpu.dma_semaphore, #tpu.memory_space<semaphore_mem>>) src(%dma_wait3A_32 : memref<10000xi32, #tpu.memory_space<hbm>>) dst(%arg8 : memref<10000xi32, #tpu.memory_space<vmem>>)
      tpu.yield
    }) : () -> ()
    %iota3A = tpu.iota {dimensions = array<i32: 0>} : vector<16xi32>
    %dma_start3A = arith.constant 0 : i32
    %dma_start3A_3 = tpu.memref_slice %arg7[%dma_start3A] : memref<10000xi32, #tpu.memory_space<vmem>> -> memref<80xi32, #tpu.memory_space<vmem>>
    %dma_start3A_4 = arith.constant 0 : i32
    %dma_start3A_5 = arith.constant 0 : i32
    %dma_start3A_6 = tpu.memref_slice %arg4[%dma_start3A_4, %dma_start3A_5] : memref<10000x64xi32, #tpu.memory_space<hbm>> -> memref<10000x64xi32, #tpu.memory_space<hbm>>
    tpu.enqueue_indirect_dma source(%dma_start3A_6 : memref<10000x64xi32, #tpu.memory_space<hbm>>) target(%arg9 : memref<80x64xi32, #tpu.memory_space<vmem>>) offsets(%dma_start3A_3 : memref<80xi32, #tpu.memory_space<vmem>>) semaphore(%arg14 : memref<!tpu.dma_semaphore, #tpu.memory_space<semaphore_mem>>)
    %dma_start3A_7 = arith.constant 0 : i32
    %dma_start3A_8 = tpu.memref_slice %arg8[%dma_start3A_7] : memref<10000xi32, #tpu.memory_space<vmem>> -> memref<80xi32, #tpu.memory_space<vmem>>
    %dma_start3A_9 = arith.constant 0 : i32
    %dma_start3A_10 = arith.constant 0 : i32
    %dma_start3A_11 = tpu.memref_slice %arg5[%dma_start3A_9, %dma_start3A_10] : memref<10000x64xi32, #tpu.memory_space<hbm>> -> memref<10000x64xi32, #tpu.memory_space<hbm>>
    tpu.enqueue_indirect_dma source(%dma_start3A_11 : memref<10000x64xi32, #tpu.memory_space<hbm>>) target(%arg10 : memref<80x64xi32, #tpu.memory_space<vmem>>) offsets(%dma_start3A_8 : memref<80xi32, #tpu.memory_space<vmem>>) semaphore(%arg15 : memref<!tpu.dma_semaphore, #tpu.memory_space<semaphore_mem>>)
    %scan3A = arith.constant 0 : i32
    %scan3A_12 = arith.constant 0 : i32
    %scan3A_13 = arith.constant 62 : i32
    %scan3A_14 = arith.addi %scan3A_12, %scan3A_13 : i32
    %scan3A_15 = arith.constant 1 : i32
    %scan3A_16 = scf.for %scan3A_29 = %scan3A_12 to %scan3A_14 step %scan3A_15 iter_args(%scan3A_30 = %scan3A) -> (i32)  : i32 {
      %mul3A_31 = arith.constant 2 : i32
      %mul3A_32 = arith.muli %mul3A_31, %scan3A_29 : i32
      %add3A_33 = arith.constant 1 : i32
      %add3A_34 = arith.addi %mul3A_32, %add3A_33 : i32
      %mul3A_35 = arith.constant 80 : i32
      %mul3A_36 = arith.muli %add3A_34, %mul3A_35 : i32
      %dma_start3A_37 = tpu.memref_slice %arg7[%mul3A_36] : memref<10000xi32, #tpu.memory_space<vmem>> -> memref<80xi32, #tpu.memory_space<vmem>>
      %dma_start3A_38 = arith.constant 0 : i32
      %dma_start3A_39 = arith.constant 0 : i32
      %dma_start3A_40 = tpu.memref_slice %arg4[%dma_start3A_38, %dma_start3A_39] : memref<10000x64xi32, #tpu.memory_space<hbm>> -> memref<10000x64xi32, #tpu.memory_space<hbm>>
      tpu.enqueue_indirect_dma source(%dma_start3A_40 : memref<10000x64xi32, #tpu.memory_space<hbm>>) target(%arg11 : memref<80x64xi32, #tpu.memory_space<vmem>>) offsets(%dma_start3A_37 : memref<80xi32, #tpu.memory_space<vmem>>) semaphore(%arg16 : memref<!tpu.dma_semaphore, #tpu.memory_space<semaphore_mem>>)
      %dma_start3A_41 = tpu.memref_slice %arg8[%mul3A_36] : memref<10000xi32, #tpu.memory_space<vmem>> -> memref<80xi32, #tpu.memory_space<vmem>>
      %dma_start3A_42 = arith.constant 0 : i32
      %dma_start3A_43 = arith.constant 0 : i32
      %dma_start3A_44 = tpu.memref_slice %arg5[%dma_start3A_42, %dma_start3A_43] : memref<10000x64xi32, #tpu.memory_space<hbm>> -> memref<10000x64xi32, #tpu.memory_space<hbm>>
      tpu.enqueue_indirect_dma source(%dma_start3A_44 : memref<10000x64xi32, #tpu.memory_space<hbm>>) target(%arg12 : memref<80x64xi32, #tpu.memory_space<vmem>>) offsets(%dma_start3A_41 : memref<80xi32, #tpu.memory_space<vmem>>) semaphore(%arg17 : memref<!tpu.dma_semaphore, #tpu.memory_space<semaphore_mem>>)
      %mul3A_45 = arith.constant 80 : i32
      %mul3A_46 = arith.muli %mul3A_32, %mul3A_45 : i32
      %dma_wait3A_47 = tpu.memref_slice %arg7[%mul3A_46] : memref<10000xi32, #tpu.memory_space<vmem>> -> memref<80xi32, #tpu.memory_space<vmem>>
      %dma_wait3A_48 = arith.constant 0 : i32
      %dma_wait3A_49 = arith.constant 0 : i32
      %dma_wait3A_50 = tpu.memref_slice %arg4[%dma_wait3A_48, %dma_wait3A_49] : memref<10000x64xi32, #tpu.memory_space<hbm>> -> memref<10000x64xi32, #tpu.memory_space<hbm>>
      tpu.wait_indirect_dma semaphore(%arg14 : memref<!tpu.dma_semaphore, #tpu.memory_space<semaphore_mem>>) src(%dma_wait3A_50 : memref<10000x64xi32, #tpu.memory_space<hbm>>) dst(%arg9 : memref<80x64xi32, #tpu.memory_space<vmem>>)
      %dma_wait3A_51 = tpu.memref_slice %arg8[%mul3A_46] : memref<10000xi32, #tpu.memory_space<vmem>> -> memref<80xi32, #tpu.memory_space<vmem>>
      %dma_wait3A_52 = arith.constant 0 : i32
      %dma_wait3A_53 = arith.constant 0 : i32
      %dma_wait3A_54 = tpu.memref_slice %arg5[%dma_wait3A_52, %dma_wait3A_53] : memref<10000x64xi32, #tpu.memory_space<hbm>> -> memref<10000x64xi32, #tpu.memory_space<hbm>>
      tpu.wait_indirect_dma semaphore(%arg15 : memref<!tpu.dma_semaphore, #tpu.memory_space<semaphore_mem>>) src(%dma_wait3A_54 : memref<10000x64xi32, #tpu.memory_space<hbm>>) dst(%arg10 : memref<80x64xi32, #tpu.memory_space<vmem>>)
      %mul3A_55 = arith.constant 80 : i32
      %mul3A_56 = arith.muli %mul3A_32, %mul3A_55 : i32
      %parallel_loop3A_57 = arith.constant 0 : i32
      %parallel_loop3A_58 = arith.constant 5 : i32
      %parallel_loop3A_59 = arith.constant 1 : i32
      scf.for %parallel_loop3A_92 = %parallel_loop3A_57 to %parallel_loop3A_58 step %parallel_loop3A_59  : i32 {
        %parallel_loop3A_93 = arith.constant 16 : i32
        %parallel_loop3A_94 = arith.muli %parallel_loop3A_92, %parallel_loop3A_93 : i32
        %parallel_loop3A_95 = arith.constant 0.000000e+00 : f32
        %parallel_loop3A_96 = vector.broadcast %parallel_loop3A_95 : f32 to vector<16xf32>
        %parallel_loop3A_97 = arith.constant 0 : i32
        %parallel_loop3A_98 = arith.addi %parallel_loop3A_94, %parallel_loop3A_97 : i32
        %parallel_loop3A_99 = arith.index_cast %parallel_loop3A_98 : i32 to index
        %parallel_loop3A_100 = arith.constant 0 : index
        %parallel_loop3A_101 = tpu.vector_load %arg9[%parallel_loop3A_99, %parallel_loop3A_100] {strides = array<i32>} : memref<80x64xi32, #tpu.memory_space<vmem>>, vector<16xi32>,
        %parallel_loop3A_102 = vector.bitcast %parallel_loop3A_101 : vector<16xi32> to vector<32xbf16>
        %parallel_loop3A_103 = arith.index_cast %parallel_loop3A_98 : i32 to index
        %parallel_loop3A_104 = arith.constant 0 : index
        %parallel_loop3A_105 = tpu.vector_load %arg10[%parallel_loop3A_103, %parallel_loop3A_104] {strides = array<i32>} : memref<80x64xi32, #tpu.memory_space<vmem>>, vector<16xi32>,
        %parallel_loop3A_106 = vector.bitcast %parallel_loop3A_105 : vector<16xi32> to vector<32xbf16>
        %parallel_loop3A_107 = arith.mulf %parallel_loop3A_102, %parallel_loop3A_106 : vector<32xbf16>
        %parallel_loop3A_108 = arith.index_cast %parallel_loop3A_98 : i32 to index
        %parallel_loop3A_109 = arith.constant 16 : index
        %parallel_loop3A_110 = tpu.vector_load %arg9[%parallel_loop3A_108, %parallel_loop3A_109] {strides = array<i32>} : memref<80x64xi32, #tpu.memory_space<vmem>>, vector<16xi32>,
        %parallel_loop3A_111 = vector.bitcast %parallel_loop3A_110 : vector<16xi32> to vector<32xbf16>
        %parallel_loop3A_112 = arith.index_cast %parallel_loop3A_98 : i32 to index
        %parallel_loop3A_113 = arith.constant 16 : index
        %parallel_loop3A_114 = tpu.vector_load %arg10[%parallel_loop3A_112, %parallel_loop3A_113] {strides = array<i32>} : memref<80x64xi32, #tpu.memory_space<vmem>>, vector<16xi32>,
        %parallel_loop3A_115 = vector.bitcast %parallel_loop3A_114 : vector<16xi32> to vector<32xbf16>
        %parallel_loop3A_116 = arith.mulf %parallel_loop3A_111, %parallel_loop3A_115 : vector<32xbf16>
        %parallel_loop3A_117 = arith.index_cast %parallel_loop3A_98 : i32 to index
        %parallel_loop3A_118 = arith.constant 32 : index
        %parallel_loop3A_119 = tpu.vector_load %arg9[%parallel_loop3A_117, %parallel_loop3A_118] {strides = array<i32>} : memref<80x64xi32, #tpu.memory_space<vmem>>, vector<16xi32>,
        %parallel_loop3A_120 = vector.bitcast %parallel_loop3A_119 : vector<16xi32> to vector<32xbf16>
        %parallel_loop3A_121 = arith.index_cast %parallel_loop3A_98 : i32 to index
        %parallel_loop3A_122 = arith.constant 32 : index
        %parallel_loop3A_123 = tpu.vector_load %arg10[%parallel_loop3A_121, %parallel_loop3A_122] {strides = array<i32>} : memref<80x64xi32, #tpu.memory_space<vmem>>, vector<16xi32>,
        %parallel_loop3A_124 = vector.bitcast %parallel_loop3A_123 : vector<16xi32> to vector<32xbf16>
        %parallel_loop3A_125 = arith.mulf %parallel_loop3A_120, %parallel_loop3A_124 : vector<32xbf16>
        %parallel_loop3A_126 = arith.index_cast %parallel_loop3A_98 : i32 to index
        %parallel_loop3A_127 = arith.constant 48 : index
        %parallel_loop3A_128 = tpu.vector_load %arg9[%parallel_loop3A_126, %parallel_loop3A_127] {strides = array<i32>} : memref<80x64xi32, #tpu.memory_space<vmem>>, vector<16xi32>,
        %parallel_loop3A_129 = vector.bitcast %parallel_loop3A_128 : vector<16xi32> to vector<32xbf16>
        %parallel_loop3A_130 = arith.index_cast %parallel_loop3A_98 : i32 to index
        %parallel_loop3A_131 = arith.constant 48 : index
        %parallel_loop3A_132 = tpu.vector_load %arg10[%parallel_loop3A_130, %parallel_loop3A_131] {strides = array<i32>} : memref<80x64xi32, #tpu.memory_space<vmem>>, vector<16xi32>,
        %parallel_loop3A_133 = vector.bitcast %parallel_loop3A_132 : vector<16xi32> to vector<32xbf16>
        %parallel_loop3A_134 = arith.mulf %parallel_loop3A_129, %parallel_loop3A_133 : vector<32xbf16>
        %parallel_loop3A_135 = arith.addf %parallel_loop3A_107, %parallel_loop3A_116 : vector<32xbf16>
        %parallel_loop3A_136 = tpu.unpack_subelements %parallel_loop3A_135, 0 {pack_format = #tpu.pack_format<interleaved>} : vector<32xbf16> -> vector<16xf32>
        %parallel_loop3A_137 = tpu.unpack_subelements %parallel_loop3A_135, 1 {pack_format = #tpu.pack_format<interleaved>} : vector<32xbf16> -> vector<16xf32>
        %parallel_loop3A_138 = arith.addf %parallel_loop3A_136, %parallel_loop3A_137 : vector<16xf32>
        %parallel_loop3A_139 = arith.addf %parallel_loop3A_125, %parallel_loop3A_134 : vector<32xbf16>
        %parallel_loop3A_140 = tpu.unpack_subelements %parallel_loop3A_139, 0 {pack_format = #tpu.pack_format<interleaved>} : vector<32xbf16> -> vector<16xf32>
        %parallel_loop3A_141 = tpu.unpack_subelements %parallel_loop3A_139, 1 {pack_format = #tpu.pack_format<interleaved>} : vector<32xbf16> -> vector<16xf32>
        %parallel_loop3A_142 = arith.addf %parallel_loop3A_140, %parallel_loop3A_141 : vector<16xf32>
        %parallel_loop3A_143 = arith.addf %parallel_loop3A_138, %parallel_loop3A_142 : vector<16xf32>
        %parallel_loop3A_144 = arith.constant true
        %parallel_loop3A_145 = vector.broadcast %parallel_loop3A_144 : i1 to vector<16xi1>
        %parallel_loop3A_146 = tpu.scan <sum>, %parallel_loop3A_143 masked %parallel_loop3A_145 : vector<16xf32>, vector<16xi1> -> vector<16xf32>
        %parallel_loop3A_147 = vector.extract %parallel_loop3A_146[15] : f32 from vector<16xf32>
        %parallel_loop3A_148 = arith.constant 0 : i32
        %parallel_loop3A_149 = vector.broadcast %parallel_loop3A_148 : i32 to vector<16xi32>
        %parallel_loop3A_150 = arith.cmpi eq, %iota3A, %parallel_loop3A_149 : vector<16xi32>
        %parallel_loop3A_151 = vector.broadcast %parallel_loop3A_147 : f32 to vector<16xf32>
        %parallel_loop3A_152 = arith.select %parallel_loop3A_150, %parallel_loop3A_151, %parallel_loop3A_96 : vector<16xi1>, vector<16xf32>
        %parallel_loop3A_153 = arith.constant 1 : i32
        %parallel_loop3A_154 = arith.addi %parallel_loop3A_94, %parallel_loop3A_153 : i32
        %parallel_loop3A_155 = arith.index_cast %parallel_loop3A_154 : i32 to index
        %parallel_loop3A_156 = arith.constant 0 : index
        %parallel_loop3A_157 = tpu.vector_load %arg9[%parallel_loop3A_155, %parallel_loop3A_156] {strides = array<i32>} : memref<80x64xi32, #tpu.memory_space<vmem>>, vector<16xi32>,
        %parallel_loop3A_158 = vector.bitcast %parallel_loop3A_157 : vector<16xi32> to vector<32xbf16>
        %parallel_loop3A_159 = arith.index_cast %parallel_loop3A_154 : i32 to index
        %parallel_loop3A_160 = arith.constant 0 : index
        %parallel_loop3A_161 = tpu.vector_load %arg10[%parallel_loop3A_159, %parallel_loop3A_160] {strides = array<i32>} : memref<80x64xi32, #tpu.memory_space<vmem>>, vector<16xi32>,
        %parallel_loop3A_162 = vector.bitcast %parallel_loop3A_161 : vector<16xi32> to vector<32xbf16>
        %parallel_loop3A_163 = arith.mulf %parallel_loop3A_158, %parallel_loop3A_162 : vector<32xbf16>
        %parallel_loop3A_164 = arith.index_cast %parallel_loop3A_154 : i32 to index
        %parallel_loop3A_165 = arith.constant 16 : index
        %parallel_loop3A_166 = tpu.vector_load %arg9[%parallel_loop3A_164, %parallel_loop3A_165] {strides = array<i32>} : memref<80x64xi32, #tpu.memory_space<vmem>>, vector<16xi32>,
        %parallel_loop3A_167 = vector.bitcast %parallel_loop3A_166 : vector<16xi32> to vector<32xbf16>
        %parallel_loop3A_168 = arith.index_cast %parallel_loop3A_154 : i32 to index
        %parallel_loop3A_169 = arith.constant 16 : index
        %parallel_loop3A_170 = tpu.vector_load %arg10[%parallel_loop3A_168, %parallel_loop3A_169] {strides = array<i32>} : memref<80x64xi32, #tpu.memory_space<vmem>>, vector<16xi32>,
        %parallel_loop3A_171 = vector.bitcast %parallel_loop3A_170 : vector<16xi32> to vector<32xbf16>
        %parallel_loop3A_172 = arith.mulf %parallel_loop3A_167, %parallel_loop3A_171 : vector<32xbf16>
        %parallel_loop3A_173 = arith.index_cast %parallel_loop3A_154 : i32 to index
        %parallel_loop3A_174 = arith.constant 32 : index
        %parallel_loop3A_175 = tpu.vector_load %arg9[%parallel_loop3A_173, %parallel_loop3A_174] {strides = array<i32>} : memref<80x64xi32, #tpu.memory_space<vmem>>, vector<16xi32>,
        %parallel_loop3A_176 = vector.bitcast %parallel_loop3A_175 : vector<16xi32> to vector<32xbf16>
        %parallel_loop3A_177 = arith.index_cast %parallel_loop3A_154 : i32 to index
        %parallel_loop3A_178 = arith.constant 32 : index
        %parallel_loop3A_179 = tpu.vector_load %arg10[%parallel_loop3A_177, %parallel_loop3A_178] {strides = array<i32>} : memref<80x64xi32, #tpu.memory_space<vmem>>, vector<16xi32>,
        %parallel_loop3A_180 = vector.bitcast %parallel_loop3A_179 : vector<16xi32> to vector<32xbf16>
        %parallel_loop3A_181 = arith.mulf %parallel_loop3A_176, %parallel_loop3A_180 : vector<32xbf16>
        %parallel_loop3A_182 = arith.index_cast %parallel_loop3A_154 : i32 to index
        %parallel_loop3A_183 = arith.constant 48 : index
        %parallel_loop3A_184 = tpu.vector_load %arg9[%parallel_loop3A_182, %parallel_loop3A_183] {strides = array<i32>} : memref<80x64xi32, #tpu.memory_space<vmem>>, vector<16xi32>,
        %parallel_loop3A_185 = vector.bitcast %parallel_loop3A_184 : vector<16xi32> to vector<32xbf16>
        %parallel_loop3A_186 = arith.index_cast %parallel_loop3A_154 : i32 to index
        %parallel_loop3A_187 = arith.constant 48 : index
        %parallel_loop3A_188 = tpu.vector_load %arg10[%parallel_loop3A_186, %parallel_loop3A_187] {strides = array<i32>} : memref<80x64xi32, #tpu.memory_space<vmem>>, vector<16xi32>,
        %parallel_loop3A_189 = vector.bitcast %parallel_loop3A_188 : vector<16xi32> to vector<32xbf16>
        %parallel_loop3A_190 = arith.mulf %parallel_loop3A_185, %parallel_loop3A_189 : vector<32xbf16>
        %parallel_loop3A_191 = arith.addf %parallel_loop3A_163, %parallel_loop3A_172 : vector<32xbf16>
        %parallel_loop3A_192 = tpu.unpack_subelements %parallel_loop3A_191, 0 {pack_format = #tpu.pack_format<interleaved>} : vector<32xbf16> -> vector<16xf32>
        %parallel_loop3A_193 = tpu.unpack_subelements %parallel_loop3A_191, 1 {pack_format = #tpu.pack_format<interleaved>} : vector<32xbf16> -> vector<16xf32>
        %parallel_loop3A_194 = arith.addf %parallel_loop3A_192, %parallel_loop3A_193 : vector<16xf32>
        %parallel_loop3A_195 = arith.addf %parallel_loop3A_181, %parallel_loop3A_190 : vector<32xbf16>
        %parallel_loop3A_196 = tpu.unpack_subelements %parallel_loop3A_195, 0 {pack_format = #tpu.pack_format<interleaved>} : vector<32xbf16> -> vector<16xf32>
        %parallel_loop3A_197 = tpu.unpack_subelements %parallel_loop3A_195, 1 {pack_format = #tpu.pack_format<interleaved>} : vector<32xbf16> -> vector<16xf32>
        %parallel_loop3A_198 = arith.addf %parallel_loop3A_196, %parallel_loop3A_197 : vector<16xf32>
        %parallel_loop3A_199 = arith.addf %parallel_loop3A_194, %parallel_loop3A_198 : vector<16xf32>
        %parallel_loop3A_200 = arith.constant true
        %parallel_loop3A_201 = vector.broadcast %parallel_loop3A_200 : i1 to vector<16xi1>
        %parallel_loop3A_202 = tpu.scan <sum>, %parallel_loop3A_199 masked %parallel_loop3A_201 : vector<16xf32>, vector<16xi1> -> vector<16xf32>
        %parallel_loop3A_203 = vector.extract %parallel_loop3A_202[15] : f32 from vector<16xf32>
        %parallel_loop3A_204 = arith.constant 1 : i32
        %parallel_loop3A_205 = vector.broadcast %parallel_loop3A_204 : i32 to vector<16xi32>
        %parallel_loop3A_206 = arith.cmpi eq, %iota3A, %parallel_loop3A_205 : vector<16xi32>
        %parallel_loop3A_207 = vector.broadcast %parallel_loop3A_203 : f32 to vector<16xf32>
        %parallel_loop3A_208 = arith.select %parallel_loop3A_206, %parallel_loop3A_207, %parallel_loop3A_152 : vector<16xi1>, vector<16xf32>
        %parallel_loop3A_209 = arith.constant 2 : i32
        %parallel_loop3A_210 = arith.addi %parallel_loop3A_94, %parallel_loop3A_209 : i32
        %parallel_loop3A_211 = arith.index_cast %parallel_loop3A_210 : i32 to index
        %parallel_loop3A_212 = arith.constant 0 : index
        %parallel_loop3A_213 = tpu.vector_load %arg9[%parallel_loop3A_211, %parallel_loop3A_212] {strides = array<i32>} : memref<80x64xi32, #tpu.memory_space<vmem>>, vector<16xi32>,
        %parallel_loop3A_214 = vector.bitcast %parallel_loop3A_213 : vector<16xi32> to vector<32xbf16>
        %parallel_loop3A_215 = arith.index_cast %parallel_loop3A_210 : i32 to index
        %parallel_loop3A_216 = arith.constant 0 : index
        %parallel_loop3A_217 = tpu.vector_load %arg10[%parallel_loop3A_215, %parallel_loop3A_216] {strides = array<i32>} : memref<80x64xi32, #tpu.memory_space<vmem>>, vector<16xi32>,
        %parallel_loop3A_218 = vector.bitcast %parallel_loop3A_217 : vector<16xi32> to vector<32xbf16>
        %parallel_loop3A_219 = arith.mulf %parallel_loop3A_214, %parallel_loop3A_218 : vector<32xbf16>
        %parallel_loop3A_220 = arith.index_cast %parallel_loop3A_210 : i32 to index
        %parallel_loop3A_221 = arith.constant 16 : index
        %parallel_loop3A_222 = tpu.vector_load %arg9[%parallel_loop3A_220, %parallel_loop3A_221] {strides = array<i32>} : memref<80x64xi32, #tpu.memory_space<vmem>>, vector<16xi32>,
        %parallel_loop3A_223 = vector.bitcast %parallel_loop3A_222 : vector<16xi32> to vector<32xbf16>
        %parallel_loop3A_224 = arith.index_cast %parallel_loop3A_210 : i32 to index
        %parallel_loop3A_225 = arith.constant 16 : index
        %parallel_loop3A_226 = tpu.vector_load %arg10[%parallel_loop3A_224, %parallel_loop3A_225] {strides = array<i32>} : memref<80x64xi32, #tpu.memory_space<vmem>>, vector<16xi32>,
        %parallel_loop3A_227 = vector.bitcast %parallel_loop3A_226 : vector<16xi32> to vector<32xbf16>
        %parallel_loop3A_228 = arith.mulf %parallel_loop3A_223, %parallel_loop3A_227 : vector<32xbf16>
        %parallel_loop3A_229 = arith.index_cast %parallel_loop3A_210 : i32 to index
        %parallel_loop3A_230 = arith.constant 32 : index
        %parallel_loop3A_231 = tpu.vector_load %arg9[%parallel_loop3A_229, %parallel_loop3A_230] {strides = array<i32>} : memref<80x64xi32, #tpu.memory_space<vmem>>, vector<16xi32>,
        %parallel_loop3A_232 = vector.bitcast %parallel_loop3A_231 : vector<16xi32> to vector<32xbf16>
        %parallel_loop3A_233 = arith.index_cast %parallel_loop3A_210 : i32 to index
        %parallel_loop3A_234 = arith.constant 32 : index
        %parallel_loop3A_235 = tpu.vector_load %arg10[%parallel_loop3A_233, %parallel_loop3A_234] {strides = array<i32>} : memref<80x64xi32, #tpu.memory_space<vmem>>, vector<16xi32>,
        %parallel_loop3A_236 = vector.bitcast %parallel_loop3A_235 : vector<16xi32> to vector<32xbf16>
        %parallel_loop3A_237 = arith.mulf %parallel_loop3A_232, %parallel_loop3A_236 : vector<32xbf16>
        %parallel_loop3A_238 = arith.index_cast %parallel_loop3A_210 : i32 to index
        %parallel_loop3A_239 = arith.constant 48 : index
        %parallel_loop3A_240 = tpu.vector_load %arg9[%parallel_loop3A_238, %parallel_loop3A_239] {strides = array<i32>} : memref<80x64xi32, #tpu.memory_space<vmem>>, vector<16xi32>,
        %parallel_loop3A_241 = vector.bitcast %parallel_loop3A_240 : vector<16xi32> to vector<32xbf16>
        %parallel_loop3A_242 = arith.index_cast %parallel_loop3A_210 : i32 to index
        %parallel_loop3A_243 = arith.constant 48 : index
        %parallel_loop3A_244 = tpu.vector_load %arg10[%parallel_loop3A_242, %parallel_loop3A_243] {strides = array<i32>} : memref<80x64xi32, #tpu.memory_space<vmem>>, vector<16xi32>,
        %parallel_loop3A_245 = vector.bitcast %parallel_loop3A_244 : vector<16xi32> to vector<32xbf16>
        %parallel_loop3A_246 = arith.mulf %parallel_loop3A_241, %parallel_loop3A_245 : vector<32xbf16>
        %parallel_loop3A_247 = arith.addf %parallel_loop3A_219, %parallel_loop3A_228 : vector<32xbf16>
        %parallel_loop3A_248 = tpu.unpack_subelements %parallel_loop3A_247, 0 {pack_format = #tpu.pack_format<interleaved>} : vector<32xbf16> -> vector<16xf32>
        %parallel_loop3A_249 = tpu.unpack_subelements %parallel_loop3A_247, 1 {pack_format = #tpu.pack_format<interleaved>} : vector<32xbf16> -> vector<16xf32>
        %parallel_loop3A_250 = arith.addf %parallel_loop3A_248, %parallel_loop3A_249 : vector<16xf32>
        %parallel_loop3A_251 = arith.addf %parallel_loop3A_237, %parallel_loop3A_246 : vector<32xbf16>
        %parallel_loop3A_252 = tpu.unpack_subelements %parallel_loop3A_251, 0 {pack_format = #tpu.pack_format<interleaved>} : vector<32xbf16> -> vector<16xf32>
        %parallel_loop3A_253 = tpu.unpack_subelements %parallel_loop3A_251, 1 {pack_format = #tpu.pack_format<interleaved>} : vector<32xbf16> -> vector<16xf32>
        %parallel_loop3A_254 = arith.addf %parallel_loop3A_252, %parallel_loop3A_253 : vector<16xf32>
        %parallel_loop3A_255 = arith.addf %parallel_loop3A_250, %parallel_loop3A_254 : vector<16xf32>
        %parallel_loop3A_256 = arith.constant true
        %parallel_loop3A_257 = vector.broadcast %parallel_loop3A_256 : i1 to vector<16xi1>
        %parallel_loop3A_258 = tpu.scan <sum>, %parallel_loop3A_255 masked %parallel_loop3A_257 : vector<16xf32>, vector<16xi1> -> vector<16xf32>
        %parallel_loop3A_259 = vector.extract %parallel_loop3A_258[15] : f32 from vector<16xf32>
        %parallel_loop3A_260 = arith.constant 2 : i32
        %parallel_loop3A_261 = vector.broadcast %parallel_loop3A_260 : i32 to vector<16xi32>
        %parallel_loop3A_262 = arith.cmpi eq, %iota3A, %parallel_loop3A_261 : vector<16xi32>
        %parallel_loop3A_263 = vector.broadcast %parallel_loop3A_259 : f32 to vector<16xf32>
        %parallel_loop3A_264 = arith.select %parallel_loop3A_262, %parallel_loop3A_263, %parallel_loop3A_208 : vector<16xi1>, vector<16xf32>
        %parallel_loop3A_265 = arith.constant 3 : i32
        %parallel_loop3A_266 = arith.addi %parallel_loop3A_94, %parallel_loop3A_265 : i32
        %parallel_loop3A_267 = arith.index_cast %parallel_loop3A_266 : i32 to index
        %parallel_loop3A_268 = arith.constant 0 : index
        %parallel_loop3A_269 = tpu.vector_load %arg9[%parallel_loop3A_267, %parallel_loop3A_268] {strides = array<i32>} : memref<80x64xi32, #tpu.memory_space<vmem>>, vector<16xi32>,
        %parallel_loop3A_270 = vector.bitcast %parallel_loop3A_269 : vector<16xi32> to vector<32xbf16>
        %parallel_loop3A_271 = arith.index_cast %parallel_loop3A_266 : i32 to index
        %parallel_loop3A_272 = arith.constant 0 : index
        %parallel_loop3A_273 = tpu.vector_load %arg10[%parallel_loop3A_271, %parallel_loop3A_272] {strides = array<i32>} : memref<80x64xi32, #tpu.memory_space<vmem>>, vector<16xi32>,
        %parallel_loop3A_274 = vector.bitcast %parallel_loop3A_273 : vector<16xi32> to vector<32xbf16>
        %parallel_loop3A_275 = arith.mulf %parallel_loop3A_270, %parallel_loop3A_274 : vector<32xbf16>
        %parallel_loop3A_276 = arith.index_cast %parallel_loop3A_266 : i32 to index
        %parallel_loop3A_277 = arith.constant 16 : index
        %parallel_loop3A_278 = tpu.vector_load %arg9[%parallel_loop3A_276, %parallel_loop3A_277] {strides = array<i32>} : memref<80x64xi32, #tpu.memory_space<vmem>>, vector<16xi32>,
        %parallel_loop3A_279 = vector.bitcast %parallel_loop3A_278 : vector<16xi32> to vector<32xbf16>
        %parallel_loop3A_280 = arith.index_cast %parallel_loop3A_266 : i32 to index
        %parallel_loop3A_281 = arith.constant 16 : index
        %parallel_loop3A_282 = tpu.vector_load %arg10[%parallel_loop3A_280, %parallel_loop3A_281] {strides = array<i32>} : memref<80x64xi32, #tpu.memory_space<vmem>>, vector<16xi32>,
        %parallel_loop3A_283 = vector.bitcast %parallel_loop3A_282 : vector<16xi32> to vector<32xbf16>
        %parallel_loop3A_284 = arith.mulf %parallel_loop3A_279, %parallel_loop3A_283 : vector<32xbf16>
        %parallel_loop3A_285 = arith.index_cast %parallel_loop3A_266 : i32 to index
        %parallel_loop3A_286 = arith.constant 32 : index
        %parallel_loop3A_287 = tpu.vector_load %arg9[%parallel_loop3A_285, %parallel_loop3A_286] {strides = array<i32>} : memref<80x64xi32, #tpu.memory_space<vmem>>, vector<16xi32>,
        %parallel_loop3A_288 = vector.bitcast %parallel_loop3A_287 : vector<16xi32> to vector<32xbf16>
        %parallel_loop3A_289 = arith.index_cast %parallel_loop3A_266 : i32 to index
        %parallel_loop3A_290 = arith.constant 32 : index
        %parallel_loop3A_291 = tpu.vector_load %arg10[%parallel_loop3A_289, %parallel_loop3A_290] {strides = array<i32>} : memref<80x64xi32, #tpu.memory_space<vmem>>, vector<16xi32>,
        %parallel_loop3A_292 = vector.bitcast %parallel_loop3A_291 : vector<16xi32> to vector<32xbf16>
        %parallel_loop3A_293 = arith.mulf %parallel_loop3A_288, %parallel_loop3A_292 : vector<32xbf16>
        %parallel_loop3A_294 = arith.index_cast %parallel_loop3A_266 : i32 to index
        %parallel_loop3A_295 = arith.constant 48 : index
        %parallel_loop3A_296 = tpu.vector_load %arg9[%parallel_loop3A_294, %parallel_loop3A_295] {strides = array<i32>} : memref<80x64xi32, #tpu.memory_space<vmem>>, vector<16xi32>,
        %parallel_loop3A_297 = vector.bitcast %parallel_loop3A_296 : vector<16xi32> to vector<32xbf16>
        %parallel_loop3A_298 = arith.index_cast %parallel_loop3A_266 : i32 to index
        %parallel_loop3A_299 = arith.constant 48 : index
        %parallel_loop3A_300 = tpu.vector_load %arg10[%parallel_loop3A_298, %parallel_loop3A_299] {strides = array<i32>} : memref<80x64xi32, #tpu.memory_space<vmem>>, vector<16xi32>,
        %parallel_loop3A_301 = vector.bitcast %parallel_loop3A_300 : vector<16xi32> to vector<32xbf16>
        %parallel_loop3A_302 = arith.mulf %parallel_loop3A_297, %parallel_loop3A_301 : vector<32xbf16>
        %parallel_loop3A_303 = arith.addf %parallel_loop3A_275, %parallel_loop3A_284 : vector<32xbf16>
        %parallel_loop3A_304 = tpu.unpack_subelements %parallel_loop3A_303, 0 {pack_format = #tpu.pack_format<interleaved>} : vector<32xbf16> -> vector<16xf32>
        %parallel_loop3A_305 = tpu.unpack_subelements %parallel_loop3A_303, 1 {pack_format = #tpu.pack_format<interleaved>} : vector<32xbf16> -> vector<16xf32>
        %parallel_loop3A_306 = arith.addf %parallel_loop3A_304, %parallel_loop3A_305 : vector<16xf32>
        %parallel_loop3A_307 = arith.addf %parallel_loop3A_293, %parallel_loop3A_302 : vector<32xbf16>
        %parallel_loop3A_308 = tpu.unpack_subelements %parallel_loop3A_307, 0 {pack_format = #tpu.pack_format<interleaved>} : vector<32xbf16> -> vector<16xf32>
        %parallel_loop3A_309 = tpu.unpack_subelements %parallel_loop3A_307, 1 {pack_format = #tpu.pack_format<interleaved>} : vector<32xbf16> -> vector<16xf32>
        %parallel_loop3A_310 = arith.addf %parallel_loop3A_308, %parallel_loop3A_309 : vector<16xf32>
        %parallel_loop3A_311 = arith.addf %parallel_loop3A_306, %parallel_loop3A_310 : vector<16xf32>
        %parallel_loop3A_312 = arith.constant true
        %parallel_loop3A_313 = vector.broadcast %parallel_loop3A_312 : i1 to vector<16xi1>
        %parallel_loop3A_314 = tpu.scan <sum>, %parallel_loop3A_311 masked %parallel_loop3A_313 : vector<16xf32>, vector<16xi1> -> vector<16xf32>
        %parallel_loop3A_315 = vector.extract %parallel_loop3A_314[15] : f32 from vector<16xf32>
        %parallel_loop3A_316 = arith.constant 3 : i32
        %parallel_loop3A_317 = vector.broadcast %parallel_loop3A_316 : i32 to vector<16xi32>
        %parallel_loop3A_318 = arith.cmpi eq, %iota3A, %parallel_loop3A_317 : vector<16xi32>
        %parallel_loop3A_319 = vector.broadcast %parallel_loop3A_315 : f32 to vector<16xf32>
        %parallel_loop3A_320 = arith.select %parallel_loop3A_318, %parallel_loop3A_319, %parallel_loop3A_264 : vector<16xi1>, vector<16xf32>
        %parallel_loop3A_321 = arith.constant 4 : i32
        %parallel_loop3A_322 = arith.addi %parallel_loop3A_94, %parallel_loop3A_321 : i32
        %parallel_loop3A_323 = arith.index_cast %parallel_loop3A_322 : i32 to index
        %parallel_loop3A_324 = arith.constant 0 : index
        %parallel_loop3A_325 = tpu.vector_load %arg9[%parallel_loop3A_323, %parallel_loop3A_324] {strides = array<i32>} : memref<80x64xi32, #tpu.memory_space<vmem>>, vector<16xi32>,
        %parallel_loop3A_326 = vector.bitcast %parallel_loop3A_325 : vector<16xi32> to vector<32xbf16>
        %parallel_loop3A_327 = arith.index_cast %parallel_loop3A_322 : i32 to index
        %parallel_loop3A_328 = arith.constant 0 : index
        %parallel_loop3A_329 = tpu.vector_load %arg10[%parallel_loop3A_327, %parallel_loop3A_328] {strides = array<i32>} : memref<80x64xi32, #tpu.memory_space<vmem>>, vector<16xi32>,
        %parallel_loop3A_330 = vector.bitcast %parallel_loop3A_329 : vector<16xi32> to vector<32xbf16>
        %parallel_loop3A_331 = arith.mulf %parallel_loop3A_326, %parallel_loop3A_330 : vector<32xbf16>
        %parallel_loop3A_332 = arith.index_cast %parallel_loop3A_322 : i32 to index
        %parallel_loop3A_333 = arith.constant 16 : index
        %parallel_loop3A_334 = tpu.vector_load %arg9[%parallel_loop3A_332, %parallel_loop3A_333] {strides = array<i32>} : memref<80x64xi32, #tpu.memory_space<vmem>>, vector<16xi32>,
        %parallel_loop3A_335 = vector.bitcast %parallel_loop3A_334 : vector<16xi32> to vector<32xbf16>
        %parallel_loop3A_336 = arith.index_cast %parallel_loop3A_322 : i32 to index
        %parallel_loop3A_337 = arith.constant 16 : index
        %parallel_loop3A_338 = tpu.vector_load %arg10[%parallel_loop3A_336, %parallel_loop3A_337] {strides = array<i32>} : memref<80x64xi32, #tpu.memory_space<vmem>>, vector<16xi32>,
        %parallel_loop3A_339 = vector.bitcast %parallel_loop3A_338 : vector<16xi32> to vector<32xbf16>
        %parallel_loop3A_340 = arith.mulf %parallel_loop3A_335, %parallel_loop3A_339 : vector<32xbf16>
        %parallel_loop3A_341 = arith.index_cast %parallel_loop3A_322 : i32 to index
        %parallel_loop3A_342 = arith.constant 32 : index
        %parallel_loop3A_343 = tpu.vector_load %arg9[%parallel_loop3A_341, %parallel_loop3A_342] {strides = array<i32>} : memref<80x64xi32, #tpu.memory_space<vmem>>, vector<16xi32>,
        %parallel_loop3A_344 = vector.bitcast %parallel_loop3A_343 : vector<16xi32> to vector<32xbf16>
        %parallel_loop3A_345 = arith.index_cast %parallel_loop3A_322 : i32 to index
        %parallel_loop3A_346 = arith.constant 32 : index
        %parallel_loop3A_347 = tpu.vector_load %arg10[%parallel_loop3A_345, %parallel_loop3A_346] {strides = array<i32>} : memref<80x64xi32, #tpu.memory_space<vmem>>, vector<16xi32>,
        %parallel_loop3A_348 = vector.bitcast %parallel_loop3A_347 : vector<16xi32> to vector<32xbf16>
        %parallel_loop3A_349 = arith.mulf %parallel_loop3A_344, %parallel_loop3A_348 : vector<32xbf16>
        %parallel_loop3A_350 = arith.index_cast %parallel_loop3A_322 : i32 to index
        %parallel_loop3A_351 = arith.constant 48 : index
        %parallel_loop3A_352 = tpu.vector_load %arg9[%parallel_loop3A_350, %parallel_loop3A_351] {strides = array<i32>} : memref<80x64xi32, #tpu.memory_space<vmem>>, vector<16xi32>,
        %parallel_loop3A_353 = vector.bitcast %parallel_loop3A_352 : vector<16xi32> to vector<32xbf16>
        %parallel_loop3A_354 = arith.index_cast %parallel_loop3A_322 : i32 to index
        %parallel_loop3A_355 = arith.constant 48 : index
        %parallel_loop3A_356 = tpu.vector_load %arg10[%parallel_loop3A_354, %parallel_loop3A_355] {strides = array<i32>} : memref<80x64xi32, #tpu.memory_space<vmem>>, vector<16xi32>,
        %parallel_loop3A_357 = vector.bitcast %parallel_loop3A_356 : vector<16xi32> to vector<32xbf16>
        %parallel_loop3A_358 = arith.mulf %parallel_loop3A_353, %parallel_loop3A_357 : vector<32xbf16>
        %parallel_loop3A_359 = arith.addf %parallel_loop3A_331, %parallel_loop3A_340 : vector<32xbf16>
        %parallel_loop3A_360 = tpu.unpack_subelements %parallel_loop3A_359, 0 {pack_format = #tpu.pack_format<interleaved>} : vector<32xbf16> -> vector<16xf32>
        %parallel_loop3A_361 = tpu.unpack_subelements %parallel_loop3A_359, 1 {pack_format = #tpu.pack_format<interleaved>} : vector<32xbf16> -> vector<16xf32>
        %parallel_loop3A_362 = arith.addf %parallel_loop3A_360, %parallel_loop3A_361 : vector<16xf32>
        %parallel_loop3A_363 = arith.addf %parallel_loop3A_349, %parallel_loop3A_358 : vector<32xbf16>
        %parallel_loop3A_364 = tpu.unpack_subelements %parallel_loop3A_363, 0 {pack_format = #tpu.pack_format<interleaved>} : vector<32xbf16> -> vector<16xf32>
        %parallel_loop3A_365 = tpu.unpack_subelements %parallel_loop3A_363, 1 {pack_format = #tpu.pack_format<interleaved>} : vector<32xbf16> -> vector<16xf32>
        %parallel_loop3A_366 = arith.addf %parallel_loop3A_364, %parallel_loop3A_365 : vector<16xf32>
        %parallel_loop3A_367 = arith.addf %parallel_loop3A_362, %parallel_loop3A_366 : vector<16xf32>
        %parallel_loop3A_368 = arith.constant true
        %parallel_loop3A_369 = vector.broadcast %parallel_loop3A_368 : i1 to vector<16xi1>
        %parallel_loop3A_370 = tpu.scan <sum>, %parallel_loop3A_367 masked %parallel_loop3A_369 : vector<16xf32>, vector<16xi1> -> vector<16xf32>
        %parallel_loop3A_371 = vector.extract %parallel_loop3A_370[15] : f32 from vector<16xf32>
        %parallel_loop3A_372 = arith.constant 4 : i32
        %parallel_loop3A_373 = vector.broadcast %parallel_loop3A_372 : i32 to vector<16xi32>
        %parallel_loop3A_374 = arith.cmpi eq, %iota3A, %parallel_loop3A_373 : vector<16xi32>
        %parallel_loop3A_375 = vector.broadcast %parallel_loop3A_371 : f32 to vector<16xf32>
        %parallel_loop3A_376 = arith.select %parallel_loop3A_374, %parallel_loop3A_375, %parallel_loop3A_320 : vector<16xi1>, vector<16xf32>
        %parallel_loop3A_377 = arith.constant 5 : i32
        %parallel_loop3A_378 = arith.addi %parallel_loop3A_94, %parallel_loop3A_377 : i32
        %parallel_loop3A_379 = arith.index_cast %parallel_loop3A_378 : i32 to index
        %parallel_loop3A_380 = arith.constant 0 : index
        %parallel_loop3A_381 = tpu.vector_load %arg9[%parallel_loop3A_379, %parallel_loop3A_380] {strides = array<i32>} : memref<80x64xi32, #tpu.memory_space<vmem>>, vector<16xi32>,
        %parallel_loop3A_382 = vector.bitcast %parallel_loop3A_381 : vector<16xi32> to vector<32xbf16>
        %parallel_loop3A_383 = arith.index_cast %parallel_loop3A_378 : i32 to index
        %parallel_loop3A_384 = arith.constant 0 : index
        %parallel_loop3A_385 = tpu.vector_load %arg10[%parallel_loop3A_383, %parallel_loop3A_384] {strides = array<i32>} : memref<80x64xi32, #tpu.memory_space<vmem>>, vector<16xi32>,
        %parallel_loop3A_386 = vector.bitcast %parallel_loop3A_385 : vector<16xi32> to vector<32xbf16>
        %parallel_loop3A_387 = arith.mulf %parallel_loop3A_382, %parallel_loop3A_386 : vector<32xbf16>
        %parallel_loop3A_388 = arith.index_cast %parallel_loop3A_378 : i32 to index
        %parallel_loop3A_389 = arith.constant 16 : index
        %parallel_loop3A_390 = tpu.vector_load %arg9[%parallel_loop3A_388, %parallel_loop3A_389] {strides = array<i32>} : memref<80x64xi32, #tpu.memory_space<vmem>>, vector<16xi32>,
        %parallel_loop3A_391 = vector.bitcast %parallel_loop3A_390 : vector<16xi32> to vector<32xbf16>
        %parallel_loop3A_392 = arith.index_cast %parallel_loop3A_378 : i32 to index
        %parallel_loop3A_393 = arith.constant 16 : index
        %parallel_loop3A_394 = tpu.vector_load %arg10[%parallel_loop3A_392, %parallel_loop3A_393] {strides = array<i32>} : memref<80x64xi32, #tpu.memory_space<vmem>>, vector<16xi32>,
        %parallel_loop3A_395 = vector.bitcast %parallel_loop3A_394 : vector<16xi32> to vector<32xbf16>
        %parallel_loop3A_396 = arith.mulf %parallel_loop3A_391, %parallel_loop3A_395 : vector<32xbf16>
        %parallel_loop3A_397 = arith.index_cast %parallel_loop3A_378 : i32 to index
        %parallel_loop3A_398 = arith.constant 32 : index
        %parallel_loop3A_399 = tpu.vector_load %arg9[%parallel_loop3A_397, %parallel_loop3A_398] {strides = array<i32>} : memref<80x64xi32, #tpu.memory_space<vmem>>, vector<16xi32>,
        %parallel_loop3A_400 = vector.bitcast %parallel_loop3A_399 : vector<16xi32> to vector<32xbf16>
        %parallel_loop3A_401 = arith.index_cast %parallel_loop3A_378 : i32 to index
        %parallel_loop3A_402 = arith.constant 32 : index
        %parallel_loop3A_403 = tpu.vector_load %arg10[%parallel_loop3A_401, %parallel_loop3A_402] {strides = array<i32>} : memref<80x64xi32, #tpu.memory_space<vmem>>, vector<16xi32>,
        %parallel_loop3A_404 = vector.bitcast %parallel_loop3A_403 : vector<16xi32> to vector<32xbf16>
        %parallel_loop3A_405 = arith.mulf %parallel_loop3A_400, %parallel_loop3A_404 : vector<32xbf16>
        %parallel_loop3A_406 = arith.index_cast %parallel_loop3A_378 : i32 to index
        %parallel_loop3A_407 = arith.constant 48 : index
        %parallel_loop3A_408 = tpu.vector_load %arg9[%parallel_loop3A_406, %parallel_loop3A_407] {strides = array<i32>} : memref<80x64xi32, #tpu.memory_space<vmem>>, vector<16xi32>,
        %parallel_loop3A_409 = vector.bitcast %parallel_loop3A_408 : vector<16xi32> to vector<32xbf16>
        %parallel_loop3A_410 = arith.index_cast %parallel_loop3A_378 : i32 to index
        %parallel_loop3A_411 = arith.constant 48 : index
        %parallel_loop3A_412 = tpu.vector_load %arg10[%parallel_loop3A_410, %parallel_loop3A_411] {strides = array<i32>} : memref<80x64xi32, #tpu.memory_space<vmem>>, vector<16xi32>,
        %parallel_loop3A_413 = vector.bitcast %parallel_loop3A_412 : vector<16xi32> to vector<32xbf16>
        %parallel_loop3A_414 = arith.mulf %parallel_loop3A_409, %parallel_loop3A_413 : vector<32xbf16>
        %parallel_loop3A_415 = arith.addf %parallel_loop3A_387, %parallel_loop3A_396 : vector<32xbf16>
        %parallel_loop3A_416 = tpu.unpack_subelements %parallel_loop3A_415, 0 {pack_format = #tpu.pack_format<interleaved>} : vector<32xbf16> -> vector<16xf32>
        %parallel_loop3A_417 = tpu.unpack_subelements %parallel_loop3A_415, 1 {pack_format = #tpu.pack_format<interleaved>} : vector<32xbf16> -> vector<16xf32>
        %parallel_loop3A_418 = arith.addf %parallel_loop3A_416, %parallel_loop3A_417 : vector<16xf32>
        %parallel_loop3A_419 = arith.addf %parallel_loop3A_405, %parallel_loop3A_414 : vector<32xbf16>
        %parallel_loop3A_420 = tpu.unpack_subelements %parallel_loop3A_419, 0 {pack_format = #tpu.pack_format<interleaved>} : vector<32xbf16> -> vector<16xf32>
        %parallel_loop3A_421 = tpu.unpack_subelements %parallel_loop3A_419, 1 {pack_format = #tpu.pack_format<interleaved>} : vector<32xbf16> -> vector<16xf32>
        %parallel_loop3A_422 = arith.addf %parallel_loop3A_420, %parallel_loop3A_421 : vector<16xf32>
        %parallel_loop3A_423 = arith.addf %parallel_loop3A_418, %parallel_loop3A_422 : vector<16xf32>
        %parallel_loop3A_424 = arith.constant true
        %parallel_loop3A_425 = vector.broadcast %parallel_loop3A_424 : i1 to vector<16xi1>
        %parallel_loop3A_426 = tpu.scan <sum>, %parallel_loop3A_423 masked %parallel_loop3A_425 : vector<16xf32>, vector<16xi1> -> vector<16xf32>
        %parallel_loop3A_427 = vector.extract %parallel_loop3A_426[15] : f32 from vector<16xf32>
        %parallel_loop3A_428 = arith.constant 5 : i32
        %parallel_loop3A_429 = vector.broadcast %parallel_loop3A_428 : i32 to vector<16xi32>
        %parallel_loop3A_430 = arith.cmpi eq, %iota3A, %parallel_loop3A_429 : vector<16xi32>
        %parallel_loop3A_431 = vector.broadcast %parallel_loop3A_427 : f32 to vector<16xf32>
        %parallel_loop3A_432 = arith.select %parallel_loop3A_430, %parallel_loop3A_431, %parallel_loop3A_376 : vector<16xi1>, vector<16xf32>
        %parallel_loop3A_433 = arith.constant 6 : i32
        %parallel_loop3A_434 = arith.addi %parallel_loop3A_94, %parallel_loop3A_433 : i32
        %parallel_loop3A_435 = arith.index_cast %parallel_loop3A_434 : i32 to index
        %parallel_loop3A_436 = arith.constant 0 : index
        %parallel_loop3A_437 = tpu.vector_load %arg9[%parallel_loop3A_435, %parallel_loop3A_436] {strides = array<i32>} : memref<80x64xi32, #tpu.memory_space<vmem>>, vector<16xi32>,
        %parallel_loop3A_438 = vector.bitcast %parallel_loop3A_437 : vector<16xi32> to vector<32xbf16>
        %parallel_loop3A_439 = arith.index_cast %parallel_loop3A_434 : i32 to index
        %parallel_loop3A_440 = arith.constant 0 : index
        %parallel_loop3A_441 = tpu.vector_load %arg10[%parallel_loop3A_439, %parallel_loop3A_440] {strides = array<i32>} : memref<80x64xi32, #tpu.memory_space<vmem>>, vector<16xi32>,
        %parallel_loop3A_442 = vector.bitcast %parallel_loop3A_441 : vector<16xi32> to vector<32xbf16>
        %parallel_loop3A_443 = arith.mulf %parallel_loop3A_438, %parallel_loop3A_442 : vector<32xbf16>
        %parallel_loop3A_444 = arith.index_cast %parallel_loop3A_434 : i32 to index
        %parallel_loop3A_445 = arith.constant 16 : index
        %parallel_loop3A_446 = tpu.vector_load %arg9[%parallel_loop3A_444, %parallel_loop3A_445] {strides = array<i32>} : memref<80x64xi32, #tpu.memory_space<vmem>>, vector<16xi32>,
        %parallel_loop3A_447 = vector.bitcast %parallel_loop3A_446 : vector<16xi32> to vector<32xbf16>
        %parallel_loop3A_448 = arith.index_cast %parallel_loop3A_434 : i32 to index
        %parallel_loop3A_449 = arith.constant 16 : index
        %parallel_loop3A_450 = tpu.vector_load %arg10[%parallel_loop3A_448, %parallel_loop3A_449] {strides = array<i32>} : memref<80x64xi32, #tpu.memory_space<vmem>>, vector<16xi32>,
        %parallel_loop3A_451 = vector.bitcast %parallel_loop3A_450 : vector<16xi32> to vector<32xbf16>
        %parallel_loop3A_452 = arith.mulf %parallel_loop3A_447, %parallel_loop3A_451 : vector<32xbf16>
        %parallel_loop3A_453 = arith.index_cast %parallel_loop3A_434 : i32 to index
        %parallel_loop3A_454 = arith.constant 32 : index
        %parallel_loop3A_455 = tpu.vector_load %arg9[%parallel_loop3A_453, %parallel_loop3A_454] {strides = array<i32>} : memref<80x64xi32, #tpu.memory_space<vmem>>, vector<16xi32>,
        %parallel_loop3A_456 = vector.bitcast %parallel_loop3A_455 : vector<16xi32> to vector<32xbf16>
        %parallel_loop3A_457 = arith.index_cast %parallel_loop3A_434 : i32 to index
        %parallel_loop3A_458 = arith.constant 32 : index
        %parallel_loop3A_459 = tpu.vector_load %arg10[%parallel_loop3A_457, %parallel_loop3A_458] {strides = array<i32>} : memref<80x64xi32, #tpu.memory_space<vmem>>, vector<16xi32>,
        %parallel_loop3A_460 = vector.bitcast %parallel_loop3A_459 : vector<16xi32> to vector<32xbf16>
        %parallel_loop3A_461 = arith.mulf %parallel_loop3A_456, %parallel_loop3A_460 : vector<32xbf16>
        %parallel_loop3A_462 = arith.index_cast %parallel_loop3A_434 : i32 to index
        %parallel_loop3A_463 = arith.constant 48 : index
        %parallel_loop3A_464 = tpu.vector_load %arg9[%parallel_loop3A_462, %parallel_loop3A_463] {strides = array<i32>} : memref<80x64xi32, #tpu.memory_space<vmem>>, vector<16xi32>,
        %parallel_loop3A_465 = vector.bitcast %parallel_loop3A_464 : vector<16xi32> to vector<32xbf16>
        %parallel_loop3A_466 = arith.index_cast %parallel_loop3A_434 : i32 to index
        %parallel_loop3A_467 = arith.constant 48 : index
        %parallel_loop3A_468 = tpu.vector_load %arg10[%parallel_loop3A_466, %parallel_loop3A_467] {strides = array<i32>} : memref<80x64xi32, #tpu.memory_space<vmem>>, vector<16xi32>,
        %parallel_loop3A_469 = vector.bitcast %parallel_loop3A_468 : vector<16xi32> to vector<32xbf16>
        %parallel_loop3A_470 = arith.mulf %parallel_loop3A_465, %parallel_loop3A_469 : vector<32xbf16>
        %parallel_loop3A_471 = arith.addf %parallel_loop3A_443, %parallel_loop3A_452 : vector<32xbf16>
        %parallel_loop3A_472 = tpu.unpack_subelements %parallel_loop3A_471, 0 {pack_format = #tpu.pack_format<interleaved>} : vector<32xbf16> -> vector<16xf32>
        %parallel_loop3A_473 = tpu.unpack_subelements %parallel_loop3A_471, 1 {pack_format = #tpu.pack_format<interleaved>} : vector<32xbf16> -> vector<16xf32>
        %parallel_loop3A_474 = arith.addf %parallel_loop3A_472, %parallel_loop3A_473 : vector<16xf32>
        %parallel_loop3A_475 = arith.addf %parallel_loop3A_461, %parallel_loop3A_470 : vector<32xbf16>
        %parallel_loop3A_476 = tpu.unpack_subelements %parallel_loop3A_475, 0 {pack_format = #tpu.pack_format<interleaved>} : vector<32xbf16> -> vector<16xf32>
        %parallel_loop3A_477 = tpu.unpack_subelements %parallel_loop3A_475, 1 {pack_format = #tpu.pack_format<interleaved>} : vector<32xbf16> -> vector<16xf32>
        %parallel_loop3A_478 = arith.addf %parallel_loop3A_476, %parallel_loop3A_477 : vector<16xf32>
        %parallel_loop3A_479 = arith.addf %parallel_loop3A_474, %parallel_loop3A_478 : vector<16xf32>
        %parallel_loop3A_480 = arith.constant true
        %parallel_loop3A_481 = vector.broadcast %parallel_loop3A_480 : i1 to vector<16xi1>
        %parallel_loop3A_482 = tpu.scan <sum>, %parallel_loop3A_479 masked %parallel_loop3A_481 : vector<16xf32>, vector<16xi1> -> vector<16xf32>
        %parallel_loop3A_483 = vector.extract %parallel_loop3A_482[15] : f32 from vector<16xf32>
        %parallel_loop3A_484 = arith.constant 6 : i32
        %parallel_loop3A_485 = vector.broadcast %parallel_loop3A_484 : i32 to vector<16xi32>
        %parallel_loop3A_486 = arith.cmpi eq, %iota3A, %parallel_loop3A_485 : vector<16xi32>
        %parallel_loop3A_487 = vector.broadcast %parallel_loop3A_483 : f32 to vector<16xf32>
        %parallel_loop3A_488 = arith.select %parallel_loop3A_486, %parallel_loop3A_487, %parallel_loop3A_432 : vector<16xi1>, vector<16xf32>
        %parallel_loop3A_489 = arith.constant 7 : i32
        %parallel_loop3A_490 = arith.addi %parallel_loop3A_94, %parallel_loop3A_489 : i32
        %parallel_loop3A_491 = arith.index_cast %parallel_loop3A_490 : i32 to index
        %parallel_loop3A_492 = arith.constant 0 : index
        %parallel_loop3A_493 = tpu.vector_load %arg9[%parallel_loop3A_491, %parallel_loop3A_492] {strides = array<i32>} : memref<80x64xi32, #tpu.memory_space<vmem>>, vector<16xi32>,
        %parallel_loop3A_494 = vector.bitcast %parallel_loop3A_493 : vector<16xi32> to vector<32xbf16>
        %parallel_loop3A_495 = arith.index_cast %parallel_loop3A_490 : i32 to index
        %parallel_loop3A_496 = arith.constant 0 : index
        %parallel_loop3A_497 = tpu.vector_load %arg10[%parallel_loop3A_495, %parallel_loop3A_496] {strides = array<i32>} : memref<80x64xi32, #tpu.memory_space<vmem>>, vector<16xi32>,
        %parallel_loop3A_498 = vector.bitcast %parallel_loop3A_497 : vector<16xi32> to vector<32xbf16>
        %parallel_loop3A_499 = arith.mulf %parallel_loop3A_494, %parallel_loop3A_498 : vector<32xbf16>
        %parallel_loop3A_500 = arith.index_cast %parallel_loop3A_490 : i32 to index
        %parallel_loop3A_501 = arith.constant 16 : index
        %parallel_loop3A_502 = tpu.vector_load %arg9[%parallel_loop3A_500, %parallel_loop3A_501] {strides = array<i32>} : memref<80x64xi32, #tpu.memory_space<vmem>>, vector<16xi32>,
        %parallel_loop3A_503 = vector.bitcast %parallel_loop3A_502 : vector<16xi32> to vector<32xbf16>
        %parallel_loop3A_504 = arith.index_cast %parallel_loop3A_490 : i32 to index
        %parallel_loop3A_505 = arith.constant 16 : index
        %parallel_loop3A_506 = tpu.vector_load %arg10[%parallel_loop3A_504, %parallel_loop3A_505] {strides = array<i32>} : memref<80x64xi32, #tpu.memory_space<vmem>>, vector<16xi32>,
        %parallel_loop3A_507 = vector.bitcast %parallel_loop3A_506 : vector<16xi32> to vector<32xbf16>
        %parallel_loop3A_508 = arith.mulf %parallel_loop3A_503, %parallel_loop3A_507 : vector<32xbf16>
        %parallel_loop3A_509 = arith.index_cast %parallel_loop3A_490 : i32 to index
        %parallel_loop3A_510 = arith.constant 32 : index
        %parallel_loop3A_511 = tpu.vector_load %arg9[%parallel_loop3A_509, %parallel_loop3A_510] {strides = array<i32>} : memref<80x64xi32, #tpu.memory_space<vmem>>, vector<16xi32>,
        %parallel_loop3A_512 = vector.bitcast %parallel_loop3A_511 : vector<16xi32> to vector<32xbf16>
        %parallel_loop3A_513 = arith.index_cast %parallel_loop3A_490 : i32 to index
        %parallel_loop3A_514 = arith.constant 32 : index
        %parallel_loop3A_515 = tpu.vector_load %arg10[%parallel_loop3A_513, %parallel_loop3A_514] {strides = array<i32>} : memref<80x64xi32, #tpu.memory_space<vmem>>, vector<16xi32>,
        %parallel_loop3A_516 = vector.bitcast %parallel_loop3A_515 : vector<16xi32> to vector<32xbf16>
        %parallel_loop3A_517 = arith.mulf %parallel_loop3A_512, %parallel_loop3A_516 : vector<32xbf16>
        %parallel_loop3A_518 = arith.index_cast %parallel_loop3A_490 : i32 to index
        %parallel_loop3A_519 = arith.constant 48 : index
        %parallel_loop3A_520 = tpu.vector_load %arg9[%parallel_loop3A_518, %parallel_loop3A_519] {strides = array<i32>} : memref<80x64xi32, #tpu.memory_space<vmem>>, vector<16xi32>,
        %parallel_loop3A_521 = vector.bitcast %parallel_loop3A_520 : vector<16xi32> to vector<32xbf16>
        %parallel_loop3A_522 = arith.index_cast %parallel_loop3A_490 : i32 to index
        %parallel_loop3A_523 = arith.constant 48 : index
        %parallel_loop3A_524 = tpu.vector_load %arg10[%parallel_loop3A_522, %parallel_loop3A_523] {strides = array<i32>} : memref<80x64xi32, #tpu.memory_space<vmem>>, vector<16xi32>,
        %parallel_loop3A_525 = vector.bitcast %parallel_loop3A_524 : vector<16xi32> to vector<32xbf16>
        %parallel_loop3A_526 = arith.mulf %parallel_loop3A_521, %parallel_loop3A_525 : vector<32xbf16>
        %parallel_loop3A_527 = arith.addf %parallel_loop3A_499, %parallel_loop3A_508 : vector<32xbf16>
        %parallel_loop3A_528 = tpu.unpack_subelements %parallel_loop3A_527, 0 {pack_format = #tpu.pack_format<interleaved>} : vector<32xbf16> -> vector<16xf32>
        %parallel_loop3A_529 = tpu.unpack_subelements %parallel_loop3A_527, 1 {pack_format = #tpu.pack_format<interleaved>} : vector<32xbf16> -> vector<16xf32>
        %parallel_loop3A_530 = arith.addf %parallel_loop3A_528, %parallel_loop3A_529 : vector<16xf32>
        %parallel_loop3A_531 = arith.addf %parallel_loop3A_517, %parallel_loop3A_526 : vector<32xbf16>
        %parallel_loop3A_532 = tpu.unpack_subelements %parallel_loop3A_531, 0 {pack_format = #tpu.pack_format<interleaved>} : vector<32xbf16> -> vector<16xf32>
        %parallel_loop3A_533 = tpu.unpack_subelements %parallel_loop3A_531, 1 {pack_format = #tpu.pack_format<interleaved>} : vector<32xbf16> -> vector<16xf32>
        %parallel_loop3A_534 = arith.addf %parallel_loop3A_532, %parallel_loop3A_533 : vector<16xf32>
        %parallel_loop3A_535 = arith.addf %parallel_loop3A_530, %parallel_loop3A_534 : vector<16xf32>
        %parallel_loop3A_536 = arith.constant true
        %parallel_loop3A_537 = vector.broadcast %parallel_loop3A_536 : i1 to vector<16xi1>
        %parallel_loop3A_538 = tpu.scan <sum>, %parallel_loop3A_535 masked %parallel_loop3A_537 : vector<16xf32>, vector<16xi1> -> vector<16xf32>
        %parallel_loop3A_539 = vector.extract %parallel_loop3A_538[15] : f32 from vector<16xf32>
        %parallel_loop3A_540 = arith.constant 7 : i32
        %parallel_loop3A_541 = vector.broadcast %parallel_loop3A_540 : i32 to vector<16xi32>
        %parallel_loop3A_542 = arith.cmpi eq, %iota3A, %parallel_loop3A_541 : vector<16xi32>
        %parallel_loop3A_543 = vector.broadcast %parallel_loop3A_539 : f32 to vector<16xf32>
        %parallel_loop3A_544 = arith.select %parallel_loop3A_542, %parallel_loop3A_543, %parallel_loop3A_488 : vector<16xi1>, vector<16xf32>
        %parallel_loop3A_545 = arith.constant 8 : i32
        %parallel_loop3A_546 = arith.addi %parallel_loop3A_94, %parallel_loop3A_545 : i32
        %parallel_loop3A_547 = arith.index_cast %parallel_loop3A_546 : i32 to index
        %parallel_loop3A_548 = arith.constant 0 : index
        %parallel_loop3A_549 = tpu.vector_load %arg9[%parallel_loop3A_547, %parallel_loop3A_548] {strides = array<i32>} : memref<80x64xi32, #tpu.memory_space<vmem>>, vector<16xi32>,
        %parallel_loop3A_550 = vector.bitcast %parallel_loop3A_549 : vector<16xi32> to vector<32xbf16>
        %parallel_loop3A_551 = arith.index_cast %parallel_loop3A_546 : i32 to index
        %parallel_loop3A_552 = arith.constant 0 : index
        %parallel_loop3A_553 = tpu.vector_load %arg10[%parallel_loop3A_551, %parallel_loop3A_552] {strides = array<i32>} : memref<80x64xi32, #tpu.memory_space<vmem>>, vector<16xi32>,
        %parallel_loop3A_554 = vector.bitcast %parallel_loop3A_553 : vector<16xi32> to vector<32xbf16>
        %parallel_loop3A_555 = arith.mulf %parallel_loop3A_550, %parallel_loop3A_554 : vector<32xbf16>
        %parallel_loop3A_556 = arith.index_cast %parallel_loop3A_546 : i32 to index
        %parallel_loop3A_557 = arith.constant 16 : index
        %parallel_loop3A_558 = tpu.vector_load %arg9[%parallel_loop3A_556, %parallel_loop3A_557] {strides = array<i32>} : memref<80x64xi32, #tpu.memory_space<vmem>>, vector<16xi32>,
        %parallel_loop3A_559 = vector.bitcast %parallel_loop3A_558 : vector<16xi32> to vector<32xbf16>
        %parallel_loop3A_560 = arith.index_cast %parallel_loop3A_546 : i32 to index
        %parallel_loop3A_561 = arith.constant 16 : index
        %parallel_loop3A_562 = tpu.vector_load %arg10[%parallel_loop3A_560, %parallel_loop3A_561] {strides = array<i32>} : memref<80x64xi32, #tpu.memory_space<vmem>>, vector<16xi32>,
        %parallel_loop3A_563 = vector.bitcast %parallel_loop3A_562 : vector<16xi32> to vector<32xbf16>
        %parallel_loop3A_564 = arith.mulf %parallel_loop3A_559, %parallel_loop3A_563 : vector<32xbf16>
        %parallel_loop3A_565 = arith.index_cast %parallel_loop3A_546 : i32 to index
        %parallel_loop3A_566 = arith.constant 32 : index
        %parallel_loop3A_567 = tpu.vector_load %arg9[%parallel_loop3A_565, %parallel_loop3A_566] {strides = array<i32>} : memref<80x64xi32, #tpu.memory_space<vmem>>, vector<16xi32>,
        %parallel_loop3A_568 = vector.bitcast %parallel_loop3A_567 : vector<16xi32> to vector<32xbf16>
        %parallel_loop3A_569 = arith.index_cast %parallel_loop3A_546 : i32 to index
        %parallel_loop3A_570 = arith.constant 32 : index
        %parallel_loop3A_571 = tpu.vector_load %arg10[%parallel_loop3A_569, %parallel_loop3A_570] {strides = array<i32>} : memref<80x64xi32, #tpu.memory_space<vmem>>, vector<16xi32>,
        %parallel_loop3A_572 = vector.bitcast %parallel_loop3A_571 : vector<16xi32> to vector<32xbf16>
        %parallel_loop3A_573 = arith.mulf %parallel_loop3A_568, %parallel_loop3A_572 : vector<32xbf16>
        %parallel_loop3A_574 = arith.index_cast %parallel_loop3A_546 : i32 to index
        %parallel_loop3A_575 = arith.constant 48 : index
        %parallel_loop3A_576 = tpu.vector_load %arg9[%parallel_loop3A_574, %parallel_loop3A_575] {strides = array<i32>} : memref<80x64xi32, #tpu.memory_space<vmem>>, vector<16xi32>,
        %parallel_loop3A_577 = vector.bitcast %parallel_loop3A_576 : vector<16xi32> to vector<32xbf16>
        %parallel_loop3A_578 = arith.index_cast %parallel_loop3A_546 : i32 to index
        %parallel_loop3A_579 = arith.constant 48 : index
        %parallel_loop3A_580 = tpu.vector_load %arg10[%parallel_loop3A_578, %parallel_loop3A_579] {strides = array<i32>} : memref<80x64xi32, #tpu.memory_space<vmem>>, vector<16xi32>,
        %parallel_loop3A_581 = vector.bitcast %parallel_loop3A_580 : vector<16xi32> to vector<32xbf16>
        %parallel_loop3A_582 = arith.mulf %parallel_loop3A_577, %parallel_loop3A_581 : vector<32xbf16>
        %parallel_loop3A_583 = arith.addf %parallel_loop3A_555, %parallel_loop3A_564 : vector<32xbf16>
        %parallel_loop3A_584 = tpu.unpack_subelements %parallel_loop3A_583, 0 {pack_format = #tpu.pack_format<interleaved>} : vector<32xbf16> -> vector<16xf32>
        %parallel_loop3A_585 = tpu.unpack_subelements %parallel_loop3A_583, 1 {pack_format = #tpu.pack_format<interleaved>} : vector<32xbf16> -> vector<16xf32>
        %parallel_loop3A_586 = arith.addf %parallel_loop3A_584, %parallel_loop3A_585 : vector<16xf32>
        %parallel_loop3A_587 = arith.addf %parallel_loop3A_573, %parallel_loop3A_582 : vector<32xbf16>
        %parallel_loop3A_588 = tpu.unpack_subelements %parallel_loop3A_587, 0 {pack_format = #tpu.pack_format<interleaved>} : vector<32xbf16> -> vector<16xf32>
        %parallel_loop3A_589 = tpu.unpack_subelements %parallel_loop3A_587, 1 {pack_format = #tpu.pack_format<interleaved>} : vector<32xbf16> -> vector<16xf32>
        %parallel_loop3A_590 = arith.addf %parallel_loop3A_588, %parallel_loop3A_589 : vector<16xf32>
        %parallel_loop3A_591 = arith.addf %parallel_loop3A_586, %parallel_loop3A_590 : vector<16xf32>
        %parallel_loop3A_592 = arith.constant true
        %parallel_loop3A_593 = vector.broadcast %parallel_loop3A_592 : i1 to vector<16xi1>
        %parallel_loop3A_594 = tpu.scan <sum>, %parallel_loop3A_591 masked %parallel_loop3A_593 : vector<16xf32>, vector<16xi1> -> vector<16xf32>
        %parallel_loop3A_595 = vector.extract %parallel_loop3A_594[15] : f32 from vector<16xf32>
        %parallel_loop3A_596 = arith.constant 8 : i32
        %parallel_loop3A_597 = vector.broadcast %parallel_loop3A_596 : i32 to vector<16xi32>
        %parallel_loop3A_598 = arith.cmpi eq, %iota3A, %parallel_loop3A_597 : vector<16xi32>
        %parallel_loop3A_599 = vector.broadcast %parallel_loop3A_595 : f32 to vector<16xf32>
        %parallel_loop3A_600 = arith.select %parallel_loop3A_598, %parallel_loop3A_599, %parallel_loop3A_544 : vector<16xi1>, vector<16xf32>
        %parallel_loop3A_601 = arith.constant 9 : i32
        %parallel_loop3A_602 = arith.addi %parallel_loop3A_94, %parallel_loop3A_601 : i32
        %parallel_loop3A_603 = arith.index_cast %parallel_loop3A_602 : i32 to index
        %parallel_loop3A_604 = arith.constant 0 : index
        %parallel_loop3A_605 = tpu.vector_load %arg9[%parallel_loop3A_603, %parallel_loop3A_604] {strides = array<i32>} : memref<80x64xi32, #tpu.memory_space<vmem>>, vector<16xi32>,
        %parallel_loop3A_606 = vector.bitcast %parallel_loop3A_605 : vector<16xi32> to vector<32xbf16>
        %parallel_loop3A_607 = arith.index_cast %parallel_loop3A_602 : i32 to index
        %parallel_loop3A_608 = arith.constant 0 : index
        %parallel_loop3A_609 = tpu.vector_load %arg10[%parallel_loop3A_607, %parallel_loop3A_608] {strides = array<i32>} : memref<80x64xi32, #tpu.memory_space<vmem>>, vector<16xi32>,
        %parallel_loop3A_610 = vector.bitcast %parallel_loop3A_609 : vector<16xi32> to vector<32xbf16>
        %parallel_loop3A_611 = arith.mulf %parallel_loop3A_606, %parallel_loop3A_610 : vector<32xbf16>
        %parallel_loop3A_612 = arith.index_cast %parallel_loop3A_602 : i32 to index
        %parallel_loop3A_613 = arith.constant 16 : index
        %parallel_loop3A_614 = tpu.vector_load %arg9[%parallel_loop3A_612, %parallel_loop3A_613] {strides = array<i32>} : memref<80x64xi32, #tpu.memory_space<vmem>>, vector<16xi32>,
        %parallel_loop3A_615 = vector.bitcast %parallel_loop3A_614 : vector<16xi32> to vector<32xbf16>
        %parallel_loop3A_616 = arith.index_cast %parallel_loop3A_602 : i32 to index
        %parallel_loop3A_617 = arith.constant 16 : index
        %parallel_loop3A_618 = tpu.vector_load %arg10[%parallel_loop3A_616, %parallel_loop3A_617] {strides = array<i32>} : memref<80x64xi32, #tpu.memory_space<vmem>>, vector<16xi32>,
        %parallel_loop3A_619 = vector.bitcast %parallel_loop3A_618 : vector<16xi32> to vector<32xbf16>
        %parallel_loop3A_620 = arith.mulf %parallel_loop3A_615, %parallel_loop3A_619 : vector<32xbf16>
        %parallel_loop3A_621 = arith.index_cast %parallel_loop3A_602 : i32 to index
        %parallel_loop3A_622 = arith.constant 32 : index
        %parallel_loop3A_623 = tpu.vector_load %arg9[%parallel_loop3A_621, %parallel_loop3A_622] {strides = array<i32>} : memref<80x64xi32, #tpu.memory_space<vmem>>, vector<16xi32>,
        %parallel_loop3A_624 = vector.bitcast %parallel_loop3A_623 : vector<16xi32> to vector<32xbf16>
        %parallel_loop3A_625 = arith.index_cast %parallel_loop3A_602 : i32 to index
        %parallel_loop3A_626 = arith.constant 32 : index
        %parallel_loop3A_627 = tpu.vector_load %arg10[%parallel_loop3A_625, %parallel_loop3A_626] {strides = array<i32>} : memref<80x64xi32, #tpu.memory_space<vmem>>, vector<16xi32>,
        %parallel_loop3A_628 = vector.bitcast %parallel_loop3A_627 : vector<16xi32> to vector<32xbf16>
        %parallel_loop3A_629 = arith.mulf %parallel_loop3A_624, %parallel_loop3A_628 : vector<32xbf16>
        %parallel_loop3A_630 = arith.index_cast %parallel_loop3A_602 : i32 to index
        %parallel_loop3A_631 = arith.constant 48 : index
        %parallel_loop3A_632 = tpu.vector_load %arg9[%parallel_loop3A_630, %parallel_loop3A_631] {strides = array<i32>} : memref<80x64xi32, #tpu.memory_space<vmem>>, vector<16xi32>,
        %parallel_loop3A_633 = vector.bitcast %parallel_loop3A_632 : vector<16xi32> to vector<32xbf16>
        %parallel_loop3A_634 = arith.index_cast %parallel_loop3A_602 : i32 to index
        %parallel_loop3A_635 = arith.constant 48 : index
        %parallel_loop3A_636 = tpu.vector_load %arg10[%parallel_loop3A_634, %parallel_loop3A_635] {strides = array<i32>} : memref<80x64xi32, #tpu.memory_space<vmem>>, vector<16xi32>,
        %parallel_loop3A_637 = vector.bitcast %parallel_loop3A_636 : vector<16xi32> to vector<32xbf16>
        %parallel_loop3A_638 = arith.mulf %parallel_loop3A_633, %parallel_loop3A_637 : vector<32xbf16>
        %parallel_loop3A_639 = arith.addf %parallel_loop3A_611, %parallel_loop3A_620 : vector<32xbf16>
        %parallel_loop3A_640 = tpu.unpack_subelements %parallel_loop3A_639, 0 {pack_format = #tpu.pack_format<interleaved>} : vector<32xbf16> -> vector<16xf32>
        %parallel_loop3A_641 = tpu.unpack_subelements %parallel_loop3A_639, 1 {pack_format = #tpu.pack_format<interleaved>} : vector<32xbf16> -> vector<16xf32>
        %parallel_loop3A_642 = arith.addf %parallel_loop3A_640, %parallel_loop3A_641 : vector<16xf32>
        %parallel_loop3A_643 = arith.addf %parallel_loop3A_629, %parallel_loop3A_638 : vector<32xbf16>
        %parallel_loop3A_644 = tpu.unpack_subelements %parallel_loop3A_643, 0 {pack_format = #tpu.pack_format<interleaved>} : vector<32xbf16> -> vector<16xf32>
        %parallel_loop3A_645 = tpu.unpack_subelements %parallel_loop3A_643, 1 {pack_format = #tpu.pack_format<interleaved>} : vector<32xbf16> -> vector<16xf32>
        %parallel_loop3A_646 = arith.addf %parallel_loop3A_644, %parallel_loop3A_645 : vector<16xf32>
        %parallel_loop3A_647 = arith.addf %parallel_loop3A_642, %parallel_loop3A_646 : vector<16xf32>
        %parallel_loop3A_648 = arith.constant true
        %parallel_loop3A_649 = vector.broadcast %parallel_loop3A_648 : i1 to vector<16xi1>
        %parallel_loop3A_650 = tpu.scan <sum>, %parallel_loop3A_647 masked %parallel_loop3A_649 : vector<16xf32>, vector<16xi1> -> vector<16xf32>
        %parallel_loop3A_651 = vector.extract %parallel_loop3A_650[15] : f32 from vector<16xf32>
        %parallel_loop3A_652 = arith.constant 9 : i32
        %parallel_loop3A_653 = vector.broadcast %parallel_loop3A_652 : i32 to vector<16xi32>
        %parallel_loop3A_654 = arith.cmpi eq, %iota3A, %parallel_loop3A_653 : vector<16xi32>
        %parallel_loop3A_655 = vector.broadcast %parallel_loop3A_651 : f32 to vector<16xf32>
        %parallel_loop3A_656 = arith.select %parallel_loop3A_654, %parallel_loop3A_655, %parallel_loop3A_600 : vector<16xi1>, vector<16xf32>
        %parallel_loop3A_657 = arith.constant 10 : i32
        %parallel_loop3A_658 = arith.addi %parallel_loop3A_94, %parallel_loop3A_657 : i32
        %parallel_loop3A_659 = arith.index_cast %parallel_loop3A_658 : i32 to index
        %parallel_loop3A_660 = arith.constant 0 : index
        %parallel_loop3A_661 = tpu.vector_load %arg9[%parallel_loop3A_659, %parallel_loop3A_660] {strides = array<i32>} : memref<80x64xi32, #tpu.memory_space<vmem>>, vector<16xi32>,
        %parallel_loop3A_662 = vector.bitcast %parallel_loop3A_661 : vector<16xi32> to vector<32xbf16>
        %parallel_loop3A_663 = arith.index_cast %parallel_loop3A_658 : i32 to index
        %parallel_loop3A_664 = arith.constant 0 : index
        %parallel_loop3A_665 = tpu.vector_load %arg10[%parallel_loop3A_663, %parallel_loop3A_664] {strides = array<i32>} : memref<80x64xi32, #tpu.memory_space<vmem>>, vector<16xi32>,
        %parallel_loop3A_666 = vector.bitcast %parallel_loop3A_665 : vector<16xi32> to vector<32xbf16>
        %parallel_loop3A_667 = arith.mulf %parallel_loop3A_662, %parallel_loop3A_666 : vector<32xbf16>
        %parallel_loop3A_668 = arith.index_cast %parallel_loop3A_658 : i32 to index
        %parallel_loop3A_669 = arith.constant 16 : index
        %parallel_loop3A_670 = tpu.vector_load %arg9[%parallel_loop3A_668, %parallel_loop3A_669] {strides = array<i32>} : memref<80x64xi32, #tpu.memory_space<vmem>>, vector<16xi32>,
        %parallel_loop3A_671 = vector.bitcast %parallel_loop3A_670 : vector<16xi32> to vector<32xbf16>
        %parallel_loop3A_672 = arith.index_cast %parallel_loop3A_658 : i32 to index
        %parallel_loop3A_673 = arith.constant 16 : index
        %parallel_loop3A_674 = tpu.vector_load %arg10[%parallel_loop3A_672, %parallel_loop3A_673] {strides = array<i32>} : memref<80x64xi32, #tpu.memory_space<vmem>>, vector<16xi32>,
        %parallel_loop3A_675 = vector.bitcast %parallel_loop3A_674 : vector<16xi32> to vector<32xbf16>
        %parallel_loop3A_676 = arith.mulf %parallel_loop3A_671, %parallel_loop3A_675 : vector<32xbf16>
        %parallel_loop3A_677 = arith.index_cast %parallel_loop3A_658 : i32 to index
        %parallel_loop3A_678 = arith.constant 32 : index
        %parallel_loop3A_679 = tpu.vector_load %arg9[%parallel_loop3A_677, %parallel_loop3A_678] {strides = array<i32>} : memref<80x64xi32, #tpu.memory_space<vmem>>, vector<16xi32>,
        %parallel_loop3A_680 = vector.bitcast %parallel_loop3A_679 : vector<16xi32> to vector<32xbf16>
        %parallel_loop3A_681 = arith.index_cast %parallel_loop3A_658 : i32 to index
        %parallel_loop3A_682 = arith.constant 32 : index
        %parallel_loop3A_683 = tpu.vector_load %arg10[%parallel_loop3A_681, %parallel_loop3A_682] {strides = array<i32>} : memref<80x64xi32, #tpu.memory_space<vmem>>, vector<16xi32>,
        %parallel_loop3A_684 = vector.bitcast %parallel_loop3A_683 : vector<16xi32> to vector<32xbf16>
        %parallel_loop3A_685 = arith.mulf %parallel_loop3A_680, %parallel_loop3A_684 : vector<32xbf16>
        %parallel_loop3A_686 = arith.index_cast %parallel_loop3A_658 : i32 to index
        %parallel_loop3A_687 = arith.constant 48 : index
        %parallel_loop3A_688 = tpu.vector_load %arg9[%parallel_loop3A_686, %parallel_loop3A_687] {strides = array<i32>} : memref<80x64xi32, #tpu.memory_space<vmem>>, vector<16xi32>,
        %parallel_loop3A_689 = vector.bitcast %parallel_loop3A_688 : vector<16xi32> to vector<32xbf16>
        %parallel_loop3A_690 = arith.index_cast %parallel_loop3A_658 : i32 to index
        %parallel_loop3A_691 = arith.constant 48 : index
        %parallel_loop3A_692 = tpu.vector_load %arg10[%parallel_loop3A_690, %parallel_loop3A_691] {strides = array<i32>} : memref<80x64xi32, #tpu.memory_space<vmem>>, vector<16xi32>,
        %parallel_loop3A_693 = vector.bitcast %parallel_loop3A_692 : vector<16xi32> to vector<32xbf16>
        %parallel_loop3A_694 = arith.mulf %parallel_loop3A_689, %parallel_loop3A_693 : vector<32xbf16>
        %parallel_loop3A_695 = arith.addf %parallel_loop3A_667, %parallel_loop3A_676 : vector<32xbf16>
        %parallel_loop3A_696 = tpu.unpack_subelements %parallel_loop3A_695, 0 {pack_format = #tpu.pack_format<interleaved>} : vector<32xbf16> -> vector<16xf32>
        %parallel_loop3A_697 = tpu.unpack_subelements %parallel_loop3A_695, 1 {pack_format = #tpu.pack_format<interleaved>} : vector<32xbf16> -> vector<16xf32>
        %parallel_loop3A_698 = arith.addf %parallel_loop3A_696, %parallel_loop3A_697 : vector<16xf32>
        %parallel_loop3A_699 = arith.addf %parallel_loop3A_685, %parallel_loop3A_694 : vector<32xbf16>
        %parallel_loop3A_700 = tpu.unpack_subelements %parallel_loop3A_699, 0 {pack_format = #tpu.pack_format<interleaved>} : vector<32xbf16> -> vector<16xf32>
        %parallel_loop3A_701 = tpu.unpack_subelements %parallel_loop3A_699, 1 {pack_format = #tpu.pack_format<interleaved>} : vector<32xbf16> -> vector<16xf32>
        %parallel_loop3A_702 = arith.addf %parallel_loop3A_700, %parallel_loop3A_701 : vector<16xf32>
        %parallel_loop3A_703 = arith.addf %parallel_loop3A_698, %parallel_loop3A_702 : vector<16xf32>
        %parallel_loop3A_704 = arith.constant true
        %parallel_loop3A_705 = vector.broadcast %parallel_loop3A_704 : i1 to vector<16xi1>
        %parallel_loop3A_706 = tpu.scan <sum>, %parallel_loop3A_703 masked %parallel_loop3A_705 : vector<16xf32>, vector<16xi1> -> vector<16xf32>
        %parallel_loop3A_707 = vector.extract %parallel_loop3A_706[15] : f32 from vector<16xf32>
        %parallel_loop3A_708 = arith.constant 10 : i32
        %parallel_loop3A_709 = vector.broadcast %parallel_loop3A_708 : i32 to vector<16xi32>
        %parallel_loop3A_710 = arith.cmpi eq, %iota3A, %parallel_loop3A_709 : vector<16xi32>
        %parallel_loop3A_711 = vector.broadcast %parallel_loop3A_707 : f32 to vector<16xf32>
        %parallel_loop3A_712 = arith.select %parallel_loop3A_710, %parallel_loop3A_711, %parallel_loop3A_656 : vector<16xi1>, vector<16xf32>
        %parallel_loop3A_713 = arith.constant 11 : i32
        %parallel_loop3A_714 = arith.addi %parallel_loop3A_94, %parallel_loop3A_713 : i32
        %parallel_loop3A_715 = arith.index_cast %parallel_loop3A_714 : i32 to index
        %parallel_loop3A_716 = arith.constant 0 : index
        %parallel_loop3A_717 = tpu.vector_load %arg9[%parallel_loop3A_715, %parallel_loop3A_716] {strides = array<i32>} : memref<80x64xi32, #tpu.memory_space<vmem>>, vector<16xi32>,
        %parallel_loop3A_718 = vector.bitcast %parallel_loop3A_717 : vector<16xi32> to vector<32xbf16>
        %parallel_loop3A_719 = arith.index_cast %parallel_loop3A_714 : i32 to index
        %parallel_loop3A_720 = arith.constant 0 : index
        %parallel_loop3A_721 = tpu.vector_load %arg10[%parallel_loop3A_719, %parallel_loop3A_720] {strides = array<i32>} : memref<80x64xi32, #tpu.memory_space<vmem>>, vector<16xi32>,
        %parallel_loop3A_722 = vector.bitcast %parallel_loop3A_721 : vector<16xi32> to vector<32xbf16>
        %parallel_loop3A_723 = arith.mulf %parallel_loop3A_718, %parallel_loop3A_722 : vector<32xbf16>
        %parallel_loop3A_724 = arith.index_cast %parallel_loop3A_714 : i32 to index
        %parallel_loop3A_725 = arith.constant 16 : index
        %parallel_loop3A_726 = tpu.vector_load %arg9[%parallel_loop3A_724, %parallel_loop3A_725] {strides = array<i32>} : memref<80x64xi32, #tpu.memory_space<vmem>>, vector<16xi32>,
        %parallel_loop3A_727 = vector.bitcast %parallel_loop3A_726 : vector<16xi32> to vector<32xbf16>
        %parallel_loop3A_728 = arith.index_cast %parallel_loop3A_714 : i32 to index
        %parallel_loop3A_729 = arith.constant 16 : index
        %parallel_loop3A_730 = tpu.vector_load %arg10[%parallel_loop3A_728, %parallel_loop3A_729] {strides = array<i32>} : memref<80x64xi32, #tpu.memory_space<vmem>>, vector<16xi32>,
        %parallel_loop3A_731 = vector.bitcast %parallel_loop3A_730 : vector<16xi32> to vector<32xbf16>
        %parallel_loop3A_732 = arith.mulf %parallel_loop3A_727, %parallel_loop3A_731 : vector<32xbf16>
        %parallel_loop3A_733 = arith.index_cast %parallel_loop3A_714 : i32 to index
        %parallel_loop3A_734 = arith.constant 32 : index
        %parallel_loop3A_735 = tpu.vector_load %arg9[%parallel_loop3A_733, %parallel_loop3A_734] {strides = array<i32>} : memref<80x64xi32, #tpu.memory_space<vmem>>, vector<16xi32>,
        %parallel_loop3A_736 = vector.bitcast %parallel_loop3A_735 : vector<16xi32> to vector<32xbf16>
        %parallel_loop3A_737 = arith.index_cast %parallel_loop3A_714 : i32 to index
        %parallel_loop3A_738 = arith.constant 32 : index
        %parallel_loop3A_739 = tpu.vector_load %arg10[%parallel_loop3A_737, %parallel_loop3A_738] {strides = array<i32>} : memref<80x64xi32, #tpu.memory_space<vmem>>, vector<16xi32>,
        %parallel_loop3A_740 = vector.bitcast %parallel_loop3A_739 : vector<16xi32> to vector<32xbf16>
        %parallel_loop3A_741 = arith.mulf %parallel_loop3A_736, %parallel_loop3A_740 : vector<32xbf16>
        %parallel_loop3A_742 = arith.index_cast %parallel_loop3A_714 : i32 to index
        %parallel_loop3A_743 = arith.constant 48 : index
        %parallel_loop3A_744 = tpu.vector_load %arg9[%parallel_loop3A_742, %parallel_loop3A_743] {strides = array<i32>} : memref<80x64xi32, #tpu.memory_space<vmem>>, vector<16xi32>,
        %parallel_loop3A_745 = vector.bitcast %parallel_loop3A_744 : vector<16xi32> to vector<32xbf16>
        %parallel_loop3A_746 = arith.index_cast %parallel_loop3A_714 : i32 to index
        %parallel_loop3A_747 = arith.constant 48 : index
        %parallel_loop3A_748 = tpu.vector_load %arg10[%parallel_loop3A_746, %parallel_loop3A_747] {strides = array<i32>} : memref<80x64xi32, #tpu.memory_space<vmem>>, vector<16xi32>,
        %parallel_loop3A_749 = vector.bitcast %parallel_loop3A_748 : vector<16xi32> to vector<32xbf16>
        %parallel_loop3A_750 = arith.mulf %parallel_loop3A_745, %parallel_loop3A_749 : vector<32xbf16>
        %parallel_loop3A_751 = arith.addf %parallel_loop3A_723, %parallel_loop3A_732 : vector<32xbf16>
        %parallel_loop3A_752 = tpu.unpack_subelements %parallel_loop3A_751, 0 {pack_format = #tpu.pack_format<interleaved>} : vector<32xbf16> -> vector<16xf32>
        %parallel_loop3A_753 = tpu.unpack_subelements %parallel_loop3A_751, 1 {pack_format = #tpu.pack_format<interleaved>} : vector<32xbf16> -> vector<16xf32>
        %parallel_loop3A_754 = arith.addf %parallel_loop3A_752, %parallel_loop3A_753 : vector<16xf32>
        %parallel_loop3A_755 = arith.addf %parallel_loop3A_741, %parallel_loop3A_750 : vector<32xbf16>
        %parallel_loop3A_756 = tpu.unpack_subelements %parallel_loop3A_755, 0 {pack_format = #tpu.pack_format<interleaved>} : vector<32xbf16> -> vector<16xf32>
        %parallel_loop3A_757 = tpu.unpack_subelements %parallel_loop3A_755, 1 {pack_format = #tpu.pack_format<interleaved>} : vector<32xbf16> -> vector<16xf32>
        %parallel_loop3A_758 = arith.addf %parallel_loop3A_756, %parallel_loop3A_757 : vector<16xf32>
        %parallel_loop3A_759 = arith.addf %parallel_loop3A_754, %parallel_loop3A_758 : vector<16xf32>
        %parallel_loop3A_760 = arith.constant true
        %parallel_loop3A_761 = vector.broadcast %parallel_loop3A_760 : i1 to vector<16xi1>
        %parallel_loop3A_762 = tpu.scan <sum>, %parallel_loop3A_759 masked %parallel_loop3A_761 : vector<16xf32>, vector<16xi1> -> vector<16xf32>
        %parallel_loop3A_763 = vector.extract %parallel_loop3A_762[15] : f32 from vector<16xf32>
        %parallel_loop3A_764 = arith.constant 11 : i32
        %parallel_loop3A_765 = vector.broadcast %parallel_loop3A_764 : i32 to vector<16xi32>
        %parallel_loop3A_766 = arith.cmpi eq, %iota3A, %parallel_loop3A_765 : vector<16xi32>
        %parallel_loop3A_767 = vector.broadcast %parallel_loop3A_763 : f32 to vector<16xf32>
        %parallel_loop3A_768 = arith.select %parallel_loop3A_766, %parallel_loop3A_767, %parallel_loop3A_712 : vector<16xi1>, vector<16xf32>
        %parallel_loop3A_769 = arith.constant 12 : i32
        %parallel_loop3A_770 = arith.addi %parallel_loop3A_94, %parallel_loop3A_769 : i32
        %parallel_loop3A_771 = arith.index_cast %parallel_loop3A_770 : i32 to index
        %parallel_loop3A_772 = arith.constant 0 : index
        %parallel_loop3A_773 = tpu.vector_load %arg9[%parallel_loop3A_771, %parallel_loop3A_772] {strides = array<i32>} : memref<80x64xi32, #tpu.memory_space<vmem>>, vector<16xi32>,
        %parallel_loop3A_774 = vector.bitcast %parallel_loop3A_773 : vector<16xi32> to vector<32xbf16>
        %parallel_loop3A_775 = arith.index_cast %parallel_loop3A_770 : i32 to index
        %parallel_loop3A_776 = arith.constant 0 : index
        %parallel_loop3A_777 = tpu.vector_load %arg10[%parallel_loop3A_775, %parallel_loop3A_776] {strides = array<i32>} : memref<80x64xi32, #tpu.memory_space<vmem>>, vector<16xi32>,
        %parallel_loop3A_778 = vector.bitcast %parallel_loop3A_777 : vector<16xi32> to vector<32xbf16>
        %parallel_loop3A_779 = arith.mulf %parallel_loop3A_774, %parallel_loop3A_778 : vector<32xbf16>
        %parallel_loop3A_780 = arith.index_cast %parallel_loop3A_770 : i32 to index
        %parallel_loop3A_781 = arith.constant 16 : index
        %parallel_loop3A_782 = tpu.vector_load %arg9[%parallel_loop3A_780, %parallel_loop3A_781] {strides = array<i32>} : memref<80x64xi32, #tpu.memory_space<vmem>>, vector<16xi32>,
        %parallel_loop3A_783 = vector.bitcast %parallel_loop3A_782 : vector<16xi32> to vector<32xbf16>
        %parallel_loop3A_784 = arith.index_cast %parallel_loop3A_770 : i32 to index
        %parallel_loop3A_785 = arith.constant 16 : index
        %parallel_loop3A_786 = tpu.vector_load %arg10[%parallel_loop3A_784, %parallel_loop3A_785] {strides = array<i32>} : memref<80x64xi32, #tpu.memory_space<vmem>>, vector<16xi32>,
        %parallel_loop3A_787 = vector.bitcast %parallel_loop3A_786 : vector<16xi32> to vector<32xbf16>
        %parallel_loop3A_788 = arith.mulf %parallel_loop3A_783, %parallel_loop3A_787 : vector<32xbf16>
        %parallel_loop3A_789 = arith.index_cast %parallel_loop3A_770 : i32 to index
        %parallel_loop3A_790 = arith.constant 32 : index
        %parallel_loop3A_791 = tpu.vector_load %arg9[%parallel_loop3A_789, %parallel_loop3A_790] {strides = array<i32>} : memref<80x64xi32, #tpu.memory_space<vmem>>, vector<16xi32>,
        %parallel_loop3A_792 = vector.bitcast %parallel_loop3A_791 : vector<16xi32> to vector<32xbf16>
        %parallel_loop3A_793 = arith.index_cast %parallel_loop3A_770 : i32 to index
        %parallel_loop3A_794 = arith.constant 32 : index
        %parallel_loop3A_795 = tpu.vector_load %arg10[%parallel_loop3A_793, %parallel_loop3A_794] {strides = array<i32>} : memref<80x64xi32, #tpu.memory_space<vmem>>, vector<16xi32>,
        %parallel_loop3A_796 = vector.bitcast %parallel_loop3A_795 : vector<16xi32> to vector<32xbf16>
        %parallel_loop3A_797 = arith.mulf %parallel_loop3A_792, %parallel_loop3A_796 : vector<32xbf16>
        %parallel_loop3A_798 = arith.index_cast %parallel_loop3A_770 : i32 to index
        %parallel_loop3A_799 = arith.constant 48 : index
        %parallel_loop3A_800 = tpu.vector_load %arg9[%parallel_loop3A_798, %parallel_loop3A_799] {strides = array<i32>} : memref<80x64xi32, #tpu.memory_space<vmem>>, vector<16xi32>,
        %parallel_loop3A_801 = vector.bitcast %parallel_loop3A_800 : vector<16xi32> to vector<32xbf16>
        %parallel_loop3A_802 = arith.index_cast %parallel_loop3A_770 : i32 to index
        %parallel_loop3A_803 = arith.constant 48 : index
        %parallel_loop3A_804 = tpu.vector_load %arg10[%parallel_loop3A_802, %parallel_loop3A_803] {strides = array<i32>} : memref<80x64xi32, #tpu.memory_space<vmem>>, vector<16xi32>,
        %parallel_loop3A_805 = vector.bitcast %parallel_loop3A_804 : vector<16xi32> to vector<32xbf16>
        %parallel_loop3A_806 = arith.mulf %parallel_loop3A_801, %parallel_loop3A_805 : vector<32xbf16>
        %parallel_loop3A_807 = arith.addf %parallel_loop3A_779, %parallel_loop3A_788 : vector<32xbf16>
        %parallel_loop3A_808 = tpu.unpack_subelements %parallel_loop3A_807, 0 {pack_format = #tpu.pack_format<interleaved>} : vector<32xbf16> -> vector<16xf32>
        %parallel_loop3A_809 = tpu.unpack_subelements %parallel_loop3A_807, 1 {pack_format = #tpu.pack_format<interleaved>} : vector<32xbf16> -> vector<16xf32>
        %parallel_loop3A_810 = arith.addf %parallel_loop3A_808, %parallel_loop3A_809 : vector<16xf32>
        %parallel_loop3A_811 = arith.addf %parallel_loop3A_797, %parallel_loop3A_806 : vector<32xbf16>
        %parallel_loop3A_812 = tpu.unpack_subelements %parallel_loop3A_811, 0 {pack_format = #tpu.pack_format<interleaved>} : vector<32xbf16> -> vector<16xf32>
        %parallel_loop3A_813 = tpu.unpack_subelements %parallel_loop3A_811, 1 {pack_format = #tpu.pack_format<interleaved>} : vector<32xbf16> -> vector<16xf32>
        %parallel_loop3A_814 = arith.addf %parallel_loop3A_812, %parallel_loop3A_813 : vector<16xf32>
        %parallel_loop3A_815 = arith.addf %parallel_loop3A_810, %parallel_loop3A_814 : vector<16xf32>
        %parallel_loop3A_816 = arith.constant true
        %parallel_loop3A_817 = vector.broadcast %parallel_loop3A_816 : i1 to vector<16xi1>
        %parallel_loop3A_818 = tpu.scan <sum>, %parallel_loop3A_815 masked %parallel_loop3A_817 : vector<16xf32>, vector<16xi1> -> vector<16xf32>
        %parallel_loop3A_819 = vector.extract %parallel_loop3A_818[15] : f32 from vector<16xf32>
        %parallel_loop3A_820 = arith.constant 12 : i32
        %parallel_loop3A_821 = vector.broadcast %parallel_loop3A_820 : i32 to vector<16xi32>
        %parallel_loop3A_822 = arith.cmpi eq, %iota3A, %parallel_loop3A_821 : vector<16xi32>
        %parallel_loop3A_823 = vector.broadcast %parallel_loop3A_819 : f32 to vector<16xf32>
        %parallel_loop3A_824 = arith.select %parallel_loop3A_822, %parallel_loop3A_823, %parallel_loop3A_768 : vector<16xi1>, vector<16xf32>
        %parallel_loop3A_825 = arith.constant 13 : i32
        %parallel_loop3A_826 = arith.addi %parallel_loop3A_94, %parallel_loop3A_825 : i32
        %parallel_loop3A_827 = arith.index_cast %parallel_loop3A_826 : i32 to index
        %parallel_loop3A_828 = arith.constant 0 : index
        %parallel_loop3A_829 = tpu.vector_load %arg9[%parallel_loop3A_827, %parallel_loop3A_828] {strides = array<i32>} : memref<80x64xi32, #tpu.memory_space<vmem>>, vector<16xi32>,
        %parallel_loop3A_830 = vector.bitcast %parallel_loop3A_829 : vector<16xi32> to vector<32xbf16>
        %parallel_loop3A_831 = arith.index_cast %parallel_loop3A_826 : i32 to index
        %parallel_loop3A_832 = arith.constant 0 : index
        %parallel_loop3A_833 = tpu.vector_load %arg10[%parallel_loop3A_831, %parallel_loop3A_832] {strides = array<i32>} : memref<80x64xi32, #tpu.memory_space<vmem>>, vector<16xi32>,
        %parallel_loop3A_834 = vector.bitcast %parallel_loop3A_833 : vector<16xi32> to vector<32xbf16>
        %parallel_loop3A_835 = arith.mulf %parallel_loop3A_830, %parallel_loop3A_834 : vector<32xbf16>
        %parallel_loop3A_836 = arith.index_cast %parallel_loop3A_826 : i32 to index
        %parallel_loop3A_837 = arith.constant 16 : index
        %parallel_loop3A_838 = tpu.vector_load %arg9[%parallel_loop3A_836, %parallel_loop3A_837] {strides = array<i32>} : memref<80x64xi32, #tpu.memory_space<vmem>>, vector<16xi32>,
        %parallel_loop3A_839 = vector.bitcast %parallel_loop3A_838 : vector<16xi32> to vector<32xbf16>
        %parallel_loop3A_840 = arith.index_cast %parallel_loop3A_826 : i32 to index
        %parallel_loop3A_841 = arith.constant 16 : index
        %parallel_loop3A_842 = tpu.vector_load %arg10[%parallel_loop3A_840, %parallel_loop3A_841] {strides = array<i32>} : memref<80x64xi32, #tpu.memory_space<vmem>>, vector<16xi32>,
        %parallel_loop3A_843 = vector.bitcast %parallel_loop3A_842 : vector<16xi32> to vector<32xbf16>
        %parallel_loop3A_844 = arith.mulf %parallel_loop3A_839, %parallel_loop3A_843 : vector<32xbf16>
        %parallel_loop3A_845 = arith.index_cast %parallel_loop3A_826 : i32 to index
        %parallel_loop3A_846 = arith.constant 32 : index
        %parallel_loop3A_847 = tpu.vector_load %arg9[%parallel_loop3A_845, %parallel_loop3A_846] {strides = array<i32>} : memref<80x64xi32, #tpu.memory_space<vmem>>, vector<16xi32>,
        %parallel_loop3A_848 = vector.bitcast %parallel_loop3A_847 : vector<16xi32> to vector<32xbf16>
        %parallel_loop3A_849 = arith.index_cast %parallel_loop3A_826 : i32 to index
        %parallel_loop3A_850 = arith.constant 32 : index
        %parallel_loop3A_851 = tpu.vector_load %arg10[%parallel_loop3A_849, %parallel_loop3A_850] {strides = array<i32>} : memref<80x64xi32, #tpu.memory_space<vmem>>, vector<16xi32>,
        %parallel_loop3A_852 = vector.bitcast %parallel_loop3A_851 : vector<16xi32> to vector<32xbf16>
        %parallel_loop3A_853 = arith.mulf %parallel_loop3A_848, %parallel_loop3A_852 : vector<32xbf16>
        %parallel_loop3A_854 = arith.index_cast %parallel_loop3A_826 : i32 to index
        %parallel_loop3A_855 = arith.constant 48 : index
        %parallel_loop3A_856 = tpu.vector_load %arg9[%parallel_loop3A_854, %parallel_loop3A_855] {strides = array<i32>} : memref<80x64xi32, #tpu.memory_space<vmem>>, vector<16xi32>,
        %parallel_loop3A_857 = vector.bitcast %parallel_loop3A_856 : vector<16xi32> to vector<32xbf16>
        %parallel_loop3A_858 = arith.index_cast %parallel_loop3A_826 : i32 to index
        %parallel_loop3A_859 = arith.constant 48 : index
        %parallel_loop3A_860 = tpu.vector_load %arg10[%parallel_loop3A_858, %parallel_loop3A_859] {strides = array<i32>} : memref<80x64xi32, #tpu.memory_space<vmem>>, vector<16xi32>,
        %parallel_loop3A_861 = vector.bitcast %parallel_loop3A_860 : vector<16xi32> to vector<32xbf16>
        %parallel_loop3A_862 = arith.mulf %parallel_loop3A_857, %parallel_loop3A_861 : vector<32xbf16>
        %parallel_loop3A_863 = arith.addf %parallel_loop3A_835, %parallel_loop3A_844 : vector<32xbf16>
        %parallel_loop3A_864 = tpu.unpack_subelements %parallel_loop3A_863, 0 {pack_format = #tpu.pack_format<interleaved>} : vector<32xbf16> -> vector<16xf32>
        %parallel_loop3A_865 = tpu.unpack_subelements %parallel_loop3A_863, 1 {pack_format = #tpu.pack_format<interleaved>} : vector<32xbf16> -> vector<16xf32>
        %parallel_loop3A_866 = arith.addf %parallel_loop3A_864, %parallel_loop3A_865 : vector<16xf32>
        %parallel_loop3A_867 = arith.addf %parallel_loop3A_853, %parallel_loop3A_862 : vector<32xbf16>
        %parallel_loop3A_868 = tpu.unpack_subelements %parallel_loop3A_867, 0 {pack_format = #tpu.pack_format<interleaved>} : vector<32xbf16> -> vector<16xf32>
        %parallel_loop3A_869 = tpu.unpack_subelements %parallel_loop3A_867, 1 {pack_format = #tpu.pack_format<interleaved>} : vector<32xbf16> -> vector<16xf32>
        %parallel_loop3A_870 = arith.addf %parallel_loop3A_868, %parallel_loop3A_869 : vector<16xf32>
        %parallel_loop3A_871 = arith.addf %parallel_loop3A_866, %parallel_loop3A_870 : vector<16xf32>
        %parallel_loop3A_872 = arith.constant true
        %parallel_loop3A_873 = vector.broadcast %parallel_loop3A_872 : i1 to vector<16xi1>
        %parallel_loop3A_874 = tpu.scan <sum>, %parallel_loop3A_871 masked %parallel_loop3A_873 : vector<16xf32>, vector<16xi1> -> vector<16xf32>
        %parallel_loop3A_875 = vector.extract %parallel_loop3A_874[15] : f32 from vector<16xf32>
        %parallel_loop3A_876 = arith.constant 13 : i32
        %parallel_loop3A_877 = vector.broadcast %parallel_loop3A_876 : i32 to vector<16xi32>
        %parallel_loop3A_878 = arith.cmpi eq, %iota3A, %parallel_loop3A_877 : vector<16xi32>
        %parallel_loop3A_879 = vector.broadcast %parallel_loop3A_875 : f32 to vector<16xf32>
        %parallel_loop3A_880 = arith.select %parallel_loop3A_878, %parallel_loop3A_879, %parallel_loop3A_824 : vector<16xi1>, vector<16xf32>
        %parallel_loop3A_881 = arith.constant 14 : i32
        %parallel_loop3A_882 = arith.addi %parallel_loop3A_94, %parallel_loop3A_881 : i32
        %parallel_loop3A_883 = arith.index_cast %parallel_loop3A_882 : i32 to index
        %parallel_loop3A_884 = arith.constant 0 : index
        %parallel_loop3A_885 = tpu.vector_load %arg9[%parallel_loop3A_883, %parallel_loop3A_884] {strides = array<i32>} : memref<80x64xi32, #tpu.memory_space<vmem>>, vector<16xi32>,
        %parallel_loop3A_886 = vector.bitcast %parallel_loop3A_885 : vector<16xi32> to vector<32xbf16>
        %parallel_loop3A_887 = arith.index_cast %parallel_loop3A_882 : i32 to index
        %parallel_loop3A_888 = arith.constant 0 : index
        %parallel_loop3A_889 = tpu.vector_load %arg10[%parallel_loop3A_887, %parallel_loop3A_888] {strides = array<i32>} : memref<80x64xi32, #tpu.memory_space<vmem>>, vector<16xi32>,
        %parallel_loop3A_890 = vector.bitcast %parallel_loop3A_889 : vector<16xi32> to vector<32xbf16>
        %parallel_loop3A_891 = arith.mulf %parallel_loop3A_886, %parallel_loop3A_890 : vector<32xbf16>
        %parallel_loop3A_892 = arith.index_cast %parallel_loop3A_882 : i32 to index
        %parallel_loop3A_893 = arith.constant 16 : index
        %parallel_loop3A_894 = tpu.vector_load %arg9[%parallel_loop3A_892, %parallel_loop3A_893] {strides = array<i32>} : memref<80x64xi32, #tpu.memory_space<vmem>>, vector<16xi32>,
        %parallel_loop3A_895 = vector.bitcast %parallel_loop3A_894 : vector<16xi32> to vector<32xbf16>
        %parallel_loop3A_896 = arith.index_cast %parallel_loop3A_882 : i32 to index
        %parallel_loop3A_897 = arith.constant 16 : index
        %parallel_loop3A_898 = tpu.vector_load %arg10[%parallel_loop3A_896, %parallel_loop3A_897] {strides = array<i32>} : memref<80x64xi32, #tpu.memory_space<vmem>>, vector<16xi32>,
        %parallel_loop3A_899 = vector.bitcast %parallel_loop3A_898 : vector<16xi32> to vector<32xbf16>
        %parallel_loop3A_900 = arith.mulf %parallel_loop3A_895, %parallel_loop3A_899 : vector<32xbf16>
        %parallel_loop3A_901 = arith.index_cast %parallel_loop3A_882 : i32 to index
        %parallel_loop3A_902 = arith.constant 32 : index
        %parallel_loop3A_903 = tpu.vector_load %arg9[%parallel_loop3A_901, %parallel_loop3A_902] {strides = array<i32>} : memref<80x64xi32, #tpu.memory_space<vmem>>, vector<16xi32>,
        %parallel_loop3A_904 = vector.bitcast %parallel_loop3A_903 : vector<16xi32> to vector<32xbf16>
        %parallel_loop3A_905 = arith.index_cast %parallel_loop3A_882 : i32 to index
        %parallel_loop3A_906 = arith.constant 32 : index
        %parallel_loop3A_907 = tpu.vector_load %arg10[%parallel_loop3A_905, %parallel_loop3A_906] {strides = array<i32>} : memref<80x64xi32, #tpu.memory_space<vmem>>, vector<16xi32>,
        %parallel_loop3A_908 = vector.bitcast %parallel_loop3A_907 : vector<16xi32> to vector<32xbf16>
        %parallel_loop3A_909 = arith.mulf %parallel_loop3A_904, %parallel_loop3A_908 : vector<32xbf16>
        %parallel_loop3A_910 = arith.index_cast %parallel_loop3A_882 : i32 to index
        %parallel_loop3A_911 = arith.constant 48 : index
        %parallel_loop3A_912 = tpu.vector_load %arg9[%parallel_loop3A_910, %parallel_loop3A_911] {strides = array<i32>} : memref<80x64xi32, #tpu.memory_space<vmem>>, vector<16xi32>,
        %parallel_loop3A_913 = vector.bitcast %parallel_loop3A_912 : vector<16xi32> to vector<32xbf16>
        %parallel_loop3A_914 = arith.index_cast %parallel_loop3A_882 : i32 to index
        %parallel_loop3A_915 = arith.constant 48 : index
        %parallel_loop3A_916 = tpu.vector_load %arg10[%parallel_loop3A_914, %parallel_loop3A_915] {strides = array<i32>} : memref<80x64xi32, #tpu.memory_space<vmem>>, vector<16xi32>,
        %parallel_loop3A_917 = vector.bitcast %parallel_loop3A_916 : vector<16xi32> to vector<32xbf16>
        %parallel_loop3A_918 = arith.mulf %parallel_loop3A_913, %parallel_loop3A_917 : vector<32xbf16>
        %parallel_loop3A_919 = arith.addf %parallel_loop3A_891, %parallel_loop3A_900 : vector<32xbf16>
        %parallel_loop3A_920 = tpu.unpack_subelements %parallel_loop3A_919, 0 {pack_format = #tpu.pack_format<interleaved>} : vector<32xbf16> -> vector<16xf32>
        %parallel_loop3A_921 = tpu.unpack_subelements %parallel_loop3A_919, 1 {pack_format = #tpu.pack_format<interleaved>} : vector<32xbf16> -> vector<16xf32>
        %parallel_loop3A_922 = arith.addf %parallel_loop3A_920, %parallel_loop3A_921 : vector<16xf32>
        %parallel_loop3A_923 = arith.addf %parallel_loop3A_909, %parallel_loop3A_918 : vector<32xbf16>
        %parallel_loop3A_924 = tpu.unpack_subelements %parallel_loop3A_923, 0 {pack_format = #tpu.pack_format<interleaved>} : vector<32xbf16> -> vector<16xf32>
        %parallel_loop3A_925 = tpu.unpack_subelements %parallel_loop3A_923, 1 {pack_format = #tpu.pack_format<interleaved>} : vector<32xbf16> -> vector<16xf32>
        %parallel_loop3A_926 = arith.addf %parallel_loop3A_924, %parallel_loop3A_925 : vector<16xf32>
        %parallel_loop3A_927 = arith.addf %parallel_loop3A_922, %parallel_loop3A_926 : vector<16xf32>
        %parallel_loop3A_928 = arith.constant true
        %parallel_loop3A_929 = vector.broadcast %parallel_loop3A_928 : i1 to vector<16xi1>
        %parallel_loop3A_930 = tpu.scan <sum>, %parallel_loop3A_927 masked %parallel_loop3A_929 : vector<16xf32>, vector<16xi1> -> vector<16xf32>
        %parallel_loop3A_931 = vector.extract %parallel_loop3A_930[15] : f32 from vector<16xf32>
        %parallel_loop3A_932 = arith.constant 14 : i32
        %parallel_loop3A_933 = vector.broadcast %parallel_loop3A_932 : i32 to vector<16xi32>
        %parallel_loop3A_934 = arith.cmpi eq, %iota3A, %parallel_loop3A_933 : vector<16xi32>
        %parallel_loop3A_935 = vector.broadcast %parallel_loop3A_931 : f32 to vector<16xf32>
        %parallel_loop3A_936 = arith.select %parallel_loop3A_934, %parallel_loop3A_935, %parallel_loop3A_880 : vector<16xi1>, vector<16xf32>
        %parallel_loop3A_937 = arith.constant 15 : i32
        %parallel_loop3A_938 = arith.addi %parallel_loop3A_94, %parallel_loop3A_937 : i32
        %parallel_loop3A_939 = arith.index_cast %parallel_loop3A_938 : i32 to index
        %parallel_loop3A_940 = arith.constant 0 : index
        %parallel_loop3A_941 = tpu.vector_load %arg9[%parallel_loop3A_939, %parallel_loop3A_940] {strides = array<i32>} : memref<80x64xi32, #tpu.memory_space<vmem>>, vector<16xi32>,
        %parallel_loop3A_942 = vector.bitcast %parallel_loop3A_941 : vector<16xi32> to vector<32xbf16>
        %parallel_loop3A_943 = arith.index_cast %parallel_loop3A_938 : i32 to index
        %parallel_loop3A_944 = arith.constant 0 : index
        %parallel_loop3A_945 = tpu.vector_load %arg10[%parallel_loop3A_943, %parallel_loop3A_944] {strides = array<i32>} : memref<80x64xi32, #tpu.memory_space<vmem>>, vector<16xi32>,
        %parallel_loop3A_946 = vector.bitcast %parallel_loop3A_945 : vector<16xi32> to vector<32xbf16>
        %parallel_loop3A_947 = arith.mulf %parallel_loop3A_942, %parallel_loop3A_946 : vector<32xbf16>
        %parallel_loop3A_948 = arith.index_cast %parallel_loop3A_938 : i32 to index
        %parallel_loop3A_949 = arith.constant 16 : index
        %parallel_loop3A_950 = tpu.vector_load %arg9[%parallel_loop3A_948, %parallel_loop3A_949] {strides = array<i32>} : memref<80x64xi32, #tpu.memory_space<vmem>>, vector<16xi32>,
        %parallel_loop3A_951 = vector.bitcast %parallel_loop3A_950 : vector<16xi32> to vector<32xbf16>
        %parallel_loop3A_952 = arith.index_cast %parallel_loop3A_938 : i32 to index
        %parallel_loop3A_953 = arith.constant 16 : index
        %parallel_loop3A_954 = tpu.vector_load %arg10[%parallel_loop3A_952, %parallel_loop3A_953] {strides = array<i32>} : memref<80x64xi32, #tpu.memory_space<vmem>>, vector<16xi32>,
        %parallel_loop3A_955 = vector.bitcast %parallel_loop3A_954 : vector<16xi32> to vector<32xbf16>
        %parallel_loop3A_956 = arith.mulf %parallel_loop3A_951, %parallel_loop3A_955 : vector<32xbf16>
        %parallel_loop3A_957 = arith.index_cast %parallel_loop3A_938 : i32 to index
        %parallel_loop3A_958 = arith.constant 32 : index
        %parallel_loop3A_959 = tpu.vector_load %arg9[%parallel_loop3A_957, %parallel_loop3A_958] {strides = array<i32>} : memref<80x64xi32, #tpu.memory_space<vmem>>, vector<16xi32>,
        %parallel_loop3A_960 = vector.bitcast %parallel_loop3A_959 : vector<16xi32> to vector<32xbf16>
        %parallel_loop3A_961 = arith.index_cast %parallel_loop3A_938 : i32 to index
        %parallel_loop3A_962 = arith.constant 32 : index
        %parallel_loop3A_963 = tpu.vector_load %arg10[%parallel_loop3A_961, %parallel_loop3A_962] {strides = array<i32>} : memref<80x64xi32, #tpu.memory_space<vmem>>, vector<16xi32>,
        %parallel_loop3A_964 = vector.bitcast %parallel_loop3A_963 : vector<16xi32> to vector<32xbf16>
        %parallel_loop3A_965 = arith.mulf %parallel_loop3A_960, %parallel_loop3A_964 : vector<32xbf16>
        %parallel_loop3A_966 = arith.index_cast %parallel_loop3A_938 : i32 to index
        %parallel_loop3A_967 = arith.constant 48 : index
        %parallel_loop3A_968 = tpu.vector_load %arg9[%parallel_loop3A_966, %parallel_loop3A_967] {strides = array<i32>} : memref<80x64xi32, #tpu.memory_space<vmem>>, vector<16xi32>,
        %parallel_loop3A_969 = vector.bitcast %parallel_loop3A_968 : vector<16xi32> to vector<32xbf16>
        %parallel_loop3A_970 = arith.index_cast %parallel_loop3A_938 : i32 to index
        %parallel_loop3A_971 = arith.constant 48 : index
        %parallel_loop3A_972 = tpu.vector_load %arg10[%parallel_loop3A_970, %parallel_loop3A_971] {strides = array<i32>} : memref<80x64xi32, #tpu.memory_space<vmem>>, vector<16xi32>,
        %parallel_loop3A_973 = vector.bitcast %parallel_loop3A_972 : vector<16xi32> to vector<32xbf16>
        %parallel_loop3A_974 = arith.mulf %parallel_loop3A_969, %parallel_loop3A_973 : vector<32xbf16>
        %parallel_loop3A_975 = arith.addf %parallel_loop3A_947, %parallel_loop3A_956 : vector<32xbf16>
        %parallel_loop3A_976 = tpu.unpack_subelements %parallel_loop3A_975, 0 {pack_format = #tpu.pack_format<interleaved>} : vector<32xbf16> -> vector<16xf32>
        %parallel_loop3A_977 = tpu.unpack_subelements %parallel_loop3A_975, 1 {pack_format = #tpu.pack_format<interleaved>} : vector<32xbf16> -> vector<16xf32>
        %parallel_loop3A_978 = arith.addf %parallel_loop3A_976, %parallel_loop3A_977 : vector<16xf32>
        %parallel_loop3A_979 = arith.addf %parallel_loop3A_965, %parallel_loop3A_974 : vector<32xbf16>
        %parallel_loop3A_980 = tpu.unpack_subelements %parallel_loop3A_979, 0 {pack_format = #tpu.pack_format<interleaved>} : vector<32xbf16> -> vector<16xf32>
        %parallel_loop3A_981 = tpu.unpack_subelements %parallel_loop3A_979, 1 {pack_format = #tpu.pack_format<interleaved>} : vector<32xbf16> -> vector<16xf32>
        %parallel_loop3A_982 = arith.addf %parallel_loop3A_980, %parallel_loop3A_981 : vector<16xf32>
        %parallel_loop3A_983 = arith.addf %parallel_loop3A_978, %parallel_loop3A_982 : vector<16xf32>
        %parallel_loop3A_984 = arith.constant true
        %parallel_loop3A_985 = vector.broadcast %parallel_loop3A_984 : i1 to vector<16xi1>
        %parallel_loop3A_986 = tpu.scan <sum>, %parallel_loop3A_983 masked %parallel_loop3A_985 : vector<16xf32>, vector<16xi1> -> vector<16xf32>
        %parallel_loop3A_987 = vector.extract %parallel_loop3A_986[15] : f32 from vector<16xf32>
        %parallel_loop3A_988 = arith.constant 15 : i32
        %parallel_loop3A_989 = vector.broadcast %parallel_loop3A_988 : i32 to vector<16xi32>
        %parallel_loop3A_990 = arith.cmpi eq, %iota3A, %parallel_loop3A_989 : vector<16xi32>
        %parallel_loop3A_991 = vector.broadcast %parallel_loop3A_987 : f32 to vector<16xf32>
        %parallel_loop3A_992 = arith.select %parallel_loop3A_990, %parallel_loop3A_991, %parallel_loop3A_936 : vector<16xi1>, vector<16xf32>
        %parallel_loop3A_993 = arith.addi %mul3A_56, %parallel_loop3A_94 : i32
        %parallel_loop3A_994 = arith.index_cast %parallel_loop3A_993 : i32 to index
        %parallel_loop3A_995 = tpu.vector_load %arg13[%parallel_loop3A_994] {strides = array<i32>} : memref<10000xf32, #tpu.memory_space<vmem>>, vector<16xf32>,
        tpu.vector_store %arg13[%parallel_loop3A_994], %parallel_loop3A_992 {strides = array<i32>} : memref<10000xf32, #tpu.memory_space<vmem>>, vector<16xf32>,
      } {sc.loop_unroll_factor = 2 : i64, sc.parallel_access}
      %add3A_60 = arith.constant 2 : i32
      %add3A_61 = arith.addi %mul3A_32, %add3A_60 : i32
      %mul3A_62 = arith.constant 80 : i32
      %mul3A_63 = arith.muli %add3A_61, %mul3A_62 : i32
      %dma_start3A_64 = tpu.memref_slice %arg7[%mul3A_63] : memref<10000xi32, #tpu.memory_space<vmem>> -> memref<80xi32, #tpu.memory_space<vmem>>
      %dma_start3A_65 = arith.constant 0 : i32
      %dma_start3A_66 = arith.constant 0 : i32
      %dma_start3A_67 = tpu.memref_slice %arg4[%dma_start3A_65, %dma_start3A_66] : memref<10000x64xi32, #tpu.memory_space<hbm>> -> memref<10000x64xi32, #tpu.memory_space<hbm>>
      tpu.enqueue_indirect_dma source(%dma_start3A_67 : memref<10000x64xi32, #tpu.memory_space<hbm>>) target(%arg9 : memref<80x64xi32, #tpu.memory_space<vmem>>) offsets(%dma_start3A_64 : memref<80xi32, #tpu.memory_space<vmem>>) semaphore(%arg14 : memref<!tpu.dma_semaphore, #tpu.memory_space<semaphore_mem>>)
      %dma_start3A_68 = tpu.memref_slice %arg8[%mul3A_63] : memref<10000xi32, #tpu.memory_space<vmem>> -> memref<80xi32, #tpu.memory_space<vmem>>
      %dma_start3A_69 = arith.constant 0 : i32
      %dma_start3A_70 = arith.constant 0 : i32
      %dma_start3A_71 = tpu.memref_slice %arg5[%dma_start3A_69, %dma_start3A_70] : memref<10000x64xi32, #tpu.memory_space<hbm>> -> memref<10000x64xi32, #tpu.memory_space<hbm>>
      tpu.enqueue_indirect_dma source(%dma_start3A_71 : memref<10000x64xi32, #tpu.memory_space<hbm>>) target(%arg10 : memref<80x64xi32, #tpu.memory_space<vmem>>) offsets(%dma_start3A_68 : memref<80xi32, #tpu.memory_space<vmem>>) semaphore(%arg15 : memref<!tpu.dma_semaphore, #tpu.memory_space<semaphore_mem>>)
      %add3A_72 = arith.constant 1 : i32
      %add3A_73 = arith.addi %mul3A_32, %add3A_72 : i32
      %mul3A_74 = arith.constant 80 : i32
      %mul3A_75 = arith.muli %add3A_73, %mul3A_74 : i32
      %dma_wait3A_76 = tpu.memref_slice %arg7[%mul3A_75] : memref<10000xi32, #tpu.memory_space<vmem>> -> memref<80xi32, #tpu.memory_space<vmem>>
      %dma_wait3A_77 = arith.constant 0 : i32
      %dma_wait3A_78 = arith.constant 0 : i32
      %dma_wait3A_79 = tpu.memref_slice %arg4[%dma_wait3A_77, %dma_wait3A_78] : memref<10000x64xi32, #tpu.memory_space<hbm>> -> memref<10000x64xi32, #tpu.memory_space<hbm>>
      tpu.wait_indirect_dma semaphore(%arg16 : memref<!tpu.dma_semaphore, #tpu.memory_space<semaphore_mem>>) src(%dma_wait3A_79 : memref<10000x64xi32, #tpu.memory_space<hbm>>) dst(%arg11 : memref<80x64xi32, #tpu.memory_space<vmem>>)
      %dma_wait3A_80 = tpu.memref_slice %arg8[%mul3A_75] : memref<10000xi32, #tpu.memory_space<vmem>> -> memref<80xi32, #tpu.memory_space<vmem>>
      %dma_wait3A_81 = arith.constant 0 : i32
      %dma_wait3A_82 = arith.constant 0 : i32
      %dma_wait3A_83 = tpu.memref_slice %arg5[%dma_wait3A_81, %dma_wait3A_82] : memref<10000x64xi32, #tpu.memory_space<hbm>> -> memref<10000x64xi32, #tpu.memory_space<hbm>>
      tpu.wait_indirect_dma semaphore(%arg17 : memref<!tpu.dma_semaphore, #tpu.memory_space<semaphore_mem>>) src(%dma_wait3A_83 : memref<10000x64xi32, #tpu.memory_space<hbm>>) dst(%arg12 : memref<80x64xi32, #tpu.memory_space<vmem>>)
      %add3A_84 = arith.constant 1 : i32
      %add3A_85 = arith.addi %mul3A_32, %add3A_84 : i32
      %mul3A_86 = arith.constant 80 : i32
      %mul3A_87 = arith.muli %add3A_85, %mul3A_86 : i32
      %parallel_loop3A_88 = arith.constant 0 : i32
      %parallel_loop3A_89 = arith.constant 5 : i32
      %parallel_loop3A_90 = arith.constant 1 : i32
      scf.for %parallel_loop3A_92 = %parallel_loop3A_88 to %parallel_loop3A_89 step %parallel_loop3A_90  : i32 {
        %parallel_loop3A_93 = arith.constant 16 : i32
        %parallel_loop3A_94 = arith.muli %parallel_loop3A_92, %parallel_loop3A_93 : i32
        %parallel_loop3A_95 = arith.constant 0.000000e+00 : f32
        %parallel_loop3A_96 = vector.broadcast %parallel_loop3A_95 : f32 to vector<16xf32>
        %parallel_loop3A_97 = arith.constant 0 : i32
        %parallel_loop3A_98 = arith.addi %parallel_loop3A_94, %parallel_loop3A_97 : i32
        %parallel_loop3A_99 = arith.index_cast %parallel_loop3A_98 : i32 to index
        %parallel_loop3A_100 = arith.constant 0 : index
        %parallel_loop3A_101 = tpu.vector_load %arg11[%parallel_loop3A_99, %parallel_loop3A_100] {strides = array<i32>} : memref<80x64xi32, #tpu.memory_space<vmem>>, vector<16xi32>,
        %parallel_loop3A_102 = vector.bitcast %parallel_loop3A_101 : vector<16xi32> to vector<32xbf16>
        %parallel_loop3A_103 = arith.index_cast %parallel_loop3A_98 : i32 to index
        %parallel_loop3A_104 = arith.constant 0 : index
        %parallel_loop3A_105 = tpu.vector_load %arg12[%parallel_loop3A_103, %parallel_loop3A_104] {strides = array<i32>} : memref<80x64xi32, #tpu.memory_space<vmem>>, vector<16xi32>,
        %parallel_loop3A_106 = vector.bitcast %parallel_loop3A_105 : vector<16xi32> to vector<32xbf16>
        %parallel_loop3A_107 = arith.mulf %parallel_loop3A_102, %parallel_loop3A_106 : vector<32xbf16>
        %parallel_loop3A_108 = arith.index_cast %parallel_loop3A_98 : i32 to index
        %parallel_loop3A_109 = arith.constant 16 : index
        %parallel_loop3A_110 = tpu.vector_load %arg11[%parallel_loop3A_108, %parallel_loop3A_109] {strides = array<i32>} : memref<80x64xi32, #tpu.memory_space<vmem>>, vector<16xi32>,
        %parallel_loop3A_111 = vector.bitcast %parallel_loop3A_110 : vector<16xi32> to vector<32xbf16>
        %parallel_loop3A_112 = arith.index_cast %parallel_loop3A_98 : i32 to index
        %parallel_loop3A_113 = arith.constant 16 : index
        %parallel_loop3A_114 = tpu.vector_load %arg12[%parallel_loop3A_112, %parallel_loop3A_113] {strides = array<i32>} : memref<80x64xi32, #tpu.memory_space<vmem>>, vector<16xi32>,
        %parallel_loop3A_115 = vector.bitcast %parallel_loop3A_114 : vector<16xi32> to vector<32xbf16>
        %parallel_loop3A_116 = arith.mulf %parallel_loop3A_111, %parallel_loop3A_115 : vector<32xbf16>
        %parallel_loop3A_117 = arith.index_cast %parallel_loop3A_98 : i32 to index
        %parallel_loop3A_118 = arith.constant 32 : index
        %parallel_loop3A_119 = tpu.vector_load %arg11[%parallel_loop3A_117, %parallel_loop3A_118] {strides = array<i32>} : memref<80x64xi32, #tpu.memory_space<vmem>>, vector<16xi32>,
        %parallel_loop3A_120 = vector.bitcast %parallel_loop3A_119 : vector<16xi32> to vector<32xbf16>
        %parallel_loop3A_121 = arith.index_cast %parallel_loop3A_98 : i32 to index
        %parallel_loop3A_122 = arith.constant 32 : index
        %parallel_loop3A_123 = tpu.vector_load %arg12[%parallel_loop3A_121, %parallel_loop3A_122] {strides = array<i32>} : memref<80x64xi32, #tpu.memory_space<vmem>>, vector<16xi32>,
        %parallel_loop3A_124 = vector.bitcast %parallel_loop3A_123 : vector<16xi32> to vector<32xbf16>
        %parallel_loop3A_125 = arith.mulf %parallel_loop3A_120, %parallel_loop3A_124 : vector<32xbf16>
        %parallel_loop3A_126 = arith.index_cast %parallel_loop3A_98 : i32 to index
        %parallel_loop3A_127 = arith.constant 48 : index
        %parallel_loop3A_128 = tpu.vector_load %arg11[%parallel_loop3A_126, %parallel_loop3A_127] {strides = array<i32>} : memref<80x64xi32, #tpu.memory_space<vmem>>, vector<16xi32>,
        %parallel_loop3A_129 = vector.bitcast %parallel_loop3A_128 : vector<16xi32> to vector<32xbf16>
        %parallel_loop3A_130 = arith.index_cast %parallel_loop3A_98 : i32 to index
        %parallel_loop3A_131 = arith.constant 48 : index
        %parallel_loop3A_132 = tpu.vector_load %arg12[%parallel_loop3A_130, %parallel_loop3A_131] {strides = array<i32>} : memref<80x64xi32, #tpu.memory_space<vmem>>, vector<16xi32>,
        %parallel_loop3A_133 = vector.bitcast %parallel_loop3A_132 : vector<16xi32> to vector<32xbf16>
        %parallel_loop3A_134 = arith.mulf %parallel_loop3A_129, %parallel_loop3A_133 : vector<32xbf16>
        %parallel_loop3A_135 = arith.addf %parallel_loop3A_107, %parallel_loop3A_116 : vector<32xbf16>
        %parallel_loop3A_136 = tpu.unpack_subelements %parallel_loop3A_135, 0 {pack_format = #tpu.pack_format<interleaved>} : vector<32xbf16> -> vector<16xf32>
        %parallel_loop3A_137 = tpu.unpack_subelements %parallel_loop3A_135, 1 {pack_format = #tpu.pack_format<interleaved>} : vector<32xbf16> -> vector<16xf32>
        %parallel_loop3A_138 = arith.addf %parallel_loop3A_136, %parallel_loop3A_137 : vector<16xf32>
        %parallel_loop3A_139 = arith.addf %parallel_loop3A_125, %parallel_loop3A_134 : vector<32xbf16>
        %parallel_loop3A_140 = tpu.unpack_subelements %parallel_loop3A_139, 0 {pack_format = #tpu.pack_format<interleaved>} : vector<32xbf16> -> vector<16xf32>
        %parallel_loop3A_141 = tpu.unpack_subelements %parallel_loop3A_139, 1 {pack_format = #tpu.pack_format<interleaved>} : vector<32xbf16> -> vector<16xf32>
        %parallel_loop3A_142 = arith.addf %parallel_loop3A_140, %parallel_loop3A_141 : vector<16xf32>
        %parallel_loop3A_143 = arith.addf %parallel_loop3A_138, %parallel_loop3A_142 : vector<16xf32>
        %parallel_loop3A_144 = arith.constant true
        %parallel_loop3A_145 = vector.broadcast %parallel_loop3A_144 : i1 to vector<16xi1>
        %parallel_loop3A_146 = tpu.scan <sum>, %parallel_loop3A_143 masked %parallel_loop3A_145 : vector<16xf32>, vector<16xi1> -> vector<16xf32>
        %parallel_loop3A_147 = vector.extract %parallel_loop3A_146[15] : f32 from vector<16xf32>
        %parallel_loop3A_148 = arith.constant 0 : i32
        %parallel_loop3A_149 = vector.broadcast %parallel_loop3A_148 : i32 to vector<16xi32>
        %parallel_loop3A_150 = arith.cmpi eq, %iota3A, %parallel_loop3A_149 : vector<16xi32>
        %parallel_loop3A_151 = vector.broadcast %parallel_loop3A_147 : f32 to vector<16xf32>
        %parallel_loop3A_152 = arith.select %parallel_loop3A_150, %parallel_loop3A_151, %parallel_loop3A_96 : vector<16xi1>, vector<16xf32>
        %parallel_loop3A_153 = arith.constant 1 : i32
        %parallel_loop3A_154 = arith.addi %parallel_loop3A_94, %parallel_loop3A_153 : i32
        %parallel_loop3A_155 = arith.index_cast %parallel_loop3A_154 : i32 to index
        %parallel_loop3A_156 = arith.constant 0 : index
        %parallel_loop3A_157 = tpu.vector_load %arg11[%parallel_loop3A_155, %parallel_loop3A_156] {strides = array<i32>} : memref<80x64xi32, #tpu.memory_space<vmem>>, vector<16xi32>,
        %parallel_loop3A_158 = vector.bitcast %parallel_loop3A_157 : vector<16xi32> to vector<32xbf16>
        %parallel_loop3A_159 = arith.index_cast %parallel_loop3A_154 : i32 to index
        %parallel_loop3A_160 = arith.constant 0 : index
        %parallel_loop3A_161 = tpu.vector_load %arg12[%parallel_loop3A_159, %parallel_loop3A_160] {strides = array<i32>} : memref<80x64xi32, #tpu.memory_space<vmem>>, vector<16xi32>,
        %parallel_loop3A_162 = vector.bitcast %parallel_loop3A_161 : vector<16xi32> to vector<32xbf16>
        %parallel_loop3A_163 = arith.mulf %parallel_loop3A_158, %parallel_loop3A_162 : vector<32xbf16>
        %parallel_loop3A_164 = arith.index_cast %parallel_loop3A_154 : i32 to index
        %parallel_loop3A_165 = arith.constant 16 : index
        %parallel_loop3A_166 = tpu.vector_load %arg11[%parallel_loop3A_164, %parallel_loop3A_165] {strides = array<i32>} : memref<80x64xi32, #tpu.memory_space<vmem>>, vector<16xi32>,
        %parallel_loop3A_167 = vector.bitcast %parallel_loop3A_166 : vector<16xi32> to vector<32xbf16>
        %parallel_loop3A_168 = arith.index_cast %parallel_loop3A_154 : i32 to index
        %parallel_loop3A_169 = arith.constant 16 : index
        %parallel_loop3A_170 = tpu.vector_load %arg12[%parallel_loop3A_168, %parallel_loop3A_169] {strides = array<i32>} : memref<80x64xi32, #tpu.memory_space<vmem>>, vector<16xi32>,
        %parallel_loop3A_171 = vector.bitcast %parallel_loop3A_170 : vector<16xi32> to vector<32xbf16>
        %parallel_loop3A_172 = arith.mulf %parallel_loop3A_167, %parallel_loop3A_171 : vector<32xbf16>
        %parallel_loop3A_173 = arith.index_cast %parallel_loop3A_154 : i32 to index
        %parallel_loop3A_174 = arith.constant 32 : index
        %parallel_loop3A_175 = tpu.vector_load %arg11[%parallel_loop3A_173, %parallel_loop3A_174] {strides = array<i32>} : memref<80x64xi32, #tpu.memory_space<vmem>>, vector<16xi32>,
        %parallel_loop3A_176 = vector.bitcast %parallel_loop3A_175 : vector<16xi32> to vector<32xbf16>
        %parallel_loop3A_177 = arith.index_cast %parallel_loop3A_154 : i32 to index
        %parallel_loop3A_178 = arith.constant 32 : index
        %parallel_loop3A_179 = tpu.vector_load %arg12[%parallel_loop3A_177, %parallel_loop3A_178] {strides = array<i32>} : memref<80x64xi32, #tpu.memory_space<vmem>>, vector<16xi32>,
        %parallel_loop3A_180 = vector.bitcast %parallel_loop3A_179 : vector<16xi32> to vector<32xbf16>
        %parallel_loop3A_181 = arith.mulf %parallel_loop3A_176, %parallel_loop3A_180 : vector<32xbf16>
        %parallel_loop3A_182 = arith.index_cast %parallel_loop3A_154 : i32 to index
        %parallel_loop3A_183 = arith.constant 48 : index
        %parallel_loop3A_184 = tpu.vector_load %arg11[%parallel_loop3A_182, %parallel_loop3A_183] {strides = array<i32>} : memref<80x64xi32, #tpu.memory_space<vmem>>, vector<16xi32>,
        %parallel_loop3A_185 = vector.bitcast %parallel_loop3A_184 : vector<16xi32> to vector<32xbf16>
        %parallel_loop3A_186 = arith.index_cast %parallel_loop3A_154 : i32 to index
        %parallel_loop3A_187 = arith.constant 48 : index
        %parallel_loop3A_188 = tpu.vector_load %arg12[%parallel_loop3A_186, %parallel_loop3A_187] {strides = array<i32>} : memref<80x64xi32, #tpu.memory_space<vmem>>, vector<16xi32>,
        %parallel_loop3A_189 = vector.bitcast %parallel_loop3A_188 : vector<16xi32> to vector<32xbf16>
        %parallel_loop3A_190 = arith.mulf %parallel_loop3A_185, %parallel_loop3A_189 : vector<32xbf16>
        %parallel_loop3A_191 = arith.addf %parallel_loop3A_163, %parallel_loop3A_172 : vector<32xbf16>
        %parallel_loop3A_192 = tpu.unpack_subelements %parallel_loop3A_191, 0 {pack_format = #tpu.pack_format<interleaved>} : vector<32xbf16> -> vector<16xf32>
        %parallel_loop3A_193 = tpu.unpack_subelements %parallel_loop3A_191, 1 {pack_format = #tpu.pack_format<interleaved>} : vector<32xbf16> -> vector<16xf32>
        %parallel_loop3A_194 = arith.addf %parallel_loop3A_192, %parallel_loop3A_193 : vector<16xf32>
        %parallel_loop3A_195 = arith.addf %parallel_loop3A_181, %parallel_loop3A_190 : vector<32xbf16>
        %parallel_loop3A_196 = tpu.unpack_subelements %parallel_loop3A_195, 0 {pack_format = #tpu.pack_format<interleaved>} : vector<32xbf16> -> vector<16xf32>
        %parallel_loop3A_197 = tpu.unpack_subelements %parallel_loop3A_195, 1 {pack_format = #tpu.pack_format<interleaved>} : vector<32xbf16> -> vector<16xf32>
        %parallel_loop3A_198 = arith.addf %parallel_loop3A_196, %parallel_loop3A_197 : vector<16xf32>
        %parallel_loop3A_199 = arith.addf %parallel_loop3A_194, %parallel_loop3A_198 : vector<16xf32>
        %parallel_loop3A_200 = arith.constant true
        %parallel_loop3A_201 = vector.broadcast %parallel_loop3A_200 : i1 to vector<16xi1>
        %parallel_loop3A_202 = tpu.scan <sum>, %parallel_loop3A_199 masked %parallel_loop3A_201 : vector<16xf32>, vector<16xi1> -> vector<16xf32>
        %parallel_loop3A_203 = vector.extract %parallel_loop3A_202[15] : f32 from vector<16xf32>
        %parallel_loop3A_204 = arith.constant 1 : i32
        %parallel_loop3A_205 = vector.broadcast %parallel_loop3A_204 : i32 to vector<16xi32>
        %parallel_loop3A_206 = arith.cmpi eq, %iota3A, %parallel_loop3A_205 : vector<16xi32>
        %parallel_loop3A_207 = vector.broadcast %parallel_loop3A_203 : f32 to vector<16xf32>
        %parallel_loop3A_208 = arith.select %parallel_loop3A_206, %parallel_loop3A_207, %parallel_loop3A_152 : vector<16xi1>, vector<16xf32>
        %parallel_loop3A_209 = arith.constant 2 : i32
        %parallel_loop3A_210 = arith.addi %parallel_loop3A_94, %parallel_loop3A_209 : i32
        %parallel_loop3A_211 = arith.index_cast %parallel_loop3A_210 : i32 to index
        %parallel_loop3A_212 = arith.constant 0 : index
        %parallel_loop3A_213 = tpu.vector_load %arg11[%parallel_loop3A_211, %parallel_loop3A_212] {strides = array<i32>} : memref<80x64xi32, #tpu.memory_space<vmem>>, vector<16xi32>,
        %parallel_loop3A_214 = vector.bitcast %parallel_loop3A_213 : vector<16xi32> to vector<32xbf16>
        %parallel_loop3A_215 = arith.index_cast %parallel_loop3A_210 : i32 to index
        %parallel_loop3A_216 = arith.constant 0 : index
        %parallel_loop3A_217 = tpu.vector_load %arg12[%parallel_loop3A_215, %parallel_loop3A_216] {strides = array<i32>} : memref<80x64xi32, #tpu.memory_space<vmem>>, vector<16xi32>,
        %parallel_loop3A_218 = vector.bitcast %parallel_loop3A_217 : vector<16xi32> to vector<32xbf16>
        %parallel_loop3A_219 = arith.mulf %parallel_loop3A_214, %parallel_loop3A_218 : vector<32xbf16>
        %parallel_loop3A_220 = arith.index_cast %parallel_loop3A_210 : i32 to index
        %parallel_loop3A_221 = arith.constant 16 : index
        %parallel_loop3A_222 = tpu.vector_load %arg11[%parallel_loop3A_220, %parallel_loop3A_221] {strides = array<i32>} : memref<80x64xi32, #tpu.memory_space<vmem>>, vector<16xi32>,
        %parallel_loop3A_223 = vector.bitcast %parallel_loop3A_222 : vector<16xi32> to vector<32xbf16>
        %parallel_loop3A_224 = arith.index_cast %parallel_loop3A_210 : i32 to index
        %parallel_loop3A_225 = arith.constant 16 : index
        %parallel_loop3A_226 = tpu.vector_load %arg12[%parallel_loop3A_224, %parallel_loop3A_225] {strides = array<i32>} : memref<80x64xi32, #tpu.memory_space<vmem>>, vector<16xi32>,
        %parallel_loop3A_227 = vector.bitcast %parallel_loop3A_226 : vector<16xi32> to vector<32xbf16>
        %parallel_loop3A_228 = arith.mulf %parallel_loop3A_223, %parallel_loop3A_227 : vector<32xbf16>
        %parallel_loop3A_229 = arith.index_cast %parallel_loop3A_210 : i32 to index
        %parallel_loop3A_230 = arith.constant 32 : index
        %parallel_loop3A_231 = tpu.vector_load %arg11[%parallel_loop3A_229, %parallel_loop3A_230] {strides = array<i32>} : memref<80x64xi32, #tpu.memory_space<vmem>>, vector<16xi32>,
        %parallel_loop3A_232 = vector.bitcast %parallel_loop3A_231 : vector<16xi32> to vector<32xbf16>
        %parallel_loop3A_233 = arith.index_cast %parallel_loop3A_210 : i32 to index
        %parallel_loop3A_234 = arith.constant 32 : index
        %parallel_loop3A_235 = tpu.vector_load %arg12[%parallel_loop3A_233, %parallel_loop3A_234] {strides = array<i32>} : memref<80x64xi32, #tpu.memory_space<vmem>>, vector<16xi32>,
        %parallel_loop3A_236 = vector.bitcast %parallel_loop3A_235 : vector<16xi32> to vector<32xbf16>
        %parallel_loop3A_237 = arith.mulf %parallel_loop3A_232, %parallel_loop3A_236 : vector<32xbf16>
        %parallel_loop3A_238 = arith.index_cast %parallel_loop3A_210 : i32 to index
        %parallel_loop3A_239 = arith.constant 48 : index
        %parallel_loop3A_240 = tpu.vector_load %arg11[%parallel_loop3A_238, %parallel_loop3A_239] {strides = array<i32>} : memref<80x64xi32, #tpu.memory_space<vmem>>, vector<16xi32>,
        %parallel_loop3A_241 = vector.bitcast %parallel_loop3A_240 : vector<16xi32> to vector<32xbf16>
        %parallel_loop3A_242 = arith.index_cast %parallel_loop3A_210 : i32 to index
        %parallel_loop3A_243 = arith.constant 48 : index
        %parallel_loop3A_244 = tpu.vector_load %arg12[%parallel_loop3A_242, %parallel_loop3A_243] {strides = array<i32>} : memref<80x64xi32, #tpu.memory_space<vmem>>, vector<16xi32>,
        %parallel_loop3A_245 = vector.bitcast %parallel_loop3A_244 : vector<16xi32> to vector<32xbf16>
        %parallel_loop3A_246 = arith.mulf %parallel_loop3A_241, %parallel_loop3A_245 : vector<32xbf16>
        %parallel_loop3A_247 = arith.addf %parallel_loop3A_219, %parallel_loop3A_228 : vector<32xbf16>
        %parallel_loop3A_248 = tpu.unpack_subelements %parallel_loop3A_247, 0 {pack_format = #tpu.pack_format<interleaved>} : vector<32xbf16> -> vector<16xf32>
        %parallel_loop3A_249 = tpu.unpack_subelements %parallel_loop3A_247, 1 {pack_format = #tpu.pack_format<interleaved>} : vector<32xbf16> -> vector<16xf32>
        %parallel_loop3A_250 = arith.addf %parallel_loop3A_248, %parallel_loop3A_249 : vector<16xf32>
        %parallel_loop3A_251 = arith.addf %parallel_loop3A_237, %parallel_loop3A_246 : vector<32xbf16>
        %parallel_loop3A_252 = tpu.unpack_subelements %parallel_loop3A_251, 0 {pack_format = #tpu.pack_format<interleaved>} : vector<32xbf16> -> vector<16xf32>
        %parallel_loop3A_253 = tpu.unpack_subelements %parallel_loop3A_251, 1 {pack_format = #tpu.pack_format<interleaved>} : vector<32xbf16> -> vector<16xf32>
        %parallel_loop3A_254 = arith.addf %parallel_loop3A_252, %parallel_loop3A_253 : vector<16xf32>
        %parallel_loop3A_255 = arith.addf %parallel_loop3A_250, %parallel_loop3A_254 : vector<16xf32>
        %parallel_loop3A_256 = arith.constant true
        %parallel_loop3A_257 = vector.broadcast %parallel_loop3A_256 : i1 to vector<16xi1>
        %parallel_loop3A_258 = tpu.scan <sum>, %parallel_loop3A_255 masked %parallel_loop3A_257 : vector<16xf32>, vector<16xi1> -> vector<16xf32>
        %parallel_loop3A_259 = vector.extract %parallel_loop3A_258[15] : f32 from vector<16xf32>
        %parallel_loop3A_260 = arith.constant 2 : i32
        %parallel_loop3A_261 = vector.broadcast %parallel_loop3A_260 : i32 to vector<16xi32>
        %parallel_loop3A_262 = arith.cmpi eq, %iota3A, %parallel_loop3A_261 : vector<16xi32>
        %parallel_loop3A_263 = vector.broadcast %parallel_loop3A_259 : f32 to vector<16xf32>
        %parallel_loop3A_264 = arith.select %parallel_loop3A_262, %parallel_loop3A_263, %parallel_loop3A_208 : vector<16xi1>, vector<16xf32>
        %parallel_loop3A_265 = arith.constant 3 : i32
        %parallel_loop3A_266 = arith.addi %parallel_loop3A_94, %parallel_loop3A_265 : i32
        %parallel_loop3A_267 = arith.index_cast %parallel_loop3A_266 : i32 to index
        %parallel_loop3A_268 = arith.constant 0 : index
        %parallel_loop3A_269 = tpu.vector_load %arg11[%parallel_loop3A_267, %parallel_loop3A_268] {strides = array<i32>} : memref<80x64xi32, #tpu.memory_space<vmem>>, vector<16xi32>,
        %parallel_loop3A_270 = vector.bitcast %parallel_loop3A_269 : vector<16xi32> to vector<32xbf16>
        %parallel_loop3A_271 = arith.index_cast %parallel_loop3A_266 : i32 to index
        %parallel_loop3A_272 = arith.constant 0 : index
        %parallel_loop3A_273 = tpu.vector_load %arg12[%parallel_loop3A_271, %parallel_loop3A_272] {strides = array<i32>} : memref<80x64xi32, #tpu.memory_space<vmem>>, vector<16xi32>,
        %parallel_loop3A_274 = vector.bitcast %parallel_loop3A_273 : vector<16xi32> to vector<32xbf16>
        %parallel_loop3A_275 = arith.mulf %parallel_loop3A_270, %parallel_loop3A_274 : vector<32xbf16>
        %parallel_loop3A_276 = arith.index_cast %parallel_loop3A_266 : i32 to index
        %parallel_loop3A_277 = arith.constant 16 : index
        %parallel_loop3A_278 = tpu.vector_load %arg11[%parallel_loop3A_276, %parallel_loop3A_277] {strides = array<i32>} : memref<80x64xi32, #tpu.memory_space<vmem>>, vector<16xi32>,
        %parallel_loop3A_279 = vector.bitcast %parallel_loop3A_278 : vector<16xi32> to vector<32xbf16>
        %parallel_loop3A_280 = arith.index_cast %parallel_loop3A_266 : i32 to index
        %parallel_loop3A_281 = arith.constant 16 : index
        %parallel_loop3A_282 = tpu.vector_load %arg12[%parallel_loop3A_280, %parallel_loop3A_281] {strides = array<i32>} : memref<80x64xi32, #tpu.memory_space<vmem>>, vector<16xi32>,
        %parallel_loop3A_283 = vector.bitcast %parallel_loop3A_282 : vector<16xi32> to vector<32xbf16>
        %parallel_loop3A_284 = arith.mulf %parallel_loop3A_279, %parallel_loop3A_283 : vector<32xbf16>
        %parallel_loop3A_285 = arith.index_cast %parallel_loop3A_266 : i32 to index
        %parallel_loop3A_286 = arith.constant 32 : index
        %parallel_loop3A_287 = tpu.vector_load %arg11[%parallel_loop3A_285, %parallel_loop3A_286] {strides = array<i32>} : memref<80x64xi32, #tpu.memory_space<vmem>>, vector<16xi32>,
        %parallel_loop3A_288 = vector.bitcast %parallel_loop3A_287 : vector<16xi32> to vector<32xbf16>
        %parallel_loop3A_289 = arith.index_cast %parallel_loop3A_266 : i32 to index
        %parallel_loop3A_290 = arith.constant 32 : index
        %parallel_loop3A_291 = tpu.vector_load %arg12[%parallel_loop3A_289, %parallel_loop3A_290] {strides = array<i32>} : memref<80x64xi32, #tpu.memory_space<vmem>>, vector<16xi32>,
        %parallel_loop3A_292 = vector.bitcast %parallel_loop3A_291 : vector<16xi32> to vector<32xbf16>
        %parallel_loop3A_293 = arith.mulf %parallel_loop3A_288, %parallel_loop3A_292 : vector<32xbf16>
        %parallel_loop3A_294 = arith.index_cast %parallel_loop3A_266 : i32 to index
        %parallel_loop3A_295 = arith.constant 48 : index
        %parallel_loop3A_296 = tpu.vector_load %arg11[%parallel_loop3A_294, %parallel_loop3A_295] {strides = array<i32>} : memref<80x64xi32, #tpu.memory_space<vmem>>, vector<16xi32>,
        %parallel_loop3A_297 = vector.bitcast %parallel_loop3A_296 : vector<16xi32> to vector<32xbf16>
        %parallel_loop3A_298 = arith.index_cast %parallel_loop3A_266 : i32 to index
        %parallel_loop3A_299 = arith.constant 48 : index
        %parallel_loop3A_300 = tpu.vector_load %arg12[%parallel_loop3A_298, %parallel_loop3A_299] {strides = array<i32>} : memref<80x64xi32, #tpu.memory_space<vmem>>, vector<16xi32>,
        %parallel_loop3A_301 = vector.bitcast %parallel_loop3A_300 : vector<16xi32> to vector<32xbf16>
        %parallel_loop3A_302 = arith.mulf %parallel_loop3A_297, %parallel_loop3A_301 : vector<32xbf16>
        %parallel_loop3A_303 = arith.addf %parallel_loop3A_275, %parallel_loop3A_284 : vector<32xbf16>
        %parallel_loop3A_304 = tpu.unpack_subelements %parallel_loop3A_303, 0 {pack_format = #tpu.pack_format<interleaved>} : vector<32xbf16> -> vector<16xf32>
        %parallel_loop3A_305 = tpu.unpack_subelements %parallel_loop3A_303, 1 {pack_format = #tpu.pack_format<interleaved>} : vector<32xbf16> -> vector<16xf32>
        %parallel_loop3A_306 = arith.addf %parallel_loop3A_304, %parallel_loop3A_305 : vector<16xf32>
        %parallel_loop3A_307 = arith.addf %parallel_loop3A_293, %parallel_loop3A_302 : vector<32xbf16>
        %parallel_loop3A_308 = tpu.unpack_subelements %parallel_loop3A_307, 0 {pack_format = #tpu.pack_format<interleaved>} : vector<32xbf16> -> vector<16xf32>
        %parallel_loop3A_309 = tpu.unpack_subelements %parallel_loop3A_307, 1 {pack_format = #tpu.pack_format<interleaved>} : vector<32xbf16> -> vector<16xf32>
        %parallel_loop3A_310 = arith.addf %parallel_loop3A_308, %parallel_loop3A_309 : vector<16xf32>
        %parallel_loop3A_311 = arith.addf %parallel_loop3A_306, %parallel_loop3A_310 : vector<16xf32>
        %parallel_loop3A_312 = arith.constant true
        %parallel_loop3A_313 = vector.broadcast %parallel_loop3A_312 : i1 to vector<16xi1>
        %parallel_loop3A_314 = tpu.scan <sum>, %parallel_loop3A_311 masked %parallel_loop3A_313 : vector<16xf32>, vector<16xi1> -> vector<16xf32>
        %parallel_loop3A_315 = vector.extract %parallel_loop3A_314[15] : f32 from vector<16xf32>
        %parallel_loop3A_316 = arith.constant 3 : i32
        %parallel_loop3A_317 = vector.broadcast %parallel_loop3A_316 : i32 to vector<16xi32>
        %parallel_loop3A_318 = arith.cmpi eq, %iota3A, %parallel_loop3A_317 : vector<16xi32>
        %parallel_loop3A_319 = vector.broadcast %parallel_loop3A_315 : f32 to vector<16xf32>
        %parallel_loop3A_320 = arith.select %parallel_loop3A_318, %parallel_loop3A_319, %parallel_loop3A_264 : vector<16xi1>, vector<16xf32>
        %parallel_loop3A_321 = arith.constant 4 : i32
        %parallel_loop3A_322 = arith.addi %parallel_loop3A_94, %parallel_loop3A_321 : i32
        %parallel_loop3A_323 = arith.index_cast %parallel_loop3A_322 : i32 to index
        %parallel_loop3A_324 = arith.constant 0 : index
        %parallel_loop3A_325 = tpu.vector_load %arg11[%parallel_loop3A_323, %parallel_loop3A_324] {strides = array<i32>} : memref<80x64xi32, #tpu.memory_space<vmem>>, vector<16xi32>,
        %parallel_loop3A_326 = vector.bitcast %parallel_loop3A_325 : vector<16xi32> to vector<32xbf16>
        %parallel_loop3A_327 = arith.index_cast %parallel_loop3A_322 : i32 to index
        %parallel_loop3A_328 = arith.constant 0 : index
        %parallel_loop3A_329 = tpu.vector_load %arg12[%parallel_loop3A_327, %parallel_loop3A_328] {strides = array<i32>} : memref<80x64xi32, #tpu.memory_space<vmem>>, vector<16xi32>,
        %parallel_loop3A_330 = vector.bitcast %parallel_loop3A_329 : vector<16xi32> to vector<32xbf16>
        %parallel_loop3A_331 = arith.mulf %parallel_loop3A_326, %parallel_loop3A_330 : vector<32xbf16>
        %parallel_loop3A_332 = arith.index_cast %parallel_loop3A_322 : i32 to index
        %parallel_loop3A_333 = arith.constant 16 : index
        %parallel_loop3A_334 = tpu.vector_load %arg11[%parallel_loop3A_332, %parallel_loop3A_333] {strides = array<i32>} : memref<80x64xi32, #tpu.memory_space<vmem>>, vector<16xi32>,
        %parallel_loop3A_335 = vector.bitcast %parallel_loop3A_334 : vector<16xi32> to vector<32xbf16>
        %parallel_loop3A_336 = arith.index_cast %parallel_loop3A_322 : i32 to index
        %parallel_loop3A_337 = arith.constant 16 : index
        %parallel_loop3A_338 = tpu.vector_load %arg12[%parallel_loop3A_336, %parallel_loop3A_337] {strides = array<i32>} : memref<80x64xi32, #tpu.memory_space<vmem>>, vector<16xi32>,
        %parallel_loop3A_339 = vector.bitcast %parallel_loop3A_338 : vector<16xi32> to vector<32xbf16>
        %parallel_loop3A_340 = arith.mulf %parallel_loop3A_335, %parallel_loop3A_339 : vector<32xbf16>
        %parallel_loop3A_341 = arith.index_cast %parallel_loop3A_322 : i32 to index
        %parallel_loop3A_342 = arith.constant 32 : index
        %parallel_loop3A_343 = tpu.vector_load %arg11[%parallel_loop3A_341, %parallel_loop3A_342] {strides = array<i32>} : memref<80x64xi32, #tpu.memory_space<vmem>>, vector<16xi32>,
        %parallel_loop3A_344 = vector.bitcast %parallel_loop3A_343 : vector<16xi32> to vector<32xbf16>
        %parallel_loop3A_345 = arith.index_cast %parallel_loop3A_322 : i32 to index
        %parallel_loop3A_346 = arith.constant 32 : index
        %parallel_loop3A_347 = tpu.vector_load %arg12[%parallel_loop3A_345, %parallel_loop3A_346] {strides = array<i32>} : memref<80x64xi32, #tpu.memory_space<vmem>>, vector<16xi32>,
        %parallel_loop3A_348 = vector.bitcast %parallel_loop3A_347 : vector<16xi32> to vector<32xbf16>
        %parallel_loop3A_349 = arith.mulf %parallel_loop3A_344, %parallel_loop3A_348 : vector<32xbf16>
        %parallel_loop3A_350 = arith.index_cast %parallel_loop3A_322 : i32 to index
        %parallel_loop3A_351 = arith.constant 48 : index
        %parallel_loop3A_352 = tpu.vector_load %arg11[%parallel_loop3A_350, %parallel_loop3A_351] {strides = array<i32>} : memref<80x64xi32, #tpu.memory_space<vmem>>, vector<16xi32>,
        %parallel_loop3A_353 = vector.bitcast %parallel_loop3A_352 : vector<16xi32> to vector<32xbf16>
        %parallel_loop3A_354 = arith.index_cast %parallel_loop3A_322 : i32 to index
        %parallel_loop3A_355 = arith.constant 48 : index
        %parallel_loop3A_356 = tpu.vector_load %arg12[%parallel_loop3A_354, %parallel_loop3A_355] {strides = array<i32>} : memref<80x64xi32, #tpu.memory_space<vmem>>, vector<16xi32>,
        %parallel_loop3A_357 = vector.bitcast %parallel_loop3A_356 : vector<16xi32> to vector<32xbf16>
        %parallel_loop3A_358 = arith.mulf %parallel_loop3A_353, %parallel_loop3A_357 : vector<32xbf16>
        %parallel_loop3A_359 = arith.addf %parallel_loop3A_331, %parallel_loop3A_340 : vector<32xbf16>
        %parallel_loop3A_360 = tpu.unpack_subelements %parallel_loop3A_359, 0 {pack_format = #tpu.pack_format<interleaved>} : vector<32xbf16> -> vector<16xf32>
        %parallel_loop3A_361 = tpu.unpack_subelements %parallel_loop3A_359, 1 {pack_format = #tpu.pack_format<interleaved>} : vector<32xbf16> -> vector<16xf32>
        %parallel_loop3A_362 = arith.addf %parallel_loop3A_360, %parallel_loop3A_361 : vector<16xf32>
        %parallel_loop3A_363 = arith.addf %parallel_loop3A_349, %parallel_loop3A_358 : vector<32xbf16>
        %parallel_loop3A_364 = tpu.unpack_subelements %parallel_loop3A_363, 0 {pack_format = #tpu.pack_format<interleaved>} : vector<32xbf16> -> vector<16xf32>
        %parallel_loop3A_365 = tpu.unpack_subelements %parallel_loop3A_363, 1 {pack_format = #tpu.pack_format<interleaved>} : vector<32xbf16> -> vector<16xf32>
        %parallel_loop3A_366 = arith.addf %parallel_loop3A_364, %parallel_loop3A_365 : vector<16xf32>
        %parallel_loop3A_367 = arith.addf %parallel_loop3A_362, %parallel_loop3A_366 : vector<16xf32>
        %parallel_loop3A_368 = arith.constant true
        %parallel_loop3A_369 = vector.broadcast %parallel_loop3A_368 : i1 to vector<16xi1>
        %parallel_loop3A_370 = tpu.scan <sum>, %parallel_loop3A_367 masked %parallel_loop3A_369 : vector<16xf32>, vector<16xi1> -> vector<16xf32>
        %parallel_loop3A_371 = vector.extract %parallel_loop3A_370[15] : f32 from vector<16xf32>
        %parallel_loop3A_372 = arith.constant 4 : i32
        %parallel_loop3A_373 = vector.broadcast %parallel_loop3A_372 : i32 to vector<16xi32>
        %parallel_loop3A_374 = arith.cmpi eq, %iota3A, %parallel_loop3A_373 : vector<16xi32>
        %parallel_loop3A_375 = vector.broadcast %parallel_loop3A_371 : f32 to vector<16xf32>
        %parallel_loop3A_376 = arith.select %parallel_loop3A_374, %parallel_loop3A_375, %parallel_loop3A_320 : vector<16xi1>, vector<16xf32>
        %parallel_loop3A_377 = arith.constant 5 : i32
        %parallel_loop3A_378 = arith.addi %parallel_loop3A_94, %parallel_loop3A_377 : i32
        %parallel_loop3A_379 = arith.index_cast %parallel_loop3A_378 : i32 to index
        %parallel_loop3A_380 = arith.constant 0 : index
        %parallel_loop3A_381 = tpu.vector_load %arg11[%parallel_loop3A_379, %parallel_loop3A_380] {strides = array<i32>} : memref<80x64xi32, #tpu.memory_space<vmem>>, vector<16xi32>,
        %parallel_loop3A_382 = vector.bitcast %parallel_loop3A_381 : vector<16xi32> to vector<32xbf16>
        %parallel_loop3A_383 = arith.index_cast %parallel_loop3A_378 : i32 to index
        %parallel_loop3A_384 = arith.constant 0 : index
        %parallel_loop3A_385 = tpu.vector_load %arg12[%parallel_loop3A_383, %parallel_loop3A_384] {strides = array<i32>} : memref<80x64xi32, #tpu.memory_space<vmem>>, vector<16xi32>,
        %parallel_loop3A_386 = vector.bitcast %parallel_loop3A_385 : vector<16xi32> to vector<32xbf16>
        %parallel_loop3A_387 = arith.mulf %parallel_loop3A_382, %parallel_loop3A_386 : vector<32xbf16>
        %parallel_loop3A_388 = arith.index_cast %parallel_loop3A_378 : i32 to index
        %parallel_loop3A_389 = arith.constant 16 : index
        %parallel_loop3A_390 = tpu.vector_load %arg11[%parallel_loop3A_388, %parallel_loop3A_389] {strides = array<i32>} : memref<80x64xi32, #tpu.memory_space<vmem>>, vector<16xi32>,
        %parallel_loop3A_391 = vector.bitcast %parallel_loop3A_390 : vector<16xi32> to vector<32xbf16>
        %parallel_loop3A_392 = arith.index_cast %parallel_loop3A_378 : i32 to index
        %parallel_loop3A_393 = arith.constant 16 : index
        %parallel_loop3A_394 = tpu.vector_load %arg12[%parallel_loop3A_392, %parallel_loop3A_393] {strides = array<i32>} : memref<80x64xi32, #tpu.memory_space<vmem>>, vector<16xi32>,
        %parallel_loop3A_395 = vector.bitcast %parallel_loop3A_394 : vector<16xi32> to vector<32xbf16>
        %parallel_loop3A_396 = arith.mulf %parallel_loop3A_391, %parallel_loop3A_395 : vector<32xbf16>
        %parallel_loop3A_397 = arith.index_cast %parallel_loop3A_378 : i32 to index
        %parallel_loop3A_398 = arith.constant 32 : index
        %parallel_loop3A_399 = tpu.vector_load %arg11[%parallel_loop3A_397, %parallel_loop3A_398] {strides = array<i32>} : memref<80x64xi32, #tpu.memory_space<vmem>>, vector<16xi32>,
        %parallel_loop3A_400 = vector.bitcast %parallel_loop3A_399 : vector<16xi32> to vector<32xbf16>
        %parallel_loop3A_401 = arith.index_cast %parallel_loop3A_378 : i32 to index
        %parallel_loop3A_402 = arith.constant 32 : index
        %parallel_loop3A_403 = tpu.vector_load %arg12[%parallel_loop3A_401, %parallel_loop3A_402] {strides = array<i32>} : memref<80x64xi32, #tpu.memory_space<vmem>>, vector<16xi32>,
        %parallel_loop3A_404 = vector.bitcast %parallel_loop3A_403 : vector<16xi32> to vector<32xbf16>
        %parallel_loop3A_405 = arith.mulf %parallel_loop3A_400, %parallel_loop3A_404 : vector<32xbf16>
        %parallel_loop3A_406 = arith.index_cast %parallel_loop3A_378 : i32 to index
        %parallel_loop3A_407 = arith.constant 48 : index
        %parallel_loop3A_408 = tpu.vector_load %arg11[%parallel_loop3A_406, %parallel_loop3A_407] {strides = array<i32>} : memref<80x64xi32, #tpu.memory_space<vmem>>, vector<16xi32>,
        %parallel_loop3A_409 = vector.bitcast %parallel_loop3A_408 : vector<16xi32> to vector<32xbf16>
        %parallel_loop3A_410 = arith.index_cast %parallel_loop3A_378 : i32 to index
        %parallel_loop3A_411 = arith.constant 48 : index
        %parallel_loop3A_412 = tpu.vector_load %arg12[%parallel_loop3A_410, %parallel_loop3A_411] {strides = array<i32>} : memref<80x64xi32, #tpu.memory_space<vmem>>, vector<16xi32>,
        %parallel_loop3A_413 = vector.bitcast %parallel_loop3A_412 : vector<16xi32> to vector<32xbf16>
        %parallel_loop3A_414 = arith.mulf %parallel_loop3A_409, %parallel_loop3A_413 : vector<32xbf16>
        %parallel_loop3A_415 = arith.addf %parallel_loop3A_387, %parallel_loop3A_396 : vector<32xbf16>
        %parallel_loop3A_416 = tpu.unpack_subelements %parallel_loop3A_415, 0 {pack_format = #tpu.pack_format<interleaved>} : vector<32xbf16> -> vector<16xf32>
        %parallel_loop3A_417 = tpu.unpack_subelements %parallel_loop3A_415, 1 {pack_format = #tpu.pack_format<interleaved>} : vector<32xbf16> -> vector<16xf32>
        %parallel_loop3A_418 = arith.addf %parallel_loop3A_416, %parallel_loop3A_417 : vector<16xf32>
        %parallel_loop3A_419 = arith.addf %parallel_loop3A_405, %parallel_loop3A_414 : vector<32xbf16>
        %parallel_loop3A_420 = tpu.unpack_subelements %parallel_loop3A_419, 0 {pack_format = #tpu.pack_format<interleaved>} : vector<32xbf16> -> vector<16xf32>
        %parallel_loop3A_421 = tpu.unpack_subelements %parallel_loop3A_419, 1 {pack_format = #tpu.pack_format<interleaved>} : vector<32xbf16> -> vector<16xf32>
        %parallel_loop3A_422 = arith.addf %parallel_loop3A_420, %parallel_loop3A_421 : vector<16xf32>
        %parallel_loop3A_423 = arith.addf %parallel_loop3A_418, %parallel_loop3A_422 : vector<16xf32>
        %parallel_loop3A_424 = arith.constant true
        %parallel_loop3A_425 = vector.broadcast %parallel_loop3A_424 : i1 to vector<16xi1>
        %parallel_loop3A_426 = tpu.scan <sum>, %parallel_loop3A_423 masked %parallel_loop3A_425 : vector<16xf32>, vector<16xi1> -> vector<16xf32>
        %parallel_loop3A_427 = vector.extract %parallel_loop3A_426[15] : f32 from vector<16xf32>
        %parallel_loop3A_428 = arith.constant 5 : i32
        %parallel_loop3A_429 = vector.broadcast %parallel_loop3A_428 : i32 to vector<16xi32>
        %parallel_loop3A_430 = arith.cmpi eq, %iota3A, %parallel_loop3A_429 : vector<16xi32>
        %parallel_loop3A_431 = vector.broadcast %parallel_loop3A_427 : f32 to vector<16xf32>
        %parallel_loop3A_432 = arith.select %parallel_loop3A_430, %parallel_loop3A_431, %parallel_loop3A_376 : vector<16xi1>, vector<16xf32>
        %parallel_loop3A_433 = arith.constant 6 : i32
        %parallel_loop3A_434 = arith.addi %parallel_loop3A_94, %parallel_loop3A_433 : i32
        %parallel_loop3A_435 = arith.index_cast %parallel_loop3A_434 : i32 to index
        %parallel_loop3A_436 = arith.constant 0 : index
        %parallel_loop3A_437 = tpu.vector_load %arg11[%parallel_loop3A_435, %parallel_loop3A_436] {strides = array<i32>} : memref<80x64xi32, #tpu.memory_space<vmem>>, vector<16xi32>,
        %parallel_loop3A_438 = vector.bitcast %parallel_loop3A_437 : vector<16xi32> to vector<32xbf16>
        %parallel_loop3A_439 = arith.index_cast %parallel_loop3A_434 : i32 to index
        %parallel_loop3A_440 = arith.constant 0 : index
        %parallel_loop3A_441 = tpu.vector_load %arg12[%parallel_loop3A_439, %parallel_loop3A_440] {strides = array<i32>} : memref<80x64xi32, #tpu.memory_space<vmem>>, vector<16xi32>,
        %parallel_loop3A_442 = vector.bitcast %parallel_loop3A_441 : vector<16xi32> to vector<32xbf16>
        %parallel_loop3A_443 = arith.mulf %parallel_loop3A_438, %parallel_loop3A_442 : vector<32xbf16>
        %parallel_loop3A_444 = arith.index_cast %parallel_loop3A_434 : i32 to index
        %parallel_loop3A_445 = arith.constant 16 : index
        %parallel_loop3A_446 = tpu.vector_load %arg11[%parallel_loop3A_444, %parallel_loop3A_445] {strides = array<i32>} : memref<80x64xi32, #tpu.memory_space<vmem>>, vector<16xi32>,
        %parallel_loop3A_447 = vector.bitcast %parallel_loop3A_446 : vector<16xi32> to vector<32xbf16>
        %parallel_loop3A_448 = arith.index_cast %parallel_loop3A_434 : i32 to index
        %parallel_loop3A_449 = arith.constant 16 : index
        %parallel_loop3A_450 = tpu.vector_load %arg12[%parallel_loop3A_448, %parallel_loop3A_449] {strides = array<i32>} : memref<80x64xi32, #tpu.memory_space<vmem>>, vector<16xi32>,
        %parallel_loop3A_451 = vector.bitcast %parallel_loop3A_450 : vector<16xi32> to vector<32xbf16>
        %parallel_loop3A_452 = arith.mulf %parallel_loop3A_447, %parallel_loop3A_451 : vector<32xbf16>
        %parallel_loop3A_453 = arith.index_cast %parallel_loop3A_434 : i32 to index
        %parallel_loop3A_454 = arith.constant 32 : index
        %parallel_loop3A_455 = tpu.vector_load %arg11[%parallel_loop3A_453, %parallel_loop3A_454] {strides = array<i32>} : memref<80x64xi32, #tpu.memory_space<vmem>>, vector<16xi32>,
        %parallel_loop3A_456 = vector.bitcast %parallel_loop3A_455 : vector<16xi32> to vector<32xbf16>
        %parallel_loop3A_457 = arith.index_cast %parallel_loop3A_434 : i32 to index
        %parallel_loop3A_458 = arith.constant 32 : index
        %parallel_loop3A_459 = tpu.vector_load %arg12[%parallel_loop3A_457, %parallel_loop3A_458] {strides = array<i32>} : memref<80x64xi32, #tpu.memory_space<vmem>>, vector<16xi32>,
        %parallel_loop3A_460 = vector.bitcast %parallel_loop3A_459 : vector<16xi32> to vector<32xbf16>
        %parallel_loop3A_461 = arith.mulf %parallel_loop3A_456, %parallel_loop3A_460 : vector<32xbf16>
        %parallel_loop3A_462 = arith.index_cast %parallel_loop3A_434 : i32 to index
        %parallel_loop3A_463 = arith.constant 48 : index
        %parallel_loop3A_464 = tpu.vector_load %arg11[%parallel_loop3A_462, %parallel_loop3A_463] {strides = array<i32>} : memref<80x64xi32, #tpu.memory_space<vmem>>, vector<16xi32>,
        %parallel_loop3A_465 = vector.bitcast %parallel_loop3A_464 : vector<16xi32> to vector<32xbf16>
        %parallel_loop3A_466 = arith.index_cast %parallel_loop3A_434 : i32 to index
        %parallel_loop3A_467 = arith.constant 48 : index
        %parallel_loop3A_468 = tpu.vector_load %arg12[%parallel_loop3A_466, %parallel_loop3A_467] {strides = array<i32>} : memref<80x64xi32, #tpu.memory_space<vmem>>, vector<16xi32>,
        %parallel_loop3A_469 = vector.bitcast %parallel_loop3A_468 : vector<16xi32> to vector<32xbf16>
        %parallel_loop3A_470 = arith.mulf %parallel_loop3A_465, %parallel_loop3A_469 : vector<32xbf16>
        %parallel_loop3A_471 = arith.addf %parallel_loop3A_443, %parallel_loop3A_452 : vector<32xbf16>
        %parallel_loop3A_472 = tpu.unpack_subelements %parallel_loop3A_471, 0 {pack_format = #tpu.pack_format<interleaved>} : vector<32xbf16> -> vector<16xf32>
        %parallel_loop3A_473 = tpu.unpack_subelements %parallel_loop3A_471, 1 {pack_format = #tpu.pack_format<interleaved>} : vector<32xbf16> -> vector<16xf32>
        %parallel_loop3A_474 = arith.addf %parallel_loop3A_472, %parallel_loop3A_473 : vector<16xf32>
        %parallel_loop3A_475 = arith.addf %parallel_loop3A_461, %parallel_loop3A_470 : vector<32xbf16>
        %parallel_loop3A_476 = tpu.unpack_subelements %parallel_loop3A_475, 0 {pack_format = #tpu.pack_format<interleaved>} : vector<32xbf16> -> vector<16xf32>
        %parallel_loop3A_477 = tpu.unpack_subelements %parallel_loop3A_475, 1 {pack_format = #tpu.pack_format<interleaved>} : vector<32xbf16> -> vector<16xf32>
        %parallel_loop3A_478 = arith.addf %parallel_loop3A_476, %parallel_loop3A_477 : vector<16xf32>
        %parallel_loop3A_479 = arith.addf %parallel_loop3A_474, %parallel_loop3A_478 : vector<16xf32>
        %parallel_loop3A_480 = arith.constant true
        %parallel_loop3A_481 = vector.broadcast %parallel_loop3A_480 : i1 to vector<16xi1>
        %parallel_loop3A_482 = tpu.scan <sum>, %parallel_loop3A_479 masked %parallel_loop3A_481 : vector<16xf32>, vector<16xi1> -> vector<16xf32>
        %parallel_loop3A_483 = vector.extract %parallel_loop3A_482[15] : f32 from vector<16xf32>
        %parallel_loop3A_484 = arith.constant 6 : i32
        %parallel_loop3A_485 = vector.broadcast %parallel_loop3A_484 : i32 to vector<16xi32>
        %parallel_loop3A_486 = arith.cmpi eq, %iota3A, %parallel_loop3A_485 : vector<16xi32>
        %parallel_loop3A_487 = vector.broadcast %parallel_loop3A_483 : f32 to vector<16xf32>
        %parallel_loop3A_488 = arith.select %parallel_loop3A_486, %parallel_loop3A_487, %parallel_loop3A_432 : vector<16xi1>, vector<16xf32>
        %parallel_loop3A_489 = arith.constant 7 : i32
        %parallel_loop3A_490 = arith.addi %parallel_loop3A_94, %parallel_loop3A_489 : i32
        %parallel_loop3A_491 = arith.index_cast %parallel_loop3A_490 : i32 to index
        %parallel_loop3A_492 = arith.constant 0 : index
        %parallel_loop3A_493 = tpu.vector_load %arg11[%parallel_loop3A_491, %parallel_loop3A_492] {strides = array<i32>} : memref<80x64xi32, #tpu.memory_space<vmem>>, vector<16xi32>,
        %parallel_loop3A_494 = vector.bitcast %parallel_loop3A_493 : vector<16xi32> to vector<32xbf16>
        %parallel_loop3A_495 = arith.index_cast %parallel_loop3A_490 : i32 to index
        %parallel_loop3A_496 = arith.constant 0 : index
        %parallel_loop3A_497 = tpu.vector_load %arg12[%parallel_loop3A_495, %parallel_loop3A_496] {strides = array<i32>} : memref<80x64xi32, #tpu.memory_space<vmem>>, vector<16xi32>,
        %parallel_loop3A_498 = vector.bitcast %parallel_loop3A_497 : vector<16xi32> to vector<32xbf16>
        %parallel_loop3A_499 = arith.mulf %parallel_loop3A_494, %parallel_loop3A_498 : vector<32xbf16>
        %parallel_loop3A_500 = arith.index_cast %parallel_loop3A_490 : i32 to index
        %parallel_loop3A_501 = arith.constant 16 : index
        %parallel_loop3A_502 = tpu.vector_load %arg11[%parallel_loop3A_500, %parallel_loop3A_501] {strides = array<i32>} : memref<80x64xi32, #tpu.memory_space<vmem>>, vector<16xi32>,
        %parallel_loop3A_503 = vector.bitcast %parallel_loop3A_502 : vector<16xi32> to vector<32xbf16>
        %parallel_loop3A_504 = arith.index_cast %parallel_loop3A_490 : i32 to index
        %parallel_loop3A_505 = arith.constant 16 : index
        %parallel_loop3A_506 = tpu.vector_load %arg12[%parallel_loop3A_504, %parallel_loop3A_505] {strides = array<i32>} : memref<80x64xi32, #tpu.memory_space<vmem>>, vector<16xi32>,
        %parallel_loop3A_507 = vector.bitcast %parallel_loop3A_506 : vector<16xi32> to vector<32xbf16>
        %parallel_loop3A_508 = arith.mulf %parallel_loop3A_503, %parallel_loop3A_507 : vector<32xbf16>
        %parallel_loop3A_509 = arith.index_cast %parallel_loop3A_490 : i32 to index
        %parallel_loop3A_510 = arith.constant 32 : index
        %parallel_loop3A_511 = tpu.vector_load %arg11[%parallel_loop3A_509, %parallel_loop3A_510] {strides = array<i32>} : memref<80x64xi32, #tpu.memory_space<vmem>>, vector<16xi32>,
        %parallel_loop3A_512 = vector.bitcast %parallel_loop3A_511 : vector<16xi32> to vector<32xbf16>
        %parallel_loop3A_513 = arith.index_cast %parallel_loop3A_490 : i32 to index
        %parallel_loop3A_514 = arith.constant 32 : index
        %parallel_loop3A_515 = tpu.vector_load %arg12[%parallel_loop3A_513, %parallel_loop3A_514] {strides = array<i32>} : memref<80x64xi32, #tpu.memory_space<vmem>>, vector<16xi32>,
        %parallel_loop3A_516 = vector.bitcast %parallel_loop3A_515 : vector<16xi32> to vector<32xbf16>
        %parallel_loop3A_517 = arith.mulf %parallel_loop3A_512, %parallel_loop3A_516 : vector<32xbf16>
        %parallel_loop3A_518 = arith.index_cast %parallel_loop3A_490 : i32 to index
        %parallel_loop3A_519 = arith.constant 48 : index
        %parallel_loop3A_520 = tpu.vector_load %arg11[%parallel_loop3A_518, %parallel_loop3A_519] {strides = array<i32>} : memref<80x64xi32, #tpu.memory_space<vmem>>, vector<16xi32>,
        %parallel_loop3A_521 = vector.bitcast %parallel_loop3A_520 : vector<16xi32> to vector<32xbf16>
        %parallel_loop3A_522 = arith.index_cast %parallel_loop3A_490 : i32 to index
        %parallel_loop3A_523 = arith.constant 48 : index
        %parallel_loop3A_524 = tpu.vector_load %arg12[%parallel_loop3A_522, %parallel_loop3A_523] {strides = array<i32>} : memref<80x64xi32, #tpu.memory_space<vmem>>, vector<16xi32>,
        %parallel_loop3A_525 = vector.bitcast %parallel_loop3A_524 : vector<16xi32> to vector<32xbf16>
        %parallel_loop3A_526 = arith.mulf %parallel_loop3A_521, %parallel_loop3A_525 : vector<32xbf16>
        %parallel_loop3A_527 = arith.addf %parallel_loop3A_499, %parallel_loop3A_508 : vector<32xbf16>
        %parallel_loop3A_528 = tpu.unpack_subelements %parallel_loop3A_527, 0 {pack_format = #tpu.pack_format<interleaved>} : vector<32xbf16> -> vector<16xf32>
        %parallel_loop3A_529 = tpu.unpack_subelements %parallel_loop3A_527, 1 {pack_format = #tpu.pack_format<interleaved>} : vector<32xbf16> -> vector<16xf32>
        %parallel_loop3A_530 = arith.addf %parallel_loop3A_528, %parallel_loop3A_529 : vector<16xf32>
        %parallel_loop3A_531 = arith.addf %parallel_loop3A_517, %parallel_loop3A_526 : vector<32xbf16>
        %parallel_loop3A_532 = tpu.unpack_subelements %parallel_loop3A_531, 0 {pack_format = #tpu.pack_format<interleaved>} : vector<32xbf16> -> vector<16xf32>
        %parallel_loop3A_533 = tpu.unpack_subelements %parallel_loop3A_531, 1 {pack_format = #tpu.pack_format<interleaved>} : vector<32xbf16> -> vector<16xf32>
        %parallel_loop3A_534 = arith.addf %parallel_loop3A_532, %parallel_loop3A_533 : vector<16xf32>
        %parallel_loop3A_535 = arith.addf %parallel_loop3A_530, %parallel_loop3A_534 : vector<16xf32>
        %parallel_loop3A_536 = arith.constant true
        %parallel_loop3A_537 = vector.broadcast %parallel_loop3A_536 : i1 to vector<16xi1>
        %parallel_loop3A_538 = tpu.scan <sum>, %parallel_loop3A_535 masked %parallel_loop3A_537 : vector<16xf32>, vector<16xi1> -> vector<16xf32>
        %parallel_loop3A_539 = vector.extract %parallel_loop3A_538[15] : f32 from vector<16xf32>
        %parallel_loop3A_540 = arith.constant 7 : i32
        %parallel_loop3A_541 = vector.broadcast %parallel_loop3A_540 : i32 to vector<16xi32>
        %parallel_loop3A_542 = arith.cmpi eq, %iota3A, %parallel_loop3A_541 : vector<16xi32>
        %parallel_loop3A_543 = vector.broadcast %parallel_loop3A_539 : f32 to vector<16xf32>
        %parallel_loop3A_544 = arith.select %parallel_loop3A_542, %parallel_loop3A_543, %parallel_loop3A_488 : vector<16xi1>, vector<16xf32>
        %parallel_loop3A_545 = arith.constant 8 : i32
        %parallel_loop3A_546 = arith.addi %parallel_loop3A_94, %parallel_loop3A_545 : i32
        %parallel_loop3A_547 = arith.index_cast %parallel_loop3A_546 : i32 to index
        %parallel_loop3A_548 = arith.constant 0 : index
        %parallel_loop3A_549 = tpu.vector_load %arg11[%parallel_loop3A_547, %parallel_loop3A_548] {strides = array<i32>} : memref<80x64xi32, #tpu.memory_space<vmem>>, vector<16xi32>,
        %parallel_loop3A_550 = vector.bitcast %parallel_loop3A_549 : vector<16xi32> to vector<32xbf16>
        %parallel_loop3A_551 = arith.index_cast %parallel_loop3A_546 : i32 to index
        %parallel_loop3A_552 = arith.constant 0 : index
        %parallel_loop3A_553 = tpu.vector_load %arg12[%parallel_loop3A_551, %parallel_loop3A_552] {strides = array<i32>} : memref<80x64xi32, #tpu.memory_space<vmem>>, vector<16xi32>,
        %parallel_loop3A_554 = vector.bitcast %parallel_loop3A_553 : vector<16xi32> to vector<32xbf16>
        %parallel_loop3A_555 = arith.mulf %parallel_loop3A_550, %parallel_loop3A_554 : vector<32xbf16>
        %parallel_loop3A_556 = arith.index_cast %parallel_loop3A_546 : i32 to index
        %parallel_loop3A_557 = arith.constant 16 : index
        %parallel_loop3A_558 = tpu.vector_load %arg11[%parallel_loop3A_556, %parallel_loop3A_557] {strides = array<i32>} : memref<80x64xi32, #tpu.memory_space<vmem>>, vector<16xi32>,
        %parallel_loop3A_559 = vector.bitcast %parallel_loop3A_558 : vector<16xi32> to vector<32xbf16>
        %parallel_loop3A_560 = arith.index_cast %parallel_loop3A_546 : i32 to index
        %parallel_loop3A_561 = arith.constant 16 : index
        %parallel_loop3A_562 = tpu.vector_load %arg12[%parallel_loop3A_560, %parallel_loop3A_561] {strides = array<i32>} : memref<80x64xi32, #tpu.memory_space<vmem>>, vector<16xi32>,
        %parallel_loop3A_563 = vector.bitcast %parallel_loop3A_562 : vector<16xi32> to vector<32xbf16>
        %parallel_loop3A_564 = arith.mulf %parallel_loop3A_559, %parallel_loop3A_563 : vector<32xbf16>
        %parallel_loop3A_565 = arith.index_cast %parallel_loop3A_546 : i32 to index
        %parallel_loop3A_566 = arith.constant 32 : index
        %parallel_loop3A_567 = tpu.vector_load %arg11[%parallel_loop3A_565, %parallel_loop3A_566] {strides = array<i32>} : memref<80x64xi32, #tpu.memory_space<vmem>>, vector<16xi32>,
        %parallel_loop3A_568 = vector.bitcast %parallel_loop3A_567 : vector<16xi32> to vector<32xbf16>
        %parallel_loop3A_569 = arith.index_cast %parallel_loop3A_546 : i32 to index
        %parallel_loop3A_570 = arith.constant 32 : index
        %parallel_loop3A_571 = tpu.vector_load %arg12[%parallel_loop3A_569, %parallel_loop3A_570] {strides = array<i32>} : memref<80x64xi32, #tpu.memory_space<vmem>>, vector<16xi32>,
        %parallel_loop3A_572 = vector.bitcast %parallel_loop3A_571 : vector<16xi32> to vector<32xbf16>
        %parallel_loop3A_573 = arith.mulf %parallel_loop3A_568, %parallel_loop3A_572 : vector<32xbf16>
        %parallel_loop3A_574 = arith.index_cast %parallel_loop3A_546 : i32 to index
        %parallel_loop3A_575 = arith.constant 48 : index
        %parallel_loop3A_576 = tpu.vector_load %arg11[%parallel_loop3A_574, %parallel_loop3A_575] {strides = array<i32>} : memref<80x64xi32, #tpu.memory_space<vmem>>, vector<16xi32>,
        %parallel_loop3A_577 = vector.bitcast %parallel_loop3A_576 : vector<16xi32> to vector<32xbf16>
        %parallel_loop3A_578 = arith.index_cast %parallel_loop3A_546 : i32 to index
        %parallel_loop3A_579 = arith.constant 48 : index
        %parallel_loop3A_580 = tpu.vector_load %arg12[%parallel_loop3A_578, %parallel_loop3A_579] {strides = array<i32>} : memref<80x64xi32, #tpu.memory_space<vmem>>, vector<16xi32>,
        %parallel_loop3A_581 = vector.bitcast %parallel_loop3A_580 : vector<16xi32> to vector<32xbf16>
        %parallel_loop3A_582 = arith.mulf %parallel_loop3A_577, %parallel_loop3A_581 : vector<32xbf16>
        %parallel_loop3A_583 = arith.addf %parallel_loop3A_555, %parallel_loop3A_564 : vector<32xbf16>
        %parallel_loop3A_584 = tpu.unpack_subelements %parallel_loop3A_583, 0 {pack_format = #tpu.pack_format<interleaved>} : vector<32xbf16> -> vector<16xf32>
        %parallel_loop3A_585 = tpu.unpack_subelements %parallel_loop3A_583, 1 {pack_format = #tpu.pack_format<interleaved>} : vector<32xbf16> -> vector<16xf32>
        %parallel_loop3A_586 = arith.addf %parallel_loop3A_584, %parallel_loop3A_585 : vector<16xf32>
        %parallel_loop3A_587 = arith.addf %parallel_loop3A_573, %parallel_loop3A_582 : vector<32xbf16>
        %parallel_loop3A_588 = tpu.unpack_subelements %parallel_loop3A_587, 0 {pack_format = #tpu.pack_format<interleaved>} : vector<32xbf16> -> vector<16xf32>
        %parallel_loop3A_589 = tpu.unpack_subelements %parallel_loop3A_587, 1 {pack_format = #tpu.pack_format<interleaved>} : vector<32xbf16> -> vector<16xf32>
        %parallel_loop3A_590 = arith.addf %parallel_loop3A_588, %parallel_loop3A_589 : vector<16xf32>
        %parallel_loop3A_591 = arith.addf %parallel_loop3A_586, %parallel_loop3A_590 : vector<16xf32>
        %parallel_loop3A_592 = arith.constant true
        %parallel_loop3A_593 = vector.broadcast %parallel_loop3A_592 : i1 to vector<16xi1>
        %parallel_loop3A_594 = tpu.scan <sum>, %parallel_loop3A_591 masked %parallel_loop3A_593 : vector<16xf32>, vector<16xi1> -> vector<16xf32>
        %parallel_loop3A_595 = vector.extract %parallel_loop3A_594[15] : f32 from vector<16xf32>
        %parallel_loop3A_596 = arith.constant 8 : i32
        %parallel_loop3A_597 = vector.broadcast %parallel_loop3A_596 : i32 to vector<16xi32>
        %parallel_loop3A_598 = arith.cmpi eq, %iota3A, %parallel_loop3A_597 : vector<16xi32>
        %parallel_loop3A_599 = vector.broadcast %parallel_loop3A_595 : f32 to vector<16xf32>
        %parallel_loop3A_600 = arith.select %parallel_loop3A_598, %parallel_loop3A_599, %parallel_loop3A_544 : vector<16xi1>, vector<16xf32>
        %parallel_loop3A_601 = arith.constant 9 : i32
        %parallel_loop3A_602 = arith.addi %parallel_loop3A_94, %parallel_loop3A_601 : i32
        %parallel_loop3A_603 = arith.index_cast %parallel_loop3A_602 : i32 to index
        %parallel_loop3A_604 = arith.constant 0 : index
        %parallel_loop3A_605 = tpu.vector_load %arg11[%parallel_loop3A_603, %parallel_loop3A_604] {strides = array<i32>} : memref<80x64xi32, #tpu.memory_space<vmem>>, vector<16xi32>,
        %parallel_loop3A_606 = vector.bitcast %parallel_loop3A_605 : vector<16xi32> to vector<32xbf16>
        %parallel_loop3A_607 = arith.index_cast %parallel_loop3A_602 : i32 to index
        %parallel_loop3A_608 = arith.constant 0 : index
        %parallel_loop3A_609 = tpu.vector_load %arg12[%parallel_loop3A_607, %parallel_loop3A_608] {strides = array<i32>} : memref<80x64xi32, #tpu.memory_space<vmem>>, vector<16xi32>,
        %parallel_loop3A_610 = vector.bitcast %parallel_loop3A_609 : vector<16xi32> to vector<32xbf16>
        %parallel_loop3A_611 = arith.mulf %parallel_loop3A_606, %parallel_loop3A_610 : vector<32xbf16>
        %parallel_loop3A_612 = arith.index_cast %parallel_loop3A_602 : i32 to index
        %parallel_loop3A_613 = arith.constant 16 : index
        %parallel_loop3A_614 = tpu.vector_load %arg11[%parallel_loop3A_612, %parallel_loop3A_613] {strides = array<i32>} : memref<80x64xi32, #tpu.memory_space<vmem>>, vector<16xi32>,
        %parallel_loop3A_615 = vector.bitcast %parallel_loop3A_614 : vector<16xi32> to vector<32xbf16>
        %parallel_loop3A_616 = arith.index_cast %parallel_loop3A_602 : i32 to index
        %parallel_loop3A_617 = arith.constant 16 : index
        %parallel_loop3A_618 = tpu.vector_load %arg12[%parallel_loop3A_616, %parallel_loop3A_617] {strides = array<i32>} : memref<80x64xi32, #tpu.memory_space<vmem>>, vector<16xi32>,
        %parallel_loop3A_619 = vector.bitcast %parallel_loop3A_618 : vector<16xi32> to vector<32xbf16>
        %parallel_loop3A_620 = arith.mulf %parallel_loop3A_615, %parallel_loop3A_619 : vector<32xbf16>
        %parallel_loop3A_621 = arith.index_cast %parallel_loop3A_602 : i32 to index
        %parallel_loop3A_622 = arith.constant 32 : index
        %parallel_loop3A_623 = tpu.vector_load %arg11[%parallel_loop3A_621, %parallel_loop3A_622] {strides = array<i32>} : memref<80x64xi32, #tpu.memory_space<vmem>>, vector<16xi32>,
        %parallel_loop3A_624 = vector.bitcast %parallel_loop3A_623 : vector<16xi32> to vector<32xbf16>
        %parallel_loop3A_625 = arith.index_cast %parallel_loop3A_602 : i32 to index
        %parallel_loop3A_626 = arith.constant 32 : index
        %parallel_loop3A_627 = tpu.vector_load %arg12[%parallel_loop3A_625, %parallel_loop3A_626] {strides = array<i32>} : memref<80x64xi32, #tpu.memory_space<vmem>>, vector<16xi32>,
        %parallel_loop3A_628 = vector.bitcast %parallel_loop3A_627 : vector<16xi32> to vector<32xbf16>
        %parallel_loop3A_629 = arith.mulf %parallel_loop3A_624, %parallel_loop3A_628 : vector<32xbf16>
        %parallel_loop3A_630 = arith.index_cast %parallel_loop3A_602 : i32 to index
        %parallel_loop3A_631 = arith.constant 48 : index
        %parallel_loop3A_632 = tpu.vector_load %arg11[%parallel_loop3A_630, %parallel_loop3A_631] {strides = array<i32>} : memref<80x64xi32, #tpu.memory_space<vmem>>, vector<16xi32>,
        %parallel_loop3A_633 = vector.bitcast %parallel_loop3A_632 : vector<16xi32> to vector<32xbf16>
        %parallel_loop3A_634 = arith.index_cast %parallel_loop3A_602 : i32 to index
        %parallel_loop3A_635 = arith.constant 48 : index
        %parallel_loop3A_636 = tpu.vector_load %arg12[%parallel_loop3A_634, %parallel_loop3A_635] {strides = array<i32>} : memref<80x64xi32, #tpu.memory_space<vmem>>, vector<16xi32>,
        %parallel_loop3A_637 = vector.bitcast %parallel_loop3A_636 : vector<16xi32> to vector<32xbf16>
        %parallel_loop3A_638 = arith.mulf %parallel_loop3A_633, %parallel_loop3A_637 : vector<32xbf16>
        %parallel_loop3A_639 = arith.addf %parallel_loop3A_611, %parallel_loop3A_620 : vector<32xbf16>
        %parallel_loop3A_640 = tpu.unpack_subelements %parallel_loop3A_639, 0 {pack_format = #tpu.pack_format<interleaved>} : vector<32xbf16> -> vector<16xf32>
        %parallel_loop3A_641 = tpu.unpack_subelements %parallel_loop3A_639, 1 {pack_format = #tpu.pack_format<interleaved>} : vector<32xbf16> -> vector<16xf32>
        %parallel_loop3A_642 = arith.addf %parallel_loop3A_640, %parallel_loop3A_641 : vector<16xf32>
        %parallel_loop3A_643 = arith.addf %parallel_loop3A_629, %parallel_loop3A_638 : vector<32xbf16>
        %parallel_loop3A_644 = tpu.unpack_subelements %parallel_loop3A_643, 0 {pack_format = #tpu.pack_format<interleaved>} : vector<32xbf16> -> vector<16xf32>
        %parallel_loop3A_645 = tpu.unpack_subelements %parallel_loop3A_643, 1 {pack_format = #tpu.pack_format<interleaved>} : vector<32xbf16> -> vector<16xf32>
        %parallel_loop3A_646 = arith.addf %parallel_loop3A_644, %parallel_loop3A_645 : vector<16xf32>
        %parallel_loop3A_647 = arith.addf %parallel_loop3A_642, %parallel_loop3A_646 : vector<16xf32>
        %parallel_loop3A_648 = arith.constant true
        %parallel_loop3A_649 = vector.broadcast %parallel_loop3A_648 : i1 to vector<16xi1>
        %parallel_loop3A_650 = tpu.scan <sum>, %parallel_loop3A_647 masked %parallel_loop3A_649 : vector<16xf32>, vector<16xi1> -> vector<16xf32>
        %parallel_loop3A_651 = vector.extract %parallel_loop3A_650[15] : f32 from vector<16xf32>
        %parallel_loop3A_652 = arith.constant 9 : i32
        %parallel_loop3A_653 = vector.broadcast %parallel_loop3A_652 : i32 to vector<16xi32>
        %parallel_loop3A_654 = arith.cmpi eq, %iota3A, %parallel_loop3A_653 : vector<16xi32>
        %parallel_loop3A_655 = vector.broadcast %parallel_loop3A_651 : f32 to vector<16xf32>
        %parallel_loop3A_656 = arith.select %parallel_loop3A_654, %parallel_loop3A_655, %parallel_loop3A_600 : vector<16xi1>, vector<16xf32>
        %parallel_loop3A_657 = arith.constant 10 : i32
        %parallel_loop3A_658 = arith.addi %parallel_loop3A_94, %parallel_loop3A_657 : i32
        %parallel_loop3A_659 = arith.index_cast %parallel_loop3A_658 : i32 to index
        %parallel_loop3A_660 = arith.constant 0 : index
        %parallel_loop3A_661 = tpu.vector_load %arg11[%parallel_loop3A_659, %parallel_loop3A_660] {strides = array<i32>} : memref<80x64xi32, #tpu.memory_space<vmem>>, vector<16xi32>,
        %parallel_loop3A_662 = vector.bitcast %parallel_loop3A_661 : vector<16xi32> to vector<32xbf16>
        %parallel_loop3A_663 = arith.index_cast %parallel_loop3A_658 : i32 to index
        %parallel_loop3A_664 = arith.constant 0 : index
        %parallel_loop3A_665 = tpu.vector_load %arg12[%parallel_loop3A_663, %parallel_loop3A_664] {strides = array<i32>} : memref<80x64xi32, #tpu.memory_space<vmem>>, vector<16xi32>,
        %parallel_loop3A_666 = vector.bitcast %parallel_loop3A_665 : vector<16xi32> to vector<32xbf16>
        %parallel_loop3A_667 = arith.mulf %parallel_loop3A_662, %parallel_loop3A_666 : vector<32xbf16>
        %parallel_loop3A_668 = arith.index_cast %parallel_loop3A_658 : i32 to index
        %parallel_loop3A_669 = arith.constant 16 : index
        %parallel_loop3A_670 = tpu.vector_load %arg11[%parallel_loop3A_668, %parallel_loop3A_669] {strides = array<i32>} : memref<80x64xi32, #tpu.memory_space<vmem>>, vector<16xi32>,
        %parallel_loop3A_671 = vector.bitcast %parallel_loop3A_670 : vector<16xi32> to vector<32xbf16>
        %parallel_loop3A_672 = arith.index_cast %parallel_loop3A_658 : i32 to index
        %parallel_loop3A_673 = arith.constant 16 : index
        %parallel_loop3A_674 = tpu.vector_load %arg12[%parallel_loop3A_672, %parallel_loop3A_673] {strides = array<i32>} : memref<80x64xi32, #tpu.memory_space<vmem>>, vector<16xi32>,
        %parallel_loop3A_675 = vector.bitcast %parallel_loop3A_674 : vector<16xi32> to vector<32xbf16>
        %parallel_loop3A_676 = arith.mulf %parallel_loop3A_671, %parallel_loop3A_675 : vector<32xbf16>
        %parallel_loop3A_677 = arith.index_cast %parallel_loop3A_658 : i32 to index
        %parallel_loop3A_678 = arith.constant 32 : index
        %parallel_loop3A_679 = tpu.vector_load %arg11[%parallel_loop3A_677, %parallel_loop3A_678] {strides = array<i32>} : memref<80x64xi32, #tpu.memory_space<vmem>>, vector<16xi32>,
        %parallel_loop3A_680 = vector.bitcast %parallel_loop3A_679 : vector<16xi32> to vector<32xbf16>
        %parallel_loop3A_681 = arith.index_cast %parallel_loop3A_658 : i32 to index
        %parallel_loop3A_682 = arith.constant 32 : index
        %parallel_loop3A_683 = tpu.vector_load %arg12[%parallel_loop3A_681, %parallel_loop3A_682] {strides = array<i32>} : memref<80x64xi32, #tpu.memory_space<vmem>>, vector<16xi32>,
        %parallel_loop3A_684 = vector.bitcast %parallel_loop3A_683 : vector<16xi32> to vector<32xbf16>
        %parallel_loop3A_685 = arith.mulf %parallel_loop3A_680, %parallel_loop3A_684 : vector<32xbf16>
        %parallel_loop3A_686 = arith.index_cast %parallel_loop3A_658 : i32 to index
        %parallel_loop3A_687 = arith.constant 48 : index
        %parallel_loop3A_688 = tpu.vector_load %arg11[%parallel_loop3A_686, %parallel_loop3A_687] {strides = array<i32>} : memref<80x64xi32, #tpu.memory_space<vmem>>, vector<16xi32>,
        %parallel_loop3A_689 = vector.bitcast %parallel_loop3A_688 : vector<16xi32> to vector<32xbf16>
        %parallel_loop3A_690 = arith.index_cast %parallel_loop3A_658 : i32 to index
        %parallel_loop3A_691 = arith.constant 48 : index
        %parallel_loop3A_692 = tpu.vector_load %arg12[%parallel_loop3A_690, %parallel_loop3A_691] {strides = array<i32>} : memref<80x64xi32, #tpu.memory_space<vmem>>, vector<16xi32>,
        %parallel_loop3A_693 = vector.bitcast %parallel_loop3A_692 : vector<16xi32> to vector<32xbf16>
        %parallel_loop3A_694 = arith.mulf %parallel_loop3A_689, %parallel_loop3A_693 : vector<32xbf16>
        %parallel_loop3A_695 = arith.addf %parallel_loop3A_667, %parallel_loop3A_676 : vector<32xbf16>
        %parallel_loop3A_696 = tpu.unpack_subelements %parallel_loop3A_695, 0 {pack_format = #tpu.pack_format<interleaved>} : vector<32xbf16> -> vector<16xf32>
        %parallel_loop3A_697 = tpu.unpack_subelements %parallel_loop3A_695, 1 {pack_format = #tpu.pack_format<interleaved>} : vector<32xbf16> -> vector<16xf32>
        %parallel_loop3A_698 = arith.addf %parallel_loop3A_696, %parallel_loop3A_697 : vector<16xf32>
        %parallel_loop3A_699 = arith.addf %parallel_loop3A_685, %parallel_loop3A_694 : vector<32xbf16>
        %parallel_loop3A_700 = tpu.unpack_subelements %parallel_loop3A_699, 0 {pack_format = #tpu.pack_format<interleaved>} : vector<32xbf16> -> vector<16xf32>
        %parallel_loop3A_701 = tpu.unpack_subelements %parallel_loop3A_699, 1 {pack_format = #tpu.pack_format<interleaved>} : vector<32xbf16> -> vector<16xf32>
        %parallel_loop3A_702 = arith.addf %parallel_loop3A_700, %parallel_loop3A_701 : vector<16xf32>
        %parallel_loop3A_703 = arith.addf %parallel_loop3A_698, %parallel_loop3A_702 : vector<16xf32>
        %parallel_loop3A_704 = arith.constant true
        %parallel_loop3A_705 = vector.broadcast %parallel_loop3A_704 : i1 to vector<16xi1>
        %parallel_loop3A_706 = tpu.scan <sum>, %parallel_loop3A_703 masked %parallel_loop3A_705 : vector<16xf32>, vector<16xi1> -> vector<16xf32>
        %parallel_loop3A_707 = vector.extract %parallel_loop3A_706[15] : f32 from vector<16xf32>
        %parallel_loop3A_708 = arith.constant 10 : i32
        %parallel_loop3A_709 = vector.broadcast %parallel_loop3A_708 : i32 to vector<16xi32>
        %parallel_loop3A_710 = arith.cmpi eq, %iota3A, %parallel_loop3A_709 : vector<16xi32>
        %parallel_loop3A_711 = vector.broadcast %parallel_loop3A_707 : f32 to vector<16xf32>
        %parallel_loop3A_712 = arith.select %parallel_loop3A_710, %parallel_loop3A_711, %parallel_loop3A_656 : vector<16xi1>, vector<16xf32>
        %parallel_loop3A_713 = arith.constant 11 : i32
        %parallel_loop3A_714 = arith.addi %parallel_loop3A_94, %parallel_loop3A_713 : i32
        %parallel_loop3A_715 = arith.index_cast %parallel_loop3A_714 : i32 to index
        %parallel_loop3A_716 = arith.constant 0 : index
        %parallel_loop3A_717 = tpu.vector_load %arg11[%parallel_loop3A_715, %parallel_loop3A_716] {strides = array<i32>} : memref<80x64xi32, #tpu.memory_space<vmem>>, vector<16xi32>,
        %parallel_loop3A_718 = vector.bitcast %parallel_loop3A_717 : vector<16xi32> to vector<32xbf16>
        %parallel_loop3A_719 = arith.index_cast %parallel_loop3A_714 : i32 to index
        %parallel_loop3A_720 = arith.constant 0 : index
        %parallel_loop3A_721 = tpu.vector_load %arg12[%parallel_loop3A_719, %parallel_loop3A_720] {strides = array<i32>} : memref<80x64xi32, #tpu.memory_space<vmem>>, vector<16xi32>,
        %parallel_loop3A_722 = vector.bitcast %parallel_loop3A_721 : vector<16xi32> to vector<32xbf16>
        %parallel_loop3A_723 = arith.mulf %parallel_loop3A_718, %parallel_loop3A_722 : vector<32xbf16>
        %parallel_loop3A_724 = arith.index_cast %parallel_loop3A_714 : i32 to index
        %parallel_loop3A_725 = arith.constant 16 : index
        %parallel_loop3A_726 = tpu.vector_load %arg11[%parallel_loop3A_724, %parallel_loop3A_725] {strides = array<i32>} : memref<80x64xi32, #tpu.memory_space<vmem>>, vector<16xi32>,
        %parallel_loop3A_727 = vector.bitcast %parallel_loop3A_726 : vector<16xi32> to vector<32xbf16>
        %parallel_loop3A_728 = arith.index_cast %parallel_loop3A_714 : i32 to index
        %parallel_loop3A_729 = arith.constant 16 : index
        %parallel_loop3A_730 = tpu.vector_load %arg12[%parallel_loop3A_728, %parallel_loop3A_729] {strides = array<i32>} : memref<80x64xi32, #tpu.memory_space<vmem>>, vector<16xi32>,
        %parallel_loop3A_731 = vector.bitcast %parallel_loop3A_730 : vector<16xi32> to vector<32xbf16>
        %parallel_loop3A_732 = arith.mulf %parallel_loop3A_727, %parallel_loop3A_731 : vector<32xbf16>
        %parallel_loop3A_733 = arith.index_cast %parallel_loop3A_714 : i32 to index
        %parallel_loop3A_734 = arith.constant 32 : index
        %parallel_loop3A_735 = tpu.vector_load %arg11[%parallel_loop3A_733, %parallel_loop3A_734] {strides = array<i32>} : memref<80x64xi32, #tpu.memory_space<vmem>>, vector<16xi32>,
        %parallel_loop3A_736 = vector.bitcast %parallel_loop3A_735 : vector<16xi32> to vector<32xbf16>
        %parallel_loop3A_737 = arith.index_cast %parallel_loop3A_714 : i32 to index
        %parallel_loop3A_738 = arith.constant 32 : index
        %parallel_loop3A_739 = tpu.vector_load %arg12[%parallel_loop3A_737, %parallel_loop3A_738] {strides = array<i32>} : memref<80x64xi32, #tpu.memory_space<vmem>>, vector<16xi32>,
        %parallel_loop3A_740 = vector.bitcast %parallel_loop3A_739 : vector<16xi32> to vector<32xbf16>
        %parallel_loop3A_741 = arith.mulf %parallel_loop3A_736, %parallel_loop3A_740 : vector<32xbf16>
        %parallel_loop3A_742 = arith.index_cast %parallel_loop3A_714 : i32 to index
        %parallel_loop3A_743 = arith.constant 48 : index
        %parallel_loop3A_744 = tpu.vector_load %arg11[%parallel_loop3A_742, %parallel_loop3A_743] {strides = array<i32>} : memref<80x64xi32, #tpu.memory_space<vmem>>, vector<16xi32>,
        %parallel_loop3A_745 = vector.bitcast %parallel_loop3A_744 : vector<16xi32> to vector<32xbf16>
        %parallel_loop3A_746 = arith.index_cast %parallel_loop3A_714 : i32 to index
        %parallel_loop3A_747 = arith.constant 48 : index
        %parallel_loop3A_748 = tpu.vector_load %arg12[%parallel_loop3A_746, %parallel_loop3A_747] {strides = array<i32>} : memref<80x64xi32, #tpu.memory_space<vmem>>, vector<16xi32>,
        %parallel_loop3A_749 = vector.bitcast %parallel_loop3A_748 : vector<16xi32> to vector<32xbf16>
        %parallel_loop3A_750 = arith.mulf %parallel_loop3A_745, %parallel_loop3A_749 : vector<32xbf16>
        %parallel_loop3A_751 = arith.addf %parallel_loop3A_723, %parallel_loop3A_732 : vector<32xbf16>
        %parallel_loop3A_752 = tpu.unpack_subelements %parallel_loop3A_751, 0 {pack_format = #tpu.pack_format<interleaved>} : vector<32xbf16> -> vector<16xf32>
        %parallel_loop3A_753 = tpu.unpack_subelements %parallel_loop3A_751, 1 {pack_format = #tpu.pack_format<interleaved>} : vector<32xbf16> -> vector<16xf32>
        %parallel_loop3A_754 = arith.addf %parallel_loop3A_752, %parallel_loop3A_753 : vector<16xf32>
        %parallel_loop3A_755 = arith.addf %parallel_loop3A_741, %parallel_loop3A_750 : vector<32xbf16>
        %parallel_loop3A_756 = tpu.unpack_subelements %parallel_loop3A_755, 0 {pack_format = #tpu.pack_format<interleaved>} : vector<32xbf16> -> vector<16xf32>
        %parallel_loop3A_757 = tpu.unpack_subelements %parallel_loop3A_755, 1 {pack_format = #tpu.pack_format<interleaved>} : vector<32xbf16> -> vector<16xf32>
        %parallel_loop3A_758 = arith.addf %parallel_loop3A_756, %parallel_loop3A_757 : vector<16xf32>
        %parallel_loop3A_759 = arith.addf %parallel_loop3A_754, %parallel_loop3A_758 : vector<16xf32>
        %parallel_loop3A_760 = arith.constant true
        %parallel_loop3A_761 = vector.broadcast %parallel_loop3A_760 : i1 to vector<16xi1>
        %parallel_loop3A_762 = tpu.scan <sum>, %parallel_loop3A_759 masked %parallel_loop3A_761 : vector<16xf32>, vector<16xi1> -> vector<16xf32>
        %parallel_loop3A_763 = vector.extract %parallel_loop3A_762[15] : f32 from vector<16xf32>
        %parallel_loop3A_764 = arith.constant 11 : i32
        %parallel_loop3A_765 = vector.broadcast %parallel_loop3A_764 : i32 to vector<16xi32>
        %parallel_loop3A_766 = arith.cmpi eq, %iota3A, %parallel_loop3A_765 : vector<16xi32>
        %parallel_loop3A_767 = vector.broadcast %parallel_loop3A_763 : f32 to vector<16xf32>
        %parallel_loop3A_768 = arith.select %parallel_loop3A_766, %parallel_loop3A_767, %parallel_loop3A_712 : vector<16xi1>, vector<16xf32>
        %parallel_loop3A_769 = arith.constant 12 : i32
        %parallel_loop3A_770 = arith.addi %parallel_loop3A_94, %parallel_loop3A_769 : i32
        %parallel_loop3A_771 = arith.index_cast %parallel_loop3A_770 : i32 to index
        %parallel_loop3A_772 = arith.constant 0 : index
        %parallel_loop3A_773 = tpu.vector_load %arg11[%parallel_loop3A_771, %parallel_loop3A_772] {strides = array<i32>} : memref<80x64xi32, #tpu.memory_space<vmem>>, vector<16xi32>,
        %parallel_loop3A_774 = vector.bitcast %parallel_loop3A_773 : vector<16xi32> to vector<32xbf16>
        %parallel_loop3A_775 = arith.index_cast %parallel_loop3A_770 : i32 to index
        %parallel_loop3A_776 = arith.constant 0 : index
        %parallel_loop3A_777 = tpu.vector_load %arg12[%parallel_loop3A_775, %parallel_loop3A_776] {strides = array<i32>} : memref<80x64xi32, #tpu.memory_space<vmem>>, vector<16xi32>,
        %parallel_loop3A_778 = vector.bitcast %parallel_loop3A_777 : vector<16xi32> to vector<32xbf16>
        %parallel_loop3A_779 = arith.mulf %parallel_loop3A_774, %parallel_loop3A_778 : vector<32xbf16>
        %parallel_loop3A_780 = arith.index_cast %parallel_loop3A_770 : i32 to index
        %parallel_loop3A_781 = arith.constant 16 : index
        %parallel_loop3A_782 = tpu.vector_load %arg11[%parallel_loop3A_780, %parallel_loop3A_781] {strides = array<i32>} : memref<80x64xi32, #tpu.memory_space<vmem>>, vector<16xi32>,
        %parallel_loop3A_783 = vector.bitcast %parallel_loop3A_782 : vector<16xi32> to vector<32xbf16>
        %parallel_loop3A_784 = arith.index_cast %parallel_loop3A_770 : i32 to index
        %parallel_loop3A_785 = arith.constant 16 : index
        %parallel_loop3A_786 = tpu.vector_load %arg12[%parallel_loop3A_784, %parallel_loop3A_785] {strides = array<i32>} : memref<80x64xi32, #tpu.memory_space<vmem>>, vector<16xi32>,
        %parallel_loop3A_787 = vector.bitcast %parallel_loop3A_786 : vector<16xi32> to vector<32xbf16>
        %parallel_loop3A_788 = arith.mulf %parallel_loop3A_783, %parallel_loop3A_787 : vector<32xbf16>
        %parallel_loop3A_789 = arith.index_cast %parallel_loop3A_770 : i32 to index
        %parallel_loop3A_790 = arith.constant 32 : index
        %parallel_loop3A_791 = tpu.vector_load %arg11[%parallel_loop3A_789, %parallel_loop3A_790] {strides = array<i32>} : memref<80x64xi32, #tpu.memory_space<vmem>>, vector<16xi32>,
        %parallel_loop3A_792 = vector.bitcast %parallel_loop3A_791 : vector<16xi32> to vector<32xbf16>
        %parallel_loop3A_793 = arith.index_cast %parallel_loop3A_770 : i32 to index
        %parallel_loop3A_794 = arith.constant 32 : index
        %parallel_loop3A_795 = tpu.vector_load %arg12[%parallel_loop3A_793, %parallel_loop3A_794] {strides = array<i32>} : memref<80x64xi32, #tpu.memory_space<vmem>>, vector<16xi32>,
        %parallel_loop3A_796 = vector.bitcast %parallel_loop3A_795 : vector<16xi32> to vector<32xbf16>
        %parallel_loop3A_797 = arith.mulf %parallel_loop3A_792, %parallel_loop3A_796 : vector<32xbf16>
        %parallel_loop3A_798 = arith.index_cast %parallel_loop3A_770 : i32 to index
        %parallel_loop3A_799 = arith.constant 48 : index
        %parallel_loop3A_800 = tpu.vector_load %arg11[%parallel_loop3A_798, %parallel_loop3A_799] {strides = array<i32>} : memref<80x64xi32, #tpu.memory_space<vmem>>, vector<16xi32>,
        %parallel_loop3A_801 = vector.bitcast %parallel_loop3A_800 : vector<16xi32> to vector<32xbf16>
        %parallel_loop3A_802 = arith.index_cast %parallel_loop3A_770 : i32 to index
        %parallel_loop3A_803 = arith.constant 48 : index
        %parallel_loop3A_804 = tpu.vector_load %arg12[%parallel_loop3A_802, %parallel_loop3A_803] {strides = array<i32>} : memref<80x64xi32, #tpu.memory_space<vmem>>, vector<16xi32>,
        %parallel_loop3A_805 = vector.bitcast %parallel_loop3A_804 : vector<16xi32> to vector<32xbf16>
        %parallel_loop3A_806 = arith.mulf %parallel_loop3A_801, %parallel_loop3A_805 : vector<32xbf16>
        %parallel_loop3A_807 = arith.addf %parallel_loop3A_779, %parallel_loop3A_788 : vector<32xbf16>
        %parallel_loop3A_808 = tpu.unpack_subelements %parallel_loop3A_807, 0 {pack_format = #tpu.pack_format<interleaved>} : vector<32xbf16> -> vector<16xf32>
        %parallel_loop3A_809 = tpu.unpack_subelements %parallel_loop3A_807, 1 {pack_format = #tpu.pack_format<interleaved>} : vector<32xbf16> -> vector<16xf32>
        %parallel_loop3A_810 = arith.addf %parallel_loop3A_808, %parallel_loop3A_809 : vector<16xf32>
        %parallel_loop3A_811 = arith.addf %parallel_loop3A_797, %parallel_loop3A_806 : vector<32xbf16>
        %parallel_loop3A_812 = tpu.unpack_subelements %parallel_loop3A_811, 0 {pack_format = #tpu.pack_format<interleaved>} : vector<32xbf16> -> vector<16xf32>
        %parallel_loop3A_813 = tpu.unpack_subelements %parallel_loop3A_811, 1 {pack_format = #tpu.pack_format<interleaved>} : vector<32xbf16> -> vector<16xf32>
        %parallel_loop3A_814 = arith.addf %parallel_loop3A_812, %parallel_loop3A_813 : vector<16xf32>
        %parallel_loop3A_815 = arith.addf %parallel_loop3A_810, %parallel_loop3A_814 : vector<16xf32>
        %parallel_loop3A_816 = arith.constant true
        %parallel_loop3A_817 = vector.broadcast %parallel_loop3A_816 : i1 to vector<16xi1>
        %parallel_loop3A_818 = tpu.scan <sum>, %parallel_loop3A_815 masked %parallel_loop3A_817 : vector<16xf32>, vector<16xi1> -> vector<16xf32>
        %parallel_loop3A_819 = vector.extract %parallel_loop3A_818[15] : f32 from vector<16xf32>
        %parallel_loop3A_820 = arith.constant 12 : i32
        %parallel_loop3A_821 = vector.broadcast %parallel_loop3A_820 : i32 to vector<16xi32>
        %parallel_loop3A_822 = arith.cmpi eq, %iota3A, %parallel_loop3A_821 : vector<16xi32>
        %parallel_loop3A_823 = vector.broadcast %parallel_loop3A_819 : f32 to vector<16xf32>
        %parallel_loop3A_824 = arith.select %parallel_loop3A_822, %parallel_loop3A_823, %parallel_loop3A_768 : vector<16xi1>, vector<16xf32>
        %parallel_loop3A_825 = arith.constant 13 : i32
        %parallel_loop3A_826 = arith.addi %parallel_loop3A_94, %parallel_loop3A_825 : i32
        %parallel_loop3A_827 = arith.index_cast %parallel_loop3A_826 : i32 to index
        %parallel_loop3A_828 = arith.constant 0 : index
        %parallel_loop3A_829 = tpu.vector_load %arg11[%parallel_loop3A_827, %parallel_loop3A_828] {strides = array<i32>} : memref<80x64xi32, #tpu.memory_space<vmem>>, vector<16xi32>,
        %parallel_loop3A_830 = vector.bitcast %parallel_loop3A_829 : vector<16xi32> to vector<32xbf16>
        %parallel_loop3A_831 = arith.index_cast %parallel_loop3A_826 : i32 to index
        %parallel_loop3A_832 = arith.constant 0 : index
        %parallel_loop3A_833 = tpu.vector_load %arg12[%parallel_loop3A_831, %parallel_loop3A_832] {strides = array<i32>} : memref<80x64xi32, #tpu.memory_space<vmem>>, vector<16xi32>,
        %parallel_loop3A_834 = vector.bitcast %parallel_loop3A_833 : vector<16xi32> to vector<32xbf16>
        %parallel_loop3A_835 = arith.mulf %parallel_loop3A_830, %parallel_loop3A_834 : vector<32xbf16>
        %parallel_loop3A_836 = arith.index_cast %parallel_loop3A_826 : i32 to index
        %parallel_loop3A_837 = arith.constant 16 : index
        %parallel_loop3A_838 = tpu.vector_load %arg11[%parallel_loop3A_836, %parallel_loop3A_837] {strides = array<i32>} : memref<80x64xi32, #tpu.memory_space<vmem>>, vector<16xi32>,
        %parallel_loop3A_839 = vector.bitcast %parallel_loop3A_838 : vector<16xi32> to vector<32xbf16>
        %parallel_loop3A_840 = arith.index_cast %parallel_loop3A_826 : i32 to index
        %parallel_loop3A_841 = arith.constant 16 : index
        %parallel_loop3A_842 = tpu.vector_load %arg12[%parallel_loop3A_840, %parallel_loop3A_841] {strides = array<i32>} : memref<80x64xi32, #tpu.memory_space<vmem>>, vector<16xi32>,
        %parallel_loop3A_843 = vector.bitcast %parallel_loop3A_842 : vector<16xi32> to vector<32xbf16>
        %parallel_loop3A_844 = arith.mulf %parallel_loop3A_839, %parallel_loop3A_843 : vector<32xbf16>
        %parallel_loop3A_845 = arith.index_cast %parallel_loop3A_826 : i32 to index
        %parallel_loop3A_846 = arith.constant 32 : index
        %parallel_loop3A_847 = tpu.vector_load %arg11[%parallel_loop3A_845, %parallel_loop3A_846] {strides = array<i32>} : memref<80x64xi32, #tpu.memory_space<vmem>>, vector<16xi32>,
        %parallel_loop3A_848 = vector.bitcast %parallel_loop3A_847 : vector<16xi32> to vector<32xbf16>
        %parallel_loop3A_849 = arith.index_cast %parallel_loop3A_826 : i32 to index
        %parallel_loop3A_850 = arith.constant 32 : index
        %parallel_loop3A_851 = tpu.vector_load %arg12[%parallel_loop3A_849, %parallel_loop3A_850] {strides = array<i32>} : memref<80x64xi32, #tpu.memory_space<vmem>>, vector<16xi32>,
        %parallel_loop3A_852 = vector.bitcast %parallel_loop3A_851 : vector<16xi32> to vector<32xbf16>
        %parallel_loop3A_853 = arith.mulf %parallel_loop3A_848, %parallel_loop3A_852 : vector<32xbf16>
        %parallel_loop3A_854 = arith.index_cast %parallel_loop3A_826 : i32 to index
        %parallel_loop3A_855 = arith.constant 48 : index
        %parallel_loop3A_856 = tpu.vector_load %arg11[%parallel_loop3A_854, %parallel_loop3A_855] {strides = array<i32>} : memref<80x64xi32, #tpu.memory_space<vmem>>, vector<16xi32>,
        %parallel_loop3A_857 = vector.bitcast %parallel_loop3A_856 : vector<16xi32> to vector<32xbf16>
        %parallel_loop3A_858 = arith.index_cast %parallel_loop3A_826 : i32 to index
        %parallel_loop3A_859 = arith.constant 48 : index
        %parallel_loop3A_860 = tpu.vector_load %arg12[%parallel_loop3A_858, %parallel_loop3A_859] {strides = array<i32>} : memref<80x64xi32, #tpu.memory_space<vmem>>, vector<16xi32>,
        %parallel_loop3A_861 = vector.bitcast %parallel_loop3A_860 : vector<16xi32> to vector<32xbf16>
        %parallel_loop3A_862 = arith.mulf %parallel_loop3A_857, %parallel_loop3A_861 : vector<32xbf16>
        %parallel_loop3A_863 = arith.addf %parallel_loop3A_835, %parallel_loop3A_844 : vector<32xbf16>
        %parallel_loop3A_864 = tpu.unpack_subelements %parallel_loop3A_863, 0 {pack_format = #tpu.pack_format<interleaved>} : vector<32xbf16> -> vector<16xf32>
        %parallel_loop3A_865 = tpu.unpack_subelements %parallel_loop3A_863, 1 {pack_format = #tpu.pack_format<interleaved>} : vector<32xbf16> -> vector<16xf32>
        %parallel_loop3A_866 = arith.addf %parallel_loop3A_864, %parallel_loop3A_865 : vector<16xf32>
        %parallel_loop3A_867 = arith.addf %parallel_loop3A_853, %parallel_loop3A_862 : vector<32xbf16>
        %parallel_loop3A_868 = tpu.unpack_subelements %parallel_loop3A_867, 0 {pack_format = #tpu.pack_format<interleaved>} : vector<32xbf16> -> vector<16xf32>
        %parallel_loop3A_869 = tpu.unpack_subelements %parallel_loop3A_867, 1 {pack_format = #tpu.pack_format<interleaved>} : vector<32xbf16> -> vector<16xf32>
        %parallel_loop3A_870 = arith.addf %parallel_loop3A_868, %parallel_loop3A_869 : vector<16xf32>
        %parallel_loop3A_871 = arith.addf %parallel_loop3A_866, %parallel_loop3A_870 : vector<16xf32>
        %parallel_loop3A_872 = arith.constant true
        %parallel_loop3A_873 = vector.broadcast %parallel_loop3A_872 : i1 to vector<16xi1>
        %parallel_loop3A_874 = tpu.scan <sum>, %parallel_loop3A_871 masked %parallel_loop3A_873 : vector<16xf32>, vector<16xi1> -> vector<16xf32>
        %parallel_loop3A_875 = vector.extract %parallel_loop3A_874[15] : f32 from vector<16xf32>
        %parallel_loop3A_876 = arith.constant 13 : i32
        %parallel_loop3A_877 = vector.broadcast %parallel_loop3A_876 : i32 to vector<16xi32>
        %parallel_loop3A_878 = arith.cmpi eq, %iota3A, %parallel_loop3A_877 : vector<16xi32>
        %parallel_loop3A_879 = vector.broadcast %parallel_loop3A_875 : f32 to vector<16xf32>
        %parallel_loop3A_880 = arith.select %parallel_loop3A_878, %parallel_loop3A_879, %parallel_loop3A_824 : vector<16xi1>, vector<16xf32>
        %parallel_loop3A_881 = arith.constant 14 : i32
        %parallel_loop3A_882 = arith.addi %parallel_loop3A_94, %parallel_loop3A_881 : i32
        %parallel_loop3A_883 = arith.index_cast %parallel_loop3A_882 : i32 to index
        %parallel_loop3A_884 = arith.constant 0 : index
        %parallel_loop3A_885 = tpu.vector_load %arg11[%parallel_loop3A_883, %parallel_loop3A_884] {strides = array<i32>} : memref<80x64xi32, #tpu.memory_space<vmem>>, vector<16xi32>,
        %parallel_loop3A_886 = vector.bitcast %parallel_loop3A_885 : vector<16xi32> to vector<32xbf16>
        %parallel_loop3A_887 = arith.index_cast %parallel_loop3A_882 : i32 to index
        %parallel_loop3A_888 = arith.constant 0 : index
        %parallel_loop3A_889 = tpu.vector_load %arg12[%parallel_loop3A_887, %parallel_loop3A_888] {strides = array<i32>} : memref<80x64xi32, #tpu.memory_space<vmem>>, vector<16xi32>,
        %parallel_loop3A_890 = vector.bitcast %parallel_loop3A_889 : vector<16xi32> to vector<32xbf16>
        %parallel_loop3A_891 = arith.mulf %parallel_loop3A_886, %parallel_loop3A_890 : vector<32xbf16>
        %parallel_loop3A_892 = arith.index_cast %parallel_loop3A_882 : i32 to index
        %parallel_loop3A_893 = arith.constant 16 : index
        %parallel_loop3A_894 = tpu.vector_load %arg11[%parallel_loop3A_892, %parallel_loop3A_893] {strides = array<i32>} : memref<80x64xi32, #tpu.memory_space<vmem>>, vector<16xi32>,
        %parallel_loop3A_895 = vector.bitcast %parallel_loop3A_894 : vector<16xi32> to vector<32xbf16>
        %parallel_loop3A_896 = arith.index_cast %parallel_loop3A_882 : i32 to index
        %parallel_loop3A_897 = arith.constant 16 : index
        %parallel_loop3A_898 = tpu.vector_load %arg12[%parallel_loop3A_896, %parallel_loop3A_897] {strides = array<i32>} : memref<80x64xi32, #tpu.memory_space<vmem>>, vector<16xi32>,
        %parallel_loop3A_899 = vector.bitcast %parallel_loop3A_898 : vector<16xi32> to vector<32xbf16>
        %parallel_loop3A_900 = arith.mulf %parallel_loop3A_895, %parallel_loop3A_899 : vector<32xbf16>
        %parallel_loop3A_901 = arith.index_cast %parallel_loop3A_882 : i32 to index
        %parallel_loop3A_902 = arith.constant 32 : index
        %parallel_loop3A_903 = tpu.vector_load %arg11[%parallel_loop3A_901, %parallel_loop3A_902] {strides = array<i32>} : memref<80x64xi32, #tpu.memory_space<vmem>>, vector<16xi32>,
        %parallel_loop3A_904 = vector.bitcast %parallel_loop3A_903 : vector<16xi32> to vector<32xbf16>
        %parallel_loop3A_905 = arith.index_cast %parallel_loop3A_882 : i32 to index
        %parallel_loop3A_906 = arith.constant 32 : index
        %parallel_loop3A_907 = tpu.vector_load %arg12[%parallel_loop3A_905, %parallel_loop3A_906] {strides = array<i32>} : memref<80x64xi32, #tpu.memory_space<vmem>>, vector<16xi32>,
        %parallel_loop3A_908 = vector.bitcast %parallel_loop3A_907 : vector<16xi32> to vector<32xbf16>
        %parallel_loop3A_909 = arith.mulf %parallel_loop3A_904, %parallel_loop3A_908 : vector<32xbf16>
        %parallel_loop3A_910 = arith.index_cast %parallel_loop3A_882 : i32 to index
        %parallel_loop3A_911 = arith.constant 48 : index
        %parallel_loop3A_912 = tpu.vector_load %arg11[%parallel_loop3A_910, %parallel_loop3A_911] {strides = array<i32>} : memref<80x64xi32, #tpu.memory_space<vmem>>, vector<16xi32>,
        %parallel_loop3A_913 = vector.bitcast %parallel_loop3A_912 : vector<16xi32> to vector<32xbf16>
        %parallel_loop3A_914 = arith.index_cast %parallel_loop3A_882 : i32 to index
        %parallel_loop3A_915 = arith.constant 48 : index
        %parallel_loop3A_916 = tpu.vector_load %arg12[%parallel_loop3A_914, %parallel_loop3A_915] {strides = array<i32>} : memref<80x64xi32, #tpu.memory_space<vmem>>, vector<16xi32>,
        %parallel_loop3A_917 = vector.bitcast %parallel_loop3A_916 : vector<16xi32> to vector<32xbf16>
        %parallel_loop3A_918 = arith.mulf %parallel_loop3A_913, %parallel_loop3A_917 : vector<32xbf16>
        %parallel_loop3A_919 = arith.addf %parallel_loop3A_891, %parallel_loop3A_900 : vector<32xbf16>
        %parallel_loop3A_920 = tpu.unpack_subelements %parallel_loop3A_919, 0 {pack_format = #tpu.pack_format<interleaved>} : vector<32xbf16> -> vector<16xf32>
        %parallel_loop3A_921 = tpu.unpack_subelements %parallel_loop3A_919, 1 {pack_format = #tpu.pack_format<interleaved>} : vector<32xbf16> -> vector<16xf32>
        %parallel_loop3A_922 = arith.addf %parallel_loop3A_920, %parallel_loop3A_921 : vector<16xf32>
        %parallel_loop3A_923 = arith.addf %parallel_loop3A_909, %parallel_loop3A_918 : vector<32xbf16>
        %parallel_loop3A_924 = tpu.unpack_subelements %parallel_loop3A_923, 0 {pack_format = #tpu.pack_format<interleaved>} : vector<32xbf16> -> vector<16xf32>
        %parallel_loop3A_925 = tpu.unpack_subelements %parallel_loop3A_923, 1 {pack_format = #tpu.pack_format<interleaved>} : vector<32xbf16> -> vector<16xf32>
        %parallel_loop3A_926 = arith.addf %parallel_loop3A_924, %parallel_loop3A_925 : vector<16xf32>
        %parallel_loop3A_927 = arith.addf %parallel_loop3A_922, %parallel_loop3A_926 : vector<16xf32>
        %parallel_loop3A_928 = arith.constant true
        %parallel_loop3A_929 = vector.broadcast %parallel_loop3A_928 : i1 to vector<16xi1>
        %parallel_loop3A_930 = tpu.scan <sum>, %parallel_loop3A_927 masked %parallel_loop3A_929 : vector<16xf32>, vector<16xi1> -> vector<16xf32>
        %parallel_loop3A_931 = vector.extract %parallel_loop3A_930[15] : f32 from vector<16xf32>
        %parallel_loop3A_932 = arith.constant 14 : i32
        %parallel_loop3A_933 = vector.broadcast %parallel_loop3A_932 : i32 to vector<16xi32>
        %parallel_loop3A_934 = arith.cmpi eq, %iota3A, %parallel_loop3A_933 : vector<16xi32>
        %parallel_loop3A_935 = vector.broadcast %parallel_loop3A_931 : f32 to vector<16xf32>
        %parallel_loop3A_936 = arith.select %parallel_loop3A_934, %parallel_loop3A_935, %parallel_loop3A_880 : vector<16xi1>, vector<16xf32>
        %parallel_loop3A_937 = arith.constant 15 : i32
        %parallel_loop3A_938 = arith.addi %parallel_loop3A_94, %parallel_loop3A_937 : i32
        %parallel_loop3A_939 = arith.index_cast %parallel_loop3A_938 : i32 to index
        %parallel_loop3A_940 = arith.constant 0 : index
        %parallel_loop3A_941 = tpu.vector_load %arg11[%parallel_loop3A_939, %parallel_loop3A_940] {strides = array<i32>} : memref<80x64xi32, #tpu.memory_space<vmem>>, vector<16xi32>,
        %parallel_loop3A_942 = vector.bitcast %parallel_loop3A_941 : vector<16xi32> to vector<32xbf16>
        %parallel_loop3A_943 = arith.index_cast %parallel_loop3A_938 : i32 to index
        %parallel_loop3A_944 = arith.constant 0 : index
        %parallel_loop3A_945 = tpu.vector_load %arg12[%parallel_loop3A_943, %parallel_loop3A_944] {strides = array<i32>} : memref<80x64xi32, #tpu.memory_space<vmem>>, vector<16xi32>,
        %parallel_loop3A_946 = vector.bitcast %parallel_loop3A_945 : vector<16xi32> to vector<32xbf16>
        %parallel_loop3A_947 = arith.mulf %parallel_loop3A_942, %parallel_loop3A_946 : vector<32xbf16>
        %parallel_loop3A_948 = arith.index_cast %parallel_loop3A_938 : i32 to index
        %parallel_loop3A_949 = arith.constant 16 : index
        %parallel_loop3A_950 = tpu.vector_load %arg11[%parallel_loop3A_948, %parallel_loop3A_949] {strides = array<i32>} : memref<80x64xi32, #tpu.memory_space<vmem>>, vector<16xi32>,
        %parallel_loop3A_951 = vector.bitcast %parallel_loop3A_950 : vector<16xi32> to vector<32xbf16>
        %parallel_loop3A_952 = arith.index_cast %parallel_loop3A_938 : i32 to index
        %parallel_loop3A_953 = arith.constant 16 : index
        %parallel_loop3A_954 = tpu.vector_load %arg12[%parallel_loop3A_952, %parallel_loop3A_953] {strides = array<i32>} : memref<80x64xi32, #tpu.memory_space<vmem>>, vector<16xi32>,
        %parallel_loop3A_955 = vector.bitcast %parallel_loop3A_954 : vector<16xi32> to vector<32xbf16>
        %parallel_loop3A_956 = arith.mulf %parallel_loop3A_951, %parallel_loop3A_955 : vector<32xbf16>
        %parallel_loop3A_957 = arith.index_cast %parallel_loop3A_938 : i32 to index
        %parallel_loop3A_958 = arith.constant 32 : index
        %parallel_loop3A_959 = tpu.vector_load %arg11[%parallel_loop3A_957, %parallel_loop3A_958] {strides = array<i32>} : memref<80x64xi32, #tpu.memory_space<vmem>>, vector<16xi32>,
        %parallel_loop3A_960 = vector.bitcast %parallel_loop3A_959 : vector<16xi32> to vector<32xbf16>
        %parallel_loop3A_961 = arith.index_cast %parallel_loop3A_938 : i32 to index
        %parallel_loop3A_962 = arith.constant 32 : index
        %parallel_loop3A_963 = tpu.vector_load %arg12[%parallel_loop3A_961, %parallel_loop3A_962] {strides = array<i32>} : memref<80x64xi32, #tpu.memory_space<vmem>>, vector<16xi32>,
        %parallel_loop3A_964 = vector.bitcast %parallel_loop3A_963 : vector<16xi32> to vector<32xbf16>
        %parallel_loop3A_965 = arith.mulf %parallel_loop3A_960, %parallel_loop3A_964 : vector<32xbf16>
        %parallel_loop3A_966 = arith.index_cast %parallel_loop3A_938 : i32 to index
        %parallel_loop3A_967 = arith.constant 48 : index
        %parallel_loop3A_968 = tpu.vector_load %arg11[%parallel_loop3A_966, %parallel_loop3A_967] {strides = array<i32>} : memref<80x64xi32, #tpu.memory_space<vmem>>, vector<16xi32>,
        %parallel_loop3A_969 = vector.bitcast %parallel_loop3A_968 : vector<16xi32> to vector<32xbf16>
        %parallel_loop3A_970 = arith.index_cast %parallel_loop3A_938 : i32 to index
        %parallel_loop3A_971 = arith.constant 48 : index
        %parallel_loop3A_972 = tpu.vector_load %arg12[%parallel_loop3A_970, %parallel_loop3A_971] {strides = array<i32>} : memref<80x64xi32, #tpu.memory_space<vmem>>, vector<16xi32>,
        %parallel_loop3A_973 = vector.bitcast %parallel_loop3A_972 : vector<16xi32> to vector<32xbf16>
        %parallel_loop3A_974 = arith.mulf %parallel_loop3A_969, %parallel_loop3A_973 : vector<32xbf16>
        %parallel_loop3A_975 = arith.addf %parallel_loop3A_947, %parallel_loop3A_956 : vector<32xbf16>
        %parallel_loop3A_976 = tpu.unpack_subelements %parallel_loop3A_975, 0 {pack_format = #tpu.pack_format<interleaved>} : vector<32xbf16> -> vector<16xf32>
        %parallel_loop3A_977 = tpu.unpack_subelements %parallel_loop3A_975, 1 {pack_format = #tpu.pack_format<interleaved>} : vector<32xbf16> -> vector<16xf32>
        %parallel_loop3A_978 = arith.addf %parallel_loop3A_976, %parallel_loop3A_977 : vector<16xf32>
        %parallel_loop3A_979 = arith.addf %parallel_loop3A_965, %parallel_loop3A_974 : vector<32xbf16>
        %parallel_loop3A_980 = tpu.unpack_subelements %parallel_loop3A_979, 0 {pack_format = #tpu.pack_format<interleaved>} : vector<32xbf16> -> vector<16xf32>
        %parallel_loop3A_981 = tpu.unpack_subelements %parallel_loop3A_979, 1 {pack_format = #tpu.pack_format<interleaved>} : vector<32xbf16> -> vector<16xf32>
        %parallel_loop3A_982 = arith.addf %parallel_loop3A_980, %parallel_loop3A_981 : vector<16xf32>
        %parallel_loop3A_983 = arith.addf %parallel_loop3A_978, %parallel_loop3A_982 : vector<16xf32>
        %parallel_loop3A_984 = arith.constant true
        %parallel_loop3A_985 = vector.broadcast %parallel_loop3A_984 : i1 to vector<16xi1>
        %parallel_loop3A_986 = tpu.scan <sum>, %parallel_loop3A_983 masked %parallel_loop3A_985 : vector<16xf32>, vector<16xi1> -> vector<16xf32>
        %parallel_loop3A_987 = vector.extract %parallel_loop3A_986[15] : f32 from vector<16xf32>
        %parallel_loop3A_988 = arith.constant 15 : i32
        %parallel_loop3A_989 = vector.broadcast %parallel_loop3A_988 : i32 to vector<16xi32>
        %parallel_loop3A_990 = arith.cmpi eq, %iota3A, %parallel_loop3A_989 : vector<16xi32>
        %parallel_loop3A_991 = vector.broadcast %parallel_loop3A_987 : f32 to vector<16xf32>
        %parallel_loop3A_992 = arith.select %parallel_loop3A_990, %parallel_loop3A_991, %parallel_loop3A_936 : vector<16xi1>, vector<16xf32>
        %parallel_loop3A_993 = arith.addi %mul3A_87, %parallel_loop3A_94 : i32
        %parallel_loop3A_994 = arith.index_cast %parallel_loop3A_993 : i32 to index
        %parallel_loop3A_995 = tpu.vector_load %arg13[%parallel_loop3A_994] {strides = array<i32>} : memref<10000xf32, #tpu.memory_space<vmem>>, vector<16xf32>,
        tpu.vector_store %arg13[%parallel_loop3A_994], %parallel_loop3A_992 {strides = array<i32>} : memref<10000xf32, #tpu.memory_space<vmem>>, vector<16xf32>,
      } {sc.loop_unroll_factor = 2 : i64, sc.parallel_access}
      %scan3A_91 = arith.constant 0 : i32
      scf.yield %scan3A_91 : i32
    }
    %scan3A_17 = arith.constant 62 : i32
    %dma_wait3A = arith.constant 9920 : i32
    %dma_wait3A_18 = tpu.memref_slice %arg7[%dma_wait3A] : memref<10000xi32, #tpu.memory_space<vmem>> -> memref<80xi32, #tpu.memory_space<vmem>>
    %dma_wait3A_19 = arith.constant 0 : i32
    %dma_wait3A_20 = arith.constant 0 : i32
    %dma_wait3A_21 = tpu.memref_slice %arg4[%dma_wait3A_19, %dma_wait3A_20] : memref<10000x64xi32, #tpu.memory_space<hbm>> -> memref<10000x64xi32, #tpu.memory_space<hbm>>
    tpu.wait_indirect_dma semaphore(%arg14 : memref<!tpu.dma_semaphore, #tpu.memory_space<semaphore_mem>>) src(%dma_wait3A_21 : memref<10000x64xi32, #tpu.memory_space<hbm>>) dst(%arg9 : memref<80x64xi32, #tpu.memory_space<vmem>>)
    %dma_wait3A_22 = arith.constant 9920 : i32
    %dma_wait3A_23 = tpu.memref_slice %arg8[%dma_wait3A_22] : memref<10000xi32, #tpu.memory_space<vmem>> -> memref<80xi32, #tpu.memory_space<vmem>>
    %dma_wait3A_24 = arith.constant 0 : i32
    %dma_wait3A_25 = arith.constant 0 : i32
    %dma_wait3A_26 = tpu.memref_slice %arg5[%dma_wait3A_24, %dma_wait3A_25] : memref<10000x64xi32, #tpu.memory_space<hbm>> -> memref<10000x64xi32, #tpu.memory_space<hbm>>
    tpu.wait_indirect_dma semaphore(%arg15 : memref<!tpu.dma_semaphore, #tpu.memory_space<semaphore_mem>>) src(%dma_wait3A_26 : memref<10000x64xi32, #tpu.memory_space<hbm>>) dst(%arg10 : memref<80x64xi32, #tpu.memory_space<vmem>>)
    %parallel_loop3A = arith.constant 0 : i32
    %parallel_loop3A_27 = arith.constant 5 : i32
    %parallel_loop3A_28 = arith.constant 1 : i32
    scf.for %parallel_loop3A_29 = %parallel_loop3A to %parallel_loop3A_27 step %parallel_loop3A_28  : i32 {
      %parallel_loop3A_30 = arith.constant 16 : i32
      %parallel_loop3A_31 = arith.muli %parallel_loop3A_29, %parallel_loop3A_30 : i32
      %parallel_loop3A_32 = arith.constant 0.000000e+00 : f32
      %parallel_loop3A_33 = vector.broadcast %parallel_loop3A_32 : f32 to vector<16xf32>
      %parallel_loop3A_34 = arith.constant 0 : i32
      %parallel_loop3A_35 = arith.addi %parallel_loop3A_31, %parallel_loop3A_34 : i32
      %parallel_loop3A_36 = arith.index_cast %parallel_loop3A_35 : i32 to index
      %parallel_loop3A_37 = arith.constant 0 : index
      %parallel_loop3A_38 = tpu.vector_load %arg9[%parallel_loop3A_36, %parallel_loop3A_37] {strides = array<i32>} : memref<80x64xi32, #tpu.memory_space<vmem>>, vector<16xi32>,
      %parallel_loop3A_39 = vector.bitcast %parallel_loop3A_38 : vector<16xi32> to vector<32xbf16>
      %parallel_loop3A_40 = arith.index_cast %parallel_loop3A_35 : i32 to index
      %parallel_loop3A_41 = arith.constant 0 : index
      %parallel_loop3A_42 = tpu.vector_load %arg10[%parallel_loop3A_40, %parallel_loop3A_41] {strides = array<i32>} : memref<80x64xi32, #tpu.memory_space<vmem>>, vector<16xi32>,
      %parallel_loop3A_43 = vector.bitcast %parallel_loop3A_42 : vector<16xi32> to vector<32xbf16>
      %parallel_loop3A_44 = arith.mulf %parallel_loop3A_39, %parallel_loop3A_43 : vector<32xbf16>
      %parallel_loop3A_45 = arith.index_cast %parallel_loop3A_35 : i32 to index
      %parallel_loop3A_46 = arith.constant 16 : index
      %parallel_loop3A_47 = tpu.vector_load %arg9[%parallel_loop3A_45, %parallel_loop3A_46] {strides = array<i32>} : memref<80x64xi32, #tpu.memory_space<vmem>>, vector<16xi32>,
      %parallel_loop3A_48 = vector.bitcast %parallel_loop3A_47 : vector<16xi32> to vector<32xbf16>
      %parallel_loop3A_49 = arith.index_cast %parallel_loop3A_35 : i32 to index
      %parallel_loop3A_50 = arith.constant 16 : index
      %parallel_loop3A_51 = tpu.vector_load %arg10[%parallel_loop3A_49, %parallel_loop3A_50] {strides = array<i32>} : memref<80x64xi32, #tpu.memory_space<vmem>>, vector<16xi32>,
      %parallel_loop3A_52 = vector.bitcast %parallel_loop3A_51 : vector<16xi32> to vector<32xbf16>
      %parallel_loop3A_53 = arith.mulf %parallel_loop3A_48, %parallel_loop3A_52 : vector<32xbf16>
      %parallel_loop3A_54 = arith.index_cast %parallel_loop3A_35 : i32 to index
      %parallel_loop3A_55 = arith.constant 32 : index
      %parallel_loop3A_56 = tpu.vector_load %arg9[%parallel_loop3A_54, %parallel_loop3A_55] {strides = array<i32>} : memref<80x64xi32, #tpu.memory_space<vmem>>, vector<16xi32>,
      %parallel_loop3A_57 = vector.bitcast %parallel_loop3A_56 : vector<16xi32> to vector<32xbf16>
      %parallel_loop3A_58 = arith.index_cast %parallel_loop3A_35 : i32 to index
      %parallel_loop3A_59 = arith.constant 32 : index
      %parallel_loop3A_60 = tpu.vector_load %arg10[%parallel_loop3A_58, %parallel_loop3A_59] {strides = array<i32>} : memref<80x64xi32, #tpu.memory_space<vmem>>, vector<16xi32>,
      %parallel_loop3A_61 = vector.bitcast %parallel_loop3A_60 : vector<16xi32> to vector<32xbf16>
      %parallel_loop3A_62 = arith.mulf %parallel_loop3A_57, %parallel_loop3A_61 : vector<32xbf16>
      %parallel_loop3A_63 = arith.index_cast %parallel_loop3A_35 : i32 to index
      %parallel_loop3A_64 = arith.constant 48 : index
      %parallel_loop3A_65 = tpu.vector_load %arg9[%parallel_loop3A_63, %parallel_loop3A_64] {strides = array<i32>} : memref<80x64xi32, #tpu.memory_space<vmem>>, vector<16xi32>,
      %parallel_loop3A_66 = vector.bitcast %parallel_loop3A_65 : vector<16xi32> to vector<32xbf16>
      %parallel_loop3A_67 = arith.index_cast %parallel_loop3A_35 : i32 to index
      %parallel_loop3A_68 = arith.constant 48 : index
      %parallel_loop3A_69 = tpu.vector_load %arg10[%parallel_loop3A_67, %parallel_loop3A_68] {strides = array<i32>} : memref<80x64xi32, #tpu.memory_space<vmem>>, vector<16xi32>,
      %parallel_loop3A_70 = vector.bitcast %parallel_loop3A_69 : vector<16xi32> to vector<32xbf16>
      %parallel_loop3A_71 = arith.mulf %parallel_loop3A_66, %parallel_loop3A_70 : vector<32xbf16>
      %parallel_loop3A_72 = arith.addf %parallel_loop3A_44, %parallel_loop3A_53 : vector<32xbf16>
      %parallel_loop3A_73 = tpu.unpack_subelements %parallel_loop3A_72, 0 {pack_format = #tpu.pack_format<interleaved>} : vector<32xbf16> -> vector<16xf32>
      %parallel_loop3A_74 = tpu.unpack_subelements %parallel_loop3A_72, 1 {pack_format = #tpu.pack_format<interleaved>} : vector<32xbf16> -> vector<16xf32>
      %parallel_loop3A_75 = arith.addf %parallel_loop3A_73, %parallel_loop3A_74 : vector<16xf32>
      %parallel_loop3A_76 = arith.addf %parallel_loop3A_62, %parallel_loop3A_71 : vector<32xbf16>
      %parallel_loop3A_77 = tpu.unpack_subelements %parallel_loop3A_76, 0 {pack_format = #tpu.pack_format<interleaved>} : vector<32xbf16> -> vector<16xf32>
      %parallel_loop3A_78 = tpu.unpack_subelements %parallel_loop3A_76, 1 {pack_format = #tpu.pack_format<interleaved>} : vector<32xbf16> -> vector<16xf32>
      %parallel_loop3A_79 = arith.addf %parallel_loop3A_77, %parallel_loop3A_78 : vector<16xf32>
      %parallel_loop3A_80 = arith.addf %parallel_loop3A_75, %parallel_loop3A_79 : vector<16xf32>
      %parallel_loop3A_81 = arith.constant true
      %parallel_loop3A_82 = vector.broadcast %parallel_loop3A_81 : i1 to vector<16xi1>
      %parallel_loop3A_83 = tpu.scan <sum>, %parallel_loop3A_80 masked %parallel_loop3A_82 : vector<16xf32>, vector<16xi1> -> vector<16xf32>
      %parallel_loop3A_84 = vector.extract %parallel_loop3A_83[15] : f32 from vector<16xf32>
      %parallel_loop3A_85 = arith.constant 0 : i32
      %parallel_loop3A_86 = vector.broadcast %parallel_loop3A_85 : i32 to vector<16xi32>
      %parallel_loop3A_87 = arith.cmpi eq, %iota3A, %parallel_loop3A_86 : vector<16xi32>
      %parallel_loop3A_88 = vector.broadcast %parallel_loop3A_84 : f32 to vector<16xf32>
      %parallel_loop3A_89 = arith.select %parallel_loop3A_87, %parallel_loop3A_88, %parallel_loop3A_33 : vector<16xi1>, vector<16xf32>
      %parallel_loop3A_90 = arith.constant 1 : i32
      %parallel_loop3A_91 = arith.addi %parallel_loop3A_31, %parallel_loop3A_90 : i32
      %parallel_loop3A_92 = arith.index_cast %parallel_loop3A_91 : i32 to index
      %parallel_loop3A_93 = arith.constant 0 : index
      %parallel_loop3A_94 = tpu.vector_load %arg9[%parallel_loop3A_92, %parallel_loop3A_93] {strides = array<i32>} : memref<80x64xi32, #tpu.memory_space<vmem>>, vector<16xi32>,
      %parallel_loop3A_95 = vector.bitcast %parallel_loop3A_94 : vector<16xi32> to vector<32xbf16>
      %parallel_loop3A_96 = arith.index_cast %parallel_loop3A_91 : i32 to index
      %parallel_loop3A_97 = arith.constant 0 : index
      %parallel_loop3A_98 = tpu.vector_load %arg10[%parallel_loop3A_96, %parallel_loop3A_97] {strides = array<i32>} : memref<80x64xi32, #tpu.memory_space<vmem>>, vector<16xi32>,
      %parallel_loop3A_99 = vector.bitcast %parallel_loop3A_98 : vector<16xi32> to vector<32xbf16>
      %parallel_loop3A_100 = arith.mulf %parallel_loop3A_95, %parallel_loop3A_99 : vector<32xbf16>
      %parallel_loop3A_101 = arith.index_cast %parallel_loop3A_91 : i32 to index
      %parallel_loop3A_102 = arith.constant 16 : index
      %parallel_loop3A_103 = tpu.vector_load %arg9[%parallel_loop3A_101, %parallel_loop3A_102] {strides = array<i32>} : memref<80x64xi32, #tpu.memory_space<vmem>>, vector<16xi32>,
      %parallel_loop3A_104 = vector.bitcast %parallel_loop3A_103 : vector<16xi32> to vector<32xbf16>
      %parallel_loop3A_105 = arith.index_cast %parallel_loop3A_91 : i32 to index
      %parallel_loop3A_106 = arith.constant 16 : index
      %parallel_loop3A_107 = tpu.vector_load %arg10[%parallel_loop3A_105, %parallel_loop3A_106] {strides = array<i32>} : memref<80x64xi32, #tpu.memory_space<vmem>>, vector<16xi32>,
      %parallel_loop3A_108 = vector.bitcast %parallel_loop3A_107 : vector<16xi32> to vector<32xbf16>
      %parallel_loop3A_109 = arith.mulf %parallel_loop3A_104, %parallel_loop3A_108 : vector<32xbf16>
      %parallel_loop3A_110 = arith.index_cast %parallel_loop3A_91 : i32 to index
      %parallel_loop3A_111 = arith.constant 32 : index
      %parallel_loop3A_112 = tpu.vector_load %arg9[%parallel_loop3A_110, %parallel_loop3A_111] {strides = array<i32>} : memref<80x64xi32, #tpu.memory_space<vmem>>, vector<16xi32>,
      %parallel_loop3A_113 = vector.bitcast %parallel_loop3A_112 : vector<16xi32> to vector<32xbf16>
      %parallel_loop3A_114 = arith.index_cast %parallel_loop3A_91 : i32 to index
      %parallel_loop3A_115 = arith.constant 32 : index
      %parallel_loop3A_116 = tpu.vector_load %arg10[%parallel_loop3A_114, %parallel_loop3A_115] {strides = array<i32>} : memref<80x64xi32, #tpu.memory_space<vmem>>, vector<16xi32>,
      %parallel_loop3A_117 = vector.bitcast %parallel_loop3A_116 : vector<16xi32> to vector<32xbf16>
      %parallel_loop3A_118 = arith.mulf %parallel_loop3A_113, %parallel_loop3A_117 : vector<32xbf16>
      %parallel_loop3A_119 = arith.index_cast %parallel_loop3A_91 : i32 to index
      %parallel_loop3A_120 = arith.constant 48 : index
      %parallel_loop3A_121 = tpu.vector_load %arg9[%parallel_loop3A_119, %parallel_loop3A_120] {strides = array<i32>} : memref<80x64xi32, #tpu.memory_space<vmem>>, vector<16xi32>,
      %parallel_loop3A_122 = vector.bitcast %parallel_loop3A_121 : vector<16xi32> to vector<32xbf16>
      %parallel_loop3A_123 = arith.index_cast %parallel_loop3A_91 : i32 to index
      %parallel_loop3A_124 = arith.constant 48 : index
      %parallel_loop3A_125 = tpu.vector_load %arg10[%parallel_loop3A_123, %parallel_loop3A_124] {strides = array<i32>} : memref<80x64xi32, #tpu.memory_space<vmem>>, vector<16xi32>,
      %parallel_loop3A_126 = vector.bitcast %parallel_loop3A_125 : vector<16xi32> to vector<32xbf16>
      %parallel_loop3A_127 = arith.mulf %parallel_loop3A_122, %parallel_loop3A_126 : vector<32xbf16>
      %parallel_loop3A_128 = arith.addf %parallel_loop3A_100, %parallel_loop3A_109 : vector<32xbf16>
      %parallel_loop3A_129 = tpu.unpack_subelements %parallel_loop3A_128, 0 {pack_format = #tpu.pack_format<interleaved>} : vector<32xbf16> -> vector<16xf32>
      %parallel_loop3A_130 = tpu.unpack_subelements %parallel_loop3A_128, 1 {pack_format = #tpu.pack_format<interleaved>} : vector<32xbf16> -> vector<16xf32>
      %parallel_loop3A_131 = arith.addf %parallel_loop3A_129, %parallel_loop3A_130 : vector<16xf32>
      %parallel_loop3A_132 = arith.addf %parallel_loop3A_118, %parallel_loop3A_127 : vector<32xbf16>
      %parallel_loop3A_133 = tpu.unpack_subelements %parallel_loop3A_132, 0 {pack_format = #tpu.pack_format<interleaved>} : vector<32xbf16> -> vector<16xf32>
      %parallel_loop3A_134 = tpu.unpack_subelements %parallel_loop3A_132, 1 {pack_format = #tpu.pack_format<interleaved>} : vector<32xbf16> -> vector<16xf32>
      %parallel_loop3A_135 = arith.addf %parallel_loop3A_133, %parallel_loop3A_134 : vector<16xf32>
      %parallel_loop3A_136 = arith.addf %parallel_loop3A_131, %parallel_loop3A_135 : vector<16xf32>
      %parallel_loop3A_137 = arith.constant true
      %parallel_loop3A_138 = vector.broadcast %parallel_loop3A_137 : i1 to vector<16xi1>
      %parallel_loop3A_139 = tpu.scan <sum>, %parallel_loop3A_136 masked %parallel_loop3A_138 : vector<16xf32>, vector<16xi1> -> vector<16xf32>
      %parallel_loop3A_140 = vector.extract %parallel_loop3A_139[15] : f32 from vector<16xf32>
      %parallel_loop3A_141 = arith.constant 1 : i32
      %parallel_loop3A_142 = vector.broadcast %parallel_loop3A_141 : i32 to vector<16xi32>
      %parallel_loop3A_143 = arith.cmpi eq, %iota3A, %parallel_loop3A_142 : vector<16xi32>
      %parallel_loop3A_144 = vector.broadcast %parallel_loop3A_140 : f32 to vector<16xf32>
      %parallel_loop3A_145 = arith.select %parallel_loop3A_143, %parallel_loop3A_144, %parallel_loop3A_89 : vector<16xi1>, vector<16xf32>
      %parallel_loop3A_146 = arith.constant 2 : i32
      %parallel_loop3A_147 = arith.addi %parallel_loop3A_31, %parallel_loop3A_146 : i32
      %parallel_loop3A_148 = arith.index_cast %parallel_loop3A_147 : i32 to index
      %parallel_loop3A_149 = arith.constant 0 : index
      %parallel_loop3A_150 = tpu.vector_load %arg9[%parallel_loop3A_148, %parallel_loop3A_149] {strides = array<i32>} : memref<80x64xi32, #tpu.memory_space<vmem>>, vector<16xi32>,
      %parallel_loop3A_151 = vector.bitcast %parallel_loop3A_150 : vector<16xi32> to vector<32xbf16>
      %parallel_loop3A_152 = arith.index_cast %parallel_loop3A_147 : i32 to index
      %parallel_loop3A_153 = arith.constant 0 : index
      %parallel_loop3A_154 = tpu.vector_load %arg10[%parallel_loop3A_152, %parallel_loop3A_153] {strides = array<i32>} : memref<80x64xi32, #tpu.memory_space<vmem>>, vector<16xi32>,
      %parallel_loop3A_155 = vector.bitcast %parallel_loop3A_154 : vector<16xi32> to vector<32xbf16>
      %parallel_loop3A_156 = arith.mulf %parallel_loop3A_151, %parallel_loop3A_155 : vector<32xbf16>
      %parallel_loop3A_157 = arith.index_cast %parallel_loop3A_147 : i32 to index
      %parallel_loop3A_158 = arith.constant 16 : index
      %parallel_loop3A_159 = tpu.vector_load %arg9[%parallel_loop3A_157, %parallel_loop3A_158] {strides = array<i32>} : memref<80x64xi32, #tpu.memory_space<vmem>>, vector<16xi32>,
      %parallel_loop3A_160 = vector.bitcast %parallel_loop3A_159 : vector<16xi32> to vector<32xbf16>
      %parallel_loop3A_161 = arith.index_cast %parallel_loop3A_147 : i32 to index
      %parallel_loop3A_162 = arith.constant 16 : index
      %parallel_loop3A_163 = tpu.vector_load %arg10[%parallel_loop3A_161, %parallel_loop3A_162] {strides = array<i32>} : memref<80x64xi32, #tpu.memory_space<vmem>>, vector<16xi32>,
      %parallel_loop3A_164 = vector.bitcast %parallel_loop3A_163 : vector<16xi32> to vector<32xbf16>
      %parallel_loop3A_165 = arith.mulf %parallel_loop3A_160, %parallel_loop3A_164 : vector<32xbf16>
      %parallel_loop3A_166 = arith.index_cast %parallel_loop3A_147 : i32 to index
      %parallel_loop3A_167 = arith.constant 32 : index
      %parallel_loop3A_168 = tpu.vector_load %arg9[%parallel_loop3A_166, %parallel_loop3A_167] {strides = array<i32>} : memref<80x64xi32, #tpu.memory_space<vmem>>, vector<16xi32>,
      %parallel_loop3A_169 = vector.bitcast %parallel_loop3A_168 : vector<16xi32> to vector<32xbf16>
      %parallel_loop3A_170 = arith.index_cast %parallel_loop3A_147 : i32 to index
      %parallel_loop3A_171 = arith.constant 32 : index
      %parallel_loop3A_172 = tpu.vector_load %arg10[%parallel_loop3A_170, %parallel_loop3A_171] {strides = array<i32>} : memref<80x64xi32, #tpu.memory_space<vmem>>, vector<16xi32>,
      %parallel_loop3A_173 = vector.bitcast %parallel_loop3A_172 : vector<16xi32> to vector<32xbf16>
      %parallel_loop3A_174 = arith.mulf %parallel_loop3A_169, %parallel_loop3A_173 : vector<32xbf16>
      %parallel_loop3A_175 = arith.index_cast %parallel_loop3A_147 : i32 to index
      %parallel_loop3A_176 = arith.constant 48 : index
      %parallel_loop3A_177 = tpu.vector_load %arg9[%parallel_loop3A_175, %parallel_loop3A_176] {strides = array<i32>} : memref<80x64xi32, #tpu.memory_space<vmem>>, vector<16xi32>,
      %parallel_loop3A_178 = vector.bitcast %parallel_loop3A_177 : vector<16xi32> to vector<32xbf16>
      %parallel_loop3A_179 = arith.index_cast %parallel_loop3A_147 : i32 to index
      %parallel_loop3A_180 = arith.constant 48 : index
      %parallel_loop3A_181 = tpu.vector_load %arg10[%parallel_loop3A_179, %parallel_loop3A_180] {strides = array<i32>} : memref<80x64xi32, #tpu.memory_space<vmem>>, vector<16xi32>,
      %parallel_loop3A_182 = vector.bitcast %parallel_loop3A_181 : vector<16xi32> to vector<32xbf16>
      %parallel_loop3A_183 = arith.mulf %parallel_loop3A_178, %parallel_loop3A_182 : vector<32xbf16>
      %parallel_loop3A_184 = arith.addf %parallel_loop3A_156, %parallel_loop3A_165 : vector<32xbf16>
      %parallel_loop3A_185 = tpu.unpack_subelements %parallel_loop3A_184, 0 {pack_format = #tpu.pack_format<interleaved>} : vector<32xbf16> -> vector<16xf32>
      %parallel_loop3A_186 = tpu.unpack_subelements %parallel_loop3A_184, 1 {pack_format = #tpu.pack_format<interleaved>} : vector<32xbf16> -> vector<16xf32>
      %parallel_loop3A_187 = arith.addf %parallel_loop3A_185, %parallel_loop3A_186 : vector<16xf32>
      %parallel_loop3A_188 = arith.addf %parallel_loop3A_174, %parallel_loop3A_183 : vector<32xbf16>
      %parallel_loop3A_189 = tpu.unpack_subelements %parallel_loop3A_188, 0 {pack_format = #tpu.pack_format<interleaved>} : vector<32xbf16> -> vector<16xf32>
      %parallel_loop3A_190 = tpu.unpack_subelements %parallel_loop3A_188, 1 {pack_format = #tpu.pack_format<interleaved>} : vector<32xbf16> -> vector<16xf32>
      %parallel_loop3A_191 = arith.addf %parallel_loop3A_189, %parallel_loop3A_190 : vector<16xf32>
      %parallel_loop3A_192 = arith.addf %parallel_loop3A_187, %parallel_loop3A_191 : vector<16xf32>
      %parallel_loop3A_193 = arith.constant true
      %parallel_loop3A_194 = vector.broadcast %parallel_loop3A_193 : i1 to vector<16xi1>
      %parallel_loop3A_195 = tpu.scan <sum>, %parallel_loop3A_192 masked %parallel_loop3A_194 : vector<16xf32>, vector<16xi1> -> vector<16xf32>
      %parallel_loop3A_196 = vector.extract %parallel_loop3A_195[15] : f32 from vector<16xf32>
      %parallel_loop3A_197 = arith.constant 2 : i32
      %parallel_loop3A_198 = vector.broadcast %parallel_loop3A_197 : i32 to vector<16xi32>
      %parallel_loop3A_199 = arith.cmpi eq, %iota3A, %parallel_loop3A_198 : vector<16xi32>
      %parallel_loop3A_200 = vector.broadcast %parallel_loop3A_196 : f32 to vector<16xf32>
      %parallel_loop3A_201 = arith.select %parallel_loop3A_199, %parallel_loop3A_200, %parallel_loop3A_145 : vector<16xi1>, vector<16xf32>
      %parallel_loop3A_202 = arith.constant 3 : i32
      %parallel_loop3A_203 = arith.addi %parallel_loop3A_31, %parallel_loop3A_202 : i32
      %parallel_loop3A_204 = arith.index_cast %parallel_loop3A_203 : i32 to index
      %parallel_loop3A_205 = arith.constant 0 : index
      %parallel_loop3A_206 = tpu.vector_load %arg9[%parallel_loop3A_204, %parallel_loop3A_205] {strides = array<i32>} : memref<80x64xi32, #tpu.memory_space<vmem>>, vector<16xi32>,
      %parallel_loop3A_207 = vector.bitcast %parallel_loop3A_206 : vector<16xi32> to vector<32xbf16>
      %parallel_loop3A_208 = arith.index_cast %parallel_loop3A_203 : i32 to index
      %parallel_loop3A_209 = arith.constant 0 : index
      %parallel_loop3A_210 = tpu.vector_load %arg10[%parallel_loop3A_208, %parallel_loop3A_209] {strides = array<i32>} : memref<80x64xi32, #tpu.memory_space<vmem>>, vector<16xi32>,
      %parallel_loop3A_211 = vector.bitcast %parallel_loop3A_210 : vector<16xi32> to vector<32xbf16>
      %parallel_loop3A_212 = arith.mulf %parallel_loop3A_207, %parallel_loop3A_211 : vector<32xbf16>
      %parallel_loop3A_213 = arith.index_cast %parallel_loop3A_203 : i32 to index
      %parallel_loop3A_214 = arith.constant 16 : index
      %parallel_loop3A_215 = tpu.vector_load %arg9[%parallel_loop3A_213, %parallel_loop3A_214] {strides = array<i32>} : memref<80x64xi32, #tpu.memory_space<vmem>>, vector<16xi32>,
      %parallel_loop3A_216 = vector.bitcast %parallel_loop3A_215 : vector<16xi32> to vector<32xbf16>
      %parallel_loop3A_217 = arith.index_cast %parallel_loop3A_203 : i32 to index
      %parallel_loop3A_218 = arith.constant 16 : index
      %parallel_loop3A_219 = tpu.vector_load %arg10[%parallel_loop3A_217, %parallel_loop3A_218] {strides = array<i32>} : memref<80x64xi32, #tpu.memory_space<vmem>>, vector<16xi32>,
      %parallel_loop3A_220 = vector.bitcast %parallel_loop3A_219 : vector<16xi32> to vector<32xbf16>
      %parallel_loop3A_221 = arith.mulf %parallel_loop3A_216, %parallel_loop3A_220 : vector<32xbf16>
      %parallel_loop3A_222 = arith.index_cast %parallel_loop3A_203 : i32 to index
      %parallel_loop3A_223 = arith.constant 32 : index
      %parallel_loop3A_224 = tpu.vector_load %arg9[%parallel_loop3A_222, %parallel_loop3A_223] {strides = array<i32>} : memref<80x64xi32, #tpu.memory_space<vmem>>, vector<16xi32>,
      %parallel_loop3A_225 = vector.bitcast %parallel_loop3A_224 : vector<16xi32> to vector<32xbf16>
      %parallel_loop3A_226 = arith.index_cast %parallel_loop3A_203 : i32 to index
      %parallel_loop3A_227 = arith.constant 32 : index
      %parallel_loop3A_228 = tpu.vector_load %arg10[%parallel_loop3A_226, %parallel_loop3A_227] {strides = array<i32>} : memref<80x64xi32, #tpu.memory_space<vmem>>, vector<16xi32>,
      %parallel_loop3A_229 = vector.bitcast %parallel_loop3A_228 : vector<16xi32> to vector<32xbf16>
      %parallel_loop3A_230 = arith.mulf %parallel_loop3A_225, %parallel_loop3A_229 : vector<32xbf16>
      %parallel_loop3A_231 = arith.index_cast %parallel_loop3A_203 : i32 to index
      %parallel_loop3A_232 = arith.constant 48 : index
      %parallel_loop3A_233 = tpu.vector_load %arg9[%parallel_loop3A_231, %parallel_loop3A_232] {strides = array<i32>} : memref<80x64xi32, #tpu.memory_space<vmem>>, vector<16xi32>,
      %parallel_loop3A_234 = vector.bitcast %parallel_loop3A_233 : vector<16xi32> to vector<32xbf16>
      %parallel_loop3A_235 = arith.index_cast %parallel_loop3A_203 : i32 to index
      %parallel_loop3A_236 = arith.constant 48 : index
      %parallel_loop3A_237 = tpu.vector_load %arg10[%parallel_loop3A_235, %parallel_loop3A_236] {strides = array<i32>} : memref<80x64xi32, #tpu.memory_space<vmem>>, vector<16xi32>,
      %parallel_loop3A_238 = vector.bitcast %parallel_loop3A_237 : vector<16xi32> to vector<32xbf16>
      %parallel_loop3A_239 = arith.mulf %parallel_loop3A_234, %parallel_loop3A_238 : vector<32xbf16>
      %parallel_loop3A_240 = arith.addf %parallel_loop3A_212, %parallel_loop3A_221 : vector<32xbf16>
      %parallel_loop3A_241 = tpu.unpack_subelements %parallel_loop3A_240, 0 {pack_format = #tpu.pack_format<interleaved>} : vector<32xbf16> -> vector<16xf32>
      %parallel_loop3A_242 = tpu.unpack_subelements %parallel_loop3A_240, 1 {pack_format = #tpu.pack_format<interleaved>} : vector<32xbf16> -> vector<16xf32>
      %parallel_loop3A_243 = arith.addf %parallel_loop3A_241, %parallel_loop3A_242 : vector<16xf32>
      %parallel_loop3A_244 = arith.addf %parallel_loop3A_230, %parallel_loop3A_239 : vector<32xbf16>
      %parallel_loop3A_245 = tpu.unpack_subelements %parallel_loop3A_244, 0 {pack_format = #tpu.pack_format<interleaved>} : vector<32xbf16> -> vector<16xf32>
      %parallel_loop3A_246 = tpu.unpack_subelements %parallel_loop3A_244, 1 {pack_format = #tpu.pack_format<interleaved>} : vector<32xbf16> -> vector<16xf32>
      %parallel_loop3A_247 = arith.addf %parallel_loop3A_245, %parallel_loop3A_246 : vector<16xf32>
      %parallel_loop3A_248 = arith.addf %parallel_loop3A_243, %parallel_loop3A_247 : vector<16xf32>
      %parallel_loop3A_249 = arith.constant true
      %parallel_loop3A_250 = vector.broadcast %parallel_loop3A_249 : i1 to vector<16xi1>
      %parallel_loop3A_251 = tpu.scan <sum>, %parallel_loop3A_248 masked %parallel_loop3A_250 : vector<16xf32>, vector<16xi1> -> vector<16xf32>
      %parallel_loop3A_252 = vector.extract %parallel_loop3A_251[15] : f32 from vector<16xf32>
      %parallel_loop3A_253 = arith.constant 3 : i32
      %parallel_loop3A_254 = vector.broadcast %parallel_loop3A_253 : i32 to vector<16xi32>
      %parallel_loop3A_255 = arith.cmpi eq, %iota3A, %parallel_loop3A_254 : vector<16xi32>
      %parallel_loop3A_256 = vector.broadcast %parallel_loop3A_252 : f32 to vector<16xf32>
      %parallel_loop3A_257 = arith.select %parallel_loop3A_255, %parallel_loop3A_256, %parallel_loop3A_201 : vector<16xi1>, vector<16xf32>
      %parallel_loop3A_258 = arith.constant 4 : i32
      %parallel_loop3A_259 = arith.addi %parallel_loop3A_31, %parallel_loop3A_258 : i32
      %parallel_loop3A_260 = arith.index_cast %parallel_loop3A_259 : i32 to index
      %parallel_loop3A_261 = arith.constant 0 : index
      %parallel_loop3A_262 = tpu.vector_load %arg9[%parallel_loop3A_260, %parallel_loop3A_261] {strides = array<i32>} : memref<80x64xi32, #tpu.memory_space<vmem>>, vector<16xi32>,
      %parallel_loop3A_263 = vector.bitcast %parallel_loop3A_262 : vector<16xi32> to vector<32xbf16>
      %parallel_loop3A_264 = arith.index_cast %parallel_loop3A_259 : i32 to index
      %parallel_loop3A_265 = arith.constant 0 : index
      %parallel_loop3A_266 = tpu.vector_load %arg10[%parallel_loop3A_264, %parallel_loop3A_265] {strides = array<i32>} : memref<80x64xi32, #tpu.memory_space<vmem>>, vector<16xi32>,
      %parallel_loop3A_267 = vector.bitcast %parallel_loop3A_266 : vector<16xi32> to vector<32xbf16>
      %parallel_loop3A_268 = arith.mulf %parallel_loop3A_263, %parallel_loop3A_267 : vector<32xbf16>
      %parallel_loop3A_269 = arith.index_cast %parallel_loop3A_259 : i32 to index
      %parallel_loop3A_270 = arith.constant 16 : index
      %parallel_loop3A_271 = tpu.vector_load %arg9[%parallel_loop3A_269, %parallel_loop3A_270] {strides = array<i32>} : memref<80x64xi32, #tpu.memory_space<vmem>>, vector<16xi32>,
      %parallel_loop3A_272 = vector.bitcast %parallel_loop3A_271 : vector<16xi32> to vector<32xbf16>
      %parallel_loop3A_273 = arith.index_cast %parallel_loop3A_259 : i32 to index
      %parallel_loop3A_274 = arith.constant 16 : index
      %parallel_loop3A_275 = tpu.vector_load %arg10[%parallel_loop3A_273, %parallel_loop3A_274] {strides = array<i32>} : memref<80x64xi32, #tpu.memory_space<vmem>>, vector<16xi32>,
      %parallel_loop3A_276 = vector.bitcast %parallel_loop3A_275 : vector<16xi32> to vector<32xbf16>
      %parallel_loop3A_277 = arith.mulf %parallel_loop3A_272, %parallel_loop3A_276 : vector<32xbf16>
      %parallel_loop3A_278 = arith.index_cast %parallel_loop3A_259 : i32 to index
      %parallel_loop3A_279 = arith.constant 32 : index
      %parallel_loop3A_280 = tpu.vector_load %arg9[%parallel_loop3A_278, %parallel_loop3A_279] {strides = array<i32>} : memref<80x64xi32, #tpu.memory_space<vmem>>, vector<16xi32>,
      %parallel_loop3A_281 = vector.bitcast %parallel_loop3A_280 : vector<16xi32> to vector<32xbf16>
      %parallel_loop3A_282 = arith.index_cast %parallel_loop3A_259 : i32 to index
      %parallel_loop3A_283 = arith.constant 32 : index
      %parallel_loop3A_284 = tpu.vector_load %arg10[%parallel_loop3A_282, %parallel_loop3A_283] {strides = array<i32>} : memref<80x64xi32, #tpu.memory_space<vmem>>, vector<16xi32>,
      %parallel_loop3A_285 = vector.bitcast %parallel_loop3A_284 : vector<16xi32> to vector<32xbf16>
      %parallel_loop3A_286 = arith.mulf %parallel_loop3A_281, %parallel_loop3A_285 : vector<32xbf16>
      %parallel_loop3A_287 = arith.index_cast %parallel_loop3A_259 : i32 to index
      %parallel_loop3A_288 = arith.constant 48 : index
      %parallel_loop3A_289 = tpu.vector_load %arg9[%parallel_loop3A_287, %parallel_loop3A_288] {strides = array<i32>} : memref<80x64xi32, #tpu.memory_space<vmem>>, vector<16xi32>,
      %parallel_loop3A_290 = vector.bitcast %parallel_loop3A_289 : vector<16xi32> to vector<32xbf16>
      %parallel_loop3A_291 = arith.index_cast %parallel_loop3A_259 : i32 to index
      %parallel_loop3A_292 = arith.constant 48 : index
      %parallel_loop3A_293 = tpu.vector_load %arg10[%parallel_loop3A_291, %parallel_loop3A_292] {strides = array<i32>} : memref<80x64xi32, #tpu.memory_space<vmem>>, vector<16xi32>,
      %parallel_loop3A_294 = vector.bitcast %parallel_loop3A_293 : vector<16xi32> to vector<32xbf16>
      %parallel_loop3A_295 = arith.mulf %parallel_loop3A_290, %parallel_loop3A_294 : vector<32xbf16>
      %parallel_loop3A_296 = arith.addf %parallel_loop3A_268, %parallel_loop3A_277 : vector<32xbf16>
      %parallel_loop3A_297 = tpu.unpack_subelements %parallel_loop3A_296, 0 {pack_format = #tpu.pack_format<interleaved>} : vector<32xbf16> -> vector<16xf32>
      %parallel_loop3A_298 = tpu.unpack_subelements %parallel_loop3A_296, 1 {pack_format = #tpu.pack_format<interleaved>} : vector<32xbf16> -> vector<16xf32>
      %parallel_loop3A_299 = arith.addf %parallel_loop3A_297, %parallel_loop3A_298 : vector<16xf32>
      %parallel_loop3A_300 = arith.addf %parallel_loop3A_286, %parallel_loop3A_295 : vector<32xbf16>
      %parallel_loop3A_301 = tpu.unpack_subelements %parallel_loop3A_300, 0 {pack_format = #tpu.pack_format<interleaved>} : vector<32xbf16> -> vector<16xf32>
      %parallel_loop3A_302 = tpu.unpack_subelements %parallel_loop3A_300, 1 {pack_format = #tpu.pack_format<interleaved>} : vector<32xbf16> -> vector<16xf32>
      %parallel_loop3A_303 = arith.addf %parallel_loop3A_301, %parallel_loop3A_302 : vector<16xf32>
      %parallel_loop3A_304 = arith.addf %parallel_loop3A_299, %parallel_loop3A_303 : vector<16xf32>
      %parallel_loop3A_305 = arith.constant true
      %parallel_loop3A_306 = vector.broadcast %parallel_loop3A_305 : i1 to vector<16xi1>
      %parallel_loop3A_307 = tpu.scan <sum>, %parallel_loop3A_304 masked %parallel_loop3A_306 : vector<16xf32>, vector<16xi1> -> vector<16xf32>
      %parallel_loop3A_308 = vector.extract %parallel_loop3A_307[15] : f32 from vector<16xf32>
      %parallel_loop3A_309 = arith.constant 4 : i32
      %parallel_loop3A_310 = vector.broadcast %parallel_loop3A_309 : i32 to vector<16xi32>
      %parallel_loop3A_311 = arith.cmpi eq, %iota3A, %parallel_loop3A_310 : vector<16xi32>
      %parallel_loop3A_312 = vector.broadcast %parallel_loop3A_308 : f32 to vector<16xf32>
      %parallel_loop3A_313 = arith.select %parallel_loop3A_311, %parallel_loop3A_312, %parallel_loop3A_257 : vector<16xi1>, vector<16xf32>
      %parallel_loop3A_314 = arith.constant 5 : i32
      %parallel_loop3A_315 = arith.addi %parallel_loop3A_31, %parallel_loop3A_314 : i32
      %parallel_loop3A_316 = arith.index_cast %parallel_loop3A_315 : i32 to index
      %parallel_loop3A_317 = arith.constant 0 : index
      %parallel_loop3A_318 = tpu.vector_load %arg9[%parallel_loop3A_316, %parallel_loop3A_317] {strides = array<i32>} : memref<80x64xi32, #tpu.memory_space<vmem>>, vector<16xi32>,
      %parallel_loop3A_319 = vector.bitcast %parallel_loop3A_318 : vector<16xi32> to vector<32xbf16>
      %parallel_loop3A_320 = arith.index_cast %parallel_loop3A_315 : i32 to index
      %parallel_loop3A_321 = arith.constant 0 : index
      %parallel_loop3A_322 = tpu.vector_load %arg10[%parallel_loop3A_320, %parallel_loop3A_321] {strides = array<i32>} : memref<80x64xi32, #tpu.memory_space<vmem>>, vector<16xi32>,
      %parallel_loop3A_323 = vector.bitcast %parallel_loop3A_322 : vector<16xi32> to vector<32xbf16>
      %parallel_loop3A_324 = arith.mulf %parallel_loop3A_319, %parallel_loop3A_323 : vector<32xbf16>
      %parallel_loop3A_325 = arith.index_cast %parallel_loop3A_315 : i32 to index
      %parallel_loop3A_326 = arith.constant 16 : index
      %parallel_loop3A_327 = tpu.vector_load %arg9[%parallel_loop3A_325, %parallel_loop3A_326] {strides = array<i32>} : memref<80x64xi32, #tpu.memory_space<vmem>>, vector<16xi32>,
      %parallel_loop3A_328 = vector.bitcast %parallel_loop3A_327 : vector<16xi32> to vector<32xbf16>
      %parallel_loop3A_329 = arith.index_cast %parallel_loop3A_315 : i32 to index
      %parallel_loop3A_330 = arith.constant 16 : index
      %parallel_loop3A_331 = tpu.vector_load %arg10[%parallel_loop3A_329, %parallel_loop3A_330] {strides = array<i32>} : memref<80x64xi32, #tpu.memory_space<vmem>>, vector<16xi32>,
      %parallel_loop3A_332 = vector.bitcast %parallel_loop3A_331 : vector<16xi32> to vector<32xbf16>
      %parallel_loop3A_333 = arith.mulf %parallel_loop3A_328, %parallel_loop3A_332 : vector<32xbf16>
      %parallel_loop3A_334 = arith.index_cast %parallel_loop3A_315 : i32 to index
      %parallel_loop3A_335 = arith.constant 32 : index
      %parallel_loop3A_336 = tpu.vector_load %arg9[%parallel_loop3A_334, %parallel_loop3A_335] {strides = array<i32>} : memref<80x64xi32, #tpu.memory_space<vmem>>, vector<16xi32>,
      %parallel_loop3A_337 = vector.bitcast %parallel_loop3A_336 : vector<16xi32> to vector<32xbf16>
      %parallel_loop3A_338 = arith.index_cast %parallel_loop3A_315 : i32 to index
      %parallel_loop3A_339 = arith.constant 32 : index
      %parallel_loop3A_340 = tpu.vector_load %arg10[%parallel_loop3A_338, %parallel_loop3A_339] {strides = array<i32>} : memref<80x64xi32, #tpu.memory_space<vmem>>, vector<16xi32>,
      %parallel_loop3A_341 = vector.bitcast %parallel_loop3A_340 : vector<16xi32> to vector<32xbf16>
      %parallel_loop3A_342 = arith.mulf %parallel_loop3A_337, %parallel_loop3A_341 : vector<32xbf16>
      %parallel_loop3A_343 = arith.index_cast %parallel_loop3A_315 : i32 to index
      %parallel_loop3A_344 = arith.constant 48 : index
      %parallel_loop3A_345 = tpu.vector_load %arg9[%parallel_loop3A_343, %parallel_loop3A_344] {strides = array<i32>} : memref<80x64xi32, #tpu.memory_space<vmem>>, vector<16xi32>,
      %parallel_loop3A_346 = vector.bitcast %parallel_loop3A_345 : vector<16xi32> to vector<32xbf16>
      %parallel_loop3A_347 = arith.index_cast %parallel_loop3A_315 : i32 to index
      %parallel_loop3A_348 = arith.constant 48 : index
      %parallel_loop3A_349 = tpu.vector_load %arg10[%parallel_loop3A_347, %parallel_loop3A_348] {strides = array<i32>} : memref<80x64xi32, #tpu.memory_space<vmem>>, vector<16xi32>,
      %parallel_loop3A_350 = vector.bitcast %parallel_loop3A_349 : vector<16xi32> to vector<32xbf16>
      %parallel_loop3A_351 = arith.mulf %parallel_loop3A_346, %parallel_loop3A_350 : vector<32xbf16>
      %parallel_loop3A_352 = arith.addf %parallel_loop3A_324, %parallel_loop3A_333 : vector<32xbf16>
      %parallel_loop3A_353 = tpu.unpack_subelements %parallel_loop3A_352, 0 {pack_format = #tpu.pack_format<interleaved>} : vector<32xbf16> -> vector<16xf32>
      %parallel_loop3A_354 = tpu.unpack_subelements %parallel_loop3A_352, 1 {pack_format = #tpu.pack_format<interleaved>} : vector<32xbf16> -> vector<16xf32>
      %parallel_loop3A_355 = arith.addf %parallel_loop3A_353, %parallel_loop3A_354 : vector<16xf32>
      %parallel_loop3A_356 = arith.addf %parallel_loop3A_342, %parallel_loop3A_351 : vector<32xbf16>
      %parallel_loop3A_357 = tpu.unpack_subelements %parallel_loop3A_356, 0 {pack_format = #tpu.pack_format<interleaved>} : vector<32xbf16> -> vector<16xf32>
      %parallel_loop3A_358 = tpu.unpack_subelements %parallel_loop3A_356, 1 {pack_format = #tpu.pack_format<interleaved>} : vector<32xbf16> -> vector<16xf32>
      %parallel_loop3A_359 = arith.addf %parallel_loop3A_357, %parallel_loop3A_358 : vector<16xf32>
      %parallel_loop3A_360 = arith.addf %parallel_loop3A_355, %parallel_loop3A_359 : vector<16xf32>
      %parallel_loop3A_361 = arith.constant true
      %parallel_loop3A_362 = vector.broadcast %parallel_loop3A_361 : i1 to vector<16xi1>
      %parallel_loop3A_363 = tpu.scan <sum>, %parallel_loop3A_360 masked %parallel_loop3A_362 : vector<16xf32>, vector<16xi1> -> vector<16xf32>
      %parallel_loop3A_364 = vector.extract %parallel_loop3A_363[15] : f32 from vector<16xf32>
      %parallel_loop3A_365 = arith.constant 5 : i32
      %parallel_loop3A_366 = vector.broadcast %parallel_loop3A_365 : i32 to vector<16xi32>
      %parallel_loop3A_367 = arith.cmpi eq, %iota3A, %parallel_loop3A_366 : vector<16xi32>
      %parallel_loop3A_368 = vector.broadcast %parallel_loop3A_364 : f32 to vector<16xf32>
      %parallel_loop3A_369 = arith.select %parallel_loop3A_367, %parallel_loop3A_368, %parallel_loop3A_313 : vector<16xi1>, vector<16xf32>
      %parallel_loop3A_370 = arith.constant 6 : i32
      %parallel_loop3A_371 = arith.addi %parallel_loop3A_31, %parallel_loop3A_370 : i32
      %parallel_loop3A_372 = arith.index_cast %parallel_loop3A_371 : i32 to index
      %parallel_loop3A_373 = arith.constant 0 : index
      %parallel_loop3A_374 = tpu.vector_load %arg9[%parallel_loop3A_372, %parallel_loop3A_373] {strides = array<i32>} : memref<80x64xi32, #tpu.memory_space<vmem>>, vector<16xi32>,
      %parallel_loop3A_375 = vector.bitcast %parallel_loop3A_374 : vector<16xi32> to vector<32xbf16>
      %parallel_loop3A_376 = arith.index_cast %parallel_loop3A_371 : i32 to index
      %parallel_loop3A_377 = arith.constant 0 : index
      %parallel_loop3A_378 = tpu.vector_load %arg10[%parallel_loop3A_376, %parallel_loop3A_377] {strides = array<i32>} : memref<80x64xi32, #tpu.memory_space<vmem>>, vector<16xi32>,
      %parallel_loop3A_379 = vector.bitcast %parallel_loop3A_378 : vector<16xi32> to vector<32xbf16>
      %parallel_loop3A_380 = arith.mulf %parallel_loop3A_375, %parallel_loop3A_379 : vector<32xbf16>
      %parallel_loop3A_381 = arith.index_cast %parallel_loop3A_371 : i32 to index
      %parallel_loop3A_382 = arith.constant 16 : index
      %parallel_loop3A_383 = tpu.vector_load %arg9[%parallel_loop3A_381, %parallel_loop3A_382] {strides = array<i32>} : memref<80x64xi32, #tpu.memory_space<vmem>>, vector<16xi32>,
      %parallel_loop3A_384 = vector.bitcast %parallel_loop3A_383 : vector<16xi32> to vector<32xbf16>
      %parallel_loop3A_385 = arith.index_cast %parallel_loop3A_371 : i32 to index
      %parallel_loop3A_386 = arith.constant 16 : index
      %parallel_loop3A_387 = tpu.vector_load %arg10[%parallel_loop3A_385, %parallel_loop3A_386] {strides = array<i32>} : memref<80x64xi32, #tpu.memory_space<vmem>>, vector<16xi32>,
      %parallel_loop3A_388 = vector.bitcast %parallel_loop3A_387 : vector<16xi32> to vector<32xbf16>
      %parallel_loop3A_389 = arith.mulf %parallel_loop3A_384, %parallel_loop3A_388 : vector<32xbf16>
      %parallel_loop3A_390 = arith.index_cast %parallel_loop3A_371 : i32 to index
      %parallel_loop3A_391 = arith.constant 32 : index
      %parallel_loop3A_392 = tpu.vector_load %arg9[%parallel_loop3A_390, %parallel_loop3A_391] {strides = array<i32>} : memref<80x64xi32, #tpu.memory_space<vmem>>, vector<16xi32>,
      %parallel_loop3A_393 = vector.bitcast %parallel_loop3A_392 : vector<16xi32> to vector<32xbf16>
      %parallel_loop3A_394 = arith.index_cast %parallel_loop3A_371 : i32 to index
      %parallel_loop3A_395 = arith.constant 32 : index
      %parallel_loop3A_396 = tpu.vector_load %arg10[%parallel_loop3A_394, %parallel_loop3A_395] {strides = array<i32>} : memref<80x64xi32, #tpu.memory_space<vmem>>, vector<16xi32>,
      %parallel_loop3A_397 = vector.bitcast %parallel_loop3A_396 : vector<16xi32> to vector<32xbf16>
      %parallel_loop3A_398 = arith.mulf %parallel_loop3A_393, %parallel_loop3A_397 : vector<32xbf16>
      %parallel_loop3A_399 = arith.index_cast %parallel_loop3A_371 : i32 to index
      %parallel_loop3A_400 = arith.constant 48 : index
      %parallel_loop3A_401 = tpu.vector_load %arg9[%parallel_loop3A_399, %parallel_loop3A_400] {strides = array<i32>} : memref<80x64xi32, #tpu.memory_space<vmem>>, vector<16xi32>,
      %parallel_loop3A_402 = vector.bitcast %parallel_loop3A_401 : vector<16xi32> to vector<32xbf16>
      %parallel_loop3A_403 = arith.index_cast %parallel_loop3A_371 : i32 to index
      %parallel_loop3A_404 = arith.constant 48 : index
      %parallel_loop3A_405 = tpu.vector_load %arg10[%parallel_loop3A_403, %parallel_loop3A_404] {strides = array<i32>} : memref<80x64xi32, #tpu.memory_space<vmem>>, vector<16xi32>,
      %parallel_loop3A_406 = vector.bitcast %parallel_loop3A_405 : vector<16xi32> to vector<32xbf16>
      %parallel_loop3A_407 = arith.mulf %parallel_loop3A_402, %parallel_loop3A_406 : vector<32xbf16>
      %parallel_loop3A_408 = arith.addf %parallel_loop3A_380, %parallel_loop3A_389 : vector<32xbf16>
      %parallel_loop3A_409 = tpu.unpack_subelements %parallel_loop3A_408, 0 {pack_format = #tpu.pack_format<interleaved>} : vector<32xbf16> -> vector<16xf32>
      %parallel_loop3A_410 = tpu.unpack_subelements %parallel_loop3A_408, 1 {pack_format = #tpu.pack_format<interleaved>} : vector<32xbf16> -> vector<16xf32>
      %parallel_loop3A_411 = arith.addf %parallel_loop3A_409, %parallel_loop3A_410 : vector<16xf32>
      %parallel_loop3A_412 = arith.addf %parallel_loop3A_398, %parallel_loop3A_407 : vector<32xbf16>
      %parallel_loop3A_413 = tpu.unpack_subelements %parallel_loop3A_412, 0 {pack_format = #tpu.pack_format<interleaved>} : vector<32xbf16> -> vector<16xf32>
      %parallel_loop3A_414 = tpu.unpack_subelements %parallel_loop3A_412, 1 {pack_format = #tpu.pack_format<interleaved>} : vector<32xbf16> -> vector<16xf32>
      %parallel_loop3A_415 = arith.addf %parallel_loop3A_413, %parallel_loop3A_414 : vector<16xf32>
      %parallel_loop3A_416 = arith.addf %parallel_loop3A_411, %parallel_loop3A_415 : vector<16xf32>
      %parallel_loop3A_417 = arith.constant true
      %parallel_loop3A_418 = vector.broadcast %parallel_loop3A_417 : i1 to vector<16xi1>
      %parallel_loop3A_419 = tpu.scan <sum>, %parallel_loop3A_416 masked %parallel_loop3A_418 : vector<16xf32>, vector<16xi1> -> vector<16xf32>
      %parallel_loop3A_420 = vector.extract %parallel_loop3A_419[15] : f32 from vector<16xf32>
      %parallel_loop3A_421 = arith.constant 6 : i32
      %parallel_loop3A_422 = vector.broadcast %parallel_loop3A_421 : i32 to vector<16xi32>
      %parallel_loop3A_423 = arith.cmpi eq, %iota3A, %parallel_loop3A_422 : vector<16xi32>
      %parallel_loop3A_424 = vector.broadcast %parallel_loop3A_420 : f32 to vector<16xf32>
      %parallel_loop3A_425 = arith.select %parallel_loop3A_423, %parallel_loop3A_424, %parallel_loop3A_369 : vector<16xi1>, vector<16xf32>
      %parallel_loop3A_426 = arith.constant 7 : i32
      %parallel_loop3A_427 = arith.addi %parallel_loop3A_31, %parallel_loop3A_426 : i32
      %parallel_loop3A_428 = arith.index_cast %parallel_loop3A_427 : i32 to index
      %parallel_loop3A_429 = arith.constant 0 : index
      %parallel_loop3A_430 = tpu.vector_load %arg9[%parallel_loop3A_428, %parallel_loop3A_429] {strides = array<i32>} : memref<80x64xi32, #tpu.memory_space<vmem>>, vector<16xi32>,
      %parallel_loop3A_431 = vector.bitcast %parallel_loop3A_430 : vector<16xi32> to vector<32xbf16>
      %parallel_loop3A_432 = arith.index_cast %parallel_loop3A_427 : i32 to index
      %parallel_loop3A_433 = arith.constant 0 : index
      %parallel_loop3A_434 = tpu.vector_load %arg10[%parallel_loop3A_432, %parallel_loop3A_433] {strides = array<i32>} : memref<80x64xi32, #tpu.memory_space<vmem>>, vector<16xi32>,
      %parallel_loop3A_435 = vector.bitcast %parallel_loop3A_434 : vector<16xi32> to vector<32xbf16>
      %parallel_loop3A_436 = arith.mulf %parallel_loop3A_431, %parallel_loop3A_435 : vector<32xbf16>
      %parallel_loop3A_437 = arith.index_cast %parallel_loop3A_427 : i32 to index
      %parallel_loop3A_438 = arith.constant 16 : index
      %parallel_loop3A_439 = tpu.vector_load %arg9[%parallel_loop3A_437, %parallel_loop3A_438] {strides = array<i32>} : memref<80x64xi32, #tpu.memory_space<vmem>>, vector<16xi32>,
      %parallel_loop3A_440 = vector.bitcast %parallel_loop3A_439 : vector<16xi32> to vector<32xbf16>
      %parallel_loop3A_441 = arith.index_cast %parallel_loop3A_427 : i32 to index
      %parallel_loop3A_442 = arith.constant 16 : index
      %parallel_loop3A_443 = tpu.vector_load %arg10[%parallel_loop3A_441, %parallel_loop3A_442] {strides = array<i32>} : memref<80x64xi32, #tpu.memory_space<vmem>>, vector<16xi32>,
      %parallel_loop3A_444 = vector.bitcast %parallel_loop3A_443 : vector<16xi32> to vector<32xbf16>
      %parallel_loop3A_445 = arith.mulf %parallel_loop3A_440, %parallel_loop3A_444 : vector<32xbf16>
      %parallel_loop3A_446 = arith.index_cast %parallel_loop3A_427 : i32 to index
      %parallel_loop3A_447 = arith.constant 32 : index
      %parallel_loop3A_448 = tpu.vector_load %arg9[%parallel_loop3A_446, %parallel_loop3A_447] {strides = array<i32>} : memref<80x64xi32, #tpu.memory_space<vmem>>, vector<16xi32>,
      %parallel_loop3A_449 = vector.bitcast %parallel_loop3A_448 : vector<16xi32> to vector<32xbf16>
      %parallel_loop3A_450 = arith.index_cast %parallel_loop3A_427 : i32 to index
      %parallel_loop3A_451 = arith.constant 32 : index
      %parallel_loop3A_452 = tpu.vector_load %arg10[%parallel_loop3A_450, %parallel_loop3A_451] {strides = array<i32>} : memref<80x64xi32, #tpu.memory_space<vmem>>, vector<16xi32>,
      %parallel_loop3A_453 = vector.bitcast %parallel_loop3A_452 : vector<16xi32> to vector<32xbf16>
      %parallel_loop3A_454 = arith.mulf %parallel_loop3A_449, %parallel_loop3A_453 : vector<32xbf16>
      %parallel_loop3A_455 = arith.index_cast %parallel_loop3A_427 : i32 to index
      %parallel_loop3A_456 = arith.constant 48 : index
      %parallel_loop3A_457 = tpu.vector_load %arg9[%parallel_loop3A_455, %parallel_loop3A_456] {strides = array<i32>} : memref<80x64xi32, #tpu.memory_space<vmem>>, vector<16xi32>,
      %parallel_loop3A_458 = vector.bitcast %parallel_loop3A_457 : vector<16xi32> to vector<32xbf16>
      %parallel_loop3A_459 = arith.index_cast %parallel_loop3A_427 : i32 to index
      %parallel_loop3A_460 = arith.constant 48 : index
      %parallel_loop3A_461 = tpu.vector_load %arg10[%parallel_loop3A_459, %parallel_loop3A_460] {strides = array<i32>} : memref<80x64xi32, #tpu.memory_space<vmem>>, vector<16xi32>,
      %parallel_loop3A_462 = vector.bitcast %parallel_loop3A_461 : vector<16xi32> to vector<32xbf16>
      %parallel_loop3A_463 = arith.mulf %parallel_loop3A_458, %parallel_loop3A_462 : vector<32xbf16>
      %parallel_loop3A_464 = arith.addf %parallel_loop3A_436, %parallel_loop3A_445 : vector<32xbf16>
      %parallel_loop3A_465 = tpu.unpack_subelements %parallel_loop3A_464, 0 {pack_format = #tpu.pack_format<interleaved>} : vector<32xbf16> -> vector<16xf32>
      %parallel_loop3A_466 = tpu.unpack_subelements %parallel_loop3A_464, 1 {pack_format = #tpu.pack_format<interleaved>} : vector<32xbf16> -> vector<16xf32>
      %parallel_loop3A_467 = arith.addf %parallel_loop3A_465, %parallel_loop3A_466 : vector<16xf32>
      %parallel_loop3A_468 = arith.addf %parallel_loop3A_454, %parallel_loop3A_463 : vector<32xbf16>
      %parallel_loop3A_469 = tpu.unpack_subelements %parallel_loop3A_468, 0 {pack_format = #tpu.pack_format<interleaved>} : vector<32xbf16> -> vector<16xf32>
      %parallel_loop3A_470 = tpu.unpack_subelements %parallel_loop3A_468, 1 {pack_format = #tpu.pack_format<interleaved>} : vector<32xbf16> -> vector<16xf32>
      %parallel_loop3A_471 = arith.addf %parallel_loop3A_469, %parallel_loop3A_470 : vector<16xf32>
      %parallel_loop3A_472 = arith.addf %parallel_loop3A_467, %parallel_loop3A_471 : vector<16xf32>
      %parallel_loop3A_473 = arith.constant true
      %parallel_loop3A_474 = vector.broadcast %parallel_loop3A_473 : i1 to vector<16xi1>
      %parallel_loop3A_475 = tpu.scan <sum>, %parallel_loop3A_472 masked %parallel_loop3A_474 : vector<16xf32>, vector<16xi1> -> vector<16xf32>
      %parallel_loop3A_476 = vector.extract %parallel_loop3A_475[15] : f32 from vector<16xf32>
      %parallel_loop3A_477 = arith.constant 7 : i32
      %parallel_loop3A_478 = vector.broadcast %parallel_loop3A_477 : i32 to vector<16xi32>
      %parallel_loop3A_479 = arith.cmpi eq, %iota3A, %parallel_loop3A_478 : vector<16xi32>
      %parallel_loop3A_480 = vector.broadcast %parallel_loop3A_476 : f32 to vector<16xf32>
      %parallel_loop3A_481 = arith.select %parallel_loop3A_479, %parallel_loop3A_480, %parallel_loop3A_425 : vector<16xi1>, vector<16xf32>
      %parallel_loop3A_482 = arith.constant 8 : i32
      %parallel_loop3A_483 = arith.addi %parallel_loop3A_31, %parallel_loop3A_482 : i32
      %parallel_loop3A_484 = arith.index_cast %parallel_loop3A_483 : i32 to index
      %parallel_loop3A_485 = arith.constant 0 : index
      %parallel_loop3A_486 = tpu.vector_load %arg9[%parallel_loop3A_484, %parallel_loop3A_485] {strides = array<i32>} : memref<80x64xi32, #tpu.memory_space<vmem>>, vector<16xi32>,
      %parallel_loop3A_487 = vector.bitcast %parallel_loop3A_486 : vector<16xi32> to vector<32xbf16>
      %parallel_loop3A_488 = arith.index_cast %parallel_loop3A_483 : i32 to index
      %parallel_loop3A_489 = arith.constant 0 : index
      %parallel_loop3A_490 = tpu.vector_load %arg10[%parallel_loop3A_488, %parallel_loop3A_489] {strides = array<i32>} : memref<80x64xi32, #tpu.memory_space<vmem>>, vector<16xi32>,
      %parallel_loop3A_491 = vector.bitcast %parallel_loop3A_490 : vector<16xi32> to vector<32xbf16>
      %parallel_loop3A_492 = arith.mulf %parallel_loop3A_487, %parallel_loop3A_491 : vector<32xbf16>
      %parallel_loop3A_493 = arith.index_cast %parallel_loop3A_483 : i32 to index
      %parallel_loop3A_494 = arith.constant 16 : index
      %parallel_loop3A_495 = tpu.vector_load %arg9[%parallel_loop3A_493, %parallel_loop3A_494] {strides = array<i32>} : memref<80x64xi32, #tpu.memory_space<vmem>>, vector<16xi32>,
      %parallel_loop3A_496 = vector.bitcast %parallel_loop3A_495 : vector<16xi32> to vector<32xbf16>
      %parallel_loop3A_497 = arith.index_cast %parallel_loop3A_483 : i32 to index
      %parallel_loop3A_498 = arith.constant 16 : index
      %parallel_loop3A_499 = tpu.vector_load %arg10[%parallel_loop3A_497, %parallel_loop3A_498] {strides = array<i32>} : memref<80x64xi32, #tpu.memory_space<vmem>>, vector<16xi32>,
      %parallel_loop3A_500 = vector.bitcast %parallel_loop3A_499 : vector<16xi32> to vector<32xbf16>
      %parallel_loop3A_501 = arith.mulf %parallel_loop3A_496, %parallel_loop3A_500 : vector<32xbf16>
      %parallel_loop3A_502 = arith.index_cast %parallel_loop3A_483 : i32 to index
      %parallel_loop3A_503 = arith.constant 32 : index
      %parallel_loop3A_504 = tpu.vector_load %arg9[%parallel_loop3A_502, %parallel_loop3A_503] {strides = array<i32>} : memref<80x64xi32, #tpu.memory_space<vmem>>, vector<16xi32>,
      %parallel_loop3A_505 = vector.bitcast %parallel_loop3A_504 : vector<16xi32> to vector<32xbf16>
      %parallel_loop3A_506 = arith.index_cast %parallel_loop3A_483 : i32 to index
      %parallel_loop3A_507 = arith.constant 32 : index
      %parallel_loop3A_508 = tpu.vector_load %arg10[%parallel_loop3A_506, %parallel_loop3A_507] {strides = array<i32>} : memref<80x64xi32, #tpu.memory_space<vmem>>, vector<16xi32>,
      %parallel_loop3A_509 = vector.bitcast %parallel_loop3A_508 : vector<16xi32> to vector<32xbf16>
      %parallel_loop3A_510 = arith.mulf %parallel_loop3A_505, %parallel_loop3A_509 : vector<32xbf16>
      %parallel_loop3A_511 = arith.index_cast %parallel_loop3A_483 : i32 to index
      %parallel_loop3A_512 = arith.constant 48 : index
      %parallel_loop3A_513 = tpu.vector_load %arg9[%parallel_loop3A_511, %parallel_loop3A_512] {strides = array<i32>} : memref<80x64xi32, #tpu.memory_space<vmem>>, vector<16xi32>,
      %parallel_loop3A_514 = vector.bitcast %parallel_loop3A_513 : vector<16xi32> to vector<32xbf16>
      %parallel_loop3A_515 = arith.index_cast %parallel_loop3A_483 : i32 to index
      %parallel_loop3A_516 = arith.constant 48 : index
      %parallel_loop3A_517 = tpu.vector_load %arg10[%parallel_loop3A_515, %parallel_loop3A_516] {strides = array<i32>} : memref<80x64xi32, #tpu.memory_space<vmem>>, vector<16xi32>,
      %parallel_loop3A_518 = vector.bitcast %parallel_loop3A_517 : vector<16xi32> to vector<32xbf16>
      %parallel_loop3A_519 = arith.mulf %parallel_loop3A_514, %parallel_loop3A_518 : vector<32xbf16>
      %parallel_loop3A_520 = arith.addf %parallel_loop3A_492, %parallel_loop3A_501 : vector<32xbf16>
      %parallel_loop3A_521 = tpu.unpack_subelements %parallel_loop3A_520, 0 {pack_format = #tpu.pack_format<interleaved>} : vector<32xbf16> -> vector<16xf32>
      %parallel_loop3A_522 = tpu.unpack_subelements %parallel_loop3A_520, 1 {pack_format = #tpu.pack_format<interleaved>} : vector<32xbf16> -> vector<16xf32>
      %parallel_loop3A_523 = arith.addf %parallel_loop3A_521, %parallel_loop3A_522 : vector<16xf32>
      %parallel_loop3A_524 = arith.addf %parallel_loop3A_510, %parallel_loop3A_519 : vector<32xbf16>
      %parallel_loop3A_525 = tpu.unpack_subelements %parallel_loop3A_524, 0 {pack_format = #tpu.pack_format<interleaved>} : vector<32xbf16> -> vector<16xf32>
      %parallel_loop3A_526 = tpu.unpack_subelements %parallel_loop3A_524, 1 {pack_format = #tpu.pack_format<interleaved>} : vector<32xbf16> -> vector<16xf32>
      %parallel_loop3A_527 = arith.addf %parallel_loop3A_525, %parallel_loop3A_526 : vector<16xf32>
      %parallel_loop3A_528 = arith.addf %parallel_loop3A_523, %parallel_loop3A_527 : vector<16xf32>
      %parallel_loop3A_529 = arith.constant true
      %parallel_loop3A_530 = vector.broadcast %parallel_loop3A_529 : i1 to vector<16xi1>
      %parallel_loop3A_531 = tpu.scan <sum>, %parallel_loop3A_528 masked %parallel_loop3A_530 : vector<16xf32>, vector<16xi1> -> vector<16xf32>
      %parallel_loop3A_532 = vector.extract %parallel_loop3A_531[15] : f32 from vector<16xf32>
      %parallel_loop3A_533 = arith.constant 8 : i32
      %parallel_loop3A_534 = vector.broadcast %parallel_loop3A_533 : i32 to vector<16xi32>
      %parallel_loop3A_535 = arith.cmpi eq, %iota3A, %parallel_loop3A_534 : vector<16xi32>
      %parallel_loop3A_536 = vector.broadcast %parallel_loop3A_532 : f32 to vector<16xf32>
      %parallel_loop3A_537 = arith.select %parallel_loop3A_535, %parallel_loop3A_536, %parallel_loop3A_481 : vector<16xi1>, vector<16xf32>
      %parallel_loop3A_538 = arith.constant 9 : i32
      %parallel_loop3A_539 = arith.addi %parallel_loop3A_31, %parallel_loop3A_538 : i32
      %parallel_loop3A_540 = arith.index_cast %parallel_loop3A_539 : i32 to index
      %parallel_loop3A_541 = arith.constant 0 : index
      %parallel_loop3A_542 = tpu.vector_load %arg9[%parallel_loop3A_540, %parallel_loop3A_541] {strides = array<i32>} : memref<80x64xi32, #tpu.memory_space<vmem>>, vector<16xi32>,
      %parallel_loop3A_543 = vector.bitcast %parallel_loop3A_542 : vector<16xi32> to vector<32xbf16>
      %parallel_loop3A_544 = arith.index_cast %parallel_loop3A_539 : i32 to index
      %parallel_loop3A_545 = arith.constant 0 : index
      %parallel_loop3A_546 = tpu.vector_load %arg10[%parallel_loop3A_544, %parallel_loop3A_545] {strides = array<i32>} : memref<80x64xi32, #tpu.memory_space<vmem>>, vector<16xi32>,
      %parallel_loop3A_547 = vector.bitcast %parallel_loop3A_546 : vector<16xi32> to vector<32xbf16>
      %parallel_loop3A_548 = arith.mulf %parallel_loop3A_543, %parallel_loop3A_547 : vector<32xbf16>
      %parallel_loop3A_549 = arith.index_cast %parallel_loop3A_539 : i32 to index
      %parallel_loop3A_550 = arith.constant 16 : index
      %parallel_loop3A_551 = tpu.vector_load %arg9[%parallel_loop3A_549, %parallel_loop3A_550] {strides = array<i32>} : memref<80x64xi32, #tpu.memory_space<vmem>>, vector<16xi32>,
      %parallel_loop3A_552 = vector.bitcast %parallel_loop3A_551 : vector<16xi32> to vector<32xbf16>
      %parallel_loop3A_553 = arith.index_cast %parallel_loop3A_539 : i32 to index
      %parallel_loop3A_554 = arith.constant 16 : index
      %parallel_loop3A_555 = tpu.vector_load %arg10[%parallel_loop3A_553, %parallel_loop3A_554] {strides = array<i32>} : memref<80x64xi32, #tpu.memory_space<vmem>>, vector<16xi32>,
      %parallel_loop3A_556 = vector.bitcast %parallel_loop3A_555 : vector<16xi32> to vector<32xbf16>
      %parallel_loop3A_557 = arith.mulf %parallel_loop3A_552, %parallel_loop3A_556 : vector<32xbf16>
      %parallel_loop3A_558 = arith.index_cast %parallel_loop3A_539 : i32 to index
      %parallel_loop3A_559 = arith.constant 32 : index
      %parallel_loop3A_560 = tpu.vector_load %arg9[%parallel_loop3A_558, %parallel_loop3A_559] {strides = array<i32>} : memref<80x64xi32, #tpu.memory_space<vmem>>, vector<16xi32>,
      %parallel_loop3A_561 = vector.bitcast %parallel_loop3A_560 : vector<16xi32> to vector<32xbf16>
      %parallel_loop3A_562 = arith.index_cast %parallel_loop3A_539 : i32 to index
      %parallel_loop3A_563 = arith.constant 32 : index
      %parallel_loop3A_564 = tpu.vector_load %arg10[%parallel_loop3A_562, %parallel_loop3A_563] {strides = array<i32>} : memref<80x64xi32, #tpu.memory_space<vmem>>, vector<16xi32>,
      %parallel_loop3A_565 = vector.bitcast %parallel_loop3A_564 : vector<16xi32> to vector<32xbf16>
      %parallel_loop3A_566 = arith.mulf %parallel_loop3A_561, %parallel_loop3A_565 : vector<32xbf16>
      %parallel_loop3A_567 = arith.index_cast %parallel_loop3A_539 : i32 to index
      %parallel_loop3A_568 = arith.constant 48 : index
      %parallel_loop3A_569 = tpu.vector_load %arg9[%parallel_loop3A_567, %parallel_loop3A_568] {strides = array<i32>} : memref<80x64xi32, #tpu.memory_space<vmem>>, vector<16xi32>,
      %parallel_loop3A_570 = vector.bitcast %parallel_loop3A_569 : vector<16xi32> to vector<32xbf16>
      %parallel_loop3A_571 = arith.index_cast %parallel_loop3A_539 : i32 to index
      %parallel_loop3A_572 = arith.constant 48 : index
      %parallel_loop3A_573 = tpu.vector_load %arg10[%parallel_loop3A_571, %parallel_loop3A_572] {strides = array<i32>} : memref<80x64xi32, #tpu.memory_space<vmem>>, vector<16xi32>,
      %parallel_loop3A_574 = vector.bitcast %parallel_loop3A_573 : vector<16xi32> to vector<32xbf16>
      %parallel_loop3A_575 = arith.mulf %parallel_loop3A_570, %parallel_loop3A_574 : vector<32xbf16>
      %parallel_loop3A_576 = arith.addf %parallel_loop3A_548, %parallel_loop3A_557 : vector<32xbf16>
      %parallel_loop3A_577 = tpu.unpack_subelements %parallel_loop3A_576, 0 {pack_format = #tpu.pack_format<interleaved>} : vector<32xbf16> -> vector<16xf32>
      %parallel_loop3A_578 = tpu.unpack_subelements %parallel_loop3A_576, 1 {pack_format = #tpu.pack_format<interleaved>} : vector<32xbf16> -> vector<16xf32>
      %parallel_loop3A_579 = arith.addf %parallel_loop3A_577, %parallel_loop3A_578 : vector<16xf32>
      %parallel_loop3A_580 = arith.addf %parallel_loop3A_566, %parallel_loop3A_575 : vector<32xbf16>
      %parallel_loop3A_581 = tpu.unpack_subelements %parallel_loop3A_580, 0 {pack_format = #tpu.pack_format<interleaved>} : vector<32xbf16> -> vector<16xf32>
      %parallel_loop3A_582 = tpu.unpack_subelements %parallel_loop3A_580, 1 {pack_format = #tpu.pack_format<interleaved>} : vector<32xbf16> -> vector<16xf32>
      %parallel_loop3A_583 = arith.addf %parallel_loop3A_581, %parallel_loop3A_582 : vector<16xf32>
      %parallel_loop3A_584 = arith.addf %parallel_loop3A_579, %parallel_loop3A_583 : vector<16xf32>
      %parallel_loop3A_585 = arith.constant true
      %parallel_loop3A_586 = vector.broadcast %parallel_loop3A_585 : i1 to vector<16xi1>
      %parallel_loop3A_587 = tpu.scan <sum>, %parallel_loop3A_584 masked %parallel_loop3A_586 : vector<16xf32>, vector<16xi1> -> vector<16xf32>
      %parallel_loop3A_588 = vector.extract %parallel_loop3A_587[15] : f32 from vector<16xf32>
      %parallel_loop3A_589 = arith.constant 9 : i32
      %parallel_loop3A_590 = vector.broadcast %parallel_loop3A_589 : i32 to vector<16xi32>
      %parallel_loop3A_591 = arith.cmpi eq, %iota3A, %parallel_loop3A_590 : vector<16xi32>
      %parallel_loop3A_592 = vector.broadcast %parallel_loop3A_588 : f32 to vector<16xf32>
      %parallel_loop3A_593 = arith.select %parallel_loop3A_591, %parallel_loop3A_592, %parallel_loop3A_537 : vector<16xi1>, vector<16xf32>
      %parallel_loop3A_594 = arith.constant 10 : i32
      %parallel_loop3A_595 = arith.addi %parallel_loop3A_31, %parallel_loop3A_594 : i32
      %parallel_loop3A_596 = arith.index_cast %parallel_loop3A_595 : i32 to index
      %parallel_loop3A_597 = arith.constant 0 : index
      %parallel_loop3A_598 = tpu.vector_load %arg9[%parallel_loop3A_596, %parallel_loop3A_597] {strides = array<i32>} : memref<80x64xi32, #tpu.memory_space<vmem>>, vector<16xi32>,
      %parallel_loop3A_599 = vector.bitcast %parallel_loop3A_598 : vector<16xi32> to vector<32xbf16>
      %parallel_loop3A_600 = arith.index_cast %parallel_loop3A_595 : i32 to index
      %parallel_loop3A_601 = arith.constant 0 : index
      %parallel_loop3A_602 = tpu.vector_load %arg10[%parallel_loop3A_600, %parallel_loop3A_601] {strides = array<i32>} : memref<80x64xi32, #tpu.memory_space<vmem>>, vector<16xi32>,
      %parallel_loop3A_603 = vector.bitcast %parallel_loop3A_602 : vector<16xi32> to vector<32xbf16>
      %parallel_loop3A_604 = arith.mulf %parallel_loop3A_599, %parallel_loop3A_603 : vector<32xbf16>
      %parallel_loop3A_605 = arith.index_cast %parallel_loop3A_595 : i32 to index
      %parallel_loop3A_606 = arith.constant 16 : index
      %parallel_loop3A_607 = tpu.vector_load %arg9[%parallel_loop3A_605, %parallel_loop3A_606] {strides = array<i32>} : memref<80x64xi32, #tpu.memory_space<vmem>>, vector<16xi32>,
      %parallel_loop3A_608 = vector.bitcast %parallel_loop3A_607 : vector<16xi32> to vector<32xbf16>
      %parallel_loop3A_609 = arith.index_cast %parallel_loop3A_595 : i32 to index
      %parallel_loop3A_610 = arith.constant 16 : index
      %parallel_loop3A_611 = tpu.vector_load %arg10[%parallel_loop3A_609, %parallel_loop3A_610] {strides = array<i32>} : memref<80x64xi32, #tpu.memory_space<vmem>>, vector<16xi32>,
      %parallel_loop3A_612 = vector.bitcast %parallel_loop3A_611 : vector<16xi32> to vector<32xbf16>
      %parallel_loop3A_613 = arith.mulf %parallel_loop3A_608, %parallel_loop3A_612 : vector<32xbf16>
      %parallel_loop3A_614 = arith.index_cast %parallel_loop3A_595 : i32 to index
      %parallel_loop3A_615 = arith.constant 32 : index
      %parallel_loop3A_616 = tpu.vector_load %arg9[%parallel_loop3A_614, %parallel_loop3A_615] {strides = array<i32>} : memref<80x64xi32, #tpu.memory_space<vmem>>, vector<16xi32>,
      %parallel_loop3A_617 = vector.bitcast %parallel_loop3A_616 : vector<16xi32> to vector<32xbf16>
      %parallel_loop3A_618 = arith.index_cast %parallel_loop3A_595 : i32 to index
      %parallel_loop3A_619 = arith.constant 32 : index
      %parallel_loop3A_620 = tpu.vector_load %arg10[%parallel_loop3A_618, %parallel_loop3A_619] {strides = array<i32>} : memref<80x64xi32, #tpu.memory_space<vmem>>, vector<16xi32>,
      %parallel_loop3A_621 = vector.bitcast %parallel_loop3A_620 : vector<16xi32> to vector<32xbf16>
      %parallel_loop3A_622 = arith.mulf %parallel_loop3A_617, %parallel_loop3A_621 : vector<32xbf16>
      %parallel_loop3A_623 = arith.index_cast %parallel_loop3A_595 : i32 to index
      %parallel_loop3A_624 = arith.constant 48 : index
      %parallel_loop3A_625 = tpu.vector_load %arg9[%parallel_loop3A_623, %parallel_loop3A_624] {strides = array<i32>} : memref<80x64xi32, #tpu.memory_space<vmem>>, vector<16xi32>,
      %parallel_loop3A_626 = vector.bitcast %parallel_loop3A_625 : vector<16xi32> to vector<32xbf16>
      %parallel_loop3A_627 = arith.index_cast %parallel_loop3A_595 : i32 to index
      %parallel_loop3A_628 = arith.constant 48 : index
      %parallel_loop3A_629 = tpu.vector_load %arg10[%parallel_loop3A_627, %parallel_loop3A_628] {strides = array<i32>} : memref<80x64xi32, #tpu.memory_space<vmem>>, vector<16xi32>,
      %parallel_loop3A_630 = vector.bitcast %parallel_loop3A_629 : vector<16xi32> to vector<32xbf16>
      %parallel_loop3A_631 = arith.mulf %parallel_loop3A_626, %parallel_loop3A_630 : vector<32xbf16>
      %parallel_loop3A_632 = arith.addf %parallel_loop3A_604, %parallel_loop3A_613 : vector<32xbf16>
      %parallel_loop3A_633 = tpu.unpack_subelements %parallel_loop3A_632, 0 {pack_format = #tpu.pack_format<interleaved>} : vector<32xbf16> -> vector<16xf32>
      %parallel_loop3A_634 = tpu.unpack_subelements %parallel_loop3A_632, 1 {pack_format = #tpu.pack_format<interleaved>} : vector<32xbf16> -> vector<16xf32>
      %parallel_loop3A_635 = arith.addf %parallel_loop3A_633, %parallel_loop3A_634 : vector<16xf32>
      %parallel_loop3A_636 = arith.addf %parallel_loop3A_622, %parallel_loop3A_631 : vector<32xbf16>
      %parallel_loop3A_637 = tpu.unpack_subelements %parallel_loop3A_636, 0 {pack_format = #tpu.pack_format<interleaved>} : vector<32xbf16> -> vector<16xf32>
      %parallel_loop3A_638 = tpu.unpack_subelements %parallel_loop3A_636, 1 {pack_format = #tpu.pack_format<interleaved>} : vector<32xbf16> -> vector<16xf32>
      %parallel_loop3A_639 = arith.addf %parallel_loop3A_637, %parallel_loop3A_638 : vector<16xf32>
      %parallel_loop3A_640 = arith.addf %parallel_loop3A_635, %parallel_loop3A_639 : vector<16xf32>
      %parallel_loop3A_641 = arith.constant true
      %parallel_loop3A_642 = vector.broadcast %parallel_loop3A_641 : i1 to vector<16xi1>
      %parallel_loop3A_643 = tpu.scan <sum>, %parallel_loop3A_640 masked %parallel_loop3A_642 : vector<16xf32>, vector<16xi1> -> vector<16xf32>
      %parallel_loop3A_644 = vector.extract %parallel_loop3A_643[15] : f32 from vector<16xf32>
      %parallel_loop3A_645 = arith.constant 10 : i32
      %parallel_loop3A_646 = vector.broadcast %parallel_loop3A_645 : i32 to vector<16xi32>
      %parallel_loop3A_647 = arith.cmpi eq, %iota3A, %parallel_loop3A_646 : vector<16xi32>
      %parallel_loop3A_648 = vector.broadcast %parallel_loop3A_644 : f32 to vector<16xf32>
      %parallel_loop3A_649 = arith.select %parallel_loop3A_647, %parallel_loop3A_648, %parallel_loop3A_593 : vector<16xi1>, vector<16xf32>
      %parallel_loop3A_650 = arith.constant 11 : i32
      %parallel_loop3A_651 = arith.addi %parallel_loop3A_31, %parallel_loop3A_650 : i32
      %parallel_loop3A_652 = arith.index_cast %parallel_loop3A_651 : i32 to index
      %parallel_loop3A_653 = arith.constant 0 : index
      %parallel_loop3A_654 = tpu.vector_load %arg9[%parallel_loop3A_652, %parallel_loop3A_653] {strides = array<i32>} : memref<80x64xi32, #tpu.memory_space<vmem>>, vector<16xi32>,
      %parallel_loop3A_655 = vector.bitcast %parallel_loop3A_654 : vector<16xi32> to vector<32xbf16>
      %parallel_loop3A_656 = arith.index_cast %parallel_loop3A_651 : i32 to index
      %parallel_loop3A_657 = arith.constant 0 : index
      %parallel_loop3A_658 = tpu.vector_load %arg10[%parallel_loop3A_656, %parallel_loop3A_657] {strides = array<i32>} : memref<80x64xi32, #tpu.memory_space<vmem>>, vector<16xi32>,
      %parallel_loop3A_659 = vector.bitcast %parallel_loop3A_658 : vector<16xi32> to vector<32xbf16>
      %parallel_loop3A_660 = arith.mulf %parallel_loop3A_655, %parallel_loop3A_659 : vector<32xbf16>
      %parallel_loop3A_661 = arith.index_cast %parallel_loop3A_651 : i32 to index
      %parallel_loop3A_662 = arith.constant 16 : index
      %parallel_loop3A_663 = tpu.vector_load %arg9[%parallel_loop3A_661, %parallel_loop3A_662] {strides = array<i32>} : memref<80x64xi32, #tpu.memory_space<vmem>>, vector<16xi32>,
      %parallel_loop3A_664 = vector.bitcast %parallel_loop3A_663 : vector<16xi32> to vector<32xbf16>
      %parallel_loop3A_665 = arith.index_cast %parallel_loop3A_651 : i32 to index
      %parallel_loop3A_666 = arith.constant 16 : index
      %parallel_loop3A_667 = tpu.vector_load %arg10[%parallel_loop3A_665, %parallel_loop3A_666] {strides = array<i32>} : memref<80x64xi32, #tpu.memory_space<vmem>>, vector<16xi32>,
      %parallel_loop3A_668 = vector.bitcast %parallel_loop3A_667 : vector<16xi32> to vector<32xbf16>
      %parallel_loop3A_669 = arith.mulf %parallel_loop3A_664, %parallel_loop3A_668 : vector<32xbf16>
      %parallel_loop3A_670 = arith.index_cast %parallel_loop3A_651 : i32 to index
      %parallel_loop3A_671 = arith.constant 32 : index
      %parallel_loop3A_672 = tpu.vector_load %arg9[%parallel_loop3A_670, %parallel_loop3A_671] {strides = array<i32>} : memref<80x64xi32, #tpu.memory_space<vmem>>, vector<16xi32>,
      %parallel_loop3A_673 = vector.bitcast %parallel_loop3A_672 : vector<16xi32> to vector<32xbf16>
      %parallel_loop3A_674 = arith.index_cast %parallel_loop3A_651 : i32 to index
      %parallel_loop3A_675 = arith.constant 32 : index
      %parallel_loop3A_676 = tpu.vector_load %arg10[%parallel_loop3A_674, %parallel_loop3A_675] {strides = array<i32>} : memref<80x64xi32, #tpu.memory_space<vmem>>, vector<16xi32>,
      %parallel_loop3A_677 = vector.bitcast %parallel_loop3A_676 : vector<16xi32> to vector<32xbf16>
      %parallel_loop3A_678 = arith.mulf %parallel_loop3A_673, %parallel_loop3A_677 : vector<32xbf16>
      %parallel_loop3A_679 = arith.index_cast %parallel_loop3A_651 : i32 to index
      %parallel_loop3A_680 = arith.constant 48 : index
      %parallel_loop3A_681 = tpu.vector_load %arg9[%parallel_loop3A_679, %parallel_loop3A_680] {strides = array<i32>} : memref<80x64xi32, #tpu.memory_space<vmem>>, vector<16xi32>,
      %parallel_loop3A_682 = vector.bitcast %parallel_loop3A_681 : vector<16xi32> to vector<32xbf16>
      %parallel_loop3A_683 = arith.index_cast %parallel_loop3A_651 : i32 to index
      %parallel_loop3A_684 = arith.constant 48 : index
      %parallel_loop3A_685 = tpu.vector_load %arg10[%parallel_loop3A_683, %parallel_loop3A_684] {strides = array<i32>} : memref<80x64xi32, #tpu.memory_space<vmem>>, vector<16xi32>,
      %parallel_loop3A_686 = vector.bitcast %parallel_loop3A_685 : vector<16xi32> to vector<32xbf16>
      %parallel_loop3A_687 = arith.mulf %parallel_loop3A_682, %parallel_loop3A_686 : vector<32xbf16>
      %parallel_loop3A_688 = arith.addf %parallel_loop3A_660, %parallel_loop3A_669 : vector<32xbf16>
      %parallel_loop3A_689 = tpu.unpack_subelements %parallel_loop3A_688, 0 {pack_format = #tpu.pack_format<interleaved>} : vector<32xbf16> -> vector<16xf32>
      %parallel_loop3A_690 = tpu.unpack_subelements %parallel_loop3A_688, 1 {pack_format = #tpu.pack_format<interleaved>} : vector<32xbf16> -> vector<16xf32>
      %parallel_loop3A_691 = arith.addf %parallel_loop3A_689, %parallel_loop3A_690 : vector<16xf32>
      %parallel_loop3A_692 = arith.addf %parallel_loop3A_678, %parallel_loop3A_687 : vector<32xbf16>
      %parallel_loop3A_693 = tpu.unpack_subelements %parallel_loop3A_692, 0 {pack_format = #tpu.pack_format<interleaved>} : vector<32xbf16> -> vector<16xf32>
      %parallel_loop3A_694 = tpu.unpack_subelements %parallel_loop3A_692, 1 {pack_format = #tpu.pack_format<interleaved>} : vector<32xbf16> -> vector<16xf32>
      %parallel_loop3A_695 = arith.addf %parallel_loop3A_693, %parallel_loop3A_694 : vector<16xf32>
      %parallel_loop3A_696 = arith.addf %parallel_loop3A_691, %parallel_loop3A_695 : vector<16xf32>
      %parallel_loop3A_697 = arith.constant true
      %parallel_loop3A_698 = vector.broadcast %parallel_loop3A_697 : i1 to vector<16xi1>
      %parallel_loop3A_699 = tpu.scan <sum>, %parallel_loop3A_696 masked %parallel_loop3A_698 : vector<16xf32>, vector<16xi1> -> vector<16xf32>
      %parallel_loop3A_700 = vector.extract %parallel_loop3A_699[15] : f32 from vector<16xf32>
      %parallel_loop3A_701 = arith.constant 11 : i32
      %parallel_loop3A_702 = vector.broadcast %parallel_loop3A_701 : i32 to vector<16xi32>
      %parallel_loop3A_703 = arith.cmpi eq, %iota3A, %parallel_loop3A_702 : vector<16xi32>
      %parallel_loop3A_704 = vector.broadcast %parallel_loop3A_700 : f32 to vector<16xf32>
      %parallel_loop3A_705 = arith.select %parallel_loop3A_703, %parallel_loop3A_704, %parallel_loop3A_649 : vector<16xi1>, vector<16xf32>
      %parallel_loop3A_706 = arith.constant 12 : i32
      %parallel_loop3A_707 = arith.addi %parallel_loop3A_31, %parallel_loop3A_706 : i32
      %parallel_loop3A_708 = arith.index_cast %parallel_loop3A_707 : i32 to index
      %parallel_loop3A_709 = arith.constant 0 : index
      %parallel_loop3A_710 = tpu.vector_load %arg9[%parallel_loop3A_708, %parallel_loop3A_709] {strides = array<i32>} : memref<80x64xi32, #tpu.memory_space<vmem>>, vector<16xi32>,
      %parallel_loop3A_711 = vector.bitcast %parallel_loop3A_710 : vector<16xi32> to vector<32xbf16>
      %parallel_loop3A_712 = arith.index_cast %parallel_loop3A_707 : i32 to index
      %parallel_loop3A_713 = arith.constant 0 : index
      %parallel_loop3A_714 = tpu.vector_load %arg10[%parallel_loop3A_712, %parallel_loop3A_713] {strides = array<i32>} : memref<80x64xi32, #tpu.memory_space<vmem>>, vector<16xi32>,
      %parallel_loop3A_715 = vector.bitcast %parallel_loop3A_714 : vector<16xi32> to vector<32xbf16>
      %parallel_loop3A_716 = arith.mulf %parallel_loop3A_711, %parallel_loop3A_715 : vector<32xbf16>
      %parallel_loop3A_717 = arith.index_cast %parallel_loop3A_707 : i32 to index
      %parallel_loop3A_718 = arith.constant 16 : index
      %parallel_loop3A_719 = tpu.vector_load %arg9[%parallel_loop3A_717, %parallel_loop3A_718] {strides = array<i32>} : memref<80x64xi32, #tpu.memory_space<vmem>>, vector<16xi32>,
      %parallel_loop3A_720 = vector.bitcast %parallel_loop3A_719 : vector<16xi32> to vector<32xbf16>
      %parallel_loop3A_721 = arith.index_cast %parallel_loop3A_707 : i32 to index
      %parallel_loop3A_722 = arith.constant 16 : index
      %parallel_loop3A_723 = tpu.vector_load %arg10[%parallel_loop3A_721, %parallel_loop3A_722] {strides = array<i32>} : memref<80x64xi32, #tpu.memory_space<vmem>>, vector<16xi32>,
      %parallel_loop3A_724 = vector.bitcast %parallel_loop3A_723 : vector<16xi32> to vector<32xbf16>
      %parallel_loop3A_725 = arith.mulf %parallel_loop3A_720, %parallel_loop3A_724 : vector<32xbf16>
      %parallel_loop3A_726 = arith.index_cast %parallel_loop3A_707 : i32 to index
      %parallel_loop3A_727 = arith.constant 32 : index
      %parallel_loop3A_728 = tpu.vector_load %arg9[%parallel_loop3A_726, %parallel_loop3A_727] {strides = array<i32>} : memref<80x64xi32, #tpu.memory_space<vmem>>, vector<16xi32>,
      %parallel_loop3A_729 = vector.bitcast %parallel_loop3A_728 : vector<16xi32> to vector<32xbf16>
      %parallel_loop3A_730 = arith.index_cast %parallel_loop3A_707 : i32 to index
      %parallel_loop3A_731 = arith.constant 32 : index
      %parallel_loop3A_732 = tpu.vector_load %arg10[%parallel_loop3A_730, %parallel_loop3A_731] {strides = array<i32>} : memref<80x64xi32, #tpu.memory_space<vmem>>, vector<16xi32>,
      %parallel_loop3A_733 = vector.bitcast %parallel_loop3A_732 : vector<16xi32> to vector<32xbf16>
      %parallel_loop3A_734 = arith.mulf %parallel_loop3A_729, %parallel_loop3A_733 : vector<32xbf16>
      %parallel_loop3A_735 = arith.index_cast %parallel_loop3A_707 : i32 to index
      %parallel_loop3A_736 = arith.constant 48 : index
      %parallel_loop3A_737 = tpu.vector_load %arg9[%parallel_loop3A_735, %parallel_loop3A_736] {strides = array<i32>} : memref<80x64xi32, #tpu.memory_space<vmem>>, vector<16xi32>,
      %parallel_loop3A_738 = vector.bitcast %parallel_loop3A_737 : vector<16xi32> to vector<32xbf16>
      %parallel_loop3A_739 = arith.index_cast %parallel_loop3A_707 : i32 to index
      %parallel_loop3A_740 = arith.constant 48 : index
      %parallel_loop3A_741 = tpu.vector_load %arg10[%parallel_loop3A_739, %parallel_loop3A_740] {strides = array<i32>} : memref<80x64xi32, #tpu.memory_space<vmem>>, vector<16xi32>,
      %parallel_loop3A_742 = vector.bitcast %parallel_loop3A_741 : vector<16xi32> to vector<32xbf16>
      %parallel_loop3A_743 = arith.mulf %parallel_loop3A_738, %parallel_loop3A_742 : vector<32xbf16>
      %parallel_loop3A_744 = arith.addf %parallel_loop3A_716, %parallel_loop3A_725 : vector<32xbf16>
      %parallel_loop3A_745 = tpu.unpack_subelements %parallel_loop3A_744, 0 {pack_format = #tpu.pack_format<interleaved>} : vector<32xbf16> -> vector<16xf32>
      %parallel_loop3A_746 = tpu.unpack_subelements %parallel_loop3A_744, 1 {pack_format = #tpu.pack_format<interleaved>} : vector<32xbf16> -> vector<16xf32>
      %parallel_loop3A_747 = arith.addf %parallel_loop3A_745, %parallel_loop3A_746 : vector<16xf32>
      %parallel_loop3A_748 = arith.addf %parallel_loop3A_734, %parallel_loop3A_743 : vector<32xbf16>
      %parallel_loop3A_749 = tpu.unpack_subelements %parallel_loop3A_748, 0 {pack_format = #tpu.pack_format<interleaved>} : vector<32xbf16> -> vector<16xf32>
      %parallel_loop3A_750 = tpu.unpack_subelements %parallel_loop3A_748, 1 {pack_format = #tpu.pack_format<interleaved>} : vector<32xbf16> -> vector<16xf32>
      %parallel_loop3A_751 = arith.addf %parallel_loop3A_749, %parallel_loop3A_750 : vector<16xf32>
      %parallel_loop3A_752 = arith.addf %parallel_loop3A_747, %parallel_loop3A_751 : vector<16xf32>
      %parallel_loop3A_753 = arith.constant true
      %parallel_loop3A_754 = vector.broadcast %parallel_loop3A_753 : i1 to vector<16xi1>
      %parallel_loop3A_755 = tpu.scan <sum>, %parallel_loop3A_752 masked %parallel_loop3A_754 : vector<16xf32>, vector<16xi1> -> vector<16xf32>
      %parallel_loop3A_756 = vector.extract %parallel_loop3A_755[15] : f32 from vector<16xf32>
      %parallel_loop3A_757 = arith.constant 12 : i32
      %parallel_loop3A_758 = vector.broadcast %parallel_loop3A_757 : i32 to vector<16xi32>
      %parallel_loop3A_759 = arith.cmpi eq, %iota3A, %parallel_loop3A_758 : vector<16xi32>
      %parallel_loop3A_760 = vector.broadcast %parallel_loop3A_756 : f32 to vector<16xf32>
      %parallel_loop3A_761 = arith.select %parallel_loop3A_759, %parallel_loop3A_760, %parallel_loop3A_705 : vector<16xi1>, vector<16xf32>
      %parallel_loop3A_762 = arith.constant 13 : i32
      %parallel_loop3A_763 = arith.addi %parallel_loop3A_31, %parallel_loop3A_762 : i32
      %parallel_loop3A_764 = arith.index_cast %parallel_loop3A_763 : i32 to index
      %parallel_loop3A_765 = arith.constant 0 : index
      %parallel_loop3A_766 = tpu.vector_load %arg9[%parallel_loop3A_764, %parallel_loop3A_765] {strides = array<i32>} : memref<80x64xi32, #tpu.memory_space<vmem>>, vector<16xi32>,
      %parallel_loop3A_767 = vector.bitcast %parallel_loop3A_766 : vector<16xi32> to vector<32xbf16>
      %parallel_loop3A_768 = arith.index_cast %parallel_loop3A_763 : i32 to index
      %parallel_loop3A_769 = arith.constant 0 : index
      %parallel_loop3A_770 = tpu.vector_load %arg10[%parallel_loop3A_768, %parallel_loop3A_769] {strides = array<i32>} : memref<80x64xi32, #tpu.memory_space<vmem>>, vector<16xi32>,
      %parallel_loop3A_771 = vector.bitcast %parallel_loop3A_770 : vector<16xi32> to vector<32xbf16>
      %parallel_loop3A_772 = arith.mulf %parallel_loop3A_767, %parallel_loop3A_771 : vector<32xbf16>
      %parallel_loop3A_773 = arith.index_cast %parallel_loop3A_763 : i32 to index
      %parallel_loop3A_774 = arith.constant 16 : index
      %parallel_loop3A_775 = tpu.vector_load %arg9[%parallel_loop3A_773, %parallel_loop3A_774] {strides = array<i32>} : memref<80x64xi32, #tpu.memory_space<vmem>>, vector<16xi32>,
      %parallel_loop3A_776 = vector.bitcast %parallel_loop3A_775 : vector<16xi32> to vector<32xbf16>
      %parallel_loop3A_777 = arith.index_cast %parallel_loop3A_763 : i32 to index
      %parallel_loop3A_778 = arith.constant 16 : index
      %parallel_loop3A_779 = tpu.vector_load %arg10[%parallel_loop3A_777, %parallel_loop3A_778] {strides = array<i32>} : memref<80x64xi32, #tpu.memory_space<vmem>>, vector<16xi32>,
      %parallel_loop3A_780 = vector.bitcast %parallel_loop3A_779 : vector<16xi32> to vector<32xbf16>
      %parallel_loop3A_781 = arith.mulf %parallel_loop3A_776, %parallel_loop3A_780 : vector<32xbf16>
      %parallel_loop3A_782 = arith.index_cast %parallel_loop3A_763 : i32 to index
      %parallel_loop3A_783 = arith.constant 32 : index
      %parallel_loop3A_784 = tpu.vector_load %arg9[%parallel_loop3A_782, %parallel_loop3A_783] {strides = array<i32>} : memref<80x64xi32, #tpu.memory_space<vmem>>, vector<16xi32>,
      %parallel_loop3A_785 = vector.bitcast %parallel_loop3A_784 : vector<16xi32> to vector<32xbf16>
      %parallel_loop3A_786 = arith.index_cast %parallel_loop3A_763 : i32 to index
      %parallel_loop3A_787 = arith.constant 32 : index
      %parallel_loop3A_788 = tpu.vector_load %arg10[%parallel_loop3A_786, %parallel_loop3A_787] {strides = array<i32>} : memref<80x64xi32, #tpu.memory_space<vmem>>, vector<16xi32>,
      %parallel_loop3A_789 = vector.bitcast %parallel_loop3A_788 : vector<16xi32> to vector<32xbf16>
      %parallel_loop3A_790 = arith.mulf %parallel_loop3A_785, %parallel_loop3A_789 : vector<32xbf16>
      %parallel_loop3A_791 = arith.index_cast %parallel_loop3A_763 : i32 to index
      %parallel_loop3A_792 = arith.constant 48 : index
      %parallel_loop3A_793 = tpu.vector_load %arg9[%parallel_loop3A_791, %parallel_loop3A_792] {strides = array<i32>} : memref<80x64xi32, #tpu.memory_space<vmem>>, vector<16xi32>,
      %parallel_loop3A_794 = vector.bitcast %parallel_loop3A_793 : vector<16xi32> to vector<32xbf16>
      %parallel_loop3A_795 = arith.index_cast %parallel_loop3A_763 : i32 to index
      %parallel_loop3A_796 = arith.constant 48 : index
      %parallel_loop3A_797 = tpu.vector_load %arg10[%parallel_loop3A_795, %parallel_loop3A_796] {strides = array<i32>} : memref<80x64xi32, #tpu.memory_space<vmem>>, vector<16xi32>,
      %parallel_loop3A_798 = vector.bitcast %parallel_loop3A_797 : vector<16xi32> to vector<32xbf16>
      %parallel_loop3A_799 = arith.mulf %parallel_loop3A_794, %parallel_loop3A_798 : vector<32xbf16>
      %parallel_loop3A_800 = arith.addf %parallel_loop3A_772, %parallel_loop3A_781 : vector<32xbf16>
      %parallel_loop3A_801 = tpu.unpack_subelements %parallel_loop3A_800, 0 {pack_format = #tpu.pack_format<interleaved>} : vector<32xbf16> -> vector<16xf32>
      %parallel_loop3A_802 = tpu.unpack_subelements %parallel_loop3A_800, 1 {pack_format = #tpu.pack_format<interleaved>} : vector<32xbf16> -> vector<16xf32>
      %parallel_loop3A_803 = arith.addf %parallel_loop3A_801, %parallel_loop3A_802 : vector<16xf32>
      %parallel_loop3A_804 = arith.addf %parallel_loop3A_790, %parallel_loop3A_799 : vector<32xbf16>
      %parallel_loop3A_805 = tpu.unpack_subelements %parallel_loop3A_804, 0 {pack_format = #tpu.pack_format<interleaved>} : vector<32xbf16> -> vector<16xf32>
      %parallel_loop3A_806 = tpu.unpack_subelements %parallel_loop3A_804, 1 {pack_format = #tpu.pack_format<interleaved>} : vector<32xbf16> -> vector<16xf32>
      %parallel_loop3A_807 = arith.addf %parallel_loop3A_805, %parallel_loop3A_806 : vector<16xf32>
      %parallel_loop3A_808 = arith.addf %parallel_loop3A_803, %parallel_loop3A_807 : vector<16xf32>
      %parallel_loop3A_809 = arith.constant true
      %parallel_loop3A_810 = vector.broadcast %parallel_loop3A_809 : i1 to vector<16xi1>
      %parallel_loop3A_811 = tpu.scan <sum>, %parallel_loop3A_808 masked %parallel_loop3A_810 : vector<16xf32>, vector<16xi1> -> vector<16xf32>
      %parallel_loop3A_812 = vector.extract %parallel_loop3A_811[15] : f32 from vector<16xf32>
      %parallel_loop3A_813 = arith.constant 13 : i32
      %parallel_loop3A_814 = vector.broadcast %parallel_loop3A_813 : i32 to vector<16xi32>
      %parallel_loop3A_815 = arith.cmpi eq, %iota3A, %parallel_loop3A_814 : vector<16xi32>
      %parallel_loop3A_816 = vector.broadcast %parallel_loop3A_812 : f32 to vector<16xf32>
      %parallel_loop3A_817 = arith.select %parallel_loop3A_815, %parallel_loop3A_816, %parallel_loop3A_761 : vector<16xi1>, vector<16xf32>
      %parallel_loop3A_818 = arith.constant 14 : i32
      %parallel_loop3A_819 = arith.addi %parallel_loop3A_31, %parallel_loop3A_818 : i32
      %parallel_loop3A_820 = arith.index_cast %parallel_loop3A_819 : i32 to index
      %parallel_loop3A_821 = arith.constant 0 : index
      %parallel_loop3A_822 = tpu.vector_load %arg9[%parallel_loop3A_820, %parallel_loop3A_821] {strides = array<i32>} : memref<80x64xi32, #tpu.memory_space<vmem>>, vector<16xi32>,
      %parallel_loop3A_823 = vector.bitcast %parallel_loop3A_822 : vector<16xi32> to vector<32xbf16>
      %parallel_loop3A_824 = arith.index_cast %parallel_loop3A_819 : i32 to index
      %parallel_loop3A_825 = arith.constant 0 : index
      %parallel_loop3A_826 = tpu.vector_load %arg10[%parallel_loop3A_824, %parallel_loop3A_825] {strides = array<i32>} : memref<80x64xi32, #tpu.memory_space<vmem>>, vector<16xi32>,
      %parallel_loop3A_827 = vector.bitcast %parallel_loop3A_826 : vector<16xi32> to vector<32xbf16>
      %parallel_loop3A_828 = arith.mulf %parallel_loop3A_823, %parallel_loop3A_827 : vector<32xbf16>
      %parallel_loop3A_829 = arith.index_cast %parallel_loop3A_819 : i32 to index
      %parallel_loop3A_830 = arith.constant 16 : index
      %parallel_loop3A_831 = tpu.vector_load %arg9[%parallel_loop3A_829, %parallel_loop3A_830] {strides = array<i32>} : memref<80x64xi32, #tpu.memory_space<vmem>>, vector<16xi32>,
      %parallel_loop3A_832 = vector.bitcast %parallel_loop3A_831 : vector<16xi32> to vector<32xbf16>
      %parallel_loop3A_833 = arith.index_cast %parallel_loop3A_819 : i32 to index
      %parallel_loop3A_834 = arith.constant 16 : index
      %parallel_loop3A_835 = tpu.vector_load %arg10[%parallel_loop3A_833, %parallel_loop3A_834] {strides = array<i32>} : memref<80x64xi32, #tpu.memory_space<vmem>>, vector<16xi32>,
      %parallel_loop3A_836 = vector.bitcast %parallel_loop3A_835 : vector<16xi32> to vector<32xbf16>
      %parallel_loop3A_837 = arith.mulf %parallel_loop3A_832, %parallel_loop3A_836 : vector<32xbf16>
      %parallel_loop3A_838 = arith.index_cast %parallel_loop3A_819 : i32 to index
      %parallel_loop3A_839 = arith.constant 32 : index
      %parallel_loop3A_840 = tpu.vector_load %arg9[%parallel_loop3A_838, %parallel_loop3A_839] {strides = array<i32>} : memref<80x64xi32, #tpu.memory_space<vmem>>, vector<16xi32>,
      %parallel_loop3A_841 = vector.bitcast %parallel_loop3A_840 : vector<16xi32> to vector<32xbf16>
      %parallel_loop3A_842 = arith.index_cast %parallel_loop3A_819 : i32 to index
      %parallel_loop3A_843 = arith.constant 32 : index
      %parallel_loop3A_844 = tpu.vector_load %arg10[%parallel_loop3A_842, %parallel_loop3A_843] {strides = array<i32>} : memref<80x64xi32, #tpu.memory_space<vmem>>, vector<16xi32>,
      %parallel_loop3A_845 = vector.bitcast %parallel_loop3A_844 : vector<16xi32> to vector<32xbf16>
      %parallel_loop3A_846 = arith.mulf %parallel_loop3A_841, %parallel_loop3A_845 : vector<32xbf16>
      %parallel_loop3A_847 = arith.index_cast %parallel_loop3A_819 : i32 to index
      %parallel_loop3A_848 = arith.constant 48 : index
      %parallel_loop3A_849 = tpu.vector_load %arg9[%parallel_loop3A_847, %parallel_loop3A_848] {strides = array<i32>} : memref<80x64xi32, #tpu.memory_space<vmem>>, vector<16xi32>,
      %parallel_loop3A_850 = vector.bitcast %parallel_loop3A_849 : vector<16xi32> to vector<32xbf16>
      %parallel_loop3A_851 = arith.index_cast %parallel_loop3A_819 : i32 to index
      %parallel_loop3A_852 = arith.constant 48 : index
      %parallel_loop3A_853 = tpu.vector_load %arg10[%parallel_loop3A_851, %parallel_loop3A_852] {strides = array<i32>} : memref<80x64xi32, #tpu.memory_space<vmem>>, vector<16xi32>,
      %parallel_loop3A_854 = vector.bitcast %parallel_loop3A_853 : vector<16xi32> to vector<32xbf16>
      %parallel_loop3A_855 = arith.mulf %parallel_loop3A_850, %parallel_loop3A_854 : vector<32xbf16>
      %parallel_loop3A_856 = arith.addf %parallel_loop3A_828, %parallel_loop3A_837 : vector<32xbf16>
      %parallel_loop3A_857 = tpu.unpack_subelements %parallel_loop3A_856, 0 {pack_format = #tpu.pack_format<interleaved>} : vector<32xbf16> -> vector<16xf32>
      %parallel_loop3A_858 = tpu.unpack_subelements %parallel_loop3A_856, 1 {pack_format = #tpu.pack_format<interleaved>} : vector<32xbf16> -> vector<16xf32>
      %parallel_loop3A_859 = arith.addf %parallel_loop3A_857, %parallel_loop3A_858 : vector<16xf32>
      %parallel_loop3A_860 = arith.addf %parallel_loop3A_846, %parallel_loop3A_855 : vector<32xbf16>
      %parallel_loop3A_861 = tpu.unpack_subelements %parallel_loop3A_860, 0 {pack_format = #tpu.pack_format<interleaved>} : vector<32xbf16> -> vector<16xf32>
      %parallel_loop3A_862 = tpu.unpack_subelements %parallel_loop3A_860, 1 {pack_format = #tpu.pack_format<interleaved>} : vector<32xbf16> -> vector<16xf32>
      %parallel_loop3A_863 = arith.addf %parallel_loop3A_861, %parallel_loop3A_862 : vector<16xf32>
      %parallel_loop3A_864 = arith.addf %parallel_loop3A_859, %parallel_loop3A_863 : vector<16xf32>
      %parallel_loop3A_865 = arith.constant true
      %parallel_loop3A_866 = vector.broadcast %parallel_loop3A_865 : i1 to vector<16xi1>
      %parallel_loop3A_867 = tpu.scan <sum>, %parallel_loop3A_864 masked %parallel_loop3A_866 : vector<16xf32>, vector<16xi1> -> vector<16xf32>
      %parallel_loop3A_868 = vector.extract %parallel_loop3A_867[15] : f32 from vector<16xf32>
      %parallel_loop3A_869 = arith.constant 14 : i32
      %parallel_loop3A_870 = vector.broadcast %parallel_loop3A_869 : i32 to vector<16xi32>
      %parallel_loop3A_871 = arith.cmpi eq, %iota3A, %parallel_loop3A_870 : vector<16xi32>
      %parallel_loop3A_872 = vector.broadcast %parallel_loop3A_868 : f32 to vector<16xf32>
      %parallel_loop3A_873 = arith.select %parallel_loop3A_871, %parallel_loop3A_872, %parallel_loop3A_817 : vector<16xi1>, vector<16xf32>
      %parallel_loop3A_874 = arith.constant 15 : i32
      %parallel_loop3A_875 = arith.addi %parallel_loop3A_31, %parallel_loop3A_874 : i32
      %parallel_loop3A_876 = arith.index_cast %parallel_loop3A_875 : i32 to index
      %parallel_loop3A_877 = arith.constant 0 : index
      %parallel_loop3A_878 = tpu.vector_load %arg9[%parallel_loop3A_876, %parallel_loop3A_877] {strides = array<i32>} : memref<80x64xi32, #tpu.memory_space<vmem>>, vector<16xi32>,
      %parallel_loop3A_879 = vector.bitcast %parallel_loop3A_878 : vector<16xi32> to vector<32xbf16>
      %parallel_loop3A_880 = arith.index_cast %parallel_loop3A_875 : i32 to index
      %parallel_loop3A_881 = arith.constant 0 : index
      %parallel_loop3A_882 = tpu.vector_load %arg10[%parallel_loop3A_880, %parallel_loop3A_881] {strides = array<i32>} : memref<80x64xi32, #tpu.memory_space<vmem>>, vector<16xi32>,
      %parallel_loop3A_883 = vector.bitcast %parallel_loop3A_882 : vector<16xi32> to vector<32xbf16>
      %parallel_loop3A_884 = arith.mulf %parallel_loop3A_879, %parallel_loop3A_883 : vector<32xbf16>
      %parallel_loop3A_885 = arith.index_cast %parallel_loop3A_875 : i32 to index
      %parallel_loop3A_886 = arith.constant 16 : index
      %parallel_loop3A_887 = tpu.vector_load %arg9[%parallel_loop3A_885, %parallel_loop3A_886] {strides = array<i32>} : memref<80x64xi32, #tpu.memory_space<vmem>>, vector<16xi32>,
      %parallel_loop3A_888 = vector.bitcast %parallel_loop3A_887 : vector<16xi32> to vector<32xbf16>
      %parallel_loop3A_889 = arith.index_cast %parallel_loop3A_875 : i32 to index
      %parallel_loop3A_890 = arith.constant 16 : index
      %parallel_loop3A_891 = tpu.vector_load %arg10[%parallel_loop3A_889, %parallel_loop3A_890] {strides = array<i32>} : memref<80x64xi32, #tpu.memory_space<vmem>>, vector<16xi32>,
      %parallel_loop3A_892 = vector.bitcast %parallel_loop3A_891 : vector<16xi32> to vector<32xbf16>
      %parallel_loop3A_893 = arith.mulf %parallel_loop3A_888, %parallel_loop3A_892 : vector<32xbf16>
      %parallel_loop3A_894 = arith.index_cast %parallel_loop3A_875 : i32 to index
      %parallel_loop3A_895 = arith.constant 32 : index
      %parallel_loop3A_896 = tpu.vector_load %arg9[%parallel_loop3A_894, %parallel_loop3A_895] {strides = array<i32>} : memref<80x64xi32, #tpu.memory_space<vmem>>, vector<16xi32>,
      %parallel_loop3A_897 = vector.bitcast %parallel_loop3A_896 : vector<16xi32> to vector<32xbf16>
      %parallel_loop3A_898 = arith.index_cast %parallel_loop3A_875 : i32 to index
      %parallel_loop3A_899 = arith.constant 32 : index
      %parallel_loop3A_900 = tpu.vector_load %arg10[%parallel_loop3A_898, %parallel_loop3A_899] {strides = array<i32>} : memref<80x64xi32, #tpu.memory_space<vmem>>, vector<16xi32>,
      %parallel_loop3A_901 = vector.bitcast %parallel_loop3A_900 : vector<16xi32> to vector<32xbf16>
      %parallel_loop3A_902 = arith.mulf %parallel_loop3A_897, %parallel_loop3A_901 : vector<32xbf16>
      %parallel_loop3A_903 = arith.index_cast %parallel_loop3A_875 : i32 to index
      %parallel_loop3A_904 = arith.constant 48 : index
      %parallel_loop3A_905 = tpu.vector_load %arg9[%parallel_loop3A_903, %parallel_loop3A_904] {strides = array<i32>} : memref<80x64xi32, #tpu.memory_space<vmem>>, vector<16xi32>,
      %parallel_loop3A_906 = vector.bitcast %parallel_loop3A_905 : vector<16xi32> to vector<32xbf16>
      %parallel_loop3A_907 = arith.index_cast %parallel_loop3A_875 : i32 to index
      %parallel_loop3A_908 = arith.constant 48 : index
      %parallel_loop3A_909 = tpu.vector_load %arg10[%parallel_loop3A_907, %parallel_loop3A_908] {strides = array<i32>} : memref<80x64xi32, #tpu.memory_space<vmem>>, vector<16xi32>,
      %parallel_loop3A_910 = vector.bitcast %parallel_loop3A_909 : vector<16xi32> to vector<32xbf16>
      %parallel_loop3A_911 = arith.mulf %parallel_loop3A_906, %parallel_loop3A_910 : vector<32xbf16>
      %parallel_loop3A_912 = arith.addf %parallel_loop3A_884, %parallel_loop3A_893 : vector<32xbf16>
      %parallel_loop3A_913 = tpu.unpack_subelements %parallel_loop3A_912, 0 {pack_format = #tpu.pack_format<interleaved>} : vector<32xbf16> -> vector<16xf32>
      %parallel_loop3A_914 = tpu.unpack_subelements %parallel_loop3A_912, 1 {pack_format = #tpu.pack_format<interleaved>} : vector<32xbf16> -> vector<16xf32>
      %parallel_loop3A_915 = arith.addf %parallel_loop3A_913, %parallel_loop3A_914 : vector<16xf32>
      %parallel_loop3A_916 = arith.addf %parallel_loop3A_902, %parallel_loop3A_911 : vector<32xbf16>
      %parallel_loop3A_917 = tpu.unpack_subelements %parallel_loop3A_916, 0 {pack_format = #tpu.pack_format<interleaved>} : vector<32xbf16> -> vector<16xf32>
      %parallel_loop3A_918 = tpu.unpack_subelements %parallel_loop3A_916, 1 {pack_format = #tpu.pack_format<interleaved>} : vector<32xbf16> -> vector<16xf32>
      %parallel_loop3A_919 = arith.addf %parallel_loop3A_917, %parallel_loop3A_918 : vector<16xf32>
      %parallel_loop3A_920 = arith.addf %parallel_loop3A_915, %parallel_loop3A_919 : vector<16xf32>
      %parallel_loop3A_921 = arith.constant true
      %parallel_loop3A_922 = vector.broadcast %parallel_loop3A_921 : i1 to vector<16xi1>
      %parallel_loop3A_923 = tpu.scan <sum>, %parallel_loop3A_920 masked %parallel_loop3A_922 : vector<16xf32>, vector<16xi1> -> vector<16xf32>
      %parallel_loop3A_924 = vector.extract %parallel_loop3A_923[15] : f32 from vector<16xf32>
      %parallel_loop3A_925 = arith.constant 15 : i32
      %parallel_loop3A_926 = vector.broadcast %parallel_loop3A_925 : i32 to vector<16xi32>
      %parallel_loop3A_927 = arith.cmpi eq, %iota3A, %parallel_loop3A_926 : vector<16xi32>
      %parallel_loop3A_928 = vector.broadcast %parallel_loop3A_924 : f32 to vector<16xf32>
      %parallel_loop3A_929 = arith.select %parallel_loop3A_927, %parallel_loop3A_928, %parallel_loop3A_873 : vector<16xi1>, vector<16xf32>
      %parallel_loop3A_930 = arith.constant 9920 : i32
      %parallel_loop3A_931 = arith.addi %parallel_loop3A_930, %parallel_loop3A_31 : i32
      %parallel_loop3A_932 = arith.index_cast %parallel_loop3A_931 : i32 to index
      %parallel_loop3A_933 = tpu.vector_load %arg13[%parallel_loop3A_932] {strides = array<i32>} : memref<10000xf32, #tpu.memory_space<vmem>>, vector<16xf32>,
      tpu.vector_store %arg13[%parallel_loop3A_932], %parallel_loop3A_929 {strides = array<i32>} : memref<10000xf32, #tpu.memory_space<vmem>>, vector<16xf32>,
    } {sc.loop_unroll_factor = 2 : i64, sc.parallel_access}
    "tpu.region"() ({
      %run_scoped3A = tpu.sem_alloc : memref<!tpu.dma_semaphore, #tpu.memory_space<semaphore_mem>>
      %dma_start3A_29 = tpu.memref_slice %arg6[%mul3A_2] : memref<320000xf32, #tpu.memory_space<hbm>> -> memref<10000xf32, #tpu.memory_space<hbm>>
      %dma_start3A_30 = tpu.memref_slice %arg6[%mul3A_2] : memref<320000xf32, #tpu.memory_space<hbm>> -> memref<10000xf32, #tpu.memory_space<hbm>>
      tpu.enqueue_dma source(%arg13 : memref<10000xf32, #tpu.memory_space<vmem>>) target(%dma_start3A_30 : memref<10000xf32, #tpu.memory_space<hbm>>) target_semaphore(%run_scoped3A : memref<!tpu.dma_semaphore, #tpu.memory_space<semaphore_mem>>)
      %dma_wait3A_31 = tpu.memref_slice %arg6[%mul3A_2] : memref<320000xf32, #tpu.memory_space<hbm>> -> memref<10000xf32, #tpu.memory_space<hbm>>
      %dma_wait3A_32 = tpu.memref_slice %arg6[%mul3A_2] : memref<320000xf32, #tpu.memory_space<hbm>> -> memref<10000xf32, #tpu.memory_space<hbm>>
      tpu.wait_dma2 semaphore(%run_scoped3A : memref<!tpu.dma_semaphore, #tpu.memory_space<semaphore_mem>>) src(%arg13 : memref<10000xf32, #tpu.memory_space<vmem>>) dst(%dma_wait3A_32 : memref<10000xf32, #tpu.memory_space<hbm>>)
      tpu.yield
    }) : () -> ()
    return
  }
}

</mosaic_0001>

<sc_bundles>
// kernel: kernel.3.cloned.1.call-start
scs
__scs_entry_jumppad:
0x0: {  	(pc) =	sbr.rel $0x88, $3  }
0x1: {  	(tag) =	ssettag $0x0;
	lr =	simm.s32 $0x1  }
0x2: {  	[smem:$0x3F9D] =	sst lr;
	_ =	strace $0xD0000000  }
0x3: {  	_ = 	snop  }
0x4: {  	_ = 	snop  }
0x5: {  	_ = 	snop  }
0x6: {  	_ = 	snop  }
0x7: {  	_ = 	snop  }
__scs_overlays_trampoline_lowered:
0x8: {  	[smem:$0x3FAC] =	sst s0  }
0x9: {  	[smem:$0x3FAD] =	sst s1  }
0xa: {  	[smem:$0x3FAE] =	sst s2  }
0xb: {  	[smem:$0x3FAF] =	sst s3  }
0xc: {  	[smem:$0x3FB0] =	sst s4  }
0xd: {  	[smem:$0x3FB1] =	sst s5  }
0xe: {  	[smem:$0x3FB2] =	sst s6  }
0xf: {  	[smem:$0x3FB3] =	sst s7  }
0x10: {  	[smem:$0x3FB4] =	sst s8  }
0x11: {  	[smem:$0x3FB5] =	sst s9;
	s0 =	simm.s32 @!p0 $0x0  }
0x12: {  	s1 =	sld [smem:$0x3F9B];
	s0 =	simm.s32 @p0 $0x1  }
0x13: {  	[smem:$0x3FB6] =	sst s0;
	s0 =	simm.s32 @!p1 $0x0  }
0x14: {  	s2 =	sld [smem:$0x3F9A];
	s0 =	simm.s32 @p1 $0x1  }
0x15: {  	[smem:$0x3FB7] =	sst s0;
	s0 =	simm.s32 @!p2 $0x0  }
0x16: {  	s3 =	sld [smem:$0x3FDB];
	s0 =	simm.s32 @p2 $0x1  }
0x17: {  	s4 =	simm.s32 $0x1BF5;
	[smem:$0x3FB9] =	sst s0  }
0x18: {  	s0 =	sld [smem:$0x3F9C];
	_ =	swait.ge [sflag:s4], $0x0  }
0x19: {  	s7 =	sld [smem:$0x3F9D]  }
0x1a: {  	s8 =	sadd.s32 $0xFFFFE003, lr  }
0x1b: {  	s9 =	sadd.s32 $0xFFFFFEF7, lr;
	s5 =	simm.s32 $0xFFFFFFFF;
	p2 =	slt.u32 s8, $0xFFFFF086  }
0x1c: {  	p1 =	slt.u32 s9, $0xF7A;
	s5 =	simm.s32 @!p2 $0x0  }
0x1d: {  	s5 =	simm.s32 @p1 $0x1;
	p0 =	seq.s32 s7, s2  }
0x1e: {  	s7 =	smul.u32 @!p0 $0xF7A, s2;
	p2 =	seq.s32 @!p0 s5, $0x0  }
0x1f: {  	s9 =	smul.u32 $0xF7A, s1;
	s8 =	simm.s32 @!p0 $0x1BF5;
	p2 =	por !p2, p0  }
0x20: {  	[sflag:s8] =	ssyncset.s32 @!p0 $0xFFFFF086;
	s6 =	sadd.s32 @!p0 s3, s7;
	s7 =	simm.s32 @!p0 $0x108  }
0x21: {  	s3 =	sadd.s32 s3, s9;
	s6 =	sadd.s32 @!p0 $0x88, s6;
	s7 =	simm.s32 @p2 $0x1082  }
0x22: {  	[simem:s7], [sflag:s8] =	dma.local @!p0 [hbm:s6], $0xF7A  }
0x23: {  	s9 =	sor.u32 $0xD0000000, s2;
	s6 =	simm.s32 $0x108;
	_ =	swait.ge @!p0 [sflag:s8], $0x0  }
0x24: {  	s3 =	sadd.s32 $0x88, s3;
	s6 =	simm.s32 @!p1 $0x1082;
	[sflag:s4] =	ssyncset.s32 $0xFFFFF086  }
0x25: {  	[simem:s6], [sflag:s4] =	dma.local [hbm:s3], $0xF7A  }
0x26: {  	[smem:$0x3F9D] =	sst s1;
	(tag) =	ssettag s2;
	_ =	strace s9  }
0x27: {  	s1 =	sld [smem:$0x3FAD]  }
0x28: {  	s2 =	sld [smem:$0x3FAE]  }
0x29: {  	s4 =	sld [smem:$0x3FB0]  }
0x2a: {  	p0 =	seq.s32 s5, $0x0;
	s5 =	sld [smem:$0x3FB1]  }
0x2b: {  	s6 =	sld [smem:$0x3FB2]  }
0x2c: {  	s7 =	sld [smem:$0x3FB3]  }
0x2d: {  	s3 =	simm.s32 $0x108;
	s8 =	sld [smem:$0x3FB4]  }
0x2e: {  	s3 =	simm.s32 @!p0 $0x1082;
	s9 =	sld [smem:$0x3FB5]  }
0x2f: {  	lr =	sadd.s32 s0, s3;
	s0 =	sld [smem:$0x3FAC]  }
0x30: {  	s3 =	sld [smem:$0x3FAF]  }
0x31: {  	[smem:$0x3FB8] =	sst s10  }
0x32: {  	s10 =	sld [smem:$0x3FB6];
	_ =	sdelay $0x3  }
0x33: {  	p0 =	seq.s32 s10, $0x1;
	s10 =	sld [smem:$0x3FB8];
	_ =	sdelay $0x3  }
0x34: {  	[smem:$0x3FB8] =	sst s10  }
0x35: {  	s10 =	sld [smem:$0x3FB7];
	_ =	sdelay $0x3  }
0x36: {  	p1 =	seq.s32 s10, $0x1;
	s10 =	sld [smem:$0x3FB8];
	_ =	sdelay $0x3  }
0x37: {  	[smem:$0x3FB8] =	sst s10  }
0x38: {  	s10 =	sld [smem:$0x3FB9]  }
0x39: {  	_ = 	snop;
	(pc) =	sbr.ind lr, $3  }
0x3a: {  	_ = 	snop  }
0x3b: {  	_ = 	snop  }
0x3c: {  	p2 =	seq.s32 s10, $0x1;
	s10 =	sld [smem:$0x3FB8]  }
0x3d: {  	_ =	shalt  }
0x3e: {  	_ =	shalt  }
0x3f: {  	_ =	shalt  }
0x40: {  	_ =	shalt  }
0x41: {  	_ =	shalt  }
0x42: {  	_ =	shalt  }
0x43: {  	_ =	shalt  }
0x44: {  	_ =	shalt  }
0x45: {  	_ =	shalt  }
0x46: {  	_ =	shalt  }
0x47: {  	_ =	shalt  }
0x48: {  	_ =	shalt  }
0x49: {  	_ =	shalt  }
0x4a: {  	_ =	shalt  }
0x4b: {  	_ =	shalt  }
0x4c: {  	_ =	shalt  }
0x4d: {  	_ =	shalt  }
0x4e: {  	_ =	shalt  }
0x4f: {  	_ =	shalt  }
0x50: {  	_ =	shalt  }
0x51: {  	_ =	shalt  }
0x52: {  	_ =	shalt  }
0x53: {  	_ =	shalt  }
0x54: {  	_ =	shalt  }
0x55: {  	_ =	shalt  }
0x56: {  	_ =	shalt  }
0x57: {  	_ =	shalt  }
0x58: {  	_ =	shalt  }
0x59: {  	_ =	shalt  }
0x5a: {  	_ =	shalt  }
0x5b: {  	_ =	shalt  }
0x5c: {  	_ =	shalt  }
0x5d: {  	_ =	shalt  }
0x5e: {  	_ =	shalt  }
0x5f: {  	_ =	shalt  }
0x60: {  	_ =	shalt  }
0x61: {  	_ =	shalt  }
0x62: {  	_ =	shalt  }
0x63: {  	_ =	shalt  }
0x64: {  	_ =	shalt  }
0x65: {  	_ =	shalt  }
0x66: {  	_ =	shalt  }
0x67: {  	_ =	shalt  }
0x68: {  	_ =	shalt  }
0x69: {  	_ =	shalt  }
0x6a: {  	_ =	shalt  }
0x6b: {  	_ =	shalt  }
0x6c: {  	_ =	shalt  }
0x6d: {  	_ =	shalt  }
0x6e: {  	_ =	shalt  }
0x6f: {  	_ =	shalt  }
0x70: {  	_ =	shalt  }
0x71: {  	_ =	shalt  }
0x72: {  	_ =	shalt  }
0x73: {  	_ =	shalt  }
0x74: {  	_ =	shalt  }
0x75: {  	_ =	shalt  }
0x76: {  	_ =	shalt  }
0x77: {  	_ =	shalt  }
0x78: {  	_ =	shalt  }
0x79: {  	_ =	shalt  }
0x7a: {  	_ =	shalt  }
0x7b: {  	_ =	shalt  }
0x7c: {  	_ =	shalt  }
0x7d: {  	_ =	shalt  }
0x7e: {  	_ =	shalt  }
0x7f: {  	_ =	shalt  }
0x80: {  	_ =	shalt  }
0x81: {  	_ =	shalt  }
0x82: {  	_ =	shalt  }
0x83: {  	_ =	shalt  }
0x84: {  	_ =	shalt  }
0x85: {  	_ =	shalt  }
0x86: {  	_ =	shalt  }
0x87: {  	_ =	shalt  }
.Lfunc_end0:
.L_simem_size_0:
called_computation_lowered:
.L_overlay_start_0:
0x88: {  	s2 =	sld [smem:$0x3FD9]  }
0x89: {  	s3 =	sld [smem:$0x3FFE];
	_ =	sdelay $0x1  }
0x8a: {  	s1 =	srdreg.scid  }
0x8b: {  	s0 =	sand.u32 $0x1, s1  }
0x8c: {  	s17 =	sshll.u32 s0, $0xA;
	s2 =	sadd.s32 s3, s2  }
0x8d: {  	s2 =	sadd.s32 s2, s17  }
0x8e: {  	[smem:$0x3FC4] =	sst s2  }
0x8f: {  	_ = 	snop  }
0x90: {  	s2 =	sld [smem:$0x3FC9]  }
0x91: {  	s18 =	sld [smem:$0x3FC8]  }
0x92: {  	s4 =	sld [smem:$0x3FD0];
	(tm) =	ssettm $0x1  }
0x93: {  	s5 =	sld [smem:$0x3FFB];
	_ =	sdelay $0x3  }
0x94: {  	_ =	strace s5  }
0x95: {  	s5 =	sld [smem:$0x3FFC];
	_ =	sdelay $0x3  }
0x96: {  	_ =	strace s5  }
0x97: {  	s5 =	sld [smem:$0x3FFD];
	_ =	sdelay $0x3  }
0x98: {  	_ =	strace s5  }
0x99: {  	_ =	strace $0x8FFFFFFF  }
0x9a: {  	s19 =	sld [smem:$0x3FDB];
	_ =	sdelay $0x1  }
0x9b: {  	s6 =	simm.s32 $_scs_section_size  }
0x9c: {  	s7 =	simm.s32 $_size__tile_overlayer_lowered;
	s8 =	simm.s32 $_tile_overlayer_lowered  }
0x9d: {  	s22 =	simm.s32 $0x1BFF;
	s21 =	sshll.u32 s8, $0x1;
	s5 =	sadd.s32 s6, s19  }
0x9e: {  	s9 =	simm.s32 $0x0;
	s20 =	sshll.u32 s7, $0x1;
	s7 =	sadd.s32 s21, s5  }
0x9f: {  	[timem:s9], [sflag:s22] =	dma.local [hbm:s7], s20  }
0xa0: {  	_ =	swait.ge [sflag:s22], s20  }
0xa1: {  	s6 =	ssub.s32 $0x0, s20;
	[sflag:s22] =	ssyncset.done $0x0  }
0xa2: {  	[sflag:s22] =	ssyncadd.s32 s6;
	_ =	sdelay $0x1  }
0xa3: {  	s23 =	simm.s32 $0x1B8B  }
0xa4: {  	_ =	swait.ge [sflag:s23], $0x1  }
0xa5: {  	[sflag:s23] =	ssyncset.done $0x0  }
0xa6: {  	s25 =	simm.s32 $0x1B8E;
	s24 =	sld [smem:$0x3FFE];
	[sflag:s23] =	ssyncadd.s32 $0xFFFFFFFF  }
0xa7: {  	s26 =	simm.s32 $execute0_lowered;
	[smem:$0x3FD2] =	sst s25  }
0xa8: {  	s7 =	sshll.u32 s26, $0x1;
	_ =	strace $0x80000046;
	[dreg:$0x1] =	wrdreg $0xFFFFFFFF  }
0xa9: {  	s28 =	simm.s32 $_size_execute0_lowered;
	s5 =	sadd.s32 s5, s7;
	[dreg:$0x0] =	wrdreg $0x0  }
0xaa: {  	s7 =	sshll.u32 s28, $0x1;
	[dreg:$0x2] =	wrdreg s5  }
0xab: {  	[dreg:$0x3] =	wrdreg s7  }
0xac: {  	[dreg:$0x4] =	wrdreg $0xC0  }
0xad: {  	_ =	task [dreg:s9], $0x5FFFF  }
0xae: {  	[dreg:$0x1] =	wrdreg $0xFFFFFFFF  }
0xaf: {  	[dreg:$0x0] =	wrdreg $0x60  }
0xb0: {  	[dreg:$0x2] =	wrdreg s2  }
0xb1: {  	[dreg:$0x3] =	wrdreg s18  }
0xb2: {  	[dreg:$0x4] =	wrdreg s24  }
0xb3: {  	[dreg:$0x5] =	wrdreg s4  }
0xb4: {  	[dreg:$0x6] =	wrdreg $0x9  }
0xb5: {  	_ =	task.clear_ibuf [dreg:s9], $0x7FFFF;
	_ =	strace $0x90000046  }
0xb6: {  	s29 =	simm.s32 $0x9;
	_ =	strace $0x80000048  }
0xb7: {  	_ =	swait.ge [sflag:s29], $0x1  }
0xb8: {  	[sflag:s29] =	ssyncadd.s32 $0xFFFFFFFF  }
0xb9: {  	_ =	strace $0x90000048  }
0xba: {  	_ =	sfence  }
0xbb: {  	s30 =	sld [smem:$0x0];
	_ =	sdelay $0x2  }
0xbc: {  	s31 =	sshll.u32 s1, $0xD;
	s1 =	sshrl.u32 s1, $0x2  }
0xbd: {  	s3 =	sand.u32 $0x4000, s31;
	s1 =	sadd.s32 s1, s30  }
0xbe: {  	s0 =	sor.u32 s3, s0;
	s1 =	sshll.u32 s1, $0x11  }
0xbf: {  	s0 =	sor.u32 s1, s0  }
0xc0: {  	s0 =	sadd.s32 $0x8F2B, s0  }
0xc1: {  	[sflag:s0] =	ssyncadd.remote.s32 $0x1  }
0xc2: {  	_ =	sfence.sel $0xFFFF  }
0xc3: {  	[dreg:$0x0] =	wrdreg $0xFFFFFFFF;
	(pc) =	sbr.abs _section_cstart, $3  }
0xc4: {  	[dreg:$0x1] =	wrdreg $0xFFFFFFFF  }
0xc5: {  	_ =	task.clear_ibuf [dreg:s9], $0x2FFFF;
	_ =	strace $0x9FFFFFFF  }
0xc6: {  	(tm) =	ssettm $0x7FFFFFFF  }
0xc7: {  	_ =	shalt  }
tec
execute0_lowered:
.L_overlay_start_1:
0x0: {  	(tag) =	ssettag $0x1  }
0x1: {  	s5 =	rddreg [dreg:$0x0]  }
0x2: {  	s6 =	rddreg [dreg:$0x1]  }
0x3: {  	s4 =	rddreg [dreg:$0x2]  }
0x4: {  	s7 =	rddreg [dreg:$0x3]  }
0x5: {  	s0 =	rddreg [dreg:$0x4];
	s3 =	srdreg.scid  }
0x6: {  	s1 =	stileid.u32;
	s2 =	simm.s32 $0x0;
	s11 =	simm.s32 $0x50  }
0x7: {  	s12 =	simm.s32 $0x4E20;
	s13 =	simm.s32 $0x6220;
	s14 =	simm.s32 $0x7620  }
0x8: {  	s15 =	simm.s32 $0x8A20;
	s16 =	simm.s32 $0x1;
	s17 =	simm.s32 $0x2  }
0x9: {  	s18 =	simm.s32 $0x3;
	s19 =	simm.s32 $0x4;
	s20 =	simm.s32 $0x9E20  }
0xa: {  	s21 =	simm.s32 $0x0;
	s3 =	sand.u32 $0x1, s3;
	s8 =	sshll.u32 s1, $0x1  }
0xb: {  	vm0 =	vmmov $0x1;
	vm1 =	vmmov $0x3;
	vm2 =	vmmov $0x7;
	[smem:$0x7FF] =	sst s2;
	s8 =	sor.u32 s3, s8;
	s9 =	ssub.s32 $0x2, s3  }
0xc: {  	vm3 =	vmmov $0xf;
	vm4 =	vmmov $0x1f;
	vm5 =	vmmov $0x3f;
	_ =	strace $0x80000047;
	s8 =	smul.u32 $0x4E2, s8;
	s10 =	sshrl.u32 s9, $0x1  }
0xd: {  	vm6 =	vmmov $0x7f;
	vm7 =	vmmov $0xff;
	vm8 =	vmmov $0x1ff;
	s3 =	sadd.s32 $0xC00, s4;
	s4 =	sadd.s32 $0x14600, s4;
	s9 =	ssub.s32 s9, s10  }
0xe: {  	vm9 =	vmmov $0x3ff;
	vm10 =	vmmov $0x7ff;
	vm11 =	vmmov $0xfff;
	s10 =	simm.s32 $0x2710;
	s5 =	sadd.s32 s5, s8;
	s6 =	sadd.s32 s6, s8  }
0xf: {  	vm12 =	vmmov $0x1fff;
	vm13 =	vmmov $0x3fff;
	vm14 =	vmmov $0x7fff;
	s7 =	sadd.s32 s7, s8;
	s8 =	smax.u32 s9, $0x1;
	s9 =	simm.s32 $0x5  }
.LBB2_1:
0x10: {  	[tilespmem:s2], [sflag:$0x5] =	stream.linear.gather [hbm4b:s5+s2], $0x2710, $0x38;
	[tilespmem:$0xC530] =	vst v63  }
0x11: {  	_ =	swait.ge [sflag:s9], $0x2710  }
0x12: {  	[sflag:s9] =	ssyncset.done $0x0  }
0x13: {  	[sflag:s9] =	ssyncadd.s32 $0xFFFFD8F0  }
0x14: {  	[tilespmem:s10], [sflag:$0x5] =	stream.linear.gather [hbm4b:s6+s2], $0x2710, $0x38;
	[tilespmem:$0xC530] =	vst v63  }
0x15: {  	_ =	swait.ge [sflag:s9], $0x2710  }
0x16: {  	[sflag:s9] =	ssyncset.done $0x0  }
0x17: {  	[sflag:s9] =	ssyncadd.s32 $0xFFFFD8F0  }
0x18: {  	[tilespmem:s12], [sflag:$0x1] =	stream.indirect.gather [hbm4b:s3+s11], $0x40, s2, s11, $0xb8;
	[tilespmem:$0xC530] =	vst v63  }
0x19: {  	s22 =	simm.s32 $0x0  }
0x1a: {  	[tilespmem:s13], [sflag:$0x2] =	stream.indirect.gather [hbm4b:s4+s11], $0x40, s10, s11, $0xb8;
	[tilespmem:$0xC530] =	vst v63  }
.LBB2_2:
0x1b: {  	s23 =	smul.u32 $0xA0, s22;
	_ =	sdelay $0x1  }
0x1c: {  	s24 =	sadd.s32 $0x50, s23  }
0x1d: {  	[tilespmem:s14], [sflag:$0x3] =	stream.indirect.gather [hbm4b:s3+s11], $0x40, s24, s11, $0xb8;
	[tilespmem:$0xC530] =	vst v63  }
0x1e: {  	s25 =	sadd.s32 $0x2760, s23  }
0x1f: {  	[tilespmem:s15], [sflag:$0x4] =	stream.indirect.gather [hbm4b:s4+s11], $0x40, s25, s11, $0xb8;
	[tilespmem:$0xC530] =	vst v63  }
0x20: {  	_ =	swait.ge [sflag:s16], $0x1400  }
0x21: {  	[sflag:s16] =	ssyncset.done $0x0  }
0x22: {  	[sflag:s16] =	ssyncadd.s32 $0xFFFFEC00  }
0x23: {  	s31 =	sadd.s32 $0x9E20, s23;
	_ =	swait.ge [sflag:s17], $0x1400  }
0x24: {  	v0 =	vmov s31;
	[sflag:s17] =	ssyncset.done $0x0  }
0x25: {  	s28 =	simm.s32 $0x0;
	p0 =	por $0x1, $0x1;
	[tilespmem:$0x1FFF0] =	vst v0;
	[sflag:s17] =	ssyncadd.s32 $0xFFFFEC00  }
.LBB2_3:
0x26: {  	s26 =	sshll.u32 s28, $0x4;
	s28 =	sshll.u32 s28, $0xA  }
0x27: {  	v53 =	vld [tilespmem:s28+$0x6220]  }
0x28: {  	v62 =	vld [tilespmem:s28+$0x4E30]  }
0x29: {  	v3 =	vld [tilespmem:s28+$0x6230]  }
0x2a: {  	v4 =	vld [tilespmem:s28+$0x4E40]  }
0x2b: {  	v1 =	vld [tilespmem:s28+$0x6240]  }
0x2c: {  	v2 =	vld [tilespmem:s28+$0x4E50]  }
0x2d: {  	v6 =	vld [tilespmem:s28+$0x4E60]  }
0x2e: {  	v5 =	vld [tilespmem:s28+$0x6260]  }
0x2f: {  	v12 =	vld [tilespmem:s28+$0x4E70]  }
0x30: {  	v9 =	vld [tilespmem:s28+$0x6270]  }
0x31: {  	v11 =	vld [tilespmem:s28+$0x4E80]  }
0x32: {  	v7 =	vld [tilespmem:s28+$0x6280]  }
0x33: {  	v10 =	vld [tilespmem:s28+$0x4E90]  }
0x34: {  	v8 =	vld [tilespmem:s28+$0x6290]  }
0x35: {  	v20 =	vld [tilespmem:s28+$0x4EA0]  }
0x36: {  	v15 =	vld [tilespmem:s28+$0x62A0]  }
0x37: {  	v18 =	vld [tilespmem:s28+$0x4EB0]  }
0x38: {  	v13 =	vld [tilespmem:s28+$0x62B0]  }
0x39: {  	v19 =	vld [tilespmem:s28+$0x4EC0]  }
0x3a: {  	v60 =	vld [tilespmem:s28+$0x5020]  }
0x3b: {  	v16 =	vld [tilespmem:s28+$0x62C0]  }
0x3c: {  	v17 =	vld [tilespmem:s28+$0x4ED0]  }
0x3d: {  	v14 =	vld [tilespmem:s28+$0x62D0]  }
0x3e: {  	v34 =	vld [tilespmem:s28+$0x4EE0]  }
0x3f: {  	[tilespmem:$0x1FB60] =	vst v60;
	v60 =	vld [tilespmem:s28+$0x6420]  }
0x40: {  	v54 =	vld [tilespmem:s28+$0x4EF0]  }
0x41: {  	v24 =	vld [tilespmem:s28+$0x62F0]  }
0x42: {  	v37 =	vld [tilespmem:s28+$0x4F00]  }
0x43: {  	v30 =	vld [tilespmem:s28+$0x6300]  }
0x44: {  	[tilespmem:$0x1FB70] =	vst v60;
	v60 =	vld [tilespmem:s28+$0x5030]  }
0x45: {  	v25 =	vld [tilespmem:s28+$0x4F10]  }
0x46: {  	v21 =	vld [tilespmem:s28+$0x6310]  }
0x47: {  	v45 =	vld [tilespmem:s28+$0x4F20]  }
0x48: {  	v26 =	vld [tilespmem:s28+$0x6320]  }
0x49: {  	[tilespmem:$0x1FB80] =	vst v60;
	v60 =	vld [tilespmem:s28+$0x6430]  }
0x4a: {  	v27 =	vld [tilespmem:s28+$0x4F30]  }
0x4b: {  	v22 =	vld [tilespmem:s28+$0x6330]  }
0x4c: {  	v63 =	vld [tilespmem:s28+$0x4F40]  }
0x4d: {  	v28 =	vld [tilespmem:s28+$0x6340]  }
0x4e: {  	[tilespmem:$0x1FB90] =	vst v60;
	v60 =	vld [tilespmem:s28+$0x5040]  }
0x4f: {  	v29 =	vld [tilespmem:s28+$0x4F50]  }
0x50: {  	v23 =	vld [tilespmem:s28+$0x6350]  }
0x51: {  	v33 =	vld [tilespmem:s28+$0x4F60]  }
0x52: {  	v32 =	vld [tilespmem:s28+$0x6360]  }
0x53: {  	[tilespmem:$0x1FBA0] =	vst v60;
	v60 =	vld [tilespmem:s28+$0x6440]  }
0x54: {  	v31 =	vld [tilespmem:s28+$0x6370]  }
0x55: {  	v36 =	vld [tilespmem:s28+$0x4F80]  }
0x56: {  	v38 =	vld [tilespmem:s28+$0x6380]  }
0x57: {  	v57 =	vld [tilespmem:s28+$0x4F90]  }
0x58: {  	[tilespmem:$0x1FBB0] =	vst v60;
	v60 =	vld [tilespmem:s28+$0x5050]  }
0x59: {  	v35 =	vld [tilespmem:s28+$0x6390]  }
0x5a: {  	v40 =	vld [tilespmem:s28+$0x4FA0]  }
0x5b: {  	v39 =	vld [tilespmem:s28+$0x63A0]  }
0x5c: {  	v44 =	vld [tilespmem:s28+$0x4FC0]  }
0x5d: {  	[tilespmem:$0x1FBC0] =	vst v60;
	v60 =	vld [tilespmem:s28+$0x6450]  }
0x5e: {  	v42 =	vld [tilespmem:s28+$0x63C0]  }
0x5f: {  	v43 =	vld [tilespmem:s28+$0x4FD0]  }
0x60: {  	v41 =	vld [tilespmem:s28+$0x63D0]  }
0x61: {  	v61 =	vld [tilespmem:s28+$0x4FE0]  }
0x62: {  	[tilespmem:$0x1FBD0] =	vst v60;
	v60 =	vld [tilespmem:s28+$0x5060]  }
0x63: {  	v58 =	vld [tilespmem:s28+$0x63E0]  }
0x64: {  	v59 =	vld [tilespmem:s28+$0x4FF0]  }
0x65: {  	v56 =	vld [tilespmem:s28+$0x6400]  }
0x66: {  	s25 =	sor.u32 $0x10, s26;
	v55 =	vld [tilespmem:s28+$0x6410]  }
0x67: {  	s29 =	sshll.u32 s25, $0x6;
	[tilespmem:$0x1FBE0] =	vst v60;
	v60 =	vld [tilespmem:s28+$0x6460]  }
0x68: {  	v0 =	vld [tilespmem:s29+$0x4E20]  }
0x69: {  	v46 =	vld [tilespmem:s29+$0x6220]  }
0x6a: {  	v47 =	vld [tilespmem:s29+$0x4E30]  }
0x6b: {  	v48 =	vld [tilespmem:s29+$0x6230]  }
0x6c: {  	[tilespmem:$0x1FBF0] =	vst v60;
	v60 =	vld [tilespmem:s28+$0x5070]  }
0x6d: {  	v49 =	vld [tilespmem:s29+$0x4E40]  }
0x6e: {  	v52 =	vld [tilespmem:s29+$0x6250]  }
0x6f: {  	v50 =	vld [tilespmem:s29+$0x6240]  }
0x70: {  	v51 =	vld [tilespmem:s29+$0x4E50]  }
0x71: {  	[tilespmem:$0x1FC00] =	vst v60;
	v60 =	vld [tilespmem:s28+$0x6470]  }
0x72: {  	v3 =	vmul.bf16 v3, v62;
	v62 =	vld [tilespmem:s28+$0x6570]  }
0x73: {  	[tilespmem:$0x1FF20] =	vst v52;
	v52 =	vld [tilespmem:s28+$0x4E20]  }
0x74: {  	[tilespmem:$0x1FEB0] =	vst v0;
	v0 =	vld [tilespmem:s28+$0x6250]  }
0x75: {  	[tilespmem:$0x1FF10] =	vst v51;
	v51 =	vld [tilespmem:s28+$0x62E0]  }
0x76: {  	[tilespmem:$0x1FC10] =	vst v60;
	v60 =	vld [tilespmem:s28+$0x5080]  }
0x77: {  	[tilespmem:$0x1FEF0] =	vst v49;
	v49 =	vld [tilespmem:s28+$0x4F70]  }
0x78: {  	[tilespmem:$0x1FED0] =	vst v47;
	v47 =	vld [tilespmem:s28+$0x4FB0]  }
0x79: {  	[tilespmem:$0x1FEE0] =	vst v48;
	v48 =	vld [tilespmem:s28+$0x5000]  }
0x7a: {  	[tilespmem:$0x1FEC0] =	vst v46;
	v46 =	vld [tilespmem:s28+$0x63B0]  }
0x7b: {  	[tilespmem:$0x1FC20] =	vst v60;
	v60 =	vld [tilespmem:s28+$0x6480]  }
0x7c: {  	[tilespmem:$0x1FF00] =	vst v50;
	v50 =	vld [tilespmem:s28+$0x63F0]  }
0x7d: {  	[tilespmem:$0x1FE00] =	vst v62;
	v62 =	vld [tilespmem:s28+$0x6580]  }
0x7e: {  	[tilespmem:$0x1FB50] =	vst v48;
	v48 =	vld [tilespmem:s28+$0x5010]  }
0x7f: {  	v52 =	vmul.bf16 v53, v52;
	v53 =	vld [tilespmem:s28+$0x5170]  }
0x80: {  	[tilespmem:$0x1FC30] =	vst v60;
	v60 =	vld [tilespmem:s28+$0x5090]  }
0x81: {  	v0 =	vmul.bf16 v0, v2;
	v2 =	vadd.bf16 v3, v52;
	v52 =	vld [tilespmem:s28+$0x5180]  }
0x82: {  	v3 =	vmul.bf16 v9, v12;
	v12 =	vld [tilespmem:s28+$0x5190]  }
0x83: {  	v1 =	vmul.bf16 v1, v4;
	v9 =	vld [tilespmem:s28+$0x51C0];
	[tilespmem:$0x1FE20] =	vst v62;
	v62 =	vmul.bf16 v15, v20  }
0x84: {  	v15 =	vmul.bf16 v16, v19;
	v16 =	vmul.bf16 v14, v17;
	v17 =	vld [tilespmem:s28+$0x65A0]  }
0x85: {  	[tilespmem:$0x1FC40] =	vst v60;
	v60 =	vld [tilespmem:s28+$0x6490]  }
0x86: {  	v0 =	vadd.bf16 v0, v1;
	v1 =	vmul.bf16 v5, v6;
	v19 =	vld [tilespmem:s28+$0x51B0]  }
0x87: {  	v14 =	vld [tilespmem:s28+$0x51E0]  }
0x88: {  	v1 =	vadd.bf16 v3, v1;
	v3 =	vadd.bf16 v16, v15;
	v15 =	vmul.bf16 v30, v37;
	v37 =	vld [tilespmem:s28+$0x6600]  }
0x89: {  	[tilespmem:$0x1FDF0] =	vst v53;
	v30 =	vld [tilespmem:s28+$0x6660]  }
0x8a: {  	v53 =	vunpack.i.u.bf16.f32 v2;
	v2 =	vunpack.i.l.bf16.f32 v2;
	[tilespmem:$0x1FC50] =	vst v60;
	v60 =	vld [tilespmem:s28+$0x50A0]  }
0x8b: {  	v2 =	vadd.f32 v2, v53;
	v53 =	vld [tilespmem:s28+$0x6590]  }
0x8c: {  	[tilespmem:$0x1FE30] =	vst v12;
	v12 =	vmul.bf16 v13, v18;
	v13 =	vld [tilespmem:s28+$0x51A0]  }
0x8d: {  	[tilespmem:$0x1FE60] =	vst v17;
	v17 =	vmul.bf16 v26, v45;
	v45 =	vld [tilespmem:s28+$0x65F0]  }
0x8e: {  	[tilespmem:$0x1FE70] =	vst v19;
	v19 =	vmul.bf16 v28, v63;
	v63 =	vld [tilespmem:s28+$0x5200]  }
0x8f: {  	[tilespmem:$0x1FC60] =	vst v60;
	v60 =	vld [tilespmem:s28+$0x64A0]  }
0x90: {  	[tilespmem:$0x1FE10] =	vst v52;
	v52 =	vunpack.i.u.bf16.f32 v0;
	v0 =	vunpack.i.l.bf16.f32 v0;
	v28 =	vmul.bf16 v38, v36;
	v38 =	vld [tilespmem:s28+$0x6670]  }
0x91: {  	v0 =	vadd.f32 v0, v52;
	v36 =	vld [tilespmem:s28+$0x5280]  }
0x92: {  	v52 =	vunpack.i.u.bf16.f32 v1;
	v1 =	vunpack.i.l.bf16.f32 v1;
	[tilespmem:$0x1FEA0] =	vst v14;
	v14 =	vmul.bf16 v50, v59;
	v50 =	vld [tilespmem:s28+$0x52B0]  }
0x93: {  	v1 =	vadd.f32 v1, v52;
	v52 =	vld [tilespmem:s28+$0x65D0]  }
0x94: {  	[tilespmem:$0x1FC70] =	vst v60;
	v60 =	vld [tilespmem:s28+$0x50B0]  }
0x95: {  	v20 =	vadd.bf16 v12, v62;
	v12 =	vmul.bf16 v51, v34;
	v51 =	vld [tilespmem:s28+$0x65E0]  }
0x96: {  	v34 =	vld [tilespmem:s28+$0x5210]  }
0x97: {  	v4 =	vmul.bf16 v7, v11;
	v5 =	vmul.bf16 v8, v10;
	[tilespmem:$0x1FF40] =	vst v30;
	v30 =	vld [tilespmem:s28+$0x66C0]  }
0x98: {  	[tilespmem:$0x1FE40] =	vst v53;
	v53 =	vld [tilespmem:s28+$0x65B0]  }
0x99: {  	v18 =	vadd.bf16 v5, v4;
	v0 =	vadd.f32 v0, v2;
	v10 =	vunpack.i.u.bf16.f32 v20;
	[tilespmem:$0x1FC80] =	vst v60;
	v60 =	vld [tilespmem:s28+$0x64B0]  }
0x9a: {  	v2 =	vunpack.i.l.bf16.f32 v20;
	v20 =	vmul.bf16 v23, v29;
	v29 =	vmul.bf16 v35, v57;
	v57 =	vld [tilespmem:s28+$0x5270]  }
0x9b: {  	v11 =	vunpack.i.u.bf16.f32 v3;
	[tilespmem:$0x1FE50] =	vst v13;
	v13 =	vmul.bf16 v24, v54;
	v54 =	vld [tilespmem:s28+$0x51F0]  }
0x9c: {  	v62 =	vunpack.i.u.bf16.f32 v18;
	[tilespmem:$0x1FF50] =	vst v0;
	v0 =	vunpack.i.l.bf16.f32 v18;
	v18 =	vmul.bf16 v22, v27;
	v27 =	vld [tilespmem:s28+$0x5260]  }
0x9d: {  	v3 =	vunpack.i.l.bf16.f32 v3;
	v24 =	vmul.bf16 v32, v33;
	v33 =	vmul.bf16 v39, v40;
	v39 =	vld [tilespmem:$0x1FB90]  }
0x9e: {  	v3 =	vadd.f32 v3, v11;
	[tilespmem:$0x1FC90] =	vst v60;
	v60 =	vld [tilespmem:s28+$0x50C0]  }
0x9f: {  	v2 =	vadd.f32 v2, v10;
	v0 =	vadd.f32 v0, v62;
	v62 =	vld [tilespmem:s28+$0x51D0]  }
0xa0: {  	v32 =	vadd.bf16 v29, v28;
	v29 =	vld [tilespmem:$0x1FB60]  }
0xa1: {  	v2 =	vadd.f32 v3, v2;
	v3 =	vadd.bf16 v20, v19;
	v19 =	vld [tilespmem:s28+$0x5290]  }
0xa2: {  	v20 =	vmul.bf16 v55, v48;
	v55 =	vld [tilespmem:s28+$0x66A0]  }
0xa3: {  	[tilespmem:$0x1FCA0] =	vst v60;
	v60 =	vld [tilespmem:s28+$0x64C0]  }
0xa4: {  	v46 =	vmul.bf16 v46, v47;
	v47 =	vmul.bf16 v42, v44;
	v42 =	vld [tilespmem:$0x1FBA0]  }
0xa5: {  	v16 =	vmul.bf16 v21, v25;
	v0 =	vadd.f32 v0, v1;
	v1 =	vadd.bf16 v18, v17;
	v17 =	vld [tilespmem:s28+$0x6690]  }
0xa6: {  	[tilespmem:$0x1FE80] =	vst v53;
	v53 =	vld [tilespmem:s28+$0x65C0]  }
0xa7: {  	[tilespmem:$0x1FF70] =	vst v2;
	v2 =	vadd.bf16 v16, v15;
	v16 =	vld [tilespmem:$0x1FB50]  }
0xa8: {  	v25 =	vmul.bf16 v31, v49;
	v49 =	vmul.bf16 v41, v43;
	[tilespmem:$0x1FCB0] =	vst v60;
	v60 =	vld [tilespmem:s28+$0x50D0]  }
0xa9: {  	v26 =	vunpack.i.u.bf16.f32 v3;
	v3 =	vunpack.i.l.bf16.f32 v3;
	v38 =	vmul.bf16 v38, v57;
	v57 =	vld [tilespmem:s28+$0x6800]  }
0xaa: {  	v3 =	vadd.f32 v3, v26;
	v26 =	vld [tilespmem:s28+$0x6680];
	v22 =	vunpack.i.u.bf16.f32 v2;
	v2 =	vunpack.i.l.bf16.f32 v2  }
0xab: {  	v4 =	vadd.f32 v2, v22;
	v2 =	vld [tilespmem:s28+$0x6610]  }
0xac: {  	[tilespmem:$0x1FF60] =	vst v0;
	v0 =	vadd.bf16 v13, v12;
	v22 =	vadd.bf16 v49, v47;
	v49 =	vld [tilespmem:s28+$0x66B0]  }
0xad: {  	v23 =	vunpack.i.u.bf16.f32 v1;
	v1 =	vunpack.i.l.bf16.f32 v1;
	v13 =	vmul.bf16 v58, v61;
	[tilespmem:$0x1FCC0] =	vst v60;
	v60 =	vld [tilespmem:s28+$0x64D0]  }
0xae: {  	v1 =	vadd.f32 v1, v23;
	v43 =	vld [tilespmem:$0x1FBB0]  }
0xaf: {  	v23 =	vadd.bf16 v14, v13;
	v13 =	vld [tilespmem:s28+$0x52E0]  }
0xb0: {  	v12 =	vunpack.i.u.bf16.f32 v32;
	v1 =	vadd.f32 v3, v1;
	v3 =	vunpack.i.l.bf16.f32 v32;
	v32 =	vld [tilespmem:$0x1FB70]  }
0xb1: {  	v17 =	vmul.bf16 v17, v19;
	v19 =	vld [tilespmem:s28+$0x5420]  }
0xb2: {  	v31 =	vadd.bf16 v25, v24;
	[tilespmem:$0x1FCD0] =	vst v60;
	v60 =	vld [tilespmem:s28+$0x50E0]  }
0xb3: {  	v21 =	vunpack.i.u.bf16.f32 v0;
	v0 =	vunpack.i.l.bf16.f32 v0;
	v18 =	vmul.bf16 v56, v16;
	v56 =	vld [tilespmem:s28+$0x52A0]  }
0xb4: {  	v0 =	vadd.f32 v0, v21;
	v25 =	vunpack.i.u.bf16.f32 v23;
	v5 =	vunpack.i.l.bf16.f32 v23;
	v23 =	vld [tilespmem:s28+$0x52D0]  }
0xb5: {  	v26 =	vmul.bf16 v26, v36;
	v36 =	vld [tilespmem:s28+$0x5410]  }
0xb6: {  	v0 =	vadd.f32 v4, v0;
	v6 =	vadd.bf16 v20, v18;
	v20 =	vld [tilespmem:s28+$0x66D0]  }
0xb7: {  	[tilespmem:$0x1FCE0] =	vst v60;
	v60 =	vld [tilespmem:s28+$0x64E0]  }
0xb8: {  	v35 =	vunpack.i.u.bf16.f32 v31;
	[tilespmem:$0x1FF80] =	vst v0;
	v0 =	vunpack.i.l.bf16.f32 v31;
	v31 =	vld [tilespmem:s28+$0x52C0]  }
0xb9: {  	v4 =	vadd.bf16 v46, v33;
	v46 =	vld [tilespmem:$0x1FBC0]  }
0xba: {  	v37 =	vmul.bf16 v37, v63;
	v2 =	vmul.bf16 v2, v34;
	v34 =	vld [tilespmem:s28+$0x67E0]  }
0xbb: {  	[tilespmem:$0x1FF30] =	vst v27;
	v40 =	vadd.f32 v0, v35;
	v27 =	vunpack.i.u.bf16.f32 v6;
	v6 =	vunpack.i.l.bf16.f32 v6;
	v35 =	vld [tilespmem:$0x1FB80]  }
0xbc: {  	v5 =	vadd.f32 v5, v25;
	v6 =	vadd.f32 v6, v27;
	[tilespmem:$0x1FCF0] =	vst v60;
	v60 =	vld [tilespmem:s28+$0x50F0]  }
0xbd: {  	v2 =	vadd.bf16 v2, v37;
	v37 =	vld [tilespmem:s28+$0x53F0]  }
0xbe: {  	v41 =	vadd.f32 v6, v5;
	v5 =	vld [tilespmem:s28+$0x66E0]  }
0xbf: {  	v6 =	vld [tilespmem:s28+$0x52F0]  }
0xc0: {  	v20 =	vmul.bf16 v20, v23;
	v23 =	vld [tilespmem:s28+$0x5450]  }
0xc1: {  	[tilespmem:$0x1FD00] =	vst v60;
	v60 =	vld [tilespmem:s28+$0x64F0]  }
0xc2: {  	v58 =	vld [tilespmem:$0x1FBE0]  }
0xc3: {  	v10 =	vld [tilespmem:$0x1FC00]  }
0xc4: {  	v11 =	vld [tilespmem:$0x1FC10]  }
0xc5: {  	v59 =	vld [tilespmem:$0x1FBF0]  }
0xc6: {  	[tilespmem:$0x1FD10] =	vst v60;
	v60 =	vld [tilespmem:s28+$0x5100]  }
0xc7: {  	v47 =	vld [tilespmem:$0x1FBD0]  }
0xc8: {  	v14 =	vld [tilespmem:$0x1FC20]  }
0xc9: {  	v3 =	vadd.f32 v3, v12;
	v12 =	vmul.bf16 v11, v10;
	v11 =	vld [tilespmem:s28+$0x6700]  }
0xca: {  	v61 =	vmul.bf16 v59, v58;
	v15 =	vld [tilespmem:$0x1FC30]  }
0xcb: {  	[tilespmem:$0x1FD20] =	vst v60;
	v60 =	vld [tilespmem:s28+$0x6500]  }
0xcc: {  	v21 =	vadd.f32 v3, v40;
	v7 =	vadd.bf16 v12, v61;
	v12 =	vld [tilespmem:s28+$0x66F0]  }
0xcd: {  	v18 =	vld [tilespmem:$0x1FC40]  }
0xce: {  	[tilespmem:$0x1FFA0] =	vst v21;
	v21 =	vld [tilespmem:$0x1FC50]  }
0xcf: {  	v16 =	vmul.bf16 v15, v14;
	v15 =	vld [tilespmem:s28+$0x5300]  }
0xd0: {  	v8 =	vunpack.i.u.bf16.f32 v22;
	[tilespmem:$0x1FD30] =	vst v60;
	v60 =	vld [tilespmem:s28+$0x5110]  }
0xd1: {  	v24 =	vunpack.i.u.bf16.f32 v4;
	v4 =	vunpack.i.l.bf16.f32 v4;
	v3 =	vunpack.i.l.bf16.f32 v22;
	v58 =	vld [tilespmem:s28+$0x5310]  }
0xd2: {  	v4 =	vadd.f32 v4, v24;
	v3 =	vadd.f32 v3, v8;
	v6 =	vmul.bf16 v12, v6;
	v12 =	vld [tilespmem:s28+$0x6850]  }
0xd3: {  	v14 =	vld [tilespmem:s28+$0x5320];
	v22 =	vmul.bf16 v21, v18  }
0xd4: {  	[tilespmem:$0x1FE90] =	vst v9;
	v28 =	vadd.f32 v3, v4;
	v11 =	vmul.bf16 v11, v15;
	v15 =	vld [tilespmem:s28+$0x5470]  }
0xd5: {  	v25 =	vadd.bf16 v22, v16;
	[tilespmem:$0x1FD40] =	vst v60;
	v60 =	vld [tilespmem:s28+$0x6510]  }
0xd6: {  	v33 =	vmul.bf16 v32, v29;
	[tilespmem:$0x1FFB0] =	vst v28;
	v28 =	vunpack.i.u.bf16.f32 v7;
	v16 =	vld [tilespmem:s28+$0x6720]  }
0xd7: {  	[tilespmem:$0x1FFC0] =	vst v41;
	v7 =	vunpack.i.l.bf16.f32 v7;
	v29 =	vld [tilespmem:$0x1FC60];
	v41 =	vunpack.i.u.bf16.f32 v25;
	v9 =	vunpack.i.l.bf16.f32 v25  }
0xd8: {  	v7 =	vadd.f32 v7, v28;
	v25 =	vld [tilespmem:s28+$0x6710];
	v9 =	vadd.f32 v9, v41  }
0xd9: {  	v32 =	vld [tilespmem:$0x1FC70]  }
0xda: {  	v22 =	vadd.f32 v9, v7;
	[tilespmem:$0x1FD50] =	vst v60;
	v60 =	vld [tilespmem:s28+$0x5120]  }
0xdb: {  	v14 =	vmul.bf16 v16, v14;
	v16 =	vld [tilespmem:s28+$0x5480]  }
0xdc: {  	[tilespmem:$0x1FFE0] =	vst v22;
	v22 =	vld [tilespmem:s28+$0x6740]  }
0xdd: {  	v40 =	vmul.bf16 v39, v35;
	v35 =	vld [tilespmem:$0x1FC80]  }
0xde: {  	v39 =	vld [tilespmem:$0x1FC90]  }
0xdf: {  	[tilespmem:$0x1FD60] =	vst v60;
	v60 =	vld [tilespmem:s28+$0x6520]  }
0xe0: {  	v44 =	vmul.bf16 v43, v42;
	v42 =	vld [tilespmem:$0x1FCA0]  }
0xe1: {  	v43 =	vld [tilespmem:$0x1FCB0]  }
0xe2: {  	v48 =	vmul.bf16 v47, v46;
	v46 =	vld [tilespmem:$0x1FCC0]  }
0xe3: {  	v47 =	vld [tilespmem:$0x1FCD0]  }
0xe4: {  	v8 =	vadd.bf16 v48, v44;
	[tilespmem:$0x1FD70] =	vst v60;
	v60 =	vld [tilespmem:s28+$0x5130]  }
0xe5: {  	v3 =	vadd.bf16 v40, v33;
	v25 =	vmul.bf16 v25, v58;
	v58 =	vld [tilespmem:$0x1FF50]  }
0xe6: {  	v27 =	vunpack.i.u.bf16.f32 v8;
	v8 =	vunpack.i.l.bf16.f32 v8;
	v33 =	vmul.bf16 v32, v29;
	v32 =	vld [tilespmem:s28+$0x5330]  }
0xe7: {  	v8 =	vadd.f32 v8, v27;
	v27 =	vld [tilespmem:$0x1FCE0]  }
0xe8: {  	v40 =	vmul.bf16 v39, v35;
	v28 =	vld [tilespmem:$0x1FCF0]  }
0xe9: {  	v44 =	vmul.bf16 v43, v42;
	v48 =	vmul.bf16 v47, v46;
	[tilespmem:$0x1FD80] =	vst v60;
	v60 =	vld [tilespmem:s28+$0x6530]  }
0xea: {  	v24 =	vunpack.i.u.bf16.f32 v3;
	v3 =	vunpack.i.l.bf16.f32 v3;
	v61 =	vadd.bf16 v40, v33;
	v33 =	vld [tilespmem:$0x1FD00]  }
0xeb: {  	v3 =	vadd.f32 v3, v24;
	v24 =	vadd.bf16 v48, v44;
	v35 =	vld [tilespmem:$0x1FD10]  }
0xec: {  	v44 =	vld [tilespmem:s28+$0x6730]  }
0xed: {  	v18 =	vunpack.i.u.bf16.f32 v24;
	v7 =	vunpack.i.l.bf16.f32 v24;
	v24 =	vld [tilespmem:s28+$0x5360]  }
0xee: {  	[tilespmem:$0x1FD90] =	vst v60;
	v60 =	vld [tilespmem:s28+$0x5140]  }
0xef: {  	v59 =	vadd.f32 v8, v3;
	v8 =	vmul.bf16 v28, v27;
	v27 =	vld [tilespmem:s28+$0x5350]  }
0xf0: {  	v39 =	vmul.bf16 v35, v33;
	v40 =	vld [tilespmem:$0x1FD20]  }
0xf1: {  	v35 =	vld [tilespmem:s28+$0x5340]  }
0xf2: {  	v8 =	vadd.bf16 v39, v8;
	v39 =	vld [tilespmem:s28+$0x6760]  }
0xf3: {  	[tilespmem:$0x1FDA0] =	vst v60;
	v60 =	vld [tilespmem:s28+$0x6540]  }
0xf4: {  	v33 =	vunpack.i.u.bf16.f32 v8;
	v8 =	vunpack.i.l.bf16.f32 v8;
	v41 =	vld [tilespmem:$0x1FD30]  }
0xf5: {  	v8 =	vadd.f32 v8, v33;
	v33 =	vld [tilespmem:$0x1FE10]  }
0xf6: {  	v22 =	vmul.bf16 v22, v35;
	v35 =	vld [tilespmem:s28+$0x54B0]  }
0xf7: {  	v42 =	vld [tilespmem:$0x1FD40]  }
0xf8: {  	[tilespmem:$0x1FDB0] =	vst v60;
	v60 =	vld [tilespmem:s28+$0x5150]  }
0xf9: {  	v43 =	vld [tilespmem:$0x1FD50]  }
0xfa: {  	v46 =	vld [tilespmem:$0x1FD60]  }
0xfb: {  	v47 =	vld [tilespmem:$0x1FD70]  }
0xfc: {  	v48 =	vld [tilespmem:$0x1FD80]  }
0xfd: {  	[tilespmem:$0x1FDC0] =	vst v60;
	v60 =	vld [tilespmem:s28+$0x6550]  }
0xfe: {  	[tilespmem:$0x1FFD0] =	vst v59;
	v59 =	vld [tilespmem:$0x1FD90]  }
0xff: {  	v10 =	vmul.bf16 v41, v40;
	v40 =	vld [tilespmem:s28+$0x6750]  }
0x100: {  	v21 =	vmul.bf16 v43, v42;
	v42 =	vld [tilespmem:$0x1FDA0]  }
0x101: {  	v43 =	vld [tilespmem:$0x1FDB0]  }
0x102: {  	v29 =	vunpack.i.u.bf16.f32 v61;
	v3 =	vunpack.i.l.bf16.f32 v61;
	v28 =	vmul.bf16 v47, v46;
	v46 =	vld [tilespmem:$0x1FDC0];
	[tilespmem:$0x1FDD0] =	vst v60  }
0x103: {  	v3 =	vadd.f32 v3, v29;
	v61 =	vmul.bf16 v59, v48;
	v47 =	vld [tilespmem:$0x1FDD0]  }
0x104: {  	v7 =	vadd.f32 v7, v18;
	v41 =	vld [tilespmem:s28+$0x5370];
	v59 =	vadd.bf16 v21, v10  }
0x105: {  	v61 =	vadd.bf16 v61, v28;
	v60 =	vld [tilespmem:s28+$0x5160]  }
0x106: {  	v18 =	vadd.f32 v7, v3;
	v21 =	vunpack.i.u.bf16.f32 v59;
	v3 =	vunpack.i.l.bf16.f32 v59;
	v28 =	vld [tilespmem:s28+$0x6770]  }
0x107: {  	v59 =	vld [tilespmem:s28+$0x6780];
	v3 =	vadd.f32 v3, v21;
	v7 =	vunpack.i.l.bf16.f32 v61  }
0x108: {  	v21 =	vld [tilespmem:$0x1FE00];
	v9 =	vmul.bf16 v43, v42;
	v42 =	vunpack.i.u.bf16.f32 v61;
	v48 =	vmul.bf16 v47, v46  }
0x109: {  	v7 =	vadd.f32 v7, v42;
	v42 =	vld [tilespmem:$0x1FE20]  }
0x10a: {  	[tilespmem:$0x1FDE0] =	vst v60;
	v60 =	vld [tilespmem:s28+$0x6560];
	v9 =	vadd.bf16 v48, v9  }
0x10b: {  	v4 =	vld [tilespmem:$0x1FDE0]  }
0x10c: {  	v47 =	vld [tilespmem:$0x1FE40];
	v43 =	vunpack.i.u.bf16.f32 v9;
	v9 =	vunpack.i.l.bf16.f32 v9  }
0x10d: {  	v48 =	vadd.f32 v9, v43;
	v43 =	vld [tilespmem:$0x1FE30]  }
0x10e: {  	v46 =	vld [tilespmem:s28+$0x5380]  }
0x10f: {  	v9 =	vadd.f32 v3, v8;
	v8 =	vld [tilespmem:$0x1FDF0]  }
0x110: {  	v61 =	vld [tilespmem:s28+$0x6790]  }
0x111: {  	v3 =	vmul.bf16 v60, v4;
	v60 =	vld [tilespmem:s28+$0x5390]  }
0x112: {  	v27 =	vmul.bf16 v40, v27;
	v10 =	vadd.f32 v48, v7;
	v48 =	vmul.bf16 v47, v43;
	v47 =	vld [tilespmem:$0x1FE90]  }
0x113: {  	v40 =	vmul.bf16 v59, v46;
	v46 =	vld [tilespmem:$0x1FF70];
	v7 =	vmul.bf16 v42, v33  }
0x114: {  	v33 =	vld [tilespmem:$0x1FE60];
	v29 =	vmul.bf16 v21, v8  }
0x115: {  	v42 =	vld [tilespmem:$0x1FE70];
	v7 =	vadd.bf16 v48, v7  }
0x116: {  	v43 =	vld [tilespmem:$0x1FE80];
	v3 =	vadd.bf16 v29, v3  }
0x117: {  	v29 =	vld [tilespmem:$0x1FE50];
	v0 =	vunpack.i.u.bf16.f32 v7;
	v48 =	vmul.bf16 v53, v47  }
0x118: {  	v53 =	vmul.bf16 v52, v62;
	v62 =	vunpack.i.u.bf16.f32 v3;
	v3 =	vunpack.i.l.bf16.f32 v3;
	v47 =	vld [tilespmem:s28+$0x67B0]  }
0x119: {  	v7 =	vunpack.i.l.bf16.f32 v7;
	v3 =	vadd.f32 v3, v62;
	v62 =	vmul.bf16 v45, v54;
	v45 =	vld [tilespmem:s28+$0x53D0]  }
0x11a: {  	v7 =	vadd.f32 v7, v0;
	v54 =	vld [tilespmem:s28+$0x67D0]  }
0x11b: {  	v0 =	vunpack.i.u.bf16.f32 v2;
	v2 =	vunpack.i.l.bf16.f32 v2;
	v21 =	vadd.bf16 v53, v48;
	v53 =	vld [tilespmem:$0x1FEA0]  }
0x11c: {  	v0 =	vadd.f32 v2, v0;
	v2 =	vld [tilespmem:$0x1FF40];
	v8 =	vmul.bf16 v33, v29;
	v29 =	vmul.bf16 v43, v42  }
0x11d: {  	v42 =	vld [tilespmem:s28+$0x53A0]  }
0x11e: {  	v33 =	vld [tilespmem:s28+$0x67A0];
	v8 =	vadd.bf16 v29, v8  }
0x11f: {  	v43 =	vld [tilespmem:s28+$0x53B0];
	v4 =	vunpack.i.u.bf16.f32 v21;
	v21 =	vunpack.i.l.bf16.f32 v21  }
0x120: {  	[tilespmem:$0x1FF90] =	vst v1;
	v48 =	vld [tilespmem:s28+$0x53C0];
	v1 =	vunpack.i.u.bf16.f32 v8;
	v8 =	vunpack.i.l.bf16.f32 v8;
	v29 =	vmul.bf16 v51, v53  }
0x121: {  	v21 =	vadd.f32 v21, v4;
	v52 =	vadd.f32 v8, v1;
	v53 =	vld [tilespmem:$0x1FEB0]  }
0x122: {  	v8 =	vadd.f32 v7, v3;
	v3 =	vadd.bf16 v62, v29;
	v62 =	vld [tilespmem:$0x1FEC0]  }
0x123: {  	v4 =	vld [tilespmem:$0x1FED0]  }
0x124: {  	v7 =	vadd.f32 v21, v52;
	v52 =	vld [tilespmem:$0x1FEE0]  }
0x125: {  	v1 =	vld [tilespmem:$0x1FF30];
	v63 =	vunpack.i.u.bf16.f32 v3;
	v3 =	vunpack.i.l.bf16.f32 v3  }
0x126: {  	v3 =	vadd.f32 v3, v63;
	v63 =	vld [tilespmem:$0x1FF10]  }
0x127: {  	v21 =	vmul.bf16 v62, v53;
	v53 =	vld [tilespmem:$0x1FEF0]  }
0x128: {  	v62 =	vld [tilespmem:$0x1FF00]  }
0x129: {  	v52 =	vmul.bf16 v52, v4;
	v4 =	vld [tilespmem:$0x1FF20]  }
0x12a: {  	v51 =	vld [tilespmem:s28+$0x67C0];
	v2 =	vmul.bf16 v2, v1  }
0x12b: {  	v29 =	vld [tilespmem:s28+$0x53E0];
	v52 =	vadd.bf16 v52, v21  }
0x12c: {  	v1 =	vld [tilespmem:s28+$0x6830];
	v2 =	vadd.bf16 v38, v2  }
0x12d: {  	v38 =	vld [tilespmem:s28+$0x5430];
	v21 =	vadd.f32 v0, v3;
	v3 =	vadd.bf16 v17, v26;
	v17 =	vunpack.i.u.bf16.f32 v52  }
0x12e: {  	v26 =	vunpack.i.l.bf16.f32 v52;
	v52 =	vld [tilespmem:s28+$0x6820];
	v53 =	vmul.bf16 v62, v53;
	v63 =	vmul.bf16 v4, v63  }
0x12f: {  	v4 =	vld [tilespmem:s28+$0x5400]  }
0x130: {  	v29 =	vmul.bf16 v34, v29;
	v34 =	vld [tilespmem:s28+$0x5510];
	v0 =	vadd.bf16 v63, v53  }
0x131: {  	v62 =	vld [tilespmem:s28+$0x67F0]  }
0x132: {  	v1 =	vmul.bf16 v1, v38;
	v38 =	vld [tilespmem:s28+$0x6920];
	v63 =	vunpack.i.u.bf16.f32 v0;
	v0 =	vunpack.i.l.bf16.f32 v0  }
0x133: {  	v17 =	vadd.f32 v26, v17;
	v53 =	vld [tilespmem:s28+$0x6810];
	v19 =	vmul.bf16 v52, v19;
	v0 =	vadd.f32 v0, v63  }
0x134: {  	v63 =	vunpack.i.u.bf16.f32 v3;
	v3 =	vunpack.i.l.bf16.f32 v3;
	v4 =	vmul.bf16 v57, v4;
	v57 =	vld [tilespmem:$0x1FF90]  }
0x135: {  	v26 =	vunpack.i.u.bf16.f32 v2;
	v2 =	vunpack.i.l.bf16.f32 v2;
	v3 =	vadd.f32 v3, v63;
	v63 =	vld [tilespmem:s28+$0x5440]  }
0x136: {  	v26 =	vadd.f32 v2, v26;
	v37 =	vmul.bf16 v62, v37;
	v1 =	vadd.bf16 v1, v19;
	v19 =	vld [tilespmem:s28+$0x6930]  }
0x137: {  	v2 =	vadd.f32 v0, v17;
	v0 =	vmul.bf16 v55, v56;
	v56 =	vmul.bf16 v49, v50;
	v49 =	vld [tilespmem:s28+$0x6840]  }
0x138: {  	v55 =	vmul.bf16 v30, v31;
	v17 =	vld [tilespmem:s28+$0x5460]  }
0x139: {  	v30 =	vadd.bf16 v25, v11;
	v29 =	vadd.bf16 v37, v29;
	v37 =	vld [tilespmem:s28+$0x6900]  }
0x13a: {  	v5 =	vmul.bf16 v5, v13;
	v0 =	vadd.bf16 v56, v0;
	v56 =	vadd.bf16 v20, v55;
	v20 =	vld [tilespmem:s28+$0x6860]  }
0x13b: {  	v36 =	vmul.bf16 v53, v36;
	v55 =	vmul.bf16 v44, v32;
	v44 =	vld [tilespmem:$0x1FF60]  }
0x13c: {  	v5 =	vadd.bf16 v6, v5;
	v3 =	vadd.f32 v3, v26;
	v6 =	vunpack.i.l.bf16.f32 v30;
	v32 =	vld [tilespmem:s28+$0x54C0]  }
0x13d: {  	v4 =	vadd.bf16 v36, v4;
	v36 =	vld [tilespmem:s28+$0x6910];
	v26 =	vunpack.i.u.bf16.f32 v0;
	v0 =	vunpack.i.l.bf16.f32 v0  }
0x13e: {  	v31 =	vunpack.i.u.bf16.f32 v56;
	v13 =	vunpack.i.l.bf16.f32 v56;
	v56 =	vunpack.i.u.bf16.f32 v30;
	v30 =	vld [tilespmem:s28+$0x6880]  }
0x13f: {  	v0 =	vadd.f32 v0, v26;
	v26 =	vld [tilespmem:s28+$0x6870]  }
0x140: {  	v50 =	vunpack.i.u.bf16.f32 v5;
	v5 =	vunpack.i.l.bf16.f32 v5;
	v11 =	vadd.f32 v13, v31;
	v31 =	vld [tilespmem:s28+$0x5490]  }
0x141: {  	v13 =	vadd.f32 v5, v50;
	v50 =	vadd.bf16 v55, v14;
	v14 =	vld [tilespmem:s28+$0x6890]  }
0x142: {  	v55 =	vadd.bf16 v27, v22;
	v22 =	vld [tilespmem:s28+$0x54A0]  }
0x143: {  	v27 =	vld [tilespmem:s28+$0x68A0]  }
0x144: {  	v6 =	vadd.f32 v6, v56;
	v56 =	vmul.bf16 v39, v24;
	v39 =	vmul.bf16 v28, v41;
	v24 =	vld [tilespmem:s28+$0x68B0]  }
0x145: {  	(xrf2) =	vadd.scan.msk.f32 $0xffff, v58;
	v41 =	vmul.bf16 v61, v60;
	v61 =	vmul.bf16 v54, v45;
	v45 =	vld [tilespmem:s28+$0x54E0]  }
0x146: {  	v5 =	vadd.f32 v11, v0;
	v11 =	vadd.bf16 v39, v56;
	v39 =	vld [tilespmem:s28+$0x68C0]  }
0x147: {  	v59 =	vmul.bf16 v51, v48;
	v28 =	vadd.bf16 v41, v40;
	v40 =	vld [tilespmem:s28+$0x54D0]  }
0x148: {  	v41 =	vld [tilespmem:s28+$0x68D0]  }
0x149: {  	v56 =	vmul.bf16 v33, v42;
	v42 =	vadd.bf16 v61, v59;
	v61 =	vld [tilespmem:$0x1FFA0]  }
0x14a: {  	(xrf2) =	vadd.scan.msk.f32 $0xffff, v44;
	v13 =	vadd.f32 v6, v13;
	v34 =	vmul.bf16 v36, v34;
	v36 =	vld [tilespmem:s28+$0x55A0]  }
0x14b: {  	v58 =	vunpack.i.u.bf16.f32 v50;
	v0 =	vunpack.i.l.bf16.f32 v50;
	v44 =	vunpack.i.u.bf16.f32 v55;
	(xrf2) =	vadd.scan.msk.f32 $0xffff, v46;
	v46 =	vld [tilespmem:$0x1FF80]  }
0x14c: {  	v6 =	vunpack.i.l.bf16.f32 v55;
	v0 =	vadd.f32 v0, v58;
	v58 =	vmul.bf16 v47, v43;
	v43 =	vld [tilespmem:s28+$0x54F0]  }
0x14d: {  	v33 =	vunpack.i.u.bf16.f32 v1;
	v1 =	vunpack.i.l.bf16.f32 v1;
	v6 =	vadd.f32 v6, v44;
	v44 =	vld [tilespmem:s28+$0x68F0]  }
0x14e: {  	v1 =	vadd.f32 v1, v33;
	v33 =	vld [tilespmem:s28+$0x6970];
	v55 =	vunpack.i.u.bf16.f32 v28;
	v28 =	vunpack.i.l.bf16.f32 v28  }
0x14f: {  	v60, _, _ =	vpop (xrf2);
	v50 =	vunpack.i.u.bf16.f32 v11;
	v11 =	vunpack.i.l.bf16.f32 v11;
	v25 =	vadd.f32 v28, v55;
	v28 =	vld [tilespmem:s28+$0x68E0]  }
0x150: {  	v11 =	vadd.f32 v11, v50;
	v50 =	vbroadcast v60, $0xF;
	v60 =	vmul.bf16 v49, v63;
	v49 =	vld [tilespmem:s28+$0x5530]  }
0x151: {  	v23 =	vmul.bf16 v12, v23;
	v59 =	vunpack.i.u.bf16.f32 v4;
	v15 =	vmul.bf16 v26, v15;
	v26 =	vld [tilespmem:s28+$0x6940]  }
0x152: {  	v54 =	vunpack.i.u.bf16.f32 v42;
	v42 =	vunpack.i.l.bf16.f32 v42;
	v22 =	vmul.bf16 v27, v22;
	v27 =	vld [tilespmem:s28+$0x5570]  }
0x153: {  	v17 =	vmul.bf16 v20, v17;
	v16 =	vmul.bf16 v30, v16;
	v55 =	vadd.f32 v42, v54;
	v54 =	vld [tilespmem:$0x1FFB0]  }
0x154: {  	v48 =	vadd.bf16 v58, v56;
	v14 =	vmul.bf16 v14, v31;
	v24 =	vmul.bf16 v24, v35;
	v35 =	vld [tilespmem:s28+$0x5580]  }
0x155: {  	v4 =	vunpack.i.l.bf16.f32 v4;
	v0 =	vadd.f32 v6, v0;
	v15 =	vadd.bf16 v15, v17;
	v17 =	vld [tilespmem:s28+$0x6950]  }
0x156: {  	v6 =	vadd.f32 v25, v11;
	v51 =	vunpack.i.u.bf16.f32 v48;
	v14 =	vadd.bf16 v14, v16;
	v16 =	vld [tilespmem:s28+$0x6960];
	(xrf2) =	vadd.scan.msk.f32 $0xffff, v46  }
0x157: {  	v25 =	vunpack.i.l.bf16.f32 v48;
	v23 =	vadd.bf16 v23, v60;
	v22 =	vadd.bf16 v24, v22;
	v24 =	vld [tilespmem:s28+$0x6980]  }
0x158: {  	v58 =	vunpack.i.u.bf16.f32 v29;
	v29 =	vunpack.i.l.bf16.f32 v29;
	v46 =	vld [tilespmem:s28+$0x5500];
	v25 =	vadd.f32 v25, v51  }
0x159: {  	v4 =	vadd.f32 v4, v59;
	v29 =	vadd.f32 v29, v58;
	(xrf2) =	vadd.scan.msk.f32 $0xffff, v57;
	v48 =	vunpack.i.u.bf16.f32 v23;
	v57 =	vld [tilespmem:$0x1FFC0]  }
0x15a: {  	v23 =	vunpack.i.l.bf16.f32 v23;
	v52 =	vunpack.i.u.bf16.f32 v15;
	v12 =	vadd.f32 v55, v25;
	v25 =	vld [tilespmem:s28+$0x5540]  }
0x15b: {  	v15 =	vunpack.i.l.bf16.f32 v15;
	v53 =	vunpack.i.u.bf16.f32 v14;
	v55 =	vmul.bf16 v39, v32;
	v39 =	vld [tilespmem:s28+$0x6990]  }
0x15c: {  	v14 =	vunpack.i.l.bf16.f32 v14;
	(xrf2) =	vadd.scan.msk.f32 $0xffff, v61;
	v61 =	vunpack.i.u.bf16.f32 v22;
	v22 =	vunpack.i.l.bf16.f32 v22;
	v32 =	vld [tilespmem:s28+$0x69A0];
	v47, _, _ =	vpop (xrf2)  }
0x15d: {  	v28 =	vmul.bf16 v28, v45;
	v45 =	vadd.f32 v22, v61;
	v22 =	vld [tilespmem:s28+$0x55B0];
	v11 =	vbroadcast v47, $0xF  }
0x15e: {  	v15 =	vadd.f32 v15, v52;
	v14 =	vadd.f32 v14, v53;
	(xrf2) =	vadd.scan.msk.f32 $0xffff, v54;
	v47 =	vld [tilespmem:s28+$0x5520];
	v37 =	vmul.bf16 v37, v46  }
0x15f: {  	v19 =	vmul.bf16 v19, v49;
	v56, _, _ =	vpop (xrf2);
	v11 =	vsel vm0, v50, v11;
	v50 =	vadd.f32 v23, v48;
	v23 =	vld [tilespmem:s28+$0x5560]  }
0x160: {  	v42 =	vbroadcast v56, $0xF;
	v56 =	vmul.bf16 v41, v40;
	v34 =	vadd.bf16 v34, v37;
	v37 =	vld [tilespmem:s28+$0x69B0];
	v62, _, _ =	vpop (xrf2)  }
0x161: {  	v14 =	vadd.f32 v14, v15;
	v63 =	vbroadcast v62, $0xF;
	v62 =	vmul.bf16 v44, v43;
	v44 =	vld [tilespmem:$0x1FFD0]  }
0x162: {  	v46 =	vld [tilespmem:$0x1FFE0];
	v49 =	vmul.bf16 v32, v36;
	v42 =	vsel vm1, v11, v42;
	v11 =	vadd.f32 v4, v29  }
0x163: {  	(xrf2) =	vadd.scan.msk.f32 $0xffff, v57;
	v29 =	vld [tilespmem:s28+$0x5550];
	v60 =	vadd.bf16 v56, v55;
	v55 =	vmul.bf16 v26, v25;
	v1 =	vadd.f32 v50, v1;
	v51, _, _ =	vpop (xrf2)  }
0x164: {  	v54 =	vld [tilespmem:s28+$0x69C0];
	v52 =	vunpack.i.u.bf16.f32 v34;
	v53 =	vunpack.i.l.bf16.f32 v34;
	v30 =	vbroadcast v51, $0xF  }
0x165: {  	v57 =	vld [tilespmem:s28+$0x55D0];
	v20 =	vunpack.i.l.bf16.f32 v60;
	v51 =	vmul.bf16 v38, v47;
	v16 =	vmul.bf16 v16, v23  }
0x166: {  	v41 =	vld [tilespmem:s28+$0x55F0];
	v58, _, _ =	vpop (xrf2);
	v38 =	vmul.bf16 v24, v35;
	v22 =	vmul.bf16 v37, v22;
	v4 =	vsel vm2, v42, v63;
	(xrf2) =	vadd.scan.msk.f32 $0xffff, v44  }
0x167: {  	v59 =	vbroadcast v58, $0xF;
	v63 =	vunpack.i.u.bf16.f32 v60;
	v28 =	vadd.bf16 v62, v28;
	v60 =	vld [tilespmem:s28+$0x69D0];
	(xrf2) =	vadd.scan.msk.f32 $0xffff, v46  }
0x168: {  	v56, _, _ =	vpop (xrf2);
	v17 =	vmul.bf16 v17, v29;
	v62 =	vmul.bf16 v33, v27;
	v33 =	vld [tilespmem:s28+$0x69E0];
	v4 =	vsel vm3, v4, v30;
	(xrf2) =	vadd.scan.msk.f32 $0xffff, v18  }
0x169: {  	v30 =	vld [tilespmem:s28+$0x5590];
	v20 =	vadd.f32 v20, v63;
	v58 =	vbroadcast v56, $0xF;
	v19 =	vadd.bf16 v19, v51;
	(xrf2) =	vadd.scan.msk.f32 $0xffff, v9  }
0x16a: {  	v63 =	vld [tilespmem:s28+$0x55E0];
	v48 =	vunpack.i.u.bf16.f32 v28;
	v28 =	vunpack.i.l.bf16.f32 v28;
	v16 =	vadd.bf16 v62, v16;
	(xrf2) =	vadd.scan.msk.f32 $0xffff, v10  }
0x16b: {  	v4 =	vsel vm4, v4, v59;
	v15 =	vadd.f32 v20, v45;
	v50 =	vadd.f32 v28, v48;
	v28 =	vld [tilespmem:s28+$0x55C0];
	(xrf2) =	vadd.scan.msk.f32 $0xffff, v8  }
0x16c: {  	v56 =	vld [tilespmem:s28+$0x6A10];
	v31 =	vunpack.i.u.bf16.f32 v19;
	v19 =	vunpack.i.l.bf16.f32 v19;
	v4 =	vsel vm5, v4, v58;
	(xrf2) =	vadd.scan.msk.f32 $0xffff, v7  }
0x16d: {  	v44 =	vld [tilespmem:s28+$0x69F0];
	v58 =	vadd.bf16 v22, v49;
	v59, _, _ =	vpop (xrf2);
	v42 =	vadd.f32 v19, v31;
	v46 =	vunpack.i.u.bf16.f32 v16;
	(xrf2) =	vadd.scan.msk.f32 $0xffff, v21  }
0x16e: {  	v16 =	vunpack.i.l.bf16.f32 v16;
	v61 =	vbroadcast v59, $0xF;
	v9 =	vadd.f32 v53, v52;
	v53 =	vld [tilespmem:s28+$0x5610];
	(xrf2) =	vadd.scan.msk.f32 $0xffff, v2  }
0x16f: {  	v23 =	vmul.bf16 v60, v57;
	v40 =	vmul.bf16 v39, v30;
	v10 =	vadd.bf16 v17, v55;
	(xrf2) =	vadd.scan.msk.f32 $0xffff, v3  }
0x170: {  	v47 =	vld [tilespmem:s28+$0x5600];
	v63 =	vmul.bf16 v33, v63;
	v4 =	vsel vm6, v4, v61;
	v54 =	vmul.bf16 v54, v28;
	v45, _, _ =	vpop (xrf2);
	(xrf2) =	vadd.scan.msk.f32 $0xffff, v5  }
0x171: {  	v7 =	vadd.f32 v9, v50;
	v43 =	vunpack.i.u.bf16.f32 v10;
	v10 =	vunpack.i.l.bf16.f32 v10;
	v50 =	vld [tilespmem:s28+$0x6A00];
	v48, _, _ =	vpop (xrf2)  }
0x172: {  	v17 =	vunpack.i.u.bf16.f32 v58;
	v10 =	vadd.f32 v10, v43;
	v2 =	vadd.bf16 v40, v38;
	(xrf2) =	vadd.scan.msk.f32 $0xffff, v13;
	v51, _, _ =	vpop (xrf2)  }
0x173: {  	v20 =	vmul.bf16 v44, v41;
	v60 =	vadd.bf16 v23, v54;
	v24 =	vmul.bf16 v56, v53;
	v55, _, _ =	vpop (xrf2);
	(xrf2) =	vadd.scan.msk.f32 $0xffff, v0  }
0x174: {  	v57 =	vadd.f32 v10, v42;
	v52 =	vunpack.i.u.bf16.f32 v2;
	v2 =	vunpack.i.l.bf16.f32 v2;
	v59, _, _ =	vpop (xrf2);
	(xrf2) =	vadd.scan.msk.f32 $0xffff, v6  }
0x175: {  	v3 =	vunpack.i.l.bf16.f32 v58;
	v5 =	vadd.f32 v16, v46;
	v2 =	vadd.f32 v2, v52;
	v61, _, _ =	vpop (xrf2);
	(xrf2) =	vadd.scan.msk.f32 $0xffff, v12  }
0x176: {  	v26 =	vunpack.i.u.bf16.f32 v60;
	v10 =	vadd.bf16 v20, v63;
	v21 =	vmul.bf16 v50, v47;
	v62, _, _ =	vpop (xrf2);
	(xrf2) =	vadd.scan.msk.f32 $0xffff, v11  }
0x177: {  	v3 =	vadd.f32 v3, v17;
	v2 =	vadd.f32 v2, v5;
	v5 =	vunpack.i.l.bf16.f32 v60;
	v22, _, _ =	vpop (xrf2);
	(xrf2) =	vadd.scan.msk.f32 $0xffff, v1  }
0x178: {  	v5 =	vadd.f32 v5, v26;
	v12 =	vadd.bf16 v24, v21;
	v23, _, _ =	vpop (xrf2);
	(xrf2) =	vadd.scan.msk.f32 $0xffff, v14  }
0x179: {  	v30 =	vbroadcast v45, $0xF;
	v34 =	vunpack.i.u.bf16.f32 v10;
	v35 =	vunpack.i.l.bf16.f32 v10;
	v31, _, _ =	vpop (xrf2);
	(xrf2) =	vadd.scan.msk.f32 $0xffff, v15  }
0x17a: {  	v42 =	vbroadcast v48, $0xF;
	v3 =	vadd.f32 v5, v3;
	v36 =	vunpack.i.u.bf16.f32 v12;
	v32, _, _ =	vpop (xrf2);
	(xrf2) =	vadd.scan.msk.f32 $0xffff, v7  }
0x17b: {  	v12 =	vunpack.i.l.bf16.f32 v12;
	v1 =	vbroadcast v23, $0xF;
	v11 =	vbroadcast v31, $0xF;
	(xrf2) =	vadd.scan.msk.f32 $0xffff, v57  }
0x17c: {  	v0 =	vadd.f32 v35, v34;
	v38 =	vadd.f32 v12, v36;
	v33 =	vbroadcast v32, $0xF;
	v37, _, _ =	vpop (xrf2);
	(xrf2) =	vadd.scan.msk.f32 $0xffff, v2  }
0x17d: {  	v4 =	vsel vm7, v4, v30;
	v1 =	vsel vm0, v1, v11;
	v39 =	vbroadcast v37, $0xF;
	v40, _, _ =	vpop (xrf2);
	(xrf2) =	vadd.scan.msk.f32 $0xffff, v3  }
0x17e: {  	v0 =	vadd.f32 v38, v0;
	v1 =	vsel vm1, v1, v33;
	v41, _, _ =	vpop (xrf2);
	v7 =	vbroadcast v40, $0xF  }
0x17f: {  	v44 =	vbroadcast v51, $0xF;
	v1 =	vsel vm2, v1, v39;
	v43, _, _ =	vpop (xrf2);
	v3 =	vbroadcast v41, $0xF  }
0x180: {  	v4 =	vsel vm8, v4, v42;
	(xrf2) =	vadd.scan.msk.f32 $0xffff, v0;
	v1 =	vsel vm3, v1, v7;
	v2 =	vbroadcast v43, $0xF;
	v45, _, _ =	vpop (xrf2)  }
0x181: {  	v49 =	vbroadcast v55, $0xF;
	v46, _, _ =	vpop (xrf2);
	v1 =	vsel vm4, v1, v3;
	v47 =	vbroadcast v45, $0xF  }
0x182: {  	v4 =	vsel vm9, v4, v44;
	v48, _, _ =	vpop (xrf2);
	v1 =	vsel vm5, v1, v2;
	v0 =	vbroadcast v46, $0xF  }
0x183: {  	v63 =	vld [tilespmem:$0x1FFF0];
	v8 =	vbroadcast v59, $0xF;
	v50, _, _ =	vpop (xrf2);
	v1 =	vsel vm6, v1, v47;
	v51 =	vbroadcast v48, $0xF  }
0x184: {  	v4 =	vsel vm10, v4, v49;
	v52, _, _ =	vpop (xrf2);
	v0 =	vsel vm7, v1, v0;
	v53 =	vbroadcast v50, $0xF  }
0x185: {  	v6 =	vbroadcast v61, $0xF;
	v54, _, _ =	vpop (xrf2);
	v0 =	vsel vm8, v0, v51;
	v55 =	vbroadcast v52, $0xF  }
0x186: {  	v4 =	vsel vm11, v4, v8;
	v56, _, _ =	vpop (xrf2);
	v0 =	vsel vm9, v0, v53;
	v57 =	vbroadcast v54, $0xF  }
0x187: {  	p1 =	por p0, p0;
	v59 =	vbroadcast v62, $0xF;
	v58, _, _ =	vpop (xrf2);
	v0 =	vsel vm10, v0, v55;
	v5 =	vbroadcast v56, $0xF  }
.Ltmp0:
0x188: {  	v4 =	vsel vm12, v4, v6;
	v0 =	vsel vm11, v0, v57;
	v60 =	vbroadcast v58, $0xF;
	(pc) =	sbr.rel @p1 .LBB2_3-.Ltmp0, $4  }
0x189: {  	v61 =	vsel vm13, v4, v59;
	v0 =	vsel vm12, v0, v5  }
0x18a: {  	s26 =	sand.u32 $0x3FFFFFF0, s26;
	v2 =	vsel vm14, v61, v22;
	v62, _, _ =	vpop (xrf2);
	v0 =	vsel vm13, v0, v60  }
0x18b: {  	[tilespmem:v63+s26+$0x0 ss:$0x1] =	vst.idx.msk $0xffff, v2;
	v0 =	vsel vm14, v0, v62  }
0x18c: {  	p0 =	por $0x0, $0x0;
	s28 =	simm.s32 $0x2;
	[tilespmem:v63+s25+$0x0 ss:$0x1] =	vst.idx.msk $0xffff, v0  }
0x18d: {  	v0 =	vld [tilespmem:$0x5E20]  }
0x18e: {  	v1 =	vld [tilespmem:$0x7220]  }
0x18f: {  	v2 =	vld [tilespmem:$0x5E30]  }
0x190: {  	v3 =	vld [tilespmem:$0x7230]  }
0x191: {  	v4 =	vld [tilespmem:$0x5E40]  }
0x192: {  	v5 =	vld [tilespmem:$0x7240]  }
0x193: {  	v6 =	vld [tilespmem:$0x5E50]  }
0x194: {  	v7 =	vld [tilespmem:$0x7250]  }
0x195: {  	v8 =	vld [tilespmem:$0x5E60]  }
0x196: {  	v9 =	vld [tilespmem:$0x7260]  }
0x197: {  	v10 =	vld [tilespmem:$0x5E70]  }
0x198: {  	v11 =	vld [tilespmem:$0x7270]  }
0x199: {  	v12 =	vld [tilespmem:$0x5E80]  }
0x19a: {  	v13 =	vld [tilespmem:$0x7280]  }
0x19b: {  	v14 =	vld [tilespmem:$0x5E90]  }
0x19c: {  	v15 =	vld [tilespmem:$0x7290]  }
0x19d: {  	v16 =	vld [tilespmem:$0x5EA0]  }
0x19e: {  	v17 =	vld [tilespmem:$0x72A0]  }
0x19f: {  	v18 =	vld [tilespmem:$0x5EB0]  }
0x1a0: {  	v19 =	vld [tilespmem:$0x72B0]  }
0x1a1: {  	v20 =	vld [tilespmem:$0x5EC0]  }
0x1a2: {  	v21 =	vld [tilespmem:$0x72C0]  }
0x1a3: {  	v22 =	vld [tilespmem:$0x5ED0]  }
0x1a4: {  	v23 =	vld [tilespmem:$0x72D0]  }
0x1a5: {  	v24 =	vld [tilespmem:$0x5EE0]  }
0x1a6: {  	v25 =	vld [tilespmem:$0x72E0]  }
0x1a7: {  	v26 =	vld [tilespmem:$0x5EF0]  }
0x1a8: {  	v27 =	vld [tilespmem:$0x72F0]  }
0x1a9: {  	v28 =	vld [tilespmem:$0x5F00]  }
0x1aa: {  	v29 =	vld [tilespmem:$0x7300]  }
0x1ab: {  	v30 =	vld [tilespmem:$0x5F10]  }
0x1ac: {  	v31 =	vld [tilespmem:$0x7310]  }
0x1ad: {  	v32 =	vld [tilespmem:$0x5F20]  }
0x1ae: {  	v33 =	vld [tilespmem:$0x7320]  }
0x1af: {  	v34 =	vld [tilespmem:$0x5F30]  }
0x1b0: {  	v35 =	vld [tilespmem:$0x7330]  }
0x1b1: {  	v36 =	vld [tilespmem:$0x5F40]  }
0x1b2: {  	v37 =	vld [tilespmem:$0x7340]  }
0x1b3: {  	v38 =	vld [tilespmem:$0x5F50]  }
0x1b4: {  	v39 =	vld [tilespmem:$0x7350]  }
0x1b5: {  	v40 =	vld [tilespmem:$0x5F60]  }
0x1b6: {  	v41 =	vld [tilespmem:$0x7360]  }
0x1b7: {  	v42 =	vld [tilespmem:$0x5F70]  }
0x1b8: {  	v43 =	vld [tilespmem:$0x7370]  }
0x1b9: {  	v44 =	vld [tilespmem:$0x5F80]  }
0x1ba: {  	v45 =	vld [tilespmem:$0x7380]  }
0x1bb: {  	v46 =	vld [tilespmem:$0x5F90]  }
0x1bc: {  	v47 =	vld [tilespmem:$0x7390]  }
0x1bd: {  	v48 =	vld [tilespmem:$0x5FA0]  }
0x1be: {  	v49 =	vld [tilespmem:$0x73A0]  }
0x1bf: {  	v50 =	vld [tilespmem:$0x5FB0]  }
0x1c0: {  	v51 =	vld [tilespmem:$0x73B0]  }
0x1c1: {  	v52 =	vld [tilespmem:$0x5FC0]  }
0x1c2: {  	v53 =	vld [tilespmem:$0x73C0]  }
0x1c3: {  	v54 =	vld [tilespmem:$0x5FD0]  }
0x1c4: {  	v55 =	vld [tilespmem:$0x73D0]  }
0x1c5: {  	v56 =	vld [tilespmem:$0x5FE0]  }
0x1c6: {  	v57 =	vld [tilespmem:$0x73E0]  }
0x1c7: {  	v58 =	vld [tilespmem:$0x5FF0]  }
0x1c8: {  	v59 =	vld [tilespmem:$0x73F0]  }
0x1c9: {  	v60 =	vld [tilespmem:$0x6000]  }
0x1ca: {  	v61 =	vld [tilespmem:$0x7400]  }
0x1cb: {  	v62 =	vmul.bf16 v5, v4;
	v5 =	vld [tilespmem:$0x6010]  }
0x1cc: {  	v63 =	vmul.bf16 v7, v6;
	v6 =	vld [tilespmem:$0x7410]  }
0x1cd: {  	v7 =	vld [tilespmem:$0x6020]  }
0x1ce: {  	v4 =	vmul.bf16 v11, v10;
	v11 =	vld [tilespmem:$0x7430]  }
0x1cf: {  	v0 =	vmul.bf16 v1, v0;
	v1 =	vmul.bf16 v3, v2;
	v10 =	vld [tilespmem:$0x7440]  }
0x1d0: {  	v25 =	vmul.bf16 v25, v24;
	v26 =	vmul.bf16 v27, v26;
	v24 =	vld [tilespmem:$0x7490]  }
0x1d1: {  	v28 =	vmul.bf16 v29, v28;
	v35 =	vmul.bf16 v35, v34;
	v34 =	vld [tilespmem:$0x74E0]  }
0x1d2: {  	v29 =	vmul.bf16 v31, v30;
	v45 =	vmul.bf16 v45, v44;
	v44 =	vld [tilespmem:$0x6110]  }
0x1d3: {  	v32 =	vmul.bf16 v33, v32;
	v47 =	vmul.bf16 v47, v46;
	v46 =	vld [tilespmem:$0x7510]  }
0x1d4: {  	v36 =	vmul.bf16 v37, v36;
	v2 =	vadd.bf16 v63, v62;
	v62 =	vmul.bf16 v13, v12;
	v12 =	vld [tilespmem:$0x6040]  }
0x1d5: {  	v37 =	vmul.bf16 v39, v38;
	v40 =	vmul.bf16 v41, v40;
	v13 =	vld [tilespmem:$0x6050]  }
0x1d6: {  	v43 =	vmul.bf16 v43, v42;
	v63 =	vmul.bf16 v15, v14;
	v14 =	vld [tilespmem:$0x6060]  }
0x1d7: {  	v48 =	vmul.bf16 v49, v48;
	v15 =	vmul.bf16 v19, v18;
	v19 =	vld [tilespmem:$0x6070]  }
0x1d8: {  	v49 =	vmul.bf16 v51, v50;
	v51 =	vmul.bf16 v53, v52;
	v18 =	vld [tilespmem:$0x6080]  }
0x1d9: {  	v52 =	vmul.bf16 v55, v54;
	v0 =	vadd.bf16 v1, v0;
	v38 =	vadd.bf16 v35, v32;
	v32 =	vld [tilespmem:$0x74D0]  }
0x1da: {  	v55 =	vmul.bf16 v57, v56;
	v57 =	vmul.bf16 v59, v58;
	v39 =	vadd.bf16 v37, v36;
	v36 =	vld [tilespmem:$0x60E0]  }
0x1db: {  	v35 =	vld [tilespmem:$0x60F0];
	v1 =	vunpack.i.u.bf16.f32 v0;
	v0 =	vunpack.i.l.bf16.f32 v0;
	v3 =	vunpack.i.u.bf16.f32 v2  }
0x1dc: {  	v37 =	vld [tilespmem:$0x7520];
	v2 =	vunpack.i.l.bf16.f32 v2;
	v0 =	vadd.f32 v0, v1;
	v1 =	vmul.bf16 v9, v8  }
0x1dd: {  	v58 =	vmul.bf16 v61, v60;
	v60 =	vadd.bf16 v57, v55;
	v57 =	vld [tilespmem:$0x61A0];
	v2 =	vadd.f32 v2, v3  }
0x1de: {  	v41 =	vunpack.i.u.bf16.f32 v39;
	v8 =	vld [tilespmem:$0x7420];
	v59 =	vmul.bf16 v6, v5;
	v1 =	vadd.bf16 v4, v1  }
0x1df: {  	v9 =	vld [tilespmem:$0x6030];
	v0 =	vadd.f32 v2, v0;
	v2 =	vadd.bf16 v63, v62;
	v4 =	vmul.bf16 v17, v16  }
0x1e0: {  	v16 =	vld [tilespmem:$0x7450];
	v61 =	vadd.bf16 v59, v58;
	v10 =	vmul.bf16 v10, v12;
	v62 =	vunpack.i.u.bf16.f32 v1  }
0x1e1: {  	v17 =	vld [tilespmem:$0x7470];
	v1 =	vunpack.i.l.bf16.f32 v1;
	v63 =	vunpack.i.u.bf16.f32 v2;
	v2 =	vunpack.i.l.bf16.f32 v2  }
0x1e2: {  	v12 =	vld [tilespmem:$0x7550];
	v4 =	vadd.bf16 v15, v4;
	v42 =	vunpack.i.u.bf16.f32 v61;
	v1 =	vadd.f32 v1, v62  }
0x1e3: {  	v15 =	vld [tilespmem:$0x7460];
	v2 =	vadd.f32 v2, v63;
	v62 =	vmul.bf16 v21, v20;
	v63 =	vmul.bf16 v23, v22  }
0x1e4: {  	v23 =	vld [tilespmem:$0x7480];
	v21 =	vadd.bf16 v29, v28;
	v28 =	vadd.bf16 v43, v40;
	v7 =	vmul.bf16 v8, v7  }
0x1e5: {  	v22 =	vld [tilespmem:$0x6090];
	v9 =	vmul.bf16 v11, v9;
	v27 =	vunpack.i.u.bf16.f32 v4;
	v1 =	vadd.f32 v2, v1  }
0x1e6: {  	v29 =	vld [tilespmem:$0x74A0];
	v4 =	vunpack.i.l.bf16.f32 v4;
	v3 =	vadd.bf16 v63, v62;
	v2 =	vadd.bf16 v26, v25  }
0x1e7: {  	v40 =	vld [tilespmem:$0x74F0];
	v4 =	vadd.f32 v4, v27;
	v33 =	vunpack.i.u.bf16.f32 v21;
	v21 =	vunpack.i.l.bf16.f32 v21  }
0x1e8: {  	v8 =	vld [tilespmem:$0x6130];
	v26 =	vunpack.i.u.bf16.f32 v38;
	v50 =	vunpack.i.u.bf16.f32 v28;
	v28 =	vunpack.i.l.bf16.f32 v28  }
0x1e9: {  	v11 =	vld [tilespmem:$0x7530];
	v62 =	vunpack.i.u.bf16.f32 v60;
	v63 =	vmul.bf16 v16, v13;
	v7 =	vadd.bf16 v9, v7  }
0x1ea: {  	v20 =	vld [tilespmem:$0x60B0];
	v21 =	vadd.f32 v21, v33;
	v28 =	vadd.f32 v28, v50;
	v30 =	vunpack.i.u.bf16.f32 v3  }
0x1eb: {  	v27 =	vld [tilespmem:$0x60A0];
	v3 =	vunpack.i.l.bf16.f32 v3;
	v31 =	vunpack.i.u.bf16.f32 v2;
	v2 =	vunpack.i.l.bf16.f32 v2  }
0x1ec: {  	v25 =	vld [tilespmem:$0x74B0];
	v14 =	vmul.bf16 v15, v14;
	v10 =	vadd.bf16 v63, v10;
	v63 =	vmul.bf16 v46, v44  }
0x1ed: {  	v9 =	vld [tilespmem:$0x7540];
	v3 =	vadd.f32 v3, v30;
	v2 =	vadd.f32 v2, v31;
	v18 =	vmul.bf16 v23, v18  }
0x1ee: {  	v16 =	vld [tilespmem:$0x6150];
	v31 =	vadd.bf16 v47, v45;
	v59 =	vmul.bf16 v40, v35;
	v8 =	vmul.bf16 v11, v8  }
0x1ef: {  	v33 =	vld [tilespmem:$0x74C0];
	v43 =	vunpack.i.u.bf16.f32 v10;
	v10 =	vunpack.i.l.bf16.f32 v10;
	v3 =	vadd.f32 v3, v4  }
0x1f0: {  	v15 =	vld [tilespmem:$0x6160];
	v2 =	vadd.f32 v21, v2;
	v4 =	vunpack.i.l.bf16.f32 v38;
	v21 =	vunpack.i.l.bf16.f32 v39  }
0x1f1: {  	v30 =	vld [tilespmem:$0x60C0];
	v53 =	vunpack.i.u.bf16.f32 v31;
	v31 =	vunpack.i.l.bf16.f32 v31;
	v38 =	vadd.bf16 v52, v51  }
0x1f2: {  	(xrf2) =	vadd.scan.msk.f32 $0xffff, v0;
	v39 =	vld [tilespmem:$0x6100];
	v10 =	vadd.f32 v10, v43;
	v47 =	vmul.bf16 v29, v27;
	v20 =	vmul.bf16 v25, v20  }
0x1f3: {  	(xrf2) =	vadd.scan.msk.f32 $0xffff, v1;
	v52 =	vld [tilespmem:$0x6190];
	v12 =	vmul.bf16 v12, v16;
	v4 =	vadd.f32 v4, v26;
	v21 =	vadd.f32 v21, v41  }
0x1f4: {  	v26 =	vld [tilespmem:$0x60D0];
	v31 =	vadd.f32 v31, v53;
	v56 =	vunpack.i.u.bf16.f32 v38;
	v51 =	vadd.bf16 v20, v47  }
0x1f5: {  	v41 =	vld [tilespmem:$0x7500];
	v38 =	vunpack.i.l.bf16.f32 v38;
	v4 =	vadd.f32 v21, v4;
	v21 =	vadd.bf16 v49, v48  }
0x1f6: {  	v38 =	vadd.f32 v38, v56;
	v5 =	vadd.f32 v31, v28;
	v31 =	vld [tilespmem:$0x6120];
	v56 =	vmul.bf16 v34, v36  }
0x1f7: {  	v28 =	vunpack.i.l.bf16.f32 v60;
	v60 =	vld [tilespmem:$0x75A0];
	v54 =	vunpack.i.u.bf16.f32 v21;
	v21 =	vunpack.i.l.bf16.f32 v21  }
0x1f8: {  	v49 =	vmul.bf16 v33, v30;
	v36 =	vld [tilespmem:$0x75B0];
	v25 =	vadd.bf16 v59, v56;
	v21 =	vadd.f32 v21, v54  }
0x1f9: {  	v28 =	vadd.f32 v28, v62;
	v55 =	vunpack.i.u.bf16.f32 v51;
	v56 =	vld [tilespmem:$0x7600];
	v50 =	vmul.bf16 v32, v26  }
0x1fa: {  	(xrf2) =	vadd.scan.msk.f32 $0xffff, v3;
	v59 =	vld [tilespmem:$0x6210];
	v40 =	vunpack.i.u.bf16.f32 v25;
	v25 =	vunpack.i.l.bf16.f32 v25;
	v6 =	vadd.f32 v38, v21  }
0x1fb: {  	(xrf2) =	vadd.scan.msk.f32 $0xffff, v2;
	v54 =	vld [tilespmem:$0x7590];
	v21 =	vunpack.i.l.bf16.f32 v61;
	v53 =	vadd.bf16 v50, v49;
	v37 =	vmul.bf16 v37, v31  }
0x1fc: {  	v30, _, _ =	vpop (xrf2);
	(xrf2) =	vadd.scan.msk.f32 $0xffff, v4;
	v26 =	vld [tilespmem:$0x7580];
	v62 =	vmul.bf16 v41, v39;
	v43 =	vadd.f32 v25, v40;
	v21 =	vadd.f32 v21, v42  }
0x1fd: {  	v39 =	vld [tilespmem:$0x61C0];
	(xrf2) =	vadd.scan.msk.f32 $0xffff, v5;
	v32, _, _ =	vpop (xrf2);
	v42 =	vmul.bf16 v24, v22;
	v58 =	vunpack.i.u.bf16.f32 v53;
	v8 =	vadd.bf16 v8, v37  }
0x1fe: {  	v38 =	vld [tilespmem:$0x6140];
	(xrf2) =	vadd.scan.msk.f32 $0xffff, v6;
	v6 =	vbroadcast v32, $0xF;
	v13 =	vadd.f32 v21, v28;
	v21 =	vmul.bf16 v17, v19  }
0x1ff: {  	v22 =	vld [tilespmem:$0x7570];
	v28 =	vunpack.i.u.bf16.f32 v7;
	v7 =	vunpack.i.l.bf16.f32 v7;
	v18 =	vadd.bf16 v42, v18  }
0x200: {  	v24 =	vld [tilespmem:$0x6180];
	v52 =	vmul.bf16 v54, v52;
	v7 =	vadd.f32 v7, v28;
	v28 =	vadd.bf16 v63, v62  }
0x201: {  	v19 =	vld [tilespmem:$0x6170];
	v46 =	vunpack.i.u.bf16.f32 v8;
	v8 =	vunpack.i.l.bf16.f32 v8;
	v14 =	vadd.bf16 v21, v14  }
0x202: {  	v54 =	vld [tilespmem:$0x6200];
	v48 =	vunpack.i.u.bf16.f32 v18;
	v18 =	vunpack.i.l.bf16.f32 v18;
	v8 =	vadd.f32 v8, v46  }
0x203: {  	v63 =	vld [tilespmem:$0x7610];
	v9 =	vmul.bf16 v9, v38;
	v18 =	vadd.f32 v18, v48;
	v7 =	vadd.f32 v10, v7  }
0x204: {  	v21 =	vld [tilespmem:$0x7560];
	v10 =	vunpack.i.l.bf16.f32 v51;
	v44 =	vunpack.i.u.bf16.f32 v28;
	v28 =	vunpack.i.l.bf16.f32 v28  }
0x205: {  	v41 =	vld [tilespmem:$0x75C0];
	v51 =	vmul.bf16 v26, v24;
	v45 =	vunpack.i.u.bf16.f32 v14;
	v10 =	vadd.f32 v10, v55  }
0x206: {  	v61 =	vld [tilespmem:$0x61B0];
	v14 =	vunpack.i.l.bf16.f32 v14;
	v9 =	vadd.bf16 v12, v9;
	v25 =	vadd.f32 v28, v44  }
0x207: {  	v42 =	vld [tilespmem:$0x61D0];
	v55 =	vmul.bf16 v60, v57;
	v14 =	vadd.f32 v14, v45;
	v19 =	vmul.bf16 v22, v19  }
0x208: {  	v45 =	vld [tilespmem:$0x75D0];
	v1 =	vadd.bf16 v52, v51;
	v29 =	vmul.bf16 v56, v54;
	v49 =	vunpack.i.u.bf16.f32 v9  }
0x209: {  	v47 =	vld [tilespmem:$0x61E0];
	v9 =	vunpack.i.l.bf16.f32 v9;
	v31 =	vmul.bf16 v63, v59;
	v15 =	vmul.bf16 v21, v15  }
0x20a: {  	v50 =	vld [tilespmem:$0x61F0];
	v14 =	vadd.f32 v18, v14;
	v18 =	vunpack.i.l.bf16.f32 v53;
	v0 =	vadd.f32 v9, v49  }
0x20b: {  	v48 =	vld [tilespmem:$0x75E0];
	v18 =	vadd.f32 v18, v58;
	v58 =	vmul.bf16 v36, v61;
	v15 =	vadd.bf16 v19, v15  }
0x20c: {  	v53 =	vld [tilespmem:$0x75F0];
	v61 =	vmul.bf16 v41, v39;
	v0 =	vadd.f32 v0, v8;
	v8 =	vadd.bf16 v31, v29  }
0x20d: {  	v10 =	vadd.f32 v18, v10;
	v18 =	vadd.f32 v25, v43;
	v62 =	vmul.bf16 v45, v42  }
0x20e: {  	v24 =	vadd.bf16 v58, v55;
	v25 =	vunpack.i.u.bf16.f32 v1;
	v1 =	vunpack.i.l.bf16.f32 v1  }
0x20f: {  	v57 =	vunpack.i.u.bf16.f32 v15;
	v15 =	vunpack.i.l.bf16.f32 v15;
	v1 =	vadd.f32 v1, v25  }
0x210: {  	(xrf2) =	vadd.scan.msk.f32 $0xffff, v13;
	v26 =	vmul.bf16 v48, v47;
	v60 =	vadd.f32 v15, v57;
	v3 =	vadd.bf16 v62, v61  }
0x211: {  	(xrf2) =	vadd.scan.msk.f32 $0xffff, v7;
	v27 =	vunpack.i.u.bf16.f32 v24;
	v4 =	vunpack.i.l.bf16.f32 v24;
	v28 =	vmul.bf16 v53, v50  }
0x212: {  	(xrf2) =	vadd.scan.msk.f32 $0xffff, v14;
	v4 =	vadd.f32 v4, v27;
	v11 =	vunpack.i.u.bf16.f32 v3;
	v3 =	vunpack.i.l.bf16.f32 v3  }
0x213: {  	v7 =	vbroadcast v30, $0xF;
	(xrf2) =	vadd.scan.msk.f32 $0xffff, v10;
	v5 =	vadd.bf16 v28, v26;
	v3 =	vadd.f32 v3, v11  }
0x214: {  	v37 =	vunpack.i.u.bf16.f32 v8;
	v8 =	vunpack.i.l.bf16.f32 v8;
	(xrf2) =	vadd.scan.msk.f32 $0xffff, v18;
	v1 =	vadd.f32 v1, v60  }
0x215: {  	v35, _, _ =	vpop (xrf2);
	(xrf2) =	vadd.scan.msk.f32 $0xffff, v0;
	v34 =	vunpack.i.u.bf16.f32 v5;
	v36 =	vunpack.i.l.bf16.f32 v5;
	v33 =	vadd.f32 v3, v4  }
0x216: {  	v38, _, _ =	vpop (xrf2);
	v40 =	vbroadcast v35, $0xF;
	v39 =	vadd.f32 v8, v37;
	(xrf2) =	vadd.scan.msk.f32 $0xffff, v1;
	v0 =	vadd.f32 v36, v34  }
0x217: {  	v41 =	vsel vm0, v7, v6;
	v42 =	vbroadcast v38, $0xF;
	v43, _, _ =	vpop (xrf2);
	(xrf2) =	vadd.scan.msk.f32 $0xffff, v33  }
0x218: {  	v44, _, _ =	vpop (xrf2);
	v45 =	vbroadcast v43, $0xF;
	v3 =	vsel vm1, v41, v40;
	v0 =	vadd.f32 v39, v0  }
0x219: {  	v46, _, _ =	vpop (xrf2);
	v2 =	vbroadcast v44, $0xF;
	v3 =	vsel vm2, v3, v42  }
0x21a: {  	v47, _, _ =	vpop (xrf2);
	v1 =	vbroadcast v46, $0xF;
	v3 =	vsel vm3, v3, v45;
	(xrf2) =	vadd.scan.msk.f32 $0xffff, v0  }
0x21b: {  	v49 =	vbroadcast v47, $0xF;
	v48, _, _ =	vpop (xrf2);
	v2 =	vsel vm4, v3, v2  }
0x21c: {  	v50, _, _ =	vpop (xrf2);
	v1 =	vsel vm5, v2, v1;
	v0 =	vbroadcast v48, $0xF  }
0x21d: {  	v52 =	vbroadcast v50, $0xF;
	v51, _, _ =	vpop (xrf2);
	v1 =	vsel vm6, v1, v49  }
0x21e: {  	v53, _, _ =	vpop (xrf2);
	v0 =	vsel vm7, v1, v0;
	v54 =	vbroadcast v51, $0xF  }
0x21f: {  	v55, _, _ =	vpop (xrf2);
	v0 =	vsel vm8, v0, v52;
	v56 =	vbroadcast v53, $0xF  }
0x220: {  	v0 =	vsel vm9, v0, v54;
	v58 =	vbroadcast v55, $0xF;
	v57, _, _ =	vpop (xrf2)  }
0x221: {  	v0 =	vsel vm10, v0, v56;
	v60 =	vbroadcast v57, $0xF;
	v59, _, _ =	vpop (xrf2)  }
0x222: {  	v0 =	vsel vm11, v0, v58;
	v61 =	vbroadcast v59, $0xF  }
0x223: {  	v0 =	vsel vm12, v0, v60  }
0x224: {  	v62, _, _ =	vpop (xrf2);
	v0 =	vsel vm13, v0, v61  }
0x225: {  	v0 =	vsel vm14, v0, v62  }
0x226: {  	s25 =	sadd.s32 $0xA0, s23;
	[tilespmem:s23+$0x9E60] =	vst v0  }
0x227: {  	[tilespmem:s12], [sflag:$0x1] =	stream.indirect.gather [hbm4b:s3+s11], $0x40, s25, s11, $0xb8;
	[tilespmem:$0xC530] =	vst v63  }
0x228: {  	s31 =	sadd.s32 $0x27B0, s23  }
0x229: {  	[tilespmem:s13], [sflag:$0x2] =	stream.indirect.gather [hbm4b:s4+s11], $0x40, s31, s11, $0xb8;
	[tilespmem:$0xC530] =	vst v63  }
0x22a: {  	_ =	swait.ge [sflag:s18], $0x1400  }
0x22b: {  	[sflag:s18] =	ssyncset.done $0x0  }
0x22c: {  	[sflag:s18] =	ssyncadd.s32 $0xFFFFEC00  }
0x22d: {  	s24 =	sadd.s32 $0x9E20, s24;
	_ =	swait.ge [sflag:s19], $0x1400  }
0x22e: {  	v63 =	vmov s24;
	[sflag:s19] =	ssyncset.done $0x0  }
0x22f: {  	s26 =	simm.s32 $0x0;
	p0 =	por $0x1, $0x1;
	[tilespmem:$0x1FB40] =	vst v63;
	[sflag:s19] =	ssyncadd.s32 $0xFFFFEC00  }
.LBB2_5:
0x230: {  	s31 =	sshll.u32 s26, $0xA  }
0x231: {  	v53 =	vld [tilespmem:s31+$0x8A20]  }
0x232: {  	v62 =	vld [tilespmem:s31+$0x7630]  }
0x233: {  	v3 =	vld [tilespmem:s31+$0x8A30]  }
0x234: {  	v4 =	vld [tilespmem:s31+$0x7640]  }
0x235: {  	v1 =	vld [tilespmem:s31+$0x8A40]  }
0x236: {  	v2 =	vld [tilespmem:s31+$0x7650]  }
0x237: {  	v6 =	vld [tilespmem:s31+$0x7660]  }
0x238: {  	v5 =	vld [tilespmem:s31+$0x8A60]  }
0x239: {  	v12 =	vld [tilespmem:s31+$0x7670]  }
0x23a: {  	v9 =	vld [tilespmem:s31+$0x8A70]  }
0x23b: {  	v11 =	vld [tilespmem:s31+$0x7680]  }
0x23c: {  	v7 =	vld [tilespmem:s31+$0x8A80]  }
0x23d: {  	v10 =	vld [tilespmem:s31+$0x7690]  }
0x23e: {  	v8 =	vld [tilespmem:s31+$0x8A90]  }
0x23f: {  	v20 =	vld [tilespmem:s31+$0x76A0]  }
0x240: {  	v15 =	vld [tilespmem:s31+$0x8AA0]  }
0x241: {  	v18 =	vld [tilespmem:s31+$0x76B0]  }
0x242: {  	v13 =	vld [tilespmem:s31+$0x8AB0]  }
0x243: {  	v19 =	vld [tilespmem:s31+$0x76C0]  }
0x244: {  	v60 =	vld [tilespmem:s31+$0x7820]  }
0x245: {  	v16 =	vld [tilespmem:s31+$0x8AC0]  }
0x246: {  	v17 =	vld [tilespmem:s31+$0x76D0]  }
0x247: {  	v14 =	vld [tilespmem:s31+$0x8AD0]  }
0x248: {  	v34 =	vld [tilespmem:s31+$0x76E0]  }
0x249: {  	[tilespmem:$0x1F6B0] =	vst v60;
	v60 =	vld [tilespmem:s31+$0x8C20]  }
0x24a: {  	v54 =	vld [tilespmem:s31+$0x76F0]  }
0x24b: {  	v24 =	vld [tilespmem:s31+$0x8AF0]  }
0x24c: {  	v37 =	vld [tilespmem:s31+$0x7700]  }
0x24d: {  	v30 =	vld [tilespmem:s31+$0x8B00]  }
0x24e: {  	[tilespmem:$0x1F6C0] =	vst v60;
	v60 =	vld [tilespmem:s31+$0x7830]  }
0x24f: {  	v25 =	vld [tilespmem:s31+$0x7710]  }
0x250: {  	v21 =	vld [tilespmem:s31+$0x8B10]  }
0x251: {  	v45 =	vld [tilespmem:s31+$0x7720]  }
0x252: {  	v26 =	vld [tilespmem:s31+$0x8B20]  }
0x253: {  	[tilespmem:$0x1F6D0] =	vst v60;
	v60 =	vld [tilespmem:s31+$0x8C30]  }
0x254: {  	v27 =	vld [tilespmem:s31+$0x7730]  }
0x255: {  	v22 =	vld [tilespmem:s31+$0x8B30]  }
0x256: {  	v63 =	vld [tilespmem:s31+$0x7740]  }
0x257: {  	v28 =	vld [tilespmem:s31+$0x8B40]  }
0x258: {  	[tilespmem:$0x1F6E0] =	vst v60;
	v60 =	vld [tilespmem:s31+$0x7840]  }
0x259: {  	v29 =	vld [tilespmem:s31+$0x7750]  }
0x25a: {  	v23 =	vld [tilespmem:s31+$0x8B50]  }
0x25b: {  	v33 =	vld [tilespmem:s31+$0x7760]  }
0x25c: {  	v32 =	vld [tilespmem:s31+$0x8B60]  }
0x25d: {  	[tilespmem:$0x1F6F0] =	vst v60;
	v60 =	vld [tilespmem:s31+$0x8C40]  }
0x25e: {  	v31 =	vld [tilespmem:s31+$0x8B70]  }
0x25f: {  	v36 =	vld [tilespmem:s31+$0x7780]  }
0x260: {  	v38 =	vld [tilespmem:s31+$0x8B80]  }
0x261: {  	v57 =	vld [tilespmem:s31+$0x7790]  }
0x262: {  	[tilespmem:$0x1F700] =	vst v60;
	v60 =	vld [tilespmem:s31+$0x7850]  }
0x263: {  	v35 =	vld [tilespmem:s31+$0x8B90]  }
0x264: {  	v40 =	vld [tilespmem:s31+$0x77A0]  }
0x265: {  	v39 =	vld [tilespmem:s31+$0x8BA0]  }
0x266: {  	v44 =	vld [tilespmem:s31+$0x77C0]  }
0x267: {  	[tilespmem:$0x1F710] =	vst v60;
	v60 =	vld [tilespmem:s31+$0x8C50]  }
0x268: {  	v42 =	vld [tilespmem:s31+$0x8BC0]  }
0x269: {  	v43 =	vld [tilespmem:s31+$0x77D0]  }
0x26a: {  	v41 =	vld [tilespmem:s31+$0x8BD0]  }
0x26b: {  	v61 =	vld [tilespmem:s31+$0x77E0]  }
0x26c: {  	[tilespmem:$0x1F720] =	vst v60;
	v60 =	vld [tilespmem:s31+$0x7860]  }
0x26d: {  	v58 =	vld [tilespmem:s31+$0x8BE0]  }
0x26e: {  	v59 =	vld [tilespmem:s31+$0x77F0]  }
0x26f: {  	s25 =	sshll.u32 s26, $0x4;
	v56 =	vld [tilespmem:s31+$0x8C00]  }
0x270: {  	s24 =	sor.u32 $0x10, s25;
	v55 =	vld [tilespmem:s31+$0x8C10]  }
0x271: {  	s28 =	sshll.u32 s24, $0x6;
	[tilespmem:$0x1F730] =	vst v60;
	v60 =	vld [tilespmem:s31+$0x8C60]  }
0x272: {  	v0 =	vld [tilespmem:s28+$0x7620]  }
0x273: {  	v46 =	vld [tilespmem:s28+$0x8A20]  }
0x274: {  	v47 =	vld [tilespmem:s28+$0x7630]  }
0x275: {  	v48 =	vld [tilespmem:s28+$0x8A30]  }
0x276: {  	[tilespmem:$0x1F740] =	vst v60;
	v60 =	vld [tilespmem:s31+$0x7870]  }
0x277: {  	v49 =	vld [tilespmem:s28+$0x7640]  }
0x278: {  	v52 =	vld [tilespmem:s28+$0x8A50]  }
0x279: {  	v50 =	vld [tilespmem:s28+$0x8A40]  }
0x27a: {  	v51 =	vld [tilespmem:s28+$0x7650]  }
0x27b: {  	[tilespmem:$0x1F750] =	vst v60;
	v60 =	vld [tilespmem:s31+$0x8C70]  }
0x27c: {  	v3 =	vmul.bf16 v3, v62;
	v62 =	vld [tilespmem:s31+$0x8D70]  }
0x27d: {  	[tilespmem:$0x1FA70] =	vst v52;
	v52 =	vld [tilespmem:s31+$0x7620]  }
0x27e: {  	[tilespmem:$0x1FA00] =	vst v0;
	v0 =	vld [tilespmem:s31+$0x8A50]  }
0x27f: {  	[tilespmem:$0x1FA60] =	vst v51;
	v51 =	vld [tilespmem:s31+$0x8AE0]  }
0x280: {  	[tilespmem:$0x1F760] =	vst v60;
	v60 =	vld [tilespmem:s31+$0x7880]  }
0x281: {  	[tilespmem:$0x1FA40] =	vst v49;
	v49 =	vld [tilespmem:s31+$0x7770]  }
0x282: {  	[tilespmem:$0x1FA20] =	vst v47;
	v47 =	vld [tilespmem:s31+$0x77B0]  }
0x283: {  	[tilespmem:$0x1FA30] =	vst v48;
	v48 =	vld [tilespmem:s31+$0x7800]  }
0x284: {  	[tilespmem:$0x1FA10] =	vst v46;
	v46 =	vld [tilespmem:s31+$0x8BB0]  }
0x285: {  	[tilespmem:$0x1F770] =	vst v60;
	v60 =	vld [tilespmem:s31+$0x8C80]  }
0x286: {  	[tilespmem:$0x1FA50] =	vst v50;
	v50 =	vld [tilespmem:s31+$0x8BF0]  }
0x287: {  	[tilespmem:$0x1F950] =	vst v62;
	v62 =	vld [tilespmem:s31+$0x8D80]  }
0x288: {  	[tilespmem:$0x1F6A0] =	vst v48;
	v48 =	vld [tilespmem:s31+$0x7810]  }
0x289: {  	v52 =	vmul.bf16 v53, v52;
	v53 =	vld [tilespmem:s31+$0x7970]  }
0x28a: {  	[tilespmem:$0x1F780] =	vst v60;
	v60 =	vld [tilespmem:s31+$0x7890]  }
0x28b: {  	v0 =	vmul.bf16 v0, v2;
	v2 =	vadd.bf16 v3, v52;
	v52 =	vld [tilespmem:s31+$0x7980]  }
0x28c: {  	v3 =	vmul.bf16 v9, v12;
	v12 =	vld [tilespmem:s31+$0x7990]  }
0x28d: {  	v1 =	vmul.bf16 v1, v4;
	v9 =	vld [tilespmem:s31+$0x79C0];
	[tilespmem:$0x1F970] =	vst v62;
	v62 =	vmul.bf16 v15, v20  }
0x28e: {  	v15 =	vmul.bf16 v16, v19;
	v16 =	vmul.bf16 v14, v17;
	v17 =	vld [tilespmem:s31+$0x8DA0]  }
0x28f: {  	[tilespmem:$0x1F790] =	vst v60;
	v60 =	vld [tilespmem:s31+$0x8C90]  }
0x290: {  	v0 =	vadd.bf16 v0, v1;
	v1 =	vmul.bf16 v5, v6;
	v19 =	vld [tilespmem:s31+$0x79B0]  }
0x291: {  	v14 =	vld [tilespmem:s31+$0x79E0]  }
0x292: {  	v1 =	vadd.bf16 v3, v1;
	v3 =	vadd.bf16 v16, v15;
	v15 =	vmul.bf16 v30, v37;
	v37 =	vld [tilespmem:s31+$0x8E00]  }
0x293: {  	[tilespmem:$0x1F940] =	vst v53;
	v30 =	vld [tilespmem:s31+$0x8E60]  }
0x294: {  	v53 =	vunpack.i.u.bf16.f32 v2;
	v2 =	vunpack.i.l.bf16.f32 v2;
	[tilespmem:$0x1F7A0] =	vst v60;
	v60 =	vld [tilespmem:s31+$0x78A0]  }
0x295: {  	v2 =	vadd.f32 v2, v53;
	v53 =	vld [tilespmem:s31+$0x8D90]  }
0x296: {  	[tilespmem:$0x1F980] =	vst v12;
	v12 =	vmul.bf16 v13, v18;
	v13 =	vld [tilespmem:s31+$0x79A0]  }
0x297: {  	[tilespmem:$0x1F9B0] =	vst v17;
	v17 =	vmul.bf16 v26, v45;
	v45 =	vld [tilespmem:s31+$0x8DF0]  }
0x298: {  	[tilespmem:$0x1F9C0] =	vst v19;
	v19 =	vmul.bf16 v28, v63;
	v63 =	vld [tilespmem:s31+$0x7A00]  }
0x299: {  	[tilespmem:$0x1F7B0] =	vst v60;
	v60 =	vld [tilespmem:s31+$0x8CA0]  }
0x29a: {  	[tilespmem:$0x1F960] =	vst v52;
	v52 =	vunpack.i.u.bf16.f32 v0;
	v0 =	vunpack.i.l.bf16.f32 v0;
	v28 =	vmul.bf16 v38, v36;
	v38 =	vld [tilespmem:s31+$0x8E70]  }
0x29b: {  	v0 =	vadd.f32 v0, v52;
	v36 =	vld [tilespmem:s31+$0x7A80]  }
0x29c: {  	v52 =	vunpack.i.u.bf16.f32 v1;
	v1 =	vunpack.i.l.bf16.f32 v1;
	[tilespmem:$0x1F9F0] =	vst v14;
	v14 =	vmul.bf16 v50, v59;
	v50 =	vld [tilespmem:s31+$0x7AB0]  }
0x29d: {  	v1 =	vadd.f32 v1, v52;
	v52 =	vld [tilespmem:s31+$0x8DD0]  }
0x29e: {  	[tilespmem:$0x1F7C0] =	vst v60;
	v60 =	vld [tilespmem:s31+$0x78B0]  }
0x29f: {  	v20 =	vadd.bf16 v12, v62;
	v12 =	vmul.bf16 v51, v34;
	v51 =	vld [tilespmem:s31+$0x8DE0]  }
0x2a0: {  	v34 =	vld [tilespmem:s31+$0x7A10]  }
0x2a1: {  	v4 =	vmul.bf16 v7, v11;
	v5 =	vmul.bf16 v8, v10;
	[tilespmem:$0x1FA90] =	vst v30;
	v30 =	vld [tilespmem:s31+$0x8EC0]  }
0x2a2: {  	[tilespmem:$0x1F990] =	vst v53;
	v53 =	vld [tilespmem:s31+$0x8DB0]  }
0x2a3: {  	v18 =	vadd.bf16 v5, v4;
	v0 =	vadd.f32 v0, v2;
	v10 =	vunpack.i.u.bf16.f32 v20;
	[tilespmem:$0x1F7D0] =	vst v60;
	v60 =	vld [tilespmem:s31+$0x8CB0]  }
0x2a4: {  	v2 =	vunpack.i.l.bf16.f32 v20;
	v20 =	vmul.bf16 v23, v29;
	v29 =	vmul.bf16 v35, v57;
	v57 =	vld [tilespmem:s31+$0x7A70]  }
0x2a5: {  	v11 =	vunpack.i.u.bf16.f32 v3;
	[tilespmem:$0x1F9A0] =	vst v13;
	v13 =	vmul.bf16 v24, v54;
	v54 =	vld [tilespmem:s31+$0x79F0]  }
0x2a6: {  	v62 =	vunpack.i.u.bf16.f32 v18;
	[tilespmem:$0x1FAA0] =	vst v0;
	v0 =	vunpack.i.l.bf16.f32 v18;
	v18 =	vmul.bf16 v22, v27;
	v27 =	vld [tilespmem:s31+$0x7A60]  }
0x2a7: {  	v3 =	vunpack.i.l.bf16.f32 v3;
	v24 =	vmul.bf16 v32, v33;
	v33 =	vmul.bf16 v39, v40;
	v39 =	vld [tilespmem:$0x1F6E0]  }
0x2a8: {  	v3 =	vadd.f32 v3, v11;
	[tilespmem:$0x1F7E0] =	vst v60;
	v60 =	vld [tilespmem:s31+$0x78C0]  }
0x2a9: {  	v2 =	vadd.f32 v2, v10;
	v0 =	vadd.f32 v0, v62;
	v62 =	vld [tilespmem:s31+$0x79D0]  }
0x2aa: {  	v32 =	vadd.bf16 v29, v28;
	v29 =	vld [tilespmem:$0x1F6B0]  }
0x2ab: {  	v2 =	vadd.f32 v3, v2;
	v3 =	vadd.bf16 v20, v19;
	v19 =	vld [tilespmem:s31+$0x7A90]  }
0x2ac: {  	v20 =	vmul.bf16 v55, v48;
	v55 =	vld [tilespmem:s31+$0x8EA0]  }
0x2ad: {  	[tilespmem:$0x1F7F0] =	vst v60;
	v60 =	vld [tilespmem:s31+$0x8CC0]  }
0x2ae: {  	v46 =	vmul.bf16 v46, v47;
	v47 =	vmul.bf16 v42, v44;
	v42 =	vld [tilespmem:$0x1F6F0]  }
0x2af: {  	v16 =	vmul.bf16 v21, v25;
	v0 =	vadd.f32 v0, v1;
	v1 =	vadd.bf16 v18, v17;
	v17 =	vld [tilespmem:s31+$0x8E90]  }
0x2b0: {  	[tilespmem:$0x1F9D0] =	vst v53;
	v53 =	vld [tilespmem:s31+$0x8DC0]  }
0x2b1: {  	[tilespmem:$0x1FAC0] =	vst v2;
	v2 =	vadd.bf16 v16, v15;
	v16 =	vld [tilespmem:$0x1F6A0]  }
0x2b2: {  	v25 =	vmul.bf16 v31, v49;
	v49 =	vmul.bf16 v41, v43;
	[tilespmem:$0x1F800] =	vst v60;
	v60 =	vld [tilespmem:s31+$0x78D0]  }
0x2b3: {  	v26 =	vunpack.i.u.bf16.f32 v3;
	v3 =	vunpack.i.l.bf16.f32 v3;
	v38 =	vmul.bf16 v38, v57;
	v57 =	vld [tilespmem:s31+$0x9000]  }
0x2b4: {  	v3 =	vadd.f32 v3, v26;
	v26 =	vld [tilespmem:s31+$0x8E80];
	v22 =	vunpack.i.u.bf16.f32 v2;
	v2 =	vunpack.i.l.bf16.f32 v2  }
0x2b5: {  	v4 =	vadd.f32 v2, v22;
	v2 =	vld [tilespmem:s31+$0x8E10]  }
0x2b6: {  	[tilespmem:$0x1FAB0] =	vst v0;
	v0 =	vadd.bf16 v13, v12;
	v22 =	vadd.bf16 v49, v47;
	v49 =	vld [tilespmem:s31+$0x8EB0]  }
0x2b7: {  	v23 =	vunpack.i.u.bf16.f32 v1;
	v1 =	vunpack.i.l.bf16.f32 v1;
	v13 =	vmul.bf16 v58, v61;
	[tilespmem:$0x1F810] =	vst v60;
	v60 =	vld [tilespmem:s31+$0x8CD0]  }
0x2b8: {  	v1 =	vadd.f32 v1, v23;
	v43 =	vld [tilespmem:$0x1F700]  }
0x2b9: {  	v23 =	vadd.bf16 v14, v13;
	v13 =	vld [tilespmem:s31+$0x7AE0]  }
0x2ba: {  	v12 =	vunpack.i.u.bf16.f32 v32;
	v1 =	vadd.f32 v3, v1;
	v3 =	vunpack.i.l.bf16.f32 v32;
	v32 =	vld [tilespmem:$0x1F6C0]  }
0x2bb: {  	v17 =	vmul.bf16 v17, v19;
	v19 =	vld [tilespmem:s31+$0x7C20]  }
0x2bc: {  	v31 =	vadd.bf16 v25, v24;
	[tilespmem:$0x1F820] =	vst v60;
	v60 =	vld [tilespmem:s31+$0x78E0]  }
0x2bd: {  	v21 =	vunpack.i.u.bf16.f32 v0;
	v0 =	vunpack.i.l.bf16.f32 v0;
	v18 =	vmul.bf16 v56, v16;
	v56 =	vld [tilespmem:s31+$0x7AA0]  }
0x2be: {  	v0 =	vadd.f32 v0, v21;
	v25 =	vunpack.i.u.bf16.f32 v23;
	v5 =	vunpack.i.l.bf16.f32 v23;
	v23 =	vld [tilespmem:s31+$0x7AD0]  }
0x2bf: {  	v26 =	vmul.bf16 v26, v36;
	v36 =	vld [tilespmem:s31+$0x7C10]  }
0x2c0: {  	v0 =	vadd.f32 v4, v0;
	v6 =	vadd.bf16 v20, v18;
	v20 =	vld [tilespmem:s31+$0x8ED0]  }
0x2c1: {  	[tilespmem:$0x1F830] =	vst v60;
	v60 =	vld [tilespmem:s31+$0x8CE0]  }
0x2c2: {  	v35 =	vunpack.i.u.bf16.f32 v31;
	[tilespmem:$0x1FAD0] =	vst v0;
	v0 =	vunpack.i.l.bf16.f32 v31;
	v31 =	vld [tilespmem:s31+$0x7AC0]  }
0x2c3: {  	v4 =	vadd.bf16 v46, v33;
	v46 =	vld [tilespmem:$0x1F710]  }
0x2c4: {  	v37 =	vmul.bf16 v37, v63;
	v2 =	vmul.bf16 v2, v34;
	v34 =	vld [tilespmem:s31+$0x8FE0]  }
0x2c5: {  	[tilespmem:$0x1FA80] =	vst v27;
	v40 =	vadd.f32 v0, v35;
	v27 =	vunpack.i.u.bf16.f32 v6;
	v6 =	vunpack.i.l.bf16.f32 v6;
	v35 =	vld [tilespmem:$0x1F6D0]  }
0x2c6: {  	v5 =	vadd.f32 v5, v25;
	v6 =	vadd.f32 v6, v27;
	[tilespmem:$0x1F840] =	vst v60;
	v60 =	vld [tilespmem:s31+$0x78F0]  }
0x2c7: {  	v2 =	vadd.bf16 v2, v37;
	v37 =	vld [tilespmem:s31+$0x7BF0]  }
0x2c8: {  	v41 =	vadd.f32 v6, v5;
	v5 =	vld [tilespmem:s31+$0x8EE0]  }
0x2c9: {  	v6 =	vld [tilespmem:s31+$0x7AF0]  }
0x2ca: {  	v20 =	vmul.bf16 v20, v23;
	v23 =	vld [tilespmem:s31+$0x7C50]  }
0x2cb: {  	[tilespmem:$0x1F850] =	vst v60;
	v60 =	vld [tilespmem:s31+$0x8CF0]  }
0x2cc: {  	v58 =	vld [tilespmem:$0x1F730]  }
0x2cd: {  	v10 =	vld [tilespmem:$0x1F750]  }
0x2ce: {  	v11 =	vld [tilespmem:$0x1F760]  }
0x2cf: {  	v59 =	vld [tilespmem:$0x1F740]  }
0x2d0: {  	[tilespmem:$0x1F860] =	vst v60;
	v60 =	vld [tilespmem:s31+$0x7900]  }
0x2d1: {  	v47 =	vld [tilespmem:$0x1F720]  }
0x2d2: {  	v14 =	vld [tilespmem:$0x1F770]  }
0x2d3: {  	v3 =	vadd.f32 v3, v12;
	v12 =	vmul.bf16 v11, v10;
	v11 =	vld [tilespmem:s31+$0x8F00]  }
0x2d4: {  	v61 =	vmul.bf16 v59, v58;
	v15 =	vld [tilespmem:$0x1F780]  }
0x2d5: {  	[tilespmem:$0x1F870] =	vst v60;
	v60 =	vld [tilespmem:s31+$0x8D00]  }
0x2d6: {  	v21 =	vadd.f32 v3, v40;
	v7 =	vadd.bf16 v12, v61;
	v12 =	vld [tilespmem:s31+$0x8EF0]  }
0x2d7: {  	v18 =	vld [tilespmem:$0x1F790]  }
0x2d8: {  	[tilespmem:$0x1FAF0] =	vst v21;
	v21 =	vld [tilespmem:$0x1F7A0]  }
0x2d9: {  	v16 =	vmul.bf16 v15, v14;
	v15 =	vld [tilespmem:s31+$0x7B00]  }
0x2da: {  	v8 =	vunpack.i.u.bf16.f32 v22;
	[tilespmem:$0x1F880] =	vst v60;
	v60 =	vld [tilespmem:s31+$0x7910]  }
0x2db: {  	v24 =	vunpack.i.u.bf16.f32 v4;
	v4 =	vunpack.i.l.bf16.f32 v4;
	v3 =	vunpack.i.l.bf16.f32 v22;
	v58 =	vld [tilespmem:s31+$0x7B10]  }
0x2dc: {  	v4 =	vadd.f32 v4, v24;
	v3 =	vadd.f32 v3, v8;
	v6 =	vmul.bf16 v12, v6;
	v12 =	vld [tilespmem:s31+$0x9050]  }
0x2dd: {  	v14 =	vld [tilespmem:s31+$0x7B20];
	v22 =	vmul.bf16 v21, v18  }
0x2de: {  	[tilespmem:$0x1F9E0] =	vst v9;
	v28 =	vadd.f32 v3, v4;
	v11 =	vmul.bf16 v11, v15;
	v15 =	vld [tilespmem:s31+$0x7C70]  }
0x2df: {  	v25 =	vadd.bf16 v22, v16;
	[tilespmem:$0x1F890] =	vst v60;
	v60 =	vld [tilespmem:s31+$0x8D10]  }
0x2e0: {  	v33 =	vmul.bf16 v32, v29;
	[tilespmem:$0x1FB00] =	vst v28;
	v28 =	vunpack.i.u.bf16.f32 v7;
	v16 =	vld [tilespmem:s31+$0x8F20]  }
0x2e1: {  	[tilespmem:$0x1FB10] =	vst v41;
	v7 =	vunpack.i.l.bf16.f32 v7;
	v29 =	vld [tilespmem:$0x1F7B0];
	v41 =	vunpack.i.u.bf16.f32 v25;
	v9 =	vunpack.i.l.bf16.f32 v25  }
0x2e2: {  	v7 =	vadd.f32 v7, v28;
	v25 =	vld [tilespmem:s31+$0x8F10];
	v9 =	vadd.f32 v9, v41  }
0x2e3: {  	v32 =	vld [tilespmem:$0x1F7C0]  }
0x2e4: {  	v22 =	vadd.f32 v9, v7;
	[tilespmem:$0x1F8A0] =	vst v60;
	v60 =	vld [tilespmem:s31+$0x7920]  }
0x2e5: {  	v14 =	vmul.bf16 v16, v14;
	v16 =	vld [tilespmem:s31+$0x7C80]  }
0x2e6: {  	[tilespmem:$0x1FB30] =	vst v22;
	v22 =	vld [tilespmem:s31+$0x8F40]  }
0x2e7: {  	v40 =	vmul.bf16 v39, v35;
	v35 =	vld [tilespmem:$0x1F7D0]  }
0x2e8: {  	v39 =	vld [tilespmem:$0x1F7E0]  }
0x2e9: {  	[tilespmem:$0x1F8B0] =	vst v60;
	v60 =	vld [tilespmem:s31+$0x8D20]  }
0x2ea: {  	v44 =	vmul.bf16 v43, v42;
	v42 =	vld [tilespmem:$0x1F7F0]  }
0x2eb: {  	v43 =	vld [tilespmem:$0x1F800]  }
0x2ec: {  	v48 =	vmul.bf16 v47, v46;
	v46 =	vld [tilespmem:$0x1F810]  }
0x2ed: {  	v47 =	vld [tilespmem:$0x1F820]  }
0x2ee: {  	v8 =	vadd.bf16 v48, v44;
	[tilespmem:$0x1F8C0] =	vst v60;
	v60 =	vld [tilespmem:s31+$0x7930]  }
0x2ef: {  	v3 =	vadd.bf16 v40, v33;
	v25 =	vmul.bf16 v25, v58;
	v58 =	vld [tilespmem:$0x1FAA0]  }
0x2f0: {  	v27 =	vunpack.i.u.bf16.f32 v8;
	v8 =	vunpack.i.l.bf16.f32 v8;
	v33 =	vmul.bf16 v32, v29;
	v32 =	vld [tilespmem:s31+$0x7B30]  }
0x2f1: {  	v8 =	vadd.f32 v8, v27;
	v27 =	vld [tilespmem:$0x1F830]  }
0x2f2: {  	v40 =	vmul.bf16 v39, v35;
	v28 =	vld [tilespmem:$0x1F840]  }
0x2f3: {  	v44 =	vmul.bf16 v43, v42;
	v48 =	vmul.bf16 v47, v46;
	[tilespmem:$0x1F8D0] =	vst v60;
	v60 =	vld [tilespmem:s31+$0x8D30]  }
0x2f4: {  	v24 =	vunpack.i.u.bf16.f32 v3;
	v3 =	vunpack.i.l.bf16.f32 v3;
	v61 =	vadd.bf16 v40, v33;
	v33 =	vld [tilespmem:$0x1F850]  }
0x2f5: {  	v3 =	vadd.f32 v3, v24;
	v24 =	vadd.bf16 v48, v44;
	v35 =	vld [tilespmem:$0x1F860]  }
0x2f6: {  	v44 =	vld [tilespmem:s31+$0x8F30]  }
0x2f7: {  	v18 =	vunpack.i.u.bf16.f32 v24;
	v7 =	vunpack.i.l.bf16.f32 v24;
	v24 =	vld [tilespmem:s31+$0x7B60]  }
0x2f8: {  	[tilespmem:$0x1F8E0] =	vst v60;
	v60 =	vld [tilespmem:s31+$0x7940]  }
0x2f9: {  	v59 =	vadd.f32 v8, v3;
	v8 =	vmul.bf16 v28, v27;
	v27 =	vld [tilespmem:s31+$0x7B50]  }
0x2fa: {  	v39 =	vmul.bf16 v35, v33;
	v40 =	vld [tilespmem:$0x1F870]  }
0x2fb: {  	v35 =	vld [tilespmem:s31+$0x7B40]  }
0x2fc: {  	v8 =	vadd.bf16 v39, v8;
	v39 =	vld [tilespmem:s31+$0x8F60]  }
0x2fd: {  	[tilespmem:$0x1F8F0] =	vst v60;
	v60 =	vld [tilespmem:s31+$0x8D40]  }
0x2fe: {  	v33 =	vunpack.i.u.bf16.f32 v8;
	v8 =	vunpack.i.l.bf16.f32 v8;
	v41 =	vld [tilespmem:$0x1F880]  }
0x2ff: {  	v8 =	vadd.f32 v8, v33;
	v33 =	vld [tilespmem:$0x1F960]  }
0x300: {  	v22 =	vmul.bf16 v22, v35;
	v35 =	vld [tilespmem:s31+$0x7CB0]  }
0x301: {  	v42 =	vld [tilespmem:$0x1F890]  }
0x302: {  	[tilespmem:$0x1F900] =	vst v60;
	v60 =	vld [tilespmem:s31+$0x7950]  }
0x303: {  	v43 =	vld [tilespmem:$0x1F8A0]  }
0x304: {  	v46 =	vld [tilespmem:$0x1F8B0]  }
0x305: {  	v47 =	vld [tilespmem:$0x1F8C0]  }
0x306: {  	v48 =	vld [tilespmem:$0x1F8D0]  }
0x307: {  	[tilespmem:$0x1F910] =	vst v60;
	v60 =	vld [tilespmem:s31+$0x8D50]  }
0x308: {  	[tilespmem:$0x1FB20] =	vst v59;
	v59 =	vld [tilespmem:$0x1F8E0]  }
0x309: {  	v10 =	vmul.bf16 v41, v40;
	v40 =	vld [tilespmem:s31+$0x8F50]  }
0x30a: {  	v21 =	vmul.bf16 v43, v42;
	v42 =	vld [tilespmem:$0x1F8F0]  }
0x30b: {  	v43 =	vld [tilespmem:$0x1F900]  }
0x30c: {  	v29 =	vunpack.i.u.bf16.f32 v61;
	v3 =	vunpack.i.l.bf16.f32 v61;
	v28 =	vmul.bf16 v47, v46;
	v46 =	vld [tilespmem:$0x1F910];
	[tilespmem:$0x1F920] =	vst v60  }
0x30d: {  	v3 =	vadd.f32 v3, v29;
	v61 =	vmul.bf16 v59, v48;
	v47 =	vld [tilespmem:$0x1F920]  }
0x30e: {  	v7 =	vadd.f32 v7, v18;
	v41 =	vld [tilespmem:s31+$0x7B70];
	v59 =	vadd.bf16 v21, v10  }
0x30f: {  	v61 =	vadd.bf16 v61, v28;
	v60 =	vld [tilespmem:s31+$0x7960]  }
0x310: {  	v18 =	vadd.f32 v7, v3;
	v21 =	vunpack.i.u.bf16.f32 v59;
	v3 =	vunpack.i.l.bf16.f32 v59;
	v28 =	vld [tilespmem:s31+$0x8F70]  }
0x311: {  	v59 =	vld [tilespmem:s31+$0x8F80];
	v3 =	vadd.f32 v3, v21;
	v7 =	vunpack.i.l.bf16.f32 v61  }
0x312: {  	v21 =	vld [tilespmem:$0x1F950];
	v9 =	vmul.bf16 v43, v42;
	v42 =	vunpack.i.u.bf16.f32 v61;
	v48 =	vmul.bf16 v47, v46  }
0x313: {  	v7 =	vadd.f32 v7, v42;
	v42 =	vld [tilespmem:$0x1F970]  }
0x314: {  	[tilespmem:$0x1F930] =	vst v60;
	v60 =	vld [tilespmem:s31+$0x8D60];
	v9 =	vadd.bf16 v48, v9  }
0x315: {  	v4 =	vld [tilespmem:$0x1F930]  }
0x316: {  	v47 =	vld [tilespmem:$0x1F990];
	v43 =	vunpack.i.u.bf16.f32 v9;
	v9 =	vunpack.i.l.bf16.f32 v9  }
0x317: {  	v48 =	vadd.f32 v9, v43;
	v43 =	vld [tilespmem:$0x1F980]  }
0x318: {  	v46 =	vld [tilespmem:s31+$0x7B80]  }
0x319: {  	v9 =	vadd.f32 v3, v8;
	v8 =	vld [tilespmem:$0x1F940]  }
0x31a: {  	v61 =	vld [tilespmem:s31+$0x8F90]  }
0x31b: {  	v3 =	vmul.bf16 v60, v4;
	v60 =	vld [tilespmem:s31+$0x7B90]  }
0x31c: {  	v27 =	vmul.bf16 v40, v27;
	v10 =	vadd.f32 v48, v7;
	v48 =	vmul.bf16 v47, v43;
	v47 =	vld [tilespmem:$0x1F9E0]  }
0x31d: {  	v40 =	vmul.bf16 v59, v46;
	v46 =	vld [tilespmem:$0x1FAC0];
	v7 =	vmul.bf16 v42, v33  }
0x31e: {  	v33 =	vld [tilespmem:$0x1F9B0];
	v29 =	vmul.bf16 v21, v8  }
0x31f: {  	v42 =	vld [tilespmem:$0x1F9C0];
	v7 =	vadd.bf16 v48, v7  }
0x320: {  	v43 =	vld [tilespmem:$0x1F9D0];
	v3 =	vadd.bf16 v29, v3  }
0x321: {  	v29 =	vld [tilespmem:$0x1F9A0];
	v0 =	vunpack.i.u.bf16.f32 v7;
	v48 =	vmul.bf16 v53, v47  }
0x322: {  	v53 =	vmul.bf16 v52, v62;
	v62 =	vunpack.i.u.bf16.f32 v3;
	v3 =	vunpack.i.l.bf16.f32 v3;
	v47 =	vld [tilespmem:s31+$0x8FB0]  }
0x323: {  	v7 =	vunpack.i.l.bf16.f32 v7;
	v3 =	vadd.f32 v3, v62;
	v62 =	vmul.bf16 v45, v54;
	v45 =	vld [tilespmem:s31+$0x7BD0]  }
0x324: {  	v7 =	vadd.f32 v7, v0;
	v54 =	vld [tilespmem:s31+$0x8FD0]  }
0x325: {  	v0 =	vunpack.i.u.bf16.f32 v2;
	v2 =	vunpack.i.l.bf16.f32 v2;
	v21 =	vadd.bf16 v53, v48;
	v53 =	vld [tilespmem:$0x1F9F0]  }
0x326: {  	v0 =	vadd.f32 v2, v0;
	v2 =	vld [tilespmem:$0x1FA90];
	v8 =	vmul.bf16 v33, v29;
	v29 =	vmul.bf16 v43, v42  }
0x327: {  	v42 =	vld [tilespmem:s31+$0x7BA0]  }
0x328: {  	v33 =	vld [tilespmem:s31+$0x8FA0];
	v8 =	vadd.bf16 v29, v8  }
0x329: {  	v43 =	vld [tilespmem:s31+$0x7BB0];
	v4 =	vunpack.i.u.bf16.f32 v21;
	v21 =	vunpack.i.l.bf16.f32 v21  }
0x32a: {  	[tilespmem:$0x1FAE0] =	vst v1;
	v48 =	vld [tilespmem:s31+$0x7BC0];
	v1 =	vunpack.i.u.bf16.f32 v8;
	v8 =	vunpack.i.l.bf16.f32 v8;
	v29 =	vmul.bf16 v51, v53  }
0x32b: {  	v21 =	vadd.f32 v21, v4;
	v52 =	vadd.f32 v8, v1;
	v53 =	vld [tilespmem:$0x1FA00]  }
0x32c: {  	v8 =	vadd.f32 v7, v3;
	v3 =	vadd.bf16 v62, v29;
	v62 =	vld [tilespmem:$0x1FA10]  }
0x32d: {  	v4 =	vld [tilespmem:$0x1FA20]  }
0x32e: {  	v7 =	vadd.f32 v21, v52;
	v52 =	vld [tilespmem:$0x1FA30]  }
0x32f: {  	v1 =	vld [tilespmem:$0x1FA80];
	v63 =	vunpack.i.u.bf16.f32 v3;
	v3 =	vunpack.i.l.bf16.f32 v3  }
0x330: {  	v3 =	vadd.f32 v3, v63;
	v63 =	vld [tilespmem:$0x1FA60]  }
0x331: {  	v21 =	vmul.bf16 v62, v53;
	v53 =	vld [tilespmem:$0x1FA40]  }
0x332: {  	v62 =	vld [tilespmem:$0x1FA50]  }
0x333: {  	v52 =	vmul.bf16 v52, v4;
	v4 =	vld [tilespmem:$0x1FA70]  }
0x334: {  	v51 =	vld [tilespmem:s31+$0x8FC0];
	v2 =	vmul.bf16 v2, v1  }
0x335: {  	v29 =	vld [tilespmem:s31+$0x7BE0];
	v52 =	vadd.bf16 v52, v21  }
0x336: {  	v1 =	vld [tilespmem:s31+$0x9030];
	v2 =	vadd.bf16 v38, v2  }
0x337: {  	v38 =	vld [tilespmem:s31+$0x7C30];
	v21 =	vadd.f32 v0, v3;
	v3 =	vadd.bf16 v17, v26;
	v17 =	vunpack.i.u.bf16.f32 v52  }
0x338: {  	v26 =	vunpack.i.l.bf16.f32 v52;
	v52 =	vld [tilespmem:s31+$0x9020];
	v53 =	vmul.bf16 v62, v53;
	v63 =	vmul.bf16 v4, v63  }
0x339: {  	v4 =	vld [tilespmem:s31+$0x7C00]  }
0x33a: {  	v29 =	vmul.bf16 v34, v29;
	v34 =	vld [tilespmem:s31+$0x7D10];
	v0 =	vadd.bf16 v63, v53  }
0x33b: {  	v62 =	vld [tilespmem:s31+$0x8FF0]  }
0x33c: {  	v1 =	vmul.bf16 v1, v38;
	v38 =	vld [tilespmem:s31+$0x9120];
	v63 =	vunpack.i.u.bf16.f32 v0;
	v0 =	vunpack.i.l.bf16.f32 v0  }
0x33d: {  	v17 =	vadd.f32 v26, v17;
	v53 =	vld [tilespmem:s31+$0x9010];
	v19 =	vmul.bf16 v52, v19;
	v0 =	vadd.f32 v0, v63  }
0x33e: {  	v63 =	vunpack.i.u.bf16.f32 v3;
	v3 =	vunpack.i.l.bf16.f32 v3;
	v4 =	vmul.bf16 v57, v4;
	v57 =	vld [tilespmem:$0x1FAE0]  }
0x33f: {  	v26 =	vunpack.i.u.bf16.f32 v2;
	v2 =	vunpack.i.l.bf16.f32 v2;
	v3 =	vadd.f32 v3, v63;
	v63 =	vld [tilespmem:s31+$0x7C40]  }
0x340: {  	v26 =	vadd.f32 v2, v26;
	v37 =	vmul.bf16 v62, v37;
	v1 =	vadd.bf16 v1, v19;
	v19 =	vld [tilespmem:s31+$0x9130]  }
0x341: {  	v2 =	vadd.f32 v0, v17;
	v0 =	vmul.bf16 v55, v56;
	v56 =	vmul.bf16 v49, v50;
	v49 =	vld [tilespmem:s31+$0x9040]  }
0x342: {  	v55 =	vmul.bf16 v30, v31;
	v17 =	vld [tilespmem:s31+$0x7C60]  }
0x343: {  	v30 =	vadd.bf16 v25, v11;
	v29 =	vadd.bf16 v37, v29;
	v37 =	vld [tilespmem:s31+$0x9100]  }
0x344: {  	v5 =	vmul.bf16 v5, v13;
	v0 =	vadd.bf16 v56, v0;
	v56 =	vadd.bf16 v20, v55;
	v20 =	vld [tilespmem:s31+$0x9060]  }
0x345: {  	v36 =	vmul.bf16 v53, v36;
	v55 =	vmul.bf16 v44, v32;
	v44 =	vld [tilespmem:$0x1FAB0]  }
0x346: {  	v5 =	vadd.bf16 v6, v5;
	v3 =	vadd.f32 v3, v26;
	v6 =	vunpack.i.l.bf16.f32 v30;
	v32 =	vld [tilespmem:s31+$0x7CC0]  }
0x347: {  	v4 =	vadd.bf16 v36, v4;
	v36 =	vld [tilespmem:s31+$0x9110];
	v26 =	vunpack.i.u.bf16.f32 v0;
	v0 =	vunpack.i.l.bf16.f32 v0  }
0x348: {  	v31 =	vunpack.i.u.bf16.f32 v56;
	v13 =	vunpack.i.l.bf16.f32 v56;
	v56 =	vunpack.i.u.bf16.f32 v30;
	v30 =	vld [tilespmem:s31+$0x9080]  }
0x349: {  	v0 =	vadd.f32 v0, v26;
	v26 =	vld [tilespmem:s31+$0x9070]  }
0x34a: {  	v50 =	vunpack.i.u.bf16.f32 v5;
	v5 =	vunpack.i.l.bf16.f32 v5;
	v11 =	vadd.f32 v13, v31;
	v31 =	vld [tilespmem:s31+$0x7C90]  }
0x34b: {  	v13 =	vadd.f32 v5, v50;
	v50 =	vadd.bf16 v55, v14;
	v14 =	vld [tilespmem:s31+$0x9090]  }
0x34c: {  	v55 =	vadd.bf16 v27, v22;
	v22 =	vld [tilespmem:s31+$0x7CA0]  }
0x34d: {  	v27 =	vld [tilespmem:s31+$0x90A0]  }
0x34e: {  	v6 =	vadd.f32 v6, v56;
	v56 =	vmul.bf16 v39, v24;
	v39 =	vmul.bf16 v28, v41;
	v24 =	vld [tilespmem:s31+$0x90B0]  }
0x34f: {  	(xrf2) =	vadd.scan.msk.f32 $0xffff, v58;
	v41 =	vmul.bf16 v61, v60;
	v61 =	vmul.bf16 v54, v45;
	v45 =	vld [tilespmem:s31+$0x7CE0]  }
0x350: {  	v5 =	vadd.f32 v11, v0;
	v11 =	vadd.bf16 v39, v56;
	v39 =	vld [tilespmem:s31+$0x90C0]  }
0x351: {  	v59 =	vmul.bf16 v51, v48;
	v28 =	vadd.bf16 v41, v40;
	v40 =	vld [tilespmem:s31+$0x7CD0]  }
0x352: {  	v41 =	vld [tilespmem:s31+$0x90D0]  }
0x353: {  	v56 =	vmul.bf16 v33, v42;
	v42 =	vadd.bf16 v61, v59;
	v61 =	vld [tilespmem:$0x1FAF0]  }
0x354: {  	(xrf2) =	vadd.scan.msk.f32 $0xffff, v44;
	v13 =	vadd.f32 v6, v13;
	v34 =	vmul.bf16 v36, v34;
	v36 =	vld [tilespmem:s31+$0x7DA0]  }
0x355: {  	v58 =	vunpack.i.u.bf16.f32 v50;
	v0 =	vunpack.i.l.bf16.f32 v50;
	v44 =	vunpack.i.u.bf16.f32 v55;
	(xrf2) =	vadd.scan.msk.f32 $0xffff, v46;
	v46 =	vld [tilespmem:$0x1FAD0]  }
0x356: {  	v6 =	vunpack.i.l.bf16.f32 v55;
	v0 =	vadd.f32 v0, v58;
	v58 =	vmul.bf16 v47, v43;
	v43 =	vld [tilespmem:s31+$0x7CF0]  }
0x357: {  	v33 =	vunpack.i.u.bf16.f32 v1;
	v1 =	vunpack.i.l.bf16.f32 v1;
	v6 =	vadd.f32 v6, v44;
	v44 =	vld [tilespmem:s31+$0x90F0]  }
0x358: {  	v1 =	vadd.f32 v1, v33;
	v33 =	vld [tilespmem:s31+$0x9170];
	v55 =	vunpack.i.u.bf16.f32 v28;
	v28 =	vunpack.i.l.bf16.f32 v28  }
0x359: {  	v60, _, _ =	vpop (xrf2);
	v50 =	vunpack.i.u.bf16.f32 v11;
	v11 =	vunpack.i.l.bf16.f32 v11;
	v25 =	vadd.f32 v28, v55;
	v28 =	vld [tilespmem:s31+$0x90E0]  }
0x35a: {  	v11 =	vadd.f32 v11, v50;
	v50 =	vbroadcast v60, $0xF;
	v60 =	vmul.bf16 v49, v63;
	v49 =	vld [tilespmem:s31+$0x7D30]  }
0x35b: {  	v23 =	vmul.bf16 v12, v23;
	v59 =	vunpack.i.u.bf16.f32 v4;
	v15 =	vmul.bf16 v26, v15;
	v26 =	vld [tilespmem:s31+$0x9140]  }
0x35c: {  	v54 =	vunpack.i.u.bf16.f32 v42;
	v42 =	vunpack.i.l.bf16.f32 v42;
	v22 =	vmul.bf16 v27, v22;
	v27 =	vld [tilespmem:s31+$0x7D70]  }
0x35d: {  	v17 =	vmul.bf16 v20, v17;
	v16 =	vmul.bf16 v30, v16;
	v55 =	vadd.f32 v42, v54;
	v54 =	vld [tilespmem:$0x1FB00]  }
0x35e: {  	v48 =	vadd.bf16 v58, v56;
	v14 =	vmul.bf16 v14, v31;
	v24 =	vmul.bf16 v24, v35;
	v35 =	vld [tilespmem:s31+$0x7D80]  }
0x35f: {  	v4 =	vunpack.i.l.bf16.f32 v4;
	v0 =	vadd.f32 v6, v0;
	v15 =	vadd.bf16 v15, v17;
	v17 =	vld [tilespmem:s31+$0x9150]  }
0x360: {  	v6 =	vadd.f32 v25, v11;
	v51 =	vunpack.i.u.bf16.f32 v48;
	v14 =	vadd.bf16 v14, v16;
	v16 =	vld [tilespmem:s31+$0x9160];
	(xrf2) =	vadd.scan.msk.f32 $0xffff, v46  }
0x361: {  	v25 =	vunpack.i.l.bf16.f32 v48;
	v23 =	vadd.bf16 v23, v60;
	v22 =	vadd.bf16 v24, v22;
	v24 =	vld [tilespmem:s31+$0x9180]  }
0x362: {  	v58 =	vunpack.i.u.bf16.f32 v29;
	v29 =	vunpack.i.l.bf16.f32 v29;
	v46 =	vld [tilespmem:s31+$0x7D00];
	v25 =	vadd.f32 v25, v51  }
0x363: {  	v4 =	vadd.f32 v4, v59;
	v29 =	vadd.f32 v29, v58;
	(xrf2) =	vadd.scan.msk.f32 $0xffff, v57;
	v48 =	vunpack.i.u.bf16.f32 v23;
	v57 =	vld [tilespmem:$0x1FB10]  }
0x364: {  	v23 =	vunpack.i.l.bf16.f32 v23;
	v52 =	vunpack.i.u.bf16.f32 v15;
	v12 =	vadd.f32 v55, v25;
	v25 =	vld [tilespmem:s31+$0x7D40]  }
0x365: {  	v15 =	vunpack.i.l.bf16.f32 v15;
	v53 =	vunpack.i.u.bf16.f32 v14;
	v55 =	vmul.bf16 v39, v32;
	v39 =	vld [tilespmem:s31+$0x9190]  }
0x366: {  	v14 =	vunpack.i.l.bf16.f32 v14;
	(xrf2) =	vadd.scan.msk.f32 $0xffff, v61;
	v61 =	vunpack.i.u.bf16.f32 v22;
	v22 =	vunpack.i.l.bf16.f32 v22;
	v32 =	vld [tilespmem:s31+$0x91A0];
	v47, _, _ =	vpop (xrf2)  }
0x367: {  	v28 =	vmul.bf16 v28, v45;
	v45 =	vadd.f32 v22, v61;
	v22 =	vld [tilespmem:s31+$0x7DB0];
	v11 =	vbroadcast v47, $0xF  }
0x368: {  	v15 =	vadd.f32 v15, v52;
	v14 =	vadd.f32 v14, v53;
	(xrf2) =	vadd.scan.msk.f32 $0xffff, v54;
	v47 =	vld [tilespmem:s31+$0x7D20];
	v37 =	vmul.bf16 v37, v46  }
0x369: {  	v19 =	vmul.bf16 v19, v49;
	v56, _, _ =	vpop (xrf2);
	v11 =	vsel vm0, v50, v11;
	v50 =	vadd.f32 v23, v48;
	v23 =	vld [tilespmem:s31+$0x7D60]  }
0x36a: {  	v42 =	vbroadcast v56, $0xF;
	v56 =	vmul.bf16 v41, v40;
	v34 =	vadd.bf16 v34, v37;
	v37 =	vld [tilespmem:s31+$0x91B0];
	v62, _, _ =	vpop (xrf2)  }
0x36b: {  	v14 =	vadd.f32 v14, v15;
	v63 =	vbroadcast v62, $0xF;
	v62 =	vmul.bf16 v44, v43;
	v44 =	vld [tilespmem:$0x1FB20]  }
0x36c: {  	v46 =	vld [tilespmem:$0x1FB30];
	v49 =	vmul.bf16 v32, v36;
	v42 =	vsel vm1, v11, v42;
	v11 =	vadd.f32 v4, v29  }
0x36d: {  	(xrf2) =	vadd.scan.msk.f32 $0xffff, v57;
	v29 =	vld [tilespmem:s31+$0x7D50];
	v60 =	vadd.bf16 v56, v55;
	v55 =	vmul.bf16 v26, v25;
	v1 =	vadd.f32 v50, v1;
	v51, _, _ =	vpop (xrf2)  }
0x36e: {  	v54 =	vld [tilespmem:s31+$0x91C0];
	v52 =	vunpack.i.u.bf16.f32 v34;
	v53 =	vunpack.i.l.bf16.f32 v34;
	v30 =	vbroadcast v51, $0xF  }
0x36f: {  	v57 =	vld [tilespmem:s31+$0x7DD0];
	v20 =	vunpack.i.l.bf16.f32 v60;
	v51 =	vmul.bf16 v38, v47;
	v16 =	vmul.bf16 v16, v23  }
0x370: {  	v41 =	vld [tilespmem:s31+$0x7DF0];
	v58, _, _ =	vpop (xrf2);
	v38 =	vmul.bf16 v24, v35;
	v22 =	vmul.bf16 v37, v22;
	v4 =	vsel vm2, v42, v63;
	(xrf2) =	vadd.scan.msk.f32 $0xffff, v44  }
0x371: {  	v59 =	vbroadcast v58, $0xF;
	v63 =	vunpack.i.u.bf16.f32 v60;
	v28 =	vadd.bf16 v62, v28;
	v60 =	vld [tilespmem:s31+$0x91D0];
	(xrf2) =	vadd.scan.msk.f32 $0xffff, v46  }
0x372: {  	v56, _, _ =	vpop (xrf2);
	v17 =	vmul.bf16 v17, v29;
	v62 =	vmul.bf16 v33, v27;
	v33 =	vld [tilespmem:s31+$0x91E0];
	v4 =	vsel vm3, v4, v30;
	(xrf2) =	vadd.scan.msk.f32 $0xffff, v18  }
0x373: {  	v30 =	vld [tilespmem:s31+$0x7D90];
	v20 =	vadd.f32 v20, v63;
	v58 =	vbroadcast v56, $0xF;
	v19 =	vadd.bf16 v19, v51;
	(xrf2) =	vadd.scan.msk.f32 $0xffff, v9  }
0x374: {  	v63 =	vld [tilespmem:s31+$0x7DE0];
	v48 =	vunpack.i.u.bf16.f32 v28;
	v28 =	vunpack.i.l.bf16.f32 v28;
	v16 =	vadd.bf16 v62, v16;
	(xrf2) =	vadd.scan.msk.f32 $0xffff, v10  }
0x375: {  	v4 =	vsel vm4, v4, v59;
	v15 =	vadd.f32 v20, v45;
	v50 =	vadd.f32 v28, v48;
	v28 =	vld [tilespmem:s31+$0x7DC0];
	(xrf2) =	vadd.scan.msk.f32 $0xffff, v8  }
0x376: {  	v56 =	vld [tilespmem:s31+$0x9210];
	v31 =	vunpack.i.u.bf16.f32 v19;
	v19 =	vunpack.i.l.bf16.f32 v19;
	v4 =	vsel vm5, v4, v58;
	(xrf2) =	vadd.scan.msk.f32 $0xffff, v7  }
0x377: {  	v44 =	vld [tilespmem:s31+$0x91F0];
	v58 =	vadd.bf16 v22, v49;
	v59, _, _ =	vpop (xrf2);
	v42 =	vadd.f32 v19, v31;
	v46 =	vunpack.i.u.bf16.f32 v16;
	(xrf2) =	vadd.scan.msk.f32 $0xffff, v21  }
0x378: {  	v16 =	vunpack.i.l.bf16.f32 v16;
	v61 =	vbroadcast v59, $0xF;
	v9 =	vadd.f32 v53, v52;
	v53 =	vld [tilespmem:s31+$0x7E10];
	(xrf2) =	vadd.scan.msk.f32 $0xffff, v2  }
0x379: {  	v23 =	vmul.bf16 v60, v57;
	v40 =	vmul.bf16 v39, v30;
	v10 =	vadd.bf16 v17, v55;
	(xrf2) =	vadd.scan.msk.f32 $0xffff, v3  }
0x37a: {  	v47 =	vld [tilespmem:s31+$0x7E00];
	v63 =	vmul.bf16 v33, v63;
	v4 =	vsel vm6, v4, v61;
	v54 =	vmul.bf16 v54, v28;
	v45, _, _ =	vpop (xrf2);
	(xrf2) =	vadd.scan.msk.f32 $0xffff, v5  }
0x37b: {  	v7 =	vadd.f32 v9, v50;
	v43 =	vunpack.i.u.bf16.f32 v10;
	v10 =	vunpack.i.l.bf16.f32 v10;
	v50 =	vld [tilespmem:s31+$0x9200];
	v48, _, _ =	vpop (xrf2)  }
0x37c: {  	v17 =	vunpack.i.u.bf16.f32 v58;
	v10 =	vadd.f32 v10, v43;
	v2 =	vadd.bf16 v40, v38;
	(xrf2) =	vadd.scan.msk.f32 $0xffff, v13;
	v51, _, _ =	vpop (xrf2)  }
0x37d: {  	v20 =	vmul.bf16 v44, v41;
	v60 =	vadd.bf16 v23, v54;
	v24 =	vmul.bf16 v56, v53;
	v55, _, _ =	vpop (xrf2);
	(xrf2) =	vadd.scan.msk.f32 $0xffff, v0  }
0x37e: {  	v57 =	vadd.f32 v10, v42;
	v52 =	vunpack.i.u.bf16.f32 v2;
	v2 =	vunpack.i.l.bf16.f32 v2;
	v59, _, _ =	vpop (xrf2);
	(xrf2) =	vadd.scan.msk.f32 $0xffff, v6  }
0x37f: {  	v3 =	vunpack.i.l.bf16.f32 v58;
	v5 =	vadd.f32 v16, v46;
	v2 =	vadd.f32 v2, v52;
	v61, _, _ =	vpop (xrf2);
	(xrf2) =	vadd.scan.msk.f32 $0xffff, v12  }
0x380: {  	v26 =	vunpack.i.u.bf16.f32 v60;
	v10 =	vadd.bf16 v20, v63;
	v21 =	vmul.bf16 v50, v47;
	v62, _, _ =	vpop (xrf2);
	(xrf2) =	vadd.scan.msk.f32 $0xffff, v11  }
0x381: {  	v3 =	vadd.f32 v3, v17;
	v2 =	vadd.f32 v2, v5;
	v5 =	vunpack.i.l.bf16.f32 v60;
	v22, _, _ =	vpop (xrf2);
	(xrf2) =	vadd.scan.msk.f32 $0xffff, v1  }
0x382: {  	v5 =	vadd.f32 v5, v26;
	v12 =	vadd.bf16 v24, v21;
	v23, _, _ =	vpop (xrf2);
	(xrf2) =	vadd.scan.msk.f32 $0xffff, v14  }
0x383: {  	v30 =	vbroadcast v45, $0xF;
	v34 =	vunpack.i.u.bf16.f32 v10;
	v35 =	vunpack.i.l.bf16.f32 v10;
	v31, _, _ =	vpop (xrf2);
	(xrf2) =	vadd.scan.msk.f32 $0xffff, v15  }
0x384: {  	v42 =	vbroadcast v48, $0xF;
	v3 =	vadd.f32 v5, v3;
	v36 =	vunpack.i.u.bf16.f32 v12;
	v32, _, _ =	vpop (xrf2);
	(xrf2) =	vadd.scan.msk.f32 $0xffff, v7  }
0x385: {  	v12 =	vunpack.i.l.bf16.f32 v12;
	v1 =	vbroadcast v23, $0xF;
	v11 =	vbroadcast v31, $0xF;
	(xrf2) =	vadd.scan.msk.f32 $0xffff, v57  }
0x386: {  	v0 =	vadd.f32 v35, v34;
	v38 =	vadd.f32 v12, v36;
	v33 =	vbroadcast v32, $0xF;
	v37, _, _ =	vpop (xrf2);
	(xrf2) =	vadd.scan.msk.f32 $0xffff, v2  }
0x387: {  	v4 =	vsel vm7, v4, v30;
	v1 =	vsel vm0, v1, v11;
	v39 =	vbroadcast v37, $0xF;
	v40, _, _ =	vpop (xrf2);
	(xrf2) =	vadd.scan.msk.f32 $0xffff, v3  }
0x388: {  	v0 =	vadd.f32 v38, v0;
	v1 =	vsel vm1, v1, v33;
	v41, _, _ =	vpop (xrf2);
	v7 =	vbroadcast v40, $0xF  }
0x389: {  	v44 =	vbroadcast v51, $0xF;
	v1 =	vsel vm2, v1, v39;
	v43, _, _ =	vpop (xrf2);
	v3 =	vbroadcast v41, $0xF  }
0x38a: {  	v4 =	vsel vm8, v4, v42;
	(xrf2) =	vadd.scan.msk.f32 $0xffff, v0;
	v1 =	vsel vm3, v1, v7;
	v2 =	vbroadcast v43, $0xF;
	v45, _, _ =	vpop (xrf2)  }
0x38b: {  	v49 =	vbroadcast v55, $0xF;
	v46, _, _ =	vpop (xrf2);
	v1 =	vsel vm4, v1, v3;
	v47 =	vbroadcast v45, $0xF  }
0x38c: {  	v4 =	vsel vm9, v4, v44;
	v48, _, _ =	vpop (xrf2);
	v1 =	vsel vm5, v1, v2;
	v0 =	vbroadcast v46, $0xF  }
0x38d: {  	v63 =	vld [tilespmem:$0x1FB40];
	v8 =	vbroadcast v59, $0xF;
	v50, _, _ =	vpop (xrf2);
	v1 =	vsel vm6, v1, v47;
	v51 =	vbroadcast v48, $0xF  }
0x38e: {  	v4 =	vsel vm10, v4, v49;
	v52, _, _ =	vpop (xrf2);
	v0 =	vsel vm7, v1, v0;
	v53 =	vbroadcast v50, $0xF  }
0x38f: {  	v6 =	vbroadcast v61, $0xF;
	v54, _, _ =	vpop (xrf2);
	v0 =	vsel vm8, v0, v51;
	v55 =	vbroadcast v52, $0xF  }
0x390: {  	v4 =	vsel vm11, v4, v8;
	v56, _, _ =	vpop (xrf2);
	v0 =	vsel vm9, v0, v53;
	v57 =	vbroadcast v54, $0xF  }
0x391: {  	p1 =	por p0, p0;
	v59 =	vbroadcast v62, $0xF;
	v58, _, _ =	vpop (xrf2);
	v0 =	vsel vm10, v0, v55;
	v5 =	vbroadcast v56, $0xF  }
.Ltmp1:
0x392: {  	v4 =	vsel vm12, v4, v6;
	v0 =	vsel vm11, v0, v57;
	v60 =	vbroadcast v58, $0xF;
	(pc) =	sbr.rel @p1 .LBB2_5-.Ltmp1, $4  }
0x393: {  	v61 =	vsel vm13, v4, v59;
	v0 =	vsel vm12, v0, v5  }
0x394: {  	s25 =	sand.u32 $0x3FFFFFF0, s25;
	v2 =	vsel vm14, v61, v22;
	v62, _, _ =	vpop (xrf2);
	v0 =	vsel vm13, v0, v60  }
0x395: {  	[tilespmem:v63+s25+$0x0 ss:$0x1] =	vst.idx.msk $0xffff, v2;
	v0 =	vsel vm14, v0, v62  }
0x396: {  	s26 =	simm.s32 $0x2;
	p0 =	por $0x0, $0x0;
	[tilespmem:v63+s24+$0x0 ss:$0x1] =	vst.idx.msk $0xffff, v0  }
0x397: {  	v0 =	vld [tilespmem:$0x8620]  }
0x398: {  	v1 =	vld [tilespmem:$0x9A20]  }
0x399: {  	v2 =	vld [tilespmem:$0x8630]  }
0x39a: {  	v3 =	vld [tilespmem:$0x9A30]  }
0x39b: {  	v4 =	vld [tilespmem:$0x8640]  }
0x39c: {  	v5 =	vld [tilespmem:$0x9A40]  }
0x39d: {  	v6 =	vld [tilespmem:$0x8650]  }
0x39e: {  	v7 =	vld [tilespmem:$0x9A50]  }
0x39f: {  	v8 =	vld [tilespmem:$0x8660]  }
0x3a0: {  	v9 =	vld [tilespmem:$0x9A60]  }
0x3a1: {  	v10 =	vld [tilespmem:$0x8670]  }
0x3a2: {  	v11 =	vld [tilespmem:$0x9A70]  }
0x3a3: {  	v12 =	vld [tilespmem:$0x8680]  }
0x3a4: {  	v13 =	vld [tilespmem:$0x9A80]  }
0x3a5: {  	v14 =	vld [tilespmem:$0x8690]  }
0x3a6: {  	v15 =	vld [tilespmem:$0x9A90]  }
0x3a7: {  	v16 =	vld [tilespmem:$0x86A0]  }
0x3a8: {  	v17 =	vld [tilespmem:$0x9AA0]  }
0x3a9: {  	v18 =	vld [tilespmem:$0x86B0]  }
0x3aa: {  	v19 =	vld [tilespmem:$0x9AB0]  }
0x3ab: {  	v20 =	vld [tilespmem:$0x86C0]  }
0x3ac: {  	v21 =	vld [tilespmem:$0x9AC0]  }
0x3ad: {  	v22 =	vld [tilespmem:$0x86D0]  }
0x3ae: {  	v23 =	vld [tilespmem:$0x9AD0]  }
0x3af: {  	v24 =	vld [tilespmem:$0x86E0]  }
0x3b0: {  	v25 =	vld [tilespmem:$0x9AE0]  }
0x3b1: {  	v26 =	vld [tilespmem:$0x86F0]  }
0x3b2: {  	v27 =	vld [tilespmem:$0x9AF0]  }
0x3b3: {  	v28 =	vld [tilespmem:$0x8700]  }
0x3b4: {  	v29 =	vld [tilespmem:$0x9B00]  }
0x3b5: {  	v30 =	vld [tilespmem:$0x8710]  }
0x3b6: {  	v31 =	vld [tilespmem:$0x9B10]  }
0x3b7: {  	v32 =	vld [tilespmem:$0x8720]  }
0x3b8: {  	v33 =	vld [tilespmem:$0x9B20]  }
0x3b9: {  	v34 =	vld [tilespmem:$0x8730]  }
0x3ba: {  	v35 =	vld [tilespmem:$0x9B30]  }
0x3bb: {  	v36 =	vld [tilespmem:$0x8740]  }
0x3bc: {  	v37 =	vld [tilespmem:$0x9B40]  }
0x3bd: {  	v38 =	vld [tilespmem:$0x8750]  }
0x3be: {  	v39 =	vld [tilespmem:$0x9B50]  }
0x3bf: {  	v40 =	vld [tilespmem:$0x8760]  }
0x3c0: {  	v41 =	vld [tilespmem:$0x9B60]  }
0x3c1: {  	v42 =	vld [tilespmem:$0x8770]  }
0x3c2: {  	v43 =	vld [tilespmem:$0x9B70]  }
0x3c3: {  	v44 =	vld [tilespmem:$0x8780]  }
0x3c4: {  	v45 =	vld [tilespmem:$0x9B80]  }
0x3c5: {  	v46 =	vld [tilespmem:$0x8790]  }
0x3c6: {  	v47 =	vld [tilespmem:$0x9B90]  }
0x3c7: {  	v48 =	vld [tilespmem:$0x87A0]  }
0x3c8: {  	v49 =	vld [tilespmem:$0x9BA0]  }
0x3c9: {  	v50 =	vld [tilespmem:$0x87B0]  }
0x3ca: {  	v51 =	vld [tilespmem:$0x9BB0]  }
0x3cb: {  	v52 =	vld [tilespmem:$0x87C0]  }
0x3cc: {  	v53 =	vld [tilespmem:$0x9BC0]  }
0x3cd: {  	v54 =	vld [tilespmem:$0x87D0]  }
0x3ce: {  	v55 =	vld [tilespmem:$0x9BD0]  }
0x3cf: {  	v56 =	vld [tilespmem:$0x87E0]  }
0x3d0: {  	v57 =	vld [tilespmem:$0x9BE0]  }
0x3d1: {  	v58 =	vld [tilespmem:$0x87F0]  }
0x3d2: {  	v59 =	vld [tilespmem:$0x9BF0]  }
0x3d3: {  	v60 =	vld [tilespmem:$0x8800]  }
0x3d4: {  	v61 =	vld [tilespmem:$0x9C00]  }
0x3d5: {  	v62 =	vmul.bf16 v5, v4;
	v5 =	vld [tilespmem:$0x8810]  }
0x3d6: {  	v63 =	vmul.bf16 v7, v6;
	v6 =	vld [tilespmem:$0x9C10]  }
0x3d7: {  	v7 =	vld [tilespmem:$0x8820]  }
0x3d8: {  	v4 =	vmul.bf16 v11, v10;
	v11 =	vld [tilespmem:$0x9C30]  }
0x3d9: {  	v10 =	vld [tilespmem:$0x9C40]  }
0x3da: {  	v25 =	vmul.bf16 v25, v24;
	v24 =	vld [tilespmem:$0x9C90]  }
0x3db: {  	v35 =	vmul.bf16 v35, v34;
	v34 =	vld [tilespmem:$0x9CE0]  }
0x3dc: {  	v45 =	vmul.bf16 v45, v44;
	v44 =	vld [tilespmem:$0x8910]  }
0x3dd: {  	v0 =	vmul.bf16 v1, v0;
	v47 =	vmul.bf16 v47, v46;
	v46 =	vld [tilespmem:$0x9D10]  }
0x3de: {  	v1 =	vmul.bf16 v3, v2;
	v2 =	vadd.bf16 v63, v62;
	v62 =	vmul.bf16 v13, v12;
	v12 =	vld [tilespmem:$0x8840]  }
0x3df: {  	v32 =	vmul.bf16 v33, v32;
	v13 =	vld [tilespmem:$0x8850]  }
0x3e0: {  	v36 =	vmul.bf16 v37, v36;
	v63 =	vmul.bf16 v15, v14;
	v14 =	vld [tilespmem:$0x8860]  }
0x3e1: {  	v37 =	vmul.bf16 v39, v38;
	v15 =	vmul.bf16 v19, v18;
	v19 =	vld [tilespmem:$0x8870]  }
0x3e2: {  	v48 =	vmul.bf16 v49, v48;
	v49 =	vmul.bf16 v51, v50;
	v18 =	vld [tilespmem:$0x8880]  }
0x3e3: {  	v51 =	vmul.bf16 v53, v52;
	v52 =	vmul.bf16 v55, v54;
	v38 =	vadd.bf16 v35, v32;
	v32 =	vld [tilespmem:$0x9CD0]  }
0x3e4: {  	v55 =	vmul.bf16 v57, v56;
	v57 =	vmul.bf16 v59, v58;
	v39 =	vadd.bf16 v37, v36;
	v36 =	vld [tilespmem:$0x88E0]  }
0x3e5: {  	v0 =	vadd.bf16 v1, v0;
	v35 =	vld [tilespmem:$0x88F0]  }
0x3e6: {  	v26 =	vmul.bf16 v27, v26;
	v58 =	vmul.bf16 v61, v60;
	v60 =	vadd.bf16 v57, v55;
	v37 =	vld [tilespmem:$0x9D20]  }
0x3e7: {  	v57 =	vld [tilespmem:$0x89A0];
	v1 =	vunpack.i.u.bf16.f32 v0;
	v0 =	vunpack.i.l.bf16.f32 v0;
	v3 =	vunpack.i.u.bf16.f32 v2  }
0x3e8: {  	v2 =	vunpack.i.l.bf16.f32 v2;
	v0 =	vadd.f32 v0, v1;
	v1 =	vmul.bf16 v9, v8;
	v8 =	vld [tilespmem:$0x9C20]  }
0x3e9: {  	v28 =	vmul.bf16 v29, v28;
	v29 =	vmul.bf16 v31, v30;
	v9 =	vld [tilespmem:$0x8830];
	v2 =	vadd.f32 v2, v3  }
0x3ea: {  	v40 =	vmul.bf16 v41, v40;
	v1 =	vadd.bf16 v4, v1;
	v4 =	vmul.bf16 v17, v16;
	v16 =	vld [tilespmem:$0x9C50]  }
0x3eb: {  	v43 =	vmul.bf16 v43, v42;
	v0 =	vadd.f32 v2, v0;
	v2 =	vadd.bf16 v63, v62;
	v17 =	vld [tilespmem:$0x9C70]  }
0x3ec: {  	v59 =	vmul.bf16 v6, v5;
	v10 =	vmul.bf16 v10, v12;
	v12 =	vld [tilespmem:$0x9D50]  }
0x3ed: {  	v63 =	vunpack.i.u.bf16.f32 v2;
	v2 =	vunpack.i.l.bf16.f32 v2;
	v4 =	vadd.bf16 v15, v4;
	v15 =	vld [tilespmem:$0x9C60]  }
0x3ee: {  	v41 =	vunpack.i.u.bf16.f32 v39;
	v2 =	vadd.f32 v2, v63;
	v63 =	vmul.bf16 v23, v22;
	v23 =	vld [tilespmem:$0x9C80]  }
0x3ef: {  	v61 =	vadd.bf16 v59, v58;
	v62 =	vunpack.i.u.bf16.f32 v1;
	v1 =	vunpack.i.l.bf16.f32 v1;
	v22 =	vld [tilespmem:$0x8890]  }
0x3f0: {  	v1 =	vadd.f32 v1, v62;
	v62 =	vmul.bf16 v21, v20;
	v21 =	vadd.bf16 v29, v28;
	v29 =	vld [tilespmem:$0x9CA0]  }
0x3f1: {  	v42 =	vunpack.i.u.bf16.f32 v61;
	v20 =	vld [tilespmem:$0x88B0];
	v28 =	vadd.bf16 v43, v40;
	v7 =	vmul.bf16 v8, v7  }
0x3f2: {  	v40 =	vld [tilespmem:$0x9CF0];
	v9 =	vmul.bf16 v11, v9;
	v27 =	vunpack.i.u.bf16.f32 v4;
	v1 =	vadd.f32 v2, v1  }
0x3f3: {  	v8 =	vld [tilespmem:$0x8930];
	v4 =	vunpack.i.l.bf16.f32 v4;
	v3 =	vadd.bf16 v63, v62;
	v2 =	vadd.bf16 v26, v25  }
0x3f4: {  	v11 =	vld [tilespmem:$0x9D30];
	v4 =	vadd.f32 v4, v27;
	v33 =	vunpack.i.u.bf16.f32 v21;
	v21 =	vunpack.i.l.bf16.f32 v21  }
0x3f5: {  	v27 =	vld [tilespmem:$0x88A0];
	v26 =	vunpack.i.u.bf16.f32 v38;
	v50 =	vunpack.i.u.bf16.f32 v28;
	v28 =	vunpack.i.l.bf16.f32 v28  }
0x3f6: {  	v25 =	vld [tilespmem:$0x9CB0];
	v62 =	vunpack.i.u.bf16.f32 v60;
	v63 =	vmul.bf16 v16, v13;
	v7 =	vadd.bf16 v9, v7  }
0x3f7: {  	v9 =	vld [tilespmem:$0x9D40];
	v21 =	vadd.f32 v21, v33;
	v28 =	vadd.f32 v28, v50;
	v30 =	vunpack.i.u.bf16.f32 v3  }
0x3f8: {  	v16 =	vld [tilespmem:$0x8950];
	v3 =	vunpack.i.l.bf16.f32 v3;
	v31 =	vunpack.i.u.bf16.f32 v2;
	v2 =	vunpack.i.l.bf16.f32 v2  }
0x3f9: {  	v33 =	vld [tilespmem:$0x9CC0];
	v14 =	vmul.bf16 v15, v14;
	v10 =	vadd.bf16 v63, v10;
	v63 =	vmul.bf16 v46, v44  }
0x3fa: {  	v15 =	vld [tilespmem:$0x8960];
	v3 =	vadd.f32 v3, v30;
	v2 =	vadd.f32 v2, v31;
	v18 =	vmul.bf16 v23, v18  }
0x3fb: {  	v46 =	vld [tilespmem:$0x9DD0];
	v31 =	vadd.bf16 v47, v45;
	v43 =	vmul.bf16 v24, v22;
	v59 =	vmul.bf16 v40, v35  }
0x3fc: {  	v30 =	vld [tilespmem:$0x88C0];
	v8 =	vmul.bf16 v11, v8;
	v45 =	vunpack.i.u.bf16.f32 v10;
	v10 =	vunpack.i.l.bf16.f32 v10  }
0x3fd: {  	v22 =	vld [tilespmem:$0x9D70];
	v3 =	vadd.f32 v3, v4;
	v2 =	vadd.f32 v21, v2;
	v4 =	vunpack.i.l.bf16.f32 v38  }
0x3fe: {  	v24 =	vld [tilespmem:$0x8980];
	v21 =	vunpack.i.l.bf16.f32 v39;
	v53 =	vunpack.i.u.bf16.f32 v31;
	v38 =	vadd.bf16 v52, v51  }
0x3ff: {  	v40 =	vld [tilespmem:$0x89C0];
	v31 =	vunpack.i.l.bf16.f32 v31;
	v18 =	vadd.bf16 v43, v18;
	v10 =	vadd.f32 v10, v45  }
0x400: {  	v39 =	vld [tilespmem:$0x8900];
	v20 =	vmul.bf16 v25, v20;
	v4 =	vadd.f32 v4, v26;
	v21 =	vadd.f32 v21, v41  }
0x401: {  	v12 =	vmul.bf16 v12, v16;
	v43 =	vld [tilespmem:$0x89D0];
	v31 =	vadd.f32 v31, v53;
	v56 =	vunpack.i.u.bf16.f32 v38  }
0x402: {  	v26 =	vld [tilespmem:$0x88D0];
	v38 =	vunpack.i.l.bf16.f32 v38;
	v4 =	vadd.f32 v21, v4;
	v21 =	vadd.bf16 v49, v48  }
0x403: {  	v41 =	vld [tilespmem:$0x9D00];
	v38 =	vadd.f32 v38, v56;
	v5 =	vadd.f32 v31, v28;
	v28 =	vunpack.i.l.bf16.f32 v60  }
0x404: {  	v31 =	vld [tilespmem:$0x8920];
	v48 =	vmul.bf16 v29, v27;
	v49 =	vunpack.i.u.bf16.f32 v18;
	v18 =	vunpack.i.l.bf16.f32 v18  }
0x405: {  	v56 =	vmul.bf16 v34, v36;
	v60 =	vld [tilespmem:$0x9DA0];
	v28 =	vadd.f32 v28, v62;
	v18 =	vadd.f32 v18, v49  }
0x406: {  	v36 =	vld [tilespmem:$0x9DB0];
	v54 =	vunpack.i.u.bf16.f32 v21;
	v21 =	vunpack.i.l.bf16.f32 v21;
	v52 =	vadd.bf16 v20, v48  }
0x407: {  	v50 =	vmul.bf16 v33, v30;
	v49 =	vld [tilespmem:$0x9DE0];
	v25 =	vadd.bf16 v59, v56;
	v21 =	vadd.f32 v21, v54  }
0x408: {  	v48 =	vld [tilespmem:$0x89E0];
	v51 =	vmul.bf16 v32, v26;
	v62 =	vmul.bf16 v41, v39;
	v55 =	vunpack.i.u.bf16.f32 v52  }
0x409: {  	v26 =	vld [tilespmem:$0x9D80];
	v41 =	vunpack.i.u.bf16.f32 v25;
	v25 =	vunpack.i.l.bf16.f32 v25;
	v6 =	vadd.f32 v38, v21  }
0x40a: {  	v54 =	vld [tilespmem:$0x9D90];
	v21 =	vunpack.i.l.bf16.f32 v61;
	v53 =	vadd.bf16 v51, v50;
	v39 =	vmul.bf16 v37, v31  }
0x40b: {  	v38 =	vld [tilespmem:$0x8940];
	v21 =	vadd.f32 v21, v42;
	v42 =	vunpack.i.u.bf16.f32 v7;
	v7 =	vunpack.i.l.bf16.f32 v7  }
0x40c: {  	v61 =	vld [tilespmem:$0x89B0];
	v44 =	vadd.f32 v25, v41;
	v56 =	vmul.bf16 v60, v57;
	v7 =	vadd.f32 v7, v42  }
0x40d: {  	v57 =	vld [tilespmem:$0x9E00];
	v58 =	vunpack.i.u.bf16.f32 v53;
	v13 =	vadd.f32 v21, v28;
	v28 =	vmul.bf16 v17, v19  }
0x40e: {  	v42 =	vld [tilespmem:$0x9DC0];
	v8 =	vadd.bf16 v8, v39;
	v27 =	vmul.bf16 v49, v48;
	v7 =	vadd.f32 v10, v7  }
0x40f: {  	v21 =	vld [tilespmem:$0x9D60];
	v10 =	vunpack.i.l.bf16.f32 v52;
	v52 =	vmul.bf16 v26, v24;
	v14 =	vadd.bf16 v28, v14  }
0x410: {  	v19 =	vld [tilespmem:$0x8970];
	v10 =	vadd.f32 v10, v55;
	v28 =	vadd.bf16 v63, v62;
	v9 =	vmul.bf16 v9, v38  }
0x411: {  	(xrf2) =	vadd.scan.msk.f32 $0xffff, v0;
	v60 =	vld [tilespmem:$0x8A10];
	v59 =	vmul.bf16 v36, v61;
	v63 =	vmul.bf16 v46, v43;
	v47 =	vunpack.i.u.bf16.f32 v14  }
0x412: {  	(xrf2) =	vadd.scan.msk.f32 $0xffff, v1;
	v24 =	vld [tilespmem:$0x9E10];
	v14 =	vunpack.i.l.bf16.f32 v14;
	v45 =	vunpack.i.u.bf16.f32 v28;
	v28 =	vunpack.i.l.bf16.f32 v28  }
0x413: {  	v17 =	vld [tilespmem:$0x8990];
	v9 =	vadd.bf16 v12, v9;
	v62 =	vmul.bf16 v42, v40;
	v14 =	vadd.f32 v14, v47  }
0x414: {  	v55 =	vld [tilespmem:$0x8A00];
	v47 =	vunpack.i.u.bf16.f32 v8;
	v8 =	vunpack.i.l.bf16.f32 v8;
	v25 =	vadd.f32 v28, v45  }
0x415: {  	v15 =	vmul.bf16 v21, v15;
	v19 =	vmul.bf16 v22, v19;
	v8 =	vadd.f32 v8, v47  }
0x416: {  	(xrf2) =	vadd.scan.msk.f32 $0xffff, v3;
	v50 =	vunpack.i.u.bf16.f32 v9;
	v9 =	vunpack.i.l.bf16.f32 v9;
	v3 =	vadd.bf16 v63, v62  }
0x417: {  	v32 =	vmul.bf16 v24, v60;
	v14 =	vadd.f32 v18, v14;
	v18 =	vunpack.i.l.bf16.f32 v53  }
0x418: {  	v51 =	vld [tilespmem:$0x89F0];
	v0 =	vadd.f32 v9, v50;
	v53 =	vmul.bf16 v54, v17;
	v15 =	vadd.bf16 v19, v15  }
0x419: {  	(xrf2) =	vadd.scan.msk.f32 $0xffff, v2;
	v54 =	vld [tilespmem:$0x9DF0];
	v30 =	vmul.bf16 v57, v55;
	v18 =	vadd.f32 v18, v58;
	v11 =	vunpack.i.u.bf16.f32 v3  }
0x41a: {  	(xrf2) =	vadd.scan.msk.f32 $0xffff, v4;
	v3 =	vunpack.i.l.bf16.f32 v3;
	v0 =	vadd.f32 v0, v8;
	v1 =	vadd.bf16 v53, v52  }
0x41b: {  	(xrf2) =	vadd.scan.msk.f32 $0xffff, v5;
	v31, _, _ =	vpop (xrf2);
	v58 =	vunpack.i.u.bf16.f32 v15;
	v3 =	vadd.f32 v3, v11;
	v8 =	vadd.bf16 v32, v30  }
0x41c: {  	v33, _, _ =	vpop (xrf2);
	(xrf2) =	vadd.scan.msk.f32 $0xffff, v6;
	v15 =	vunpack.i.l.bf16.f32 v15;
	v10 =	vadd.f32 v18, v10;
	v18 =	vadd.f32 v25, v44  }
0x41d: {  	v6 =	vbroadcast v33, $0xF;
	(xrf2) =	vadd.scan.msk.f32 $0xffff, v13;
	v61 =	vadd.f32 v15, v58;
	v25 =	vadd.bf16 v59, v56  }
0x41e: {  	(xrf2) =	vadd.scan.msk.f32 $0xffff, v7;
	v26 =	vunpack.i.u.bf16.f32 v1;
	v1 =	vunpack.i.l.bf16.f32 v1;
	v29 =	vmul.bf16 v54, v51  }
0x41f: {  	(xrf2) =	vadd.scan.msk.f32 $0xffff, v14;
	v1 =	vadd.f32 v1, v26;
	v28 =	vunpack.i.u.bf16.f32 v25;
	v4 =	vunpack.i.l.bf16.f32 v25  }
0x420: {  	v7 =	vbroadcast v31, $0xF;
	(xrf2) =	vadd.scan.msk.f32 $0xffff, v10;
	v4 =	vadd.f32 v4, v28;
	v5 =	vadd.bf16 v29, v27  }
0x421: {  	v38 =	vunpack.i.u.bf16.f32 v8;
	v8 =	vunpack.i.l.bf16.f32 v8;
	(xrf2) =	vadd.scan.msk.f32 $0xffff, v18;
	v1 =	vadd.f32 v1, v61  }
0x422: {  	v36, _, _ =	vpop (xrf2);
	(xrf2) =	vadd.scan.msk.f32 $0xffff, v0;
	v34 =	vadd.f32 v3, v4;
	v35 =	vunpack.i.u.bf16.f32 v5;
	v37 =	vunpack.i.l.bf16.f32 v5  }
0x423: {  	v39, _, _ =	vpop (xrf2);
	v41 =	vbroadcast v36, $0xF;
	v40 =	vadd.f32 v8, v38;
	(xrf2) =	vadd.scan.msk.f32 $0xffff, v1;
	v0 =	vadd.f32 v37, v35  }
0x424: {  	v43 =	vbroadcast v39, $0xF;
	v42 =	vsel vm0, v7, v6;
	v44, _, _ =	vpop (xrf2);
	(xrf2) =	vadd.scan.msk.f32 $0xffff, v34  }
0x425: {  	v45, _, _ =	vpop (xrf2);
	v46 =	vbroadcast v44, $0xF;
	v3 =	vsel vm1, v42, v41;
	v0 =	vadd.f32 v40, v0  }
0x426: {  	v47, _, _ =	vpop (xrf2);
	v2 =	vbroadcast v45, $0xF;
	v3 =	vsel vm2, v3, v43  }
0x427: {  	v48, _, _ =	vpop (xrf2);
	v1 =	vbroadcast v47, $0xF;
	v3 =	vsel vm3, v3, v46;
	(xrf2) =	vadd.scan.msk.f32 $0xffff, v0  }
0x428: {  	v49, _, _ =	vpop (xrf2);
	v50 =	vbroadcast v48, $0xF;
	v2 =	vsel vm4, v3, v2  }
0x429: {  	v51, _, _ =	vpop (xrf2);
	v1 =	vsel vm5, v2, v1;
	v0 =	vbroadcast v49, $0xF  }
0x42a: {  	v1 =	vsel vm6, v1, v50;
	v53 =	vbroadcast v51, $0xF;
	v52, _, _ =	vpop (xrf2)  }
0x42b: {  	v54, _, _ =	vpop (xrf2);
	v0 =	vsel vm7, v1, v0;
	v55 =	vbroadcast v52, $0xF  }
0x42c: {  	v56, _, _ =	vpop (xrf2);
	v0 =	vsel vm8, v0, v53;
	v57 =	vbroadcast v54, $0xF  }
0x42d: {  	s22 =	sadd.s32 $0x1, s22;
	v0 =	vsel vm9, v0, v55;
	v59 =	vbroadcast v56, $0xF;
	v58, _, _ =	vpop (xrf2)  }
0x42e: {  	p0 =	sne.s32 s22, $0x3E;
	v0 =	vsel vm10, v0, v57;
	v60, _, _ =	vpop (xrf2);
	v61 =	vbroadcast v58, $0xF  }
.Ltmp2:
0x42f: {  	v0 =	vsel vm11, v0, v59;
	v62 =	vbroadcast v60, $0xF;
	(pc) =	sbr.rel @p0 .LBB2_2-.Ltmp2, $4  }
0x430: {  	v0 =	vsel vm12, v0, v61  }
0x431: {  	v0 =	vsel vm13, v0, v62;
	v63, _, _ =	vpop (xrf2)  }
0x432: {  	v0 =	vsel vm14, v0, v63  }
0x433: {  	[tilespmem:s23+$0x9EB0] =	vst v0  }
0x434: {  	_ =	swait.ge [sflag:s16], $0x1400  }
0x435: {  	[sflag:s16] =	ssyncset.done $0x0  }
0x436: {  	[sflag:s16] =	ssyncadd.s32 $0xFFFFEC00  }
0x437: {  	_ =	swait.ge [sflag:s17], $0x1400  }
0x438: {  	[sflag:s17] =	ssyncset.done $0x0  }
0x439: {  	s22 =	simm.s32 $0x0;
	p0 =	por $0x1, $0x1;
	[sflag:s17] =	ssyncadd.s32 $0xFFFFEC00  }
.LBB2_8:
0x43a: {  	s23 =	sshll.u32 s22, $0xA  }
0x43b: {  	v61 =	vld [tilespmem:s23+$0x5020];
	_ =	sdelay $0x4  }
0x43c: {  	[tilespmem:$0x1F1B0] =	vst v61;
	v61 =	vld [tilespmem:s23+$0x6420];
	_ =	sdelay $0x4  }
0x43d: {  	[tilespmem:$0x1F1C0] =	vst v61;
	v61 =	vld [tilespmem:s23+$0x5030];
	_ =	sdelay $0x4  }
0x43e: {  	[tilespmem:$0x1F1D0] =	vst v61;
	v61 =	vld [tilespmem:s23+$0x6430];
	_ =	sdelay $0x1  }
0x43f: {  	v7 =	vld [tilespmem:s23+$0x4E20]  }
0x440: {  	v5 =	vld [tilespmem:s23+$0x6220]  }
0x441: {  	v4 =	vld [tilespmem:s23+$0x4E30]  }
0x442: {  	[tilespmem:$0x1F1E0] =	vst v61;
	v61 =	vld [tilespmem:s23+$0x5040]  }
0x443: {  	v3 =	vld [tilespmem:s23+$0x6230]  }
0x444: {  	v6 =	vld [tilespmem:s23+$0x4E40]  }
0x445: {  	v1 =	vld [tilespmem:s23+$0x6240]  }
0x446: {  	v2 =	vld [tilespmem:s23+$0x4E50]  }
0x447: {  	[tilespmem:$0x1F1F0] =	vst v61;
	v61 =	vld [tilespmem:s23+$0x6440]  }
0x448: {  	v0 =	vld [tilespmem:s23+$0x6250]  }
0x449: {  	v9 =	vld [tilespmem:s23+$0x4E60]  }
0x44a: {  	v8 =	vld [tilespmem:s23+$0x6260]  }
0x44b: {  	v15 =	vld [tilespmem:s23+$0x4E70]  }
0x44c: {  	[tilespmem:$0x1F200] =	vst v61;
	v61 =	vld [tilespmem:s23+$0x5050]  }
0x44d: {  	v12 =	vld [tilespmem:s23+$0x6270]  }
0x44e: {  	v14 =	vld [tilespmem:s23+$0x4E80]  }
0x44f: {  	v10 =	vld [tilespmem:s23+$0x6280]  }
0x450: {  	v13 =	vld [tilespmem:s23+$0x4E90]  }
0x451: {  	[tilespmem:$0x1F210] =	vst v61;
	v61 =	vld [tilespmem:s23+$0x6450]  }
0x452: {  	v11 =	vld [tilespmem:s23+$0x6290]  }
0x453: {  	v23 =	vld [tilespmem:s23+$0x4EA0]  }
0x454: {  	v18 =	vld [tilespmem:s23+$0x62A0]  }
0x455: {  	v21 =	vld [tilespmem:s23+$0x4EB0]  }
0x456: {  	[tilespmem:$0x1F220] =	vst v61;
	v61 =	vld [tilespmem:s23+$0x5060]  }
0x457: {  	v16 =	vld [tilespmem:s23+$0x62B0]  }
0x458: {  	v22 =	vld [tilespmem:s23+$0x4EC0]  }
0x459: {  	v19 =	vld [tilespmem:s23+$0x62C0]  }
0x45a: {  	v20 =	vld [tilespmem:s23+$0x4ED0]  }
0x45b: {  	[tilespmem:$0x1F230] =	vst v61;
	v61 =	vld [tilespmem:s23+$0x6460]  }
0x45c: {  	v17 =	vld [tilespmem:s23+$0x62D0]  }
0x45d: {  	v42 =	vld [tilespmem:s23+$0x4EE0]  }
0x45e: {  	v60 =	vld [tilespmem:s23+$0x62E0]  }
0x45f: {  	v28 =	vld [tilespmem:s23+$0x4EF0]  }
0x460: {  	[tilespmem:$0x1F240] =	vst v61;
	v61 =	vld [tilespmem:s23+$0x5070]  }
0x461: {  	v24 =	vld [tilespmem:s23+$0x62F0]  }
0x462: {  	v51 =	vld [tilespmem:s23+$0x4F00]  }
0x463: {  	v29 =	vld [tilespmem:s23+$0x6300]  }
0x464: {  	v30 =	vld [tilespmem:s23+$0x4F10]  }
0x465: {  	[tilespmem:$0x1F250] =	vst v61;
	v61 =	vld [tilespmem:s23+$0x6470]  }
0x466: {  	v25 =	vld [tilespmem:s23+$0x6310]  }
0x467: {  	v54 =	vld [tilespmem:s23+$0x4F20]  }
0x468: {  	v31 =	vld [tilespmem:s23+$0x6320]  }
0x469: {  	v32 =	vld [tilespmem:s23+$0x4F30]  }
0x46a: {  	[tilespmem:$0x1F260] =	vst v61;
	v61 =	vld [tilespmem:s23+$0x5080]  }
0x46b: {  	v26 =	vld [tilespmem:s23+$0x6330]  }
0x46c: {  	v56 =	vld [tilespmem:s23+$0x4F40]  }
0x46d: {  	v33 =	vld [tilespmem:s23+$0x6340]  }
0x46e: {  	v34 =	vld [tilespmem:s23+$0x4F50]  }
0x46f: {  	[tilespmem:$0x1F270] =	vst v61;
	v61 =	vld [tilespmem:s23+$0x6480]  }
0x470: {  	v27 =	vld [tilespmem:s23+$0x6350]  }
0x471: {  	v37 =	vld [tilespmem:s23+$0x4F60]  }
0x472: {  	v36 =	vld [tilespmem:s23+$0x6360]  }
0x473: {  	v63 =	vld [tilespmem:s23+$0x4F70]  }
0x474: {  	[tilespmem:$0x1F280] =	vst v61;
	v61 =	vld [tilespmem:s23+$0x5090]  }
0x475: {  	v35 =	vld [tilespmem:s23+$0x6370]  }
0x476: {  	v41 =	vld [tilespmem:s23+$0x4F80]  }
0x477: {  	v40 =	vld [tilespmem:s23+$0x6380]  }
0x478: {  	v39 =	vld [tilespmem:s23+$0x4F90]  }
0x479: {  	[tilespmem:$0x1F290] =	vst v61;
	v61 =	vld [tilespmem:s23+$0x6490]  }
0x47a: {  	v38 =	vld [tilespmem:s23+$0x6390]  }
0x47b: {  	v44 =	vld [tilespmem:s23+$0x4FA0]  }
0x47c: {  	v43 =	vld [tilespmem:s23+$0x63A0]  }
0x47d: {  	v53 =	vld [tilespmem:s23+$0x4FB0]  }
0x47e: {  	[tilespmem:$0x1F2A0] =	vst v61;
	v61 =	vld [tilespmem:s23+$0x50A0]  }
0x47f: {  	v49 =	vld [tilespmem:s23+$0x63B0]  }
0x480: {  	v47 =	vld [tilespmem:s23+$0x4FC0]  }
0x481: {  	v46 =	vld [tilespmem:s23+$0x63C0]  }
0x482: {  	v48 =	vld [tilespmem:s23+$0x4FD0]  }
0x483: {  	[tilespmem:$0x1F2B0] =	vst v61;
	v61 =	vld [tilespmem:s23+$0x64A0]  }
0x484: {  	v45 =	vld [tilespmem:s23+$0x63D0]  }
0x485: {  	v62 =	vld [tilespmem:s23+$0x4FE0]  }
0x486: {  	v58 =	vld [tilespmem:s23+$0x63E0]  }
0x487: {  	v55 =	vld [tilespmem:s23+$0x4FF0]  }
0x488: {  	[tilespmem:$0x1F2C0] =	vst v61;
	v61 =	vld [tilespmem:s23+$0x50B0]  }
0x489: {  	v50 =	vld [tilespmem:s23+$0x5000]  }
0x48a: {  	v52 =	vld [tilespmem:s23+$0x63F0]  }
0x48b: {  	v57 =	vld [tilespmem:s23+$0x6400]  }
0x48c: {  	v59 =	vld [tilespmem:s23+$0x5010]  }
0x48d: {  	[tilespmem:$0x1F2D0] =	vst v61;
	v61 =	vld [tilespmem:s23+$0x64B0]  }
0x48e: {  	[tilespmem:$0x1F1A0] =	vst v50;
	v50 =	vld [tilespmem:s23+$0x6410]  }
0x48f: {  	v3 =	vmul.bf16 v3, v4;
	v4 =	vld [tilespmem:s23+$0x51B0]  }
0x490: {  	v1 =	vmul.bf16 v1, v6;
	v6 =	vld [tilespmem:s23+$0x65B0]  }
0x491: {  	v5 =	vmul.bf16 v5, v7;
	v7 =	vld [tilespmem:s23+$0x51C0]  }
0x492: {  	v16 =	vmul.bf16 v16, v21;
	[tilespmem:$0x1F2E0] =	vst v61;
	v61 =	vld [tilespmem:s23+$0x50C0]  }
0x493: {  	v21 =	vmul.bf16 v19, v22;
	v22 =	vmul.bf16 v17, v20;
	v17 =	vld [tilespmem:s23+$0x5200]  }
0x494: {  	v19 =	vld [tilespmem:s23+$0x6600]  }
0x495: {  	v0 =	vmul.bf16 v0, v2;
	v24 =	vmul.bf16 v24, v28;
	v28 =	vld [tilespmem:s23+$0x5220]  }
0x496: {  	v29 =	vmul.bf16 v29, v51;
	v51 =	vmul.bf16 v25, v30;
	v30 =	vld [tilespmem:s23+$0x6680]  }
0x497: {  	[tilespmem:$0x1F2F0] =	vst v61;
	v61 =	vld [tilespmem:s23+$0x64C0]  }
0x498: {  	v0 =	vadd.bf16 v0, v1;
	v1 =	vmul.bf16 v8, v9;
	v9 =	vld [tilespmem:s23+$0x65C0]  }
0x499: {  	v2 =	vadd.bf16 v3, v5;
	v3 =	vmul.bf16 v12, v15;
	v15 =	vmul.bf16 v18, v23;
	v18 =	vld [tilespmem:s23+$0x51E0]  }
0x49a: {  	v23 =	vld [tilespmem:s23+$0x65E0]  }
0x49b: {  	v1 =	vadd.bf16 v3, v1;
	v3 =	vadd.bf16 v22, v21;
	v21 =	vld [tilespmem:s23+$0x5210]  }
0x49c: {  	[tilespmem:$0x1F300] =	vst v61;
	v61 =	vld [tilespmem:s23+$0x50D0]  }
0x49d: {  	v22 =	vld [tilespmem:s23+$0x6610]  }
0x49e: {  	[tilespmem:$0x1F4C0] =	vst v4;
	v4 =	vmul.bf16 v10, v14;
	v10 =	vld [tilespmem:s23+$0x51D0]  }
0x49f: {  	v12 =	vmul.bf16 v11, v13;
	v13 =	vunpack.i.u.bf16.f32 v0;
	v0 =	vunpack.i.l.bf16.f32 v0;
	v14 =	vld [tilespmem:s23+$0x65D0]  }
0x4a0: {  	v0 =	vadd.f32 v0, v13;
	v13 =	vadd.bf16 v16, v15;
	v15 =	vld [tilespmem:s23+$0x65F0]  }
0x4a1: {  	[tilespmem:$0x1F310] =	vst v61;
	v61 =	vld [tilespmem:s23+$0x64D0]  }
0x4a2: {  	[tilespmem:$0x1F570] =	vst v19;
	v19 =	vmul.bf16 v36, v37;
	v36 =	vld [tilespmem:s23+$0x6670]  }
0x4a3: {  	[tilespmem:$0x1F5A0] =	vst v28;
	v28 =	vld [tilespmem:s23+$0x66C0]  }
0x4a4: {  	v8 =	vunpack.i.u.bf16.f32 v2;
	v2 =	vunpack.i.l.bf16.f32 v2;
	v11 =	vadd.bf16 v12, v4;
	v12 =	vld [tilespmem:s23+$0x51F0]  }
0x4a5: {  	v2 =	vadd.f32 v2, v8;
	[tilespmem:$0x1F530] =	vst v23;
	v23 =	vmul.bf16 v60, v42;
	v42 =	vld [tilespmem:s23+$0x6620]  }
0x4a6: {  	v20 =	vunpack.i.u.bf16.f32 v3;
	v3 =	vunpack.i.l.bf16.f32 v3;
	[tilespmem:$0x1F320] =	vst v61;
	v61 =	vld [tilespmem:s23+$0x50E0]  }
0x4a7: {  	[tilespmem:$0x1F520] =	vst v18;
	v0 =	vadd.f32 v0, v2;
	v18 =	vunpack.i.u.bf16.f32 v13;
	v2 =	vunpack.i.l.bf16.f32 v13;
	v13 =	vld [tilespmem:s23+$0x6630]  }
0x4a8: {  	v3 =	vadd.f32 v3, v20;
	v20 =	vmul.bf16 v35, v63;
	v63 =	vld [tilespmem:s23+$0x6660]  }
0x4a9: {  	v60 =	vmul.bf16 v31, v54;
	v54 =	vld [tilespmem:s23+$0x5270]  }
0x4aa: {  	[tilespmem:$0x1F4F0] =	vst v9;
	v9 =	vmul.bf16 v26, v32;
	v32 =	vld [tilespmem:s23+$0x52C0]  }
0x4ab: {  	[tilespmem:$0x1F330] =	vst v61;
	v61 =	vld [tilespmem:s23+$0x64E0]  }
0x4ac: {  	v2 =	vadd.f32 v2, v18;
	v18 =	vld [tilespmem:s23+$0x5250]  }
0x4ad: {  	[tilespmem:$0x1F600] =	vst v0;
	v16 =	vunpack.i.u.bf16.f32 v11;
	v0 =	vunpack.i.l.bf16.f32 v11;
	v11 =	vmul.bf16 v33, v56;
	v56 =	vld [tilespmem:s23+$0x6640]  }
0x4ae: {  	[tilespmem:$0x1F590] =	vst v22;
	v22 =	vld [tilespmem:s23+$0x5260]  }
0x4af: {  	v33 =	vld [tilespmem:s23+$0x5280]  }
0x4b0: {  	[tilespmem:$0x1F340] =	vst v61;
	v61 =	vld [tilespmem:s23+$0x50F0]  }
0x4b1: {  	[tilespmem:$0x1F500] =	vst v10;
	v10 =	vld [tilespmem:s23+$0x5230]  }
0x4b2: {  	[tilespmem:$0x1F550] =	vst v15;
	v15 =	vld [tilespmem:s23+$0x5240]  }
0x4b3: {  	[tilespmem:$0x1F510] =	vst v14;
	v4 =	vld [tilespmem:$0x1F550]  }
0x4b4: {  	v2 =	vadd.f32 v3, v2;
	[tilespmem:$0x1F540] =	vst v12;
	v12 =	vmul.bf16 v27, v34;
	v27 =	vmul.bf16 v43, v44;
	v43 =	vld [tilespmem:$0x1F1A0]  }
0x4b5: {  	[tilespmem:$0x1F350] =	vst v61;
	v61 =	vld [tilespmem:s23+$0x64F0]  }
0x4b6: {  	v14 =	vunpack.i.u.bf16.f32 v1;
	v1 =	vunpack.i.l.bf16.f32 v1;
	[tilespmem:$0x1F620] =	vst v2;
	v2 =	vadd.bf16 v51, v29;
	v51 =	vld [tilespmem:s23+$0x52B0]  }
0x4b7: {  	v0 =	vadd.f32 v0, v16;
	v1 =	vadd.f32 v1, v14;
	[tilespmem:$0x1F5C0] =	vst v13;
	v13 =	vld [tilespmem:$0x1F1D0]  }
0x4b8: {  	v36 =	vmul.bf16 v36, v54;
	v54 =	vld [tilespmem:s23+$0x6800]  }
0x4b9: {  	v0 =	vadd.f32 v0, v1;
	v1 =	vadd.bf16 v9, v60;
	v60 =	vld [tilespmem:s23+$0x6650]  }
0x4ba: {  	[tilespmem:$0x1F360] =	vst v61;
	v61 =	vld [tilespmem:s23+$0x5100]  }
0x4bb: {  	v3 =	vadd.bf16 v12, v11;
	v11 =	vld [tilespmem:$0x1F1C0]  }
0x4bc: {  	[tilespmem:$0x1F5F0] =	vst v22;
	v22 =	vld [tilespmem:s23+$0x66D0]  }
0x4bd: {  	[tilespmem:$0x1F560] =	vst v17;
	v30 =	vmul.bf16 v30, v33;
	v33 =	vld [tilespmem:s23+$0x6810]  }
0x4be: {  	[tilespmem:$0x1F610] =	vst v0;
	v0 =	vadd.bf16 v24, v23;
	v23 =	vmul.bf16 v40, v41;
	v41 =	vmul.bf16 v52, v55;
	v55 =	vld [tilespmem:s23+$0x66A0]  }
0x4bf: {  	v16 =	vunpack.i.u.bf16.f32 v2;
	[tilespmem:$0x1F370] =	vst v61;
	v61 =	vld [tilespmem:s23+$0x6500]  }
0x4c0: {  	[tilespmem:$0x1F5B0] =	vst v10;
	v17 =	vunpack.i.u.bf16.f32 v1;
	v1 =	vunpack.i.l.bf16.f32 v1;
	v24 =	vmul.bf16 v38, v39;
	v10 =	vld [tilespmem:$0x1F1B0]  }
0x4c1: {  	[tilespmem:$0x1F580] =	vst v21;
	v2 =	vunpack.i.l.bf16.f32 v2;
	v1 =	vadd.f32 v1, v17;
	v21 =	vunpack.i.u.bf16.f32 v3;
	v17 =	vld [tilespmem:s23+$0x6690]  }
0x4c2: {  	v3 =	vunpack.i.l.bf16.f32 v3;
	v14 =	vunpack.i.u.bf16.f32 v0;
	v26 =	vadd.bf16 v24, v23;
	v23 =	vld [tilespmem:s23+$0x5290]  }
0x4c3: {  	v0 =	vunpack.i.l.bf16.f32 v0;
	v3 =	vadd.f32 v3, v21;
	v44 =	vmul.bf16 v57, v43;
	v57 =	vld [tilespmem:s23+$0x52A0]  }
0x4c4: {  	v2 =	vadd.f32 v2, v16;
	v0 =	vadd.f32 v0, v14;
	[tilespmem:$0x1F380] =	vst v61;
	v61 =	vld [tilespmem:s23+$0x5110]  }
0x4c5: {  	v25 =	vadd.bf16 v20, v19;
	v14 =	vld [tilespmem:$0x1F1E0];
	v1 =	vadd.f32 v3, v1  }
0x4c6: {  	[tilespmem:$0x1F5E0] =	vst v18;
	v0 =	vadd.f32 v2, v0;
	v12 =	vmul.bf16 v11, v10;
	v10 =	vld [tilespmem:s23+$0x66E0]  }
0x4c7: {  	v37 =	vmul.bf16 v46, v47;
	v35 =	vmul.bf16 v49, v53;
	v31 =	vunpack.i.u.bf16.f32 v25;
	[tilespmem:$0x1F640] =	vst v1;
	v18 =	vld [tilespmem:$0x1F1F0]  }
0x4c8: {  	v39 =	vunpack.i.u.bf16.f32 v26;
	v1 =	vunpack.i.l.bf16.f32 v26;
	[tilespmem:$0x1F630] =	vst v0;
	v0 =	vunpack.i.l.bf16.f32 v25;
	v25 =	vld [tilespmem:s23+$0x52D0]  }
0x4c9: {  	v38 =	vmul.bf16 v45, v48;
	v1 =	vadd.f32 v1, v39;
	v34 =	vadd.f32 v0, v31;
	[tilespmem:$0x1F390] =	vst v61;
	v61 =	vld [tilespmem:s23+$0x6510]  }
0x4ca: {  	[tilespmem:$0x1F5D0] =	vst v15;
	v17 =	vmul.bf16 v17, v23;
	v23 =	vld [tilespmem:s23+$0x5410];
	v15 =	vmul.bf16 v14, v13  }
0x4cb: {  	v3 =	vadd.bf16 v35, v27;
	v46 =	vadd.f32 v1, v34;
	v34 =	vld [tilespmem:s23+$0x66B0]  }
0x4cc: {  	v47 =	vadd.bf16 v38, v37;
	v27 =	vadd.bf16 v15, v12;
	v15 =	vld [tilespmem:s23+$0x66F0]  }
0x4cd: {  	[tilespmem:$0x1F4E0] =	vst v7;
	v45 =	vmul.bf16 v50, v59;
	v59 =	vunpack.i.u.bf16.f32 v3;
	v3 =	vunpack.i.l.bf16.f32 v3;
	v19 =	vld [tilespmem:$0x1F200]  }
0x4ce: {  	v8 =	vunpack.i.u.bf16.f32 v47;
	v7 =	vadd.f32 v3, v59;
	v1 =	vunpack.i.l.bf16.f32 v47;
	[tilespmem:$0x1F3A0] =	vst v61;
	v61 =	vld [tilespmem:s23+$0x5120]  }
0x4cf: {  	v8 =	vadd.f32 v1, v8;
	v47 =	vunpack.i.u.bf16.f32 v27;
	v11 =	vunpack.i.l.bf16.f32 v27;
	v27 =	vld [tilespmem:s23+$0x5310]  }
0x4d0: {  	v23 =	vmul.bf16 v33, v23;
	v33 =	vld [tilespmem:s23+$0x5500]  }
0x4d1: {  	v9 =	vadd.f32 v8, v7;
	v8 =	vld [tilespmem:s23+$0x52F0]  }
0x4d2: {  	v21 =	vld [tilespmem:$0x1F210]  }
0x4d3: {  	[tilespmem:$0x1F3B0] =	vst v61;
	v61 =	vld [tilespmem:s23+$0x6520]  }
0x4d4: {  	v24 =	vld [tilespmem:$0x1F220]  }
0x4d5: {  	[tilespmem:$0x1F660] =	vst v9;
	v9 =	vld [tilespmem:s23+$0x52E0]  }
0x4d6: {  	v20 =	vmul.bf16 v19, v18;
	v19 =	vld [tilespmem:s23+$0x5300]  }
0x4d7: {  	v29 =	vld [tilespmem:$0x1F230]  }
0x4d8: {  	[tilespmem:$0x1F3C0] =	vst v61;
	v61 =	vld [tilespmem:s23+$0x5130]  }
0x4d9: {  	v40 =	vmul.bf16 v58, v62;
	v26 =	vmul.bf16 v24, v21;
	v24 =	vld [tilespmem:s23+$0x6700]  }
0x4da: {  	v31 =	vld [tilespmem:$0x1F240]  }
0x4db: {  	v58 =	vadd.bf16 v41, v40;
	v37 =	vld [tilespmem:$0x1F250]  }
0x4dc: {  	[tilespmem:$0x1F4D0] =	vst v6;
	v6 =	vadd.bf16 v45, v44;
	v40 =	vld [tilespmem:$0x1F270]  }
0x4dd: {  	v62 =	vunpack.i.u.bf16.f32 v58;
	[tilespmem:$0x1F3D0] =	vst v61;
	v61 =	vld [tilespmem:s23+$0x6530]  }
0x4de: {  	v5 =	vunpack.i.l.bf16.f32 v58;
	v2 =	vunpack.i.u.bf16.f32 v6;
	v6 =	vunpack.i.l.bf16.f32 v6;
	v41 =	vld [tilespmem:$0x1F280]  }
0x4df: {  	v5 =	vadd.f32 v5, v62;
	v6 =	vadd.f32 v6, v2;
	v44 =	vld [tilespmem:$0x1F290]  }
0x4e0: {  	v45 =	vld [tilespmem:$0x1F2A0]  }
0x4e1: {  	v16 =	vadd.f32 v6, v5;
	v5 =	vadd.bf16 v26, v20;
	v38 =	vld [tilespmem:$0x1F260]  }
0x4e2: {  	v55 =	vmul.bf16 v55, v57;
	v34 =	vmul.bf16 v34, v51;
	[tilespmem:$0x1F3E0] =	vst v61;
	v61 =	vld [tilespmem:s23+$0x5140]  }
0x4e3: {  	v11 =	vadd.f32 v11, v47;
	v51 =	vld [tilespmem:s23+$0x6840];
	v48 =	vunpack.i.u.bf16.f32 v5;
	v5 =	vunpack.i.l.bf16.f32 v5  }
0x4e4: {  	v18 =	vld [tilespmem:s23+$0x5320];
	v34 =	vadd.bf16 v34, v55;
	v5 =	vadd.f32 v5, v48;
	v55 =	vmul.bf16 v24, v19  }
0x4e5: {  	[tilespmem:$0x1F650] =	vst v46;
	v24 =	vld [tilespmem:s23+$0x6860];
	v43 =	vmul.bf16 v41, v40;
	v46 =	vmul.bf16 v45, v44  }
0x4e6: {  	v19 =	vld [tilespmem:s23+$0x5470];
	v35 =	vmul.bf16 v31, v29;
	v39 =	vmul.bf16 v38, v37;
	v38 =	vadd.f32 v5, v11  }
0x4e7: {  	v6 =	vadd.bf16 v46, v43;
	[tilespmem:$0x1F3F0] =	vst v61;
	v61 =	vld [tilespmem:s23+$0x6540]  }
0x4e8: {  	v12 =	vadd.bf16 v39, v35;
	[tilespmem:$0x1F680] =	vst v38;
	v38 =	vld [tilespmem:s23+$0x6760]  }
0x4e9: {  	v50 =	vld [tilespmem:$0x1F2B0];
	v20 =	vunpack.i.u.bf16.f32 v6;
	v6 =	vunpack.i.l.bf16.f32 v6  }
0x4ea: {  	v49 =	vunpack.i.u.bf16.f32 v12;
	v12 =	vunpack.i.l.bf16.f32 v12;
	v6 =	vadd.f32 v6, v20;
	v20 =	vld [tilespmem:s23+$0x6720]  }
0x4eb: {  	v12 =	vadd.f32 v12, v49;
	v58 =	vld [tilespmem:$0x1F2D0]  }
0x4ec: {  	[tilespmem:$0x1F400] =	vst v61;
	v61 =	vld [tilespmem:s23+$0x5150]  }
0x4ed: {  	v40 =	vadd.f32 v6, v12;
	v59 =	vld [tilespmem:$0x1F2E0]  }
0x4ee: {  	v52 =	vld [tilespmem:$0x1F2C0]  }
0x4ef: {  	[tilespmem:$0x1F690] =	vst v40;
	v40 =	vld [tilespmem:s23+$0x5370]  }
0x4f0: {  	v8 =	vmul.bf16 v15, v8;
	v15 =	vmul.bf16 v20, v18;
	v18 =	vld [tilespmem:s23+$0x5480]  }
0x4f1: {  	[tilespmem:$0x1F410] =	vst v61;
	v61 =	vld [tilespmem:s23+$0x6550]  }
0x4f2: {  	v62 =	vmul.bf16 v59, v58;
	v58 =	vld [tilespmem:s23+$0x6710]  }
0x4f3: {  	v20 =	vld [tilespmem:s23+$0x6890]  }
0x4f4: {  	v21 =	vld [tilespmem:$0x1F2F0]  }
0x4f5: {  	v26 =	vld [tilespmem:$0x1F300]  }
0x4f6: {  	[tilespmem:$0x1F420] =	vst v61;
	v61 =	vld [tilespmem:s23+$0x5160]  }
0x4f7: {  	v57 =	vmul.bf16 v58, v27;
	v27 =	vld [tilespmem:s23+$0x6870]  }
0x4f8: {  	v31 =	vld [tilespmem:$0x1F310]  }
0x4f9: {  	v35 =	vld [tilespmem:$0x1F320]  }
0x4fa: {  	v43 =	vld [tilespmem:$0x1F330]  }
0x4fb: {  	v53 =	vmul.bf16 v52, v50;
	[tilespmem:$0x1F430] =	vst v61;
	v61 =	vld [tilespmem:s23+$0x6560]  }
0x4fc: {  	v44 =	vld [tilespmem:$0x1F340]  }
0x4fd: {  	v39 =	vadd.bf16 v62, v53;
	v53 =	vld [tilespmem:$0x1F350]  }
0x4fe: {  	v59 =	vld [tilespmem:$0x1F360]  }
0x4ff: {  	v13 =	vld [tilespmem:$0x1F370]  }
0x500: {  	[tilespmem:$0x1F440] =	vst v61;
	v61 =	vld [tilespmem:s23+$0x5170]  }
0x501: {  	v14 =	vld [tilespmem:$0x1F380]  }
0x502: {  	[tilespmem:$0x1F670] =	vst v16;
	v16 =	vld [tilespmem:$0x1F390]  }
0x503: {  	v37 =	vmul.bf16 v35, v31;
	v31 =	vld [tilespmem:$0x1F3A0]  }
0x504: {  	v46 =	vld [tilespmem:$0x1F3B0]  }
0x505: {  	[tilespmem:$0x1F450] =	vst v61;
	v61 =	vld [tilespmem:s23+$0x6570]  }
0x506: {  	v47 =	vld [tilespmem:$0x1F3C0]  }
0x507: {  	v49 =	vld [tilespmem:$0x1F3D0]  }
0x508: {  	v50 =	vld [tilespmem:$0x1F3E0]  }
0x509: {  	v62 =	vmul.bf16 v59, v53;
	v53 =	vld [tilespmem:$0x1F3F0]  }
0x50a: {  	v29 =	vmul.bf16 v26, v21;
	[tilespmem:$0x1F460] =	vst v61;
	v61 =	vld [tilespmem:s23+$0x5180]  }
0x50b: {  	v45 =	vmul.bf16 v44, v43;
	v59 =	vld [tilespmem:$0x1F400]  }
0x50c: {  	v41 =	vadd.bf16 v37, v29;
	v44 =	vld [tilespmem:$0x1F410]  }
0x50d: {  	v52 =	vunpack.i.u.bf16.f32 v39;
	v5 =	vunpack.i.l.bf16.f32 v39;
	v12 =	vadd.bf16 v62, v45;
	v45 =	vld [tilespmem:$0x1F420]  }
0x50e: {  	v9 =	vmul.bf16 v10, v9;
	v39 =	vld [tilespmem:s23+$0x6750];
	v5 =	vadd.f32 v5, v52;
	v6 =	vunpack.i.l.bf16.f32 v41  }
0x50f: {  	v13 =	vmul.bf16 v14, v13;
	v35 =	vmul.bf16 v31, v16;
	v16 =	vunpack.i.u.bf16.f32 v41;
	[tilespmem:$0x1F470] =	vst v61;
	v61 =	vld [tilespmem:s23+$0x6580]  }
0x510: {  	v10 =	vadd.bf16 v57, v55;
	v21 =	vld [tilespmem:s23+$0x5330];
	v19 =	vmul.bf16 v27, v19;
	v6 =	vadd.f32 v6, v16  }
0x511: {  	v29 =	vld [tilespmem:s23+$0x6730];
	v48 =	vmul.bf16 v47, v46;
	v47 =	vadd.bf16 v35, v13;
	v52 =	vmul.bf16 v50, v49  }
0x512: {  	v26 =	vld [tilespmem:s23+$0x5340];
	v11 =	vadd.f32 v6, v5;
	v62 =	vmul.bf16 v59, v53;
	v46 =	vmul.bf16 v45, v44  }
0x513: {  	v27 =	vld [tilespmem:s23+$0x6940];
	v5 =	vunpack.i.l.bf16.f32 v47;
	v50 =	vunpack.i.u.bf16.f32 v12;
	v12 =	vunpack.i.l.bf16.f32 v12  }
0x514: {  	v48 =	vadd.bf16 v52, v48;
	v52 =	vunpack.i.u.bf16.f32 v47;
	v49 =	vadd.bf16 v46, v62;
	[tilespmem:$0x1F480] =	vst v61;
	v61 =	vld [tilespmem:s23+$0x5190]  }
0x515: {  	v37 =	vld [tilespmem:s23+$0x5350];
	v12 =	vadd.f32 v12, v50;
	v5 =	vadd.f32 v5, v52  }
0x516: {  	v55 =	vmul.bf16 v29, v21;
	v29 =	vld [tilespmem:s23+$0x5490];
	v59 =	vunpack.i.u.bf16.f32 v49;
	v13 =	vunpack.i.l.bf16.f32 v49  }
0x517: {  	v62 =	vadd.f32 v13, v59;
	v13 =	vadd.f32 v5, v12;
	v12 =	vld [tilespmem:$0x1F430]  }
0x518: {  	v16 =	vld [tilespmem:$0x1F440]  }
0x519: {  	[tilespmem:$0x1F490] =	vst v61;
	v61 =	vld [tilespmem:s23+$0x6590]  }
0x51a: {  	v41 =	vld [tilespmem:$0x1F450]  }
0x51b: {  	v43 =	vld [tilespmem:$0x1F460]  }
0x51c: {  	v47 =	vld [tilespmem:$0x1F470]  }
0x51d: {  	v49 =	vld [tilespmem:$0x1F480]  }
0x51e: {  	v6 =	vunpack.i.l.bf16.f32 v48;
	v53 =	vunpack.i.u.bf16.f32 v48;
	[tilespmem:$0x1F4A0] =	vst v61;
	v61 =	vld [tilespmem:s23+$0x51A0]  }
0x51f: {  	v6 =	vadd.f32 v6, v53;
	v53 =	vld [tilespmem:$0x1F490]  }
0x520: {  	v59 =	vld [tilespmem:$0x1F4A0]  }
0x521: {  	v21 =	vld [tilespmem:s23+$0x54A0];
	v20 =	vmul.bf16 v20, v29  }
0x522: {  	v29 =	vld [tilespmem:s23+$0x5560];
	v5 =	vmul.bf16 v16, v12;
	v45 =	vmul.bf16 v43, v41  }
0x523: {  	[tilespmem:$0x1F4B0] =	vst v61;
	v61 =	vld [tilespmem:s23+$0x65A0]  }
0x524: {  	v5 =	vadd.bf16 v45, v5;
	v45 =	vld [tilespmem:$0x1F4B0]  }
0x525: {  	v35 =	vld [tilespmem:s23+$0x5360];
	v12 =	vadd.f32 v62, v6;
	v50 =	vmul.bf16 v49, v47;
	v62 =	vmul.bf16 v59, v53  }
0x526: {  	v52 =	vld [tilespmem:$0x1F4F0]  }
0x527: {  	v6 =	vadd.bf16 v62, v50;
	v50 =	vld [tilespmem:$0x1F4E0]  }
0x528: {  	v62 =	vld [tilespmem:$0x1F510]  }
0x529: {  	v16 =	vmul.bf16 v61, v45;
	v61 =	vld [tilespmem:$0x1F500]  }
0x52a: {  	v57 =	vunpack.i.u.bf16.f32 v10;
	v10 =	vunpack.i.l.bf16.f32 v10;
	v31 =	vld [tilespmem:s23+$0x6740]  }
0x52b: {  	v10 =	vadd.f32 v10, v57;
	v57 =	vmul.bf16 v38, v35;
	v35 =	vld [tilespmem:s23+$0x54C0]  }
0x52c: {  	v47 =	vld [tilespmem:$0x1F4C0]  }
0x52d: {  	v49 =	vld [tilespmem:$0x1F4D0]  }
0x52e: {  	v59 =	vmul.bf16 v52, v50;
	v0 =	vmul.bf16 v62, v61;
	v61 =	vld [tilespmem:$0x1F530]  }
0x52f: {  	v62 =	vld [tilespmem:$0x1F540]  }
0x530: {  	v14 =	vadd.bf16 v0, v59;
	v59 =	vld [tilespmem:$0x1F520]  }
0x531: {  	v38 =	vld [tilespmem:s23+$0x68C0]  }
0x532: {  	v48 =	vld [tilespmem:s23+$0x6780]  }
0x533: {  	v44 =	vld [tilespmem:s23+$0x6770];
	v7 =	vunpack.i.u.bf16.f32 v14;
	v14 =	vunpack.i.l.bf16.f32 v14  }
0x534: {  	v47 =	vmul.bf16 v49, v47;
	v14 =	vadd.f32 v14, v7;
	v7 =	vld [tilespmem:$0x1F570]  }
0x535: {  	v52 =	vmul.bf16 v61, v59;
	v61 =	vmul.bf16 v4, v62;
	v4 =	vld [tilespmem:$0x1F560]  }
0x536: {  	v46 =	vld [tilespmem:s23+$0x5380]  }
0x537: {  	v41 =	vld [tilespmem:s23+$0x5390];
	v16 =	vadd.bf16 v47, v16  }
0x538: {  	v43 =	vld [tilespmem:s23+$0x53A0];
	v1 =	vunpack.i.u.bf16.f32 v5  }
0x539: {  	v5 =	vunpack.i.l.bf16.f32 v5;
	v49 =	vld [tilespmem:s23+$0x67B0];
	v3 =	vunpack.i.u.bf16.f32 v16;
	v16 =	vunpack.i.l.bf16.f32 v16  }
0x53a: {  	v5 =	vadd.f32 v5, v1;
	v16 =	vadd.f32 v16, v3;
	v1 =	vmul.bf16 v7, v4;
	v4 =	vld [tilespmem:$0x1F580]  }
0x53b: {  	v7 =	vld [tilespmem:$0x1F590]  }
0x53c: {  	v14 =	vadd.f32 v14, v16;
	v16 =	vld [tilespmem:$0x1F5A0]  }
0x53d: {  	v53 =	vld [tilespmem:s23+$0x6790];
	v2 =	vunpack.i.u.bf16.f32 v6;
	v6 =	vunpack.i.l.bf16.f32 v6  }
0x53e: {  	v45 =	vld [tilespmem:s23+$0x67A0];
	v6 =	vadd.f32 v6, v2  }
0x53f: {  	v47 =	vld [tilespmem:s23+$0x53B0]  }
0x540: {  	v50 =	vld [tilespmem:s23+$0x53C0];
	v6 =	vadd.f32 v6, v5;
	v5 =	vadd.bf16 v61, v52;
	v0 =	vmul.bf16 v7, v4  }
0x541: {  	v3 =	vld [tilespmem:s23+$0x5400];
	v2 =	vmul.bf16 v42, v16  }
0x542: {  	v16 =	vld [tilespmem:$0x1F5C0];
	v0 =	vadd.bf16 v0, v1;
	v1 =	vunpack.i.u.bf16.f32 v5;
	v5 =	vunpack.i.l.bf16.f32 v5  }
0x543: {  	v5 =	vadd.f32 v5, v1;
	v1 =	vld [tilespmem:$0x1F5B0]  }
0x544: {  	v59 =	vld [tilespmem:s23+$0x67C0]  }
0x545: {  	v4 =	vld [tilespmem:$0x1F5D0]  }
0x546: {  	v52 =	vld [tilespmem:s23+$0x53E0]  }
0x547: {  	v61 =	vld [tilespmem:s23+$0x67E0]  }
0x548: {  	v16 =	vmul.bf16 v16, v1;
	v1 =	vld [tilespmem:$0x1F5E0]  }
0x549: {  	v42 =	vld [tilespmem:s23+$0x53F0]  }
0x54a: {  	v3 =	vmul.bf16 v54, v3;
	v56 =	vmul.bf16 v56, v4;
	v4 =	vld [tilespmem:s23+$0x67F0]  }
0x54b: {  	v62 =	vld [tilespmem:s23+$0x53D0]  }
0x54c: {  	v3 =	vadd.bf16 v23, v3;
	v23 =	vld [tilespmem:s23+$0x6910];
	v52 =	vmul.bf16 v61, v52  }
0x54d: {  	v61 =	vld [tilespmem:$0x1F650];
	v60 =	vmul.bf16 v60, v1;
	v1 =	vunpack.i.u.bf16.f32 v0;
	v0 =	vunpack.i.l.bf16.f32 v0  }
0x54e: {  	v7 =	vld [tilespmem:s23+$0x67D0];
	v16 =	vadd.bf16 v16, v2;
	v0 =	vadd.f32 v0, v1  }
0x54f: {  	v17 =	vadd.bf16 v17, v30;
	v4 =	vmul.bf16 v4, v42;
	v42 =	vld [tilespmem:s23+$0x68F0];
	v56 =	vadd.bf16 v60, v56  }
0x550: {  	v1 =	vld [tilespmem:$0x1F5F0];
	v60 =	vunpack.i.u.bf16.f32 v16;
	v16 =	vunpack.i.l.bf16.f32 v16;
	v2 =	vadd.f32 v0, v5  }
0x551: {  	v0 =	vld [tilespmem:s23+$0x5420];
	v16 =	vadd.f32 v16, v60;
	v60 =	vunpack.i.u.bf16.f32 v17;
	v17 =	vunpack.i.l.bf16.f32 v17  }
0x552: {  	v17 =	vadd.f32 v17, v60;
	v60 =	vmul.bf16 v28, v32;
	v32 =	vmul.bf16 v22, v25;
	v22 =	vld [tilespmem:s23+$0x5450]  }
0x553: {  	v28 =	vld [tilespmem:s23+$0x6850]  }
0x554: {  	v25 =	vld [tilespmem:s23+$0x6880]  }
0x555: {  	v5 =	vunpack.i.l.bf16.f32 v56;
	v1 =	vmul.bf16 v63, v1;
	v63 =	vunpack.i.u.bf16.f32 v56;
	v56 =	vld [tilespmem:s23+$0x6820]  }
0x556: {  	v5 =	vadd.f32 v5, v63;
	v63 =	vld [tilespmem:s23+$0x6830]  }
0x557: {  	v1 =	vadd.bf16 v36, v1;
	v36 =	vld [tilespmem:s23+$0x5430]  }
0x558: {  	v22 =	vmul.bf16 v28, v22;
	v28 =	vld [tilespmem:s23+$0x5530]  }
0x559: {  	v18 =	vmul.bf16 v25, v18;
	v25 =	vld [tilespmem:s23+$0x5550];
	v30 =	vunpack.i.u.bf16.f32 v1;
	v1 =	vunpack.i.l.bf16.f32 v1  }
0x55a: {  	v1 =	vadd.f32 v1, v30;
	v30 =	vld [tilespmem:s23+$0x5440]  }
0x55b: {  	v18 =	vadd.bf16 v20, v18;
	v20 =	vld [tilespmem:s23+$0x6960]  }
0x55c: {  	v0 =	vmul.bf16 v56, v0;
	v56 =	vmul.bf16 v38, v35;
	v38 =	vld [tilespmem:s23+$0x55A0]  }
0x55d: {  	v8 =	vadd.bf16 v8, v9;
	v58 =	vunpack.i.u.bf16.f32 v34;
	v5 =	vadd.f32 v5, v16;
	v35 =	vld [tilespmem:s23+$0x69C0]  }
0x55e: {  	v16 =	vadd.f32 v17, v1;
	v1 =	vadd.bf16 v32, v60;
	v17 =	vld [tilespmem:s23+$0x5460];
	v60 =	vunpack.i.l.bf16.f32 v34  }
0x55f: {  	v34 =	vunpack.i.u.bf16.f32 v8;
	v8 =	vunpack.i.l.bf16.f32 v8;
	v9 =	vadd.f32 v60, v58;
	v58 =	vld [tilespmem:$0x1F600]  }
0x560: {  	v8 =	vadd.f32 v8, v34;
	v60 =	vmul.bf16 v31, v26;
	v34 =	vmul.bf16 v39, v37;
	v37 =	vld [tilespmem:$0x1F610]  }
0x561: {  	v39 =	vadd.bf16 v55, v15;
	v26 =	vld [tilespmem:s23+$0x68B0];
	v32 =	vunpack.i.u.bf16.f32 v1;
	v1 =	vunpack.i.l.bf16.f32 v1  }
0x562: {  	v1 =	vadd.f32 v1, v32;
	v55 =	vadd.bf16 v34, v60;
	v60 =	vmul.bf16 v44, v40;
	v32 =	vld [tilespmem:s23+$0x68A0]  }
0x563: {  	v40 =	vmul.bf16 v48, v46;
	v44 =	vmul.bf16 v53, v41;
	v48 =	vld [tilespmem:$0x1F620]  }
0x564: {  	v4 =	vadd.bf16 v4, v52;
	v54 =	vunpack.i.u.bf16.f32 v18;
	v18 =	vunpack.i.l.bf16.f32 v18;
	v41 =	vld [tilespmem:s23+$0x68D0]  }
0x565: {  	v7 =	vmul.bf16 v7, v62;
	v18 =	vadd.f32 v18, v54;
	v34 =	vadd.bf16 v44, v40;
	v44 =	vld [tilespmem:s23+$0x54E0]  }
0x566: {  	v36 =	vmul.bf16 v63, v36;
	v15 =	vadd.f32 v10, v8;
	v9 =	vadd.f32 v1, v9;
	v40 =	vld [tilespmem:s23+$0x68E0]  }
0x567: {  	v1 =	vunpack.i.l.bf16.f32 v39;
	v10 =	vadd.bf16 v60, v57;
	v57 =	vmul.bf16 v45, v43;
	v45 =	vld [tilespmem:s23+$0x6900]  }
0x568: {  	v46 =	vunpack.i.u.bf16.f32 v55;
	v8 =	vunpack.i.l.bf16.f32 v55;
	(xrf2) =	vadd.scan.msk.f32 $0xffff, v58;
	v58 =	vunpack.i.u.bf16.f32 v39;
	v39 =	vld [tilespmem:s23+$0x54D0]  }
0x569: {  	v60 =	vmul.bf16 v59, v50;
	v17 =	vmul.bf16 v24, v17;
	v8 =	vadd.f32 v8, v46;
	(xrf2) =	vadd.scan.msk.f32 $0xffff, v37;
	v37 =	vld [tilespmem:s23+$0x54B0]  }
0x56a: {  	v1 =	vadd.f32 v1, v58;
	v53 =	vunpack.i.u.bf16.f32 v10;
	v58 =	vmul.bf16 v49, v47;
	v49 =	vld [tilespmem:$0x1F630]  }
0x56b: {  	v55 =	vunpack.i.u.bf16.f32 v34;
	v34 =	vunpack.i.l.bf16.f32 v34;
	v47 =	vld [tilespmem:s23+$0x5520];
	v17 =	vadd.bf16 v19, v17  }
0x56c: {  	v10 =	vunpack.i.l.bf16.f32 v10;
	v19 =	vld [tilespmem:s23+$0x6950];
	v31 =	vadd.f32 v34, v55;
	v34 =	vadd.bf16 v58, v57  }
0x56d: {  	v21 =	vmul.bf16 v32, v21;
	v32 =	vld [tilespmem:s23+$0x69A0];
	v8 =	vadd.f32 v8, v1;
	v1 =	vadd.bf16 v7, v60  }
0x56e: {  	v30 =	vmul.bf16 v51, v30;
	(xrf2) =	vadd.scan.msk.f32 $0xffff, v48;
	v10 =	vadd.f32 v10, v53;
	v58 =	vld [tilespmem:$0x1F640];
	v53 =	vunpack.i.u.bf16.f32 v34  }
0x56f: {  	v7 =	vld [tilespmem:s23+$0x54F0];
	v34 =	vunpack.i.l.bf16.f32 v34;
	v55 =	vunpack.i.u.bf16.f32 v1;
	v1 =	vunpack.i.l.bf16.f32 v1  }
0x570: {  	v59 =	vunpack.i.u.bf16.f32 v4;
	(xrf2) =	vadd.scan.msk.f32 $0xffff, v49;
	v34 =	vadd.f32 v34, v53;
	v1 =	vadd.f32 v1, v55;
	v49 =	vld [tilespmem:s23+$0x6920]  }
0x571: {  	v4 =	vunpack.i.l.bf16.f32 v4;
	v60 =	vunpack.i.u.bf16.f32 v3;
	v3 =	vunpack.i.l.bf16.f32 v3;
	v55 =	vld [tilespmem:$0x1F660]  }
0x572: {  	v26 =	vmul.bf16 v26, v37;
	v1 =	vadd.f32 v1, v34;
	v34 =	vadd.bf16 v22, v30;
	v22 =	vld [tilespmem:s23+$0x5540]  }
0x573: {  	v4 =	vadd.f32 v4, v59;
	v3 =	vadd.f32 v3, v60;
	(xrf2) =	vadd.scan.msk.f32 $0xffff, v58;
	v58 =	vld [tilespmem:$0x1F670]  }
0x574: {  	v36 =	vadd.bf16 v36, v0;
	v20 =	vmul.bf16 v20, v29;
	v21 =	vadd.bf16 v26, v21;
	v26 =	vld [tilespmem:s23+$0x6980]  }
0x575: {  	v10 =	vadd.f32 v31, v10;
	v0 =	vadd.f32 v3, v4;
	v7 =	vmul.bf16 v42, v7;
	v42 =	vld [tilespmem:s23+$0x6990];
	v48, _, _ =	vpop (xrf2)  }
0x576: {  	v51 =	vunpack.i.u.bf16.f32 v34;
	v4 =	vunpack.i.l.bf16.f32 v34;
	v34 =	vld [tilespmem:s23+$0x6970];
	v50, _, _ =	vpop (xrf2);
	v43 =	vbroadcast v48, $0xF  }
0x577: {  	(xrf2) =	vadd.scan.msk.f32 $0xffff, v61;
	v48 =	vunpack.i.u.bf16.f32 v36;
	v31 =	vbroadcast v50, $0xF;
	v50 =	vunpack.i.l.bf16.f32 v36;
	v36 =	vld [tilespmem:s23+$0x5580]  }
0x578: {  	v33 =	vmul.bf16 v45, v33;
	v53 =	vunpack.i.u.bf16.f32 v17;
	v57, _, _ =	vpop (xrf2);
	v24 =	vadd.f32 v50, v48;
	v50 =	vld [tilespmem:$0x1F690]  }
0x579: {  	v17 =	vunpack.i.l.bf16.f32 v17;
	(xrf2) =	vadd.scan.msk.f32 $0xffff, v55;
	v46 =	vbroadcast v57, $0xF;
	v57 =	vmul.bf16 v41, v39;
	v39 =	vld [tilespmem:s23+$0x69E0]  }
0x57a: {  	v19 =	vmul.bf16 v19, v25;
	v17 =	vadd.f32 v17, v53;
	v31 =	vsel vm0, v43, v31;
	v43 =	vld [tilespmem:s23+$0x5510]  }
0x57b: {  	v4 =	vadd.f32 v4, v51;
	(xrf2) =	vadd.scan.msk.f32 $0xffff, v58;
	v31 =	vsel vm1, v31, v46;
	v46 =	vld [tilespmem:s23+$0x6930];
	v61 =	vadd.bf16 v57, v56;
	v62, _, _ =	vpop (xrf2)  }
0x57c: {  	v17 =	vadd.f32 v18, v17;
	v63 =	vbroadcast v62, $0xF;
	v62 =	vmul.bf16 v40, v44;
	v44 =	vld [tilespmem:$0x1F680]  }
0x57d: {  	v55 =	vmul.bf16 v27, v22;
	v4 =	vadd.f32 v4, v24;
	v57 =	vld [tilespmem:s23+$0x55D0];
	v24 =	vunpack.i.l.bf16.f32 v61;
	v52, _, _ =	vpop (xrf2)  }
0x57e: {  	v40 =	vmul.bf16 v26, v36;
	v3 =	vsel vm2, v31, v63;
	v30 =	vbroadcast v52, $0xF;
	v31 =	vld [tilespmem:s23+$0x5570]  }
0x57f: {  	v23 =	vmul.bf16 v23, v43;
	v43 =	vunpack.i.u.bf16.f32 v61;
	v52 =	vmul.bf16 v49, v47;
	v47 =	vld [tilespmem:s23+$0x5600]  }
0x580: {  	v63 =	vunpack.i.u.bf16.f32 v21;
	v21 =	vunpack.i.l.bf16.f32 v21;
	v48 =	vadd.f32 v24, v43;
	v24 =	vld [tilespmem:s23+$0x55B0]  }
0x581: {  	v59, _, _ =	vpop (xrf2);
	v7 =	vadd.bf16 v7, v62;
	v49 =	vmul.bf16 v32, v38;
	v45 =	vadd.f32 v21, v63;
	v21 =	vld [tilespmem:s23+$0x55C0];
	(xrf2) =	vadd.scan.msk.f32 $0xffff, v44  }
0x582: {  	v60 =	vbroadcast v59, $0xF;
	v28 =	vmul.bf16 v46, v28;
	v63 =	vld [tilespmem:s23+$0x55E0];
	v3 =	vsel vm3, v3, v30;
	(xrf2) =	vadd.scan.msk.f32 $0xffff, v50  }
0x583: {  	v30 =	vld [tilespmem:s23+$0x5590];
	v51 =	vunpack.i.u.bf16.f32 v7;
	v7 =	vunpack.i.l.bf16.f32 v7;
	v23 =	vadd.bf16 v23, v33;
	v56, _, _ =	vpop (xrf2);
	(xrf2) =	vadd.scan.msk.f32 $0xffff, v11  }
0x584: {  	v33 =	vld [tilespmem:s23+$0x69B0];
	v3 =	vsel vm4, v3, v60;
	v7 =	vadd.f32 v7, v51;
	v58 =	vbroadcast v56, $0xF;
	(xrf2) =	vadd.scan.msk.f32 $0xffff, v13  }
0x585: {  	v18 =	vadd.bf16 v28, v52;
	v60 =	vld [tilespmem:s23+$0x69D0];
	v53 =	vunpack.i.u.bf16.f32 v23;
	v23 =	vunpack.i.l.bf16.f32 v23;
	v59, _, _ =	vpop (xrf2);
	(xrf2) =	vadd.scan.msk.f32 $0xffff, v12  }
0x586: {  	v56 =	vld [tilespmem:s23+$0x6A10];
	v11 =	vadd.f32 v48, v45;
	v54 =	vadd.f32 v23, v53;
	v61 =	vbroadcast v59, $0xF;
	(xrf2) =	vadd.scan.msk.f32 $0xffff, v6  }
0x587: {  	v50 =	vld [tilespmem:s23+$0x6A00];
	v62 =	vmul.bf16 v34, v31;
	v34 =	vunpack.i.u.bf16.f32 v18;
	v18 =	vunpack.i.l.bf16.f32 v18;
	(xrf2) =	vadd.scan.msk.f32 $0xffff, v14  }
0x588: {  	v53 =	vld [tilespmem:s23+$0x5610];
	v3 =	vsel vm5, v3, v58;
	v13 =	vadd.bf16 v19, v55;
	v41 =	vmul.bf16 v42, v30;
	(xrf2) =	vadd.scan.msk.f32 $0xffff, v2  }
0x589: {  	v7 =	vadd.f32 v54, v7;
	v24 =	vmul.bf16 v33, v24;
	v54 =	vmul.bf16 v35, v21;
	(xrf2) =	vadd.scan.msk.f32 $0xffff, v5  }
0x58a: {  	v3 =	vsel vm6, v3, v61;
	v61 =	vmul.bf16 v39, v63;
	v43 =	vunpack.i.u.bf16.f32 v13;
	(xrf2) =	vadd.scan.msk.f32 $0xffff, v16  }
0x58b: {  	v44 =	vld [tilespmem:s23+$0x69F0];
	v13 =	vunpack.i.l.bf16.f32 v13;
	v23 =	vmul.bf16 v60, v57;
	v14 =	vadd.bf16 v62, v20;
	v45, _, _ =	vpop (xrf2);
	(xrf2) =	vadd.scan.msk.f32 $0xffff, v9  }
0x58c: {  	v42 =	vld [tilespmem:s23+$0x55F0];
	v13 =	vadd.f32 v13, v43;
	v57 =	vadd.bf16 v24, v49;
	v22 =	vmul.bf16 v50, v47;
	v48, _, _ =	vpop (xrf2)  }
0x58d: {  	v2 =	vadd.f32 v18, v34;
	v59 =	vadd.bf16 v23, v54;
	v25 =	vmul.bf16 v56, v53;
	(xrf2) =	vadd.scan.msk.f32 $0xffff, v15;
	v51, _, _ =	vpop (xrf2)  }
0x58e: {  	v46 =	vunpack.i.u.bf16.f32 v14;
	v14 =	vunpack.i.l.bf16.f32 v14;
	v5 =	vadd.bf16 v41, v40;
	v55, _, _ =	vpop (xrf2);
	(xrf2) =	vadd.scan.msk.f32 $0xffff, v8  }
0x58f: {  	v62 =	vunpack.i.u.bf16.f32 v57;
	v6 =	vunpack.i.l.bf16.f32 v57;
	v2 =	vadd.f32 v13, v2;
	v58, _, _ =	vpop (xrf2);
	(xrf2) =	vadd.scan.msk.f32 $0xffff, v10  }
0x590: {  	v63 =	vadd.f32 v6, v62;
	v52 =	vunpack.i.u.bf16.f32 v5;
	v5 =	vunpack.i.l.bf16.f32 v5;
	v60, _, _ =	vpop (xrf2);
	(xrf2) =	vadd.scan.msk.f32 $0xffff, v1  }
0x591: {  	v20 =	vmul.bf16 v44, v42;
	v9 =	vadd.f32 v14, v46;
	v5 =	vadd.f32 v5, v52;
	v1, _, _ =	vpop (xrf2);
	(xrf2) =	vadd.scan.msk.f32 $0xffff, v0  }
0x592: {  	v26 =	vunpack.i.u.bf16.f32 v59;
	v32 =	vadd.bf16 v25, v22;
	v27 =	vbroadcast v45, $0xF;
	v23, _, _ =	vpop (xrf2);
	(xrf2) =	vadd.scan.msk.f32 $0xffff, v4  }
0x593: {  	v6 =	vadd.bf16 v20, v61;
	v5 =	vadd.f32 v5, v9;
	v9 =	vunpack.i.l.bf16.f32 v59;
	v24, _, _ =	vpop (xrf2);
	(xrf2) =	vadd.scan.msk.f32 $0xffff, v17  }
0x594: {  	v37 =	vunpack.i.u.bf16.f32 v32;
	v12 =	vunpack.i.l.bf16.f32 v32;
	v9 =	vadd.f32 v9, v26;
	v30, _, _ =	vpop (xrf2);
	(xrf2) =	vadd.scan.msk.f32 $0xffff, v11  }
0x595: {  	v39 =	vadd.f32 v12, v37;
	v35 =	vunpack.i.u.bf16.f32 v6;
	v36 =	vunpack.i.l.bf16.f32 v6;
	v33, _, _ =	vpop (xrf2);
	(xrf2) =	vadd.scan.msk.f32 $0xffff, v7  }
0x596: {  	v0 =	vadd.f32 v9, v63;
	v4 =	vbroadcast v24, $0xF;
	v31 =	vbroadcast v30, $0xF;
	(xrf2) =	vadd.scan.msk.f32 $0xffff, v2  }
0x597: {  	v43 =	vbroadcast v48, $0xF;
	v34 =	vbroadcast v33, $0xF;
	v38, _, _ =	vpop (xrf2);
	v2 =	vadd.f32 v36, v35;
	(xrf2) =	vadd.scan.msk.f32 $0xffff, v5  }
0x598: {  	v3 =	vsel vm7, v3, v27;
	v4 =	vsel vm0, v4, v31;
	v40 =	vbroadcast v38, $0xF;
	v41, _, _ =	vpop (xrf2);
	(xrf2) =	vadd.scan.msk.f32 $0xffff, v0  }
0x599: {  	v4 =	vsel vm1, v4, v34;
	v2 =	vadd.f32 v39, v2;
	v42, _, _ =	vpop (xrf2);
	v7 =	vbroadcast v41, $0xF  }
0x59a: {  	v45 =	vbroadcast v51, $0xF;
	v4 =	vsel vm2, v4, v40;
	v44, _, _ =	vpop (xrf2);
	v0 =	vbroadcast v42, $0xF  }
0x59b: {  	v3 =	vsel vm8, v3, v43;
	(xrf2) =	vadd.scan.msk.f32 $0xffff, v2;
	v4 =	vsel vm3, v4, v7;
	v5 =	vbroadcast v44, $0xF;
	v46, _, _ =	vpop (xrf2)  }
0x59c: {  	v50 =	vbroadcast v55, $0xF;
	v47, _, _ =	vpop (xrf2);
	v0 =	vsel vm4, v4, v0;
	v48 =	vbroadcast v46, $0xF  }
0x59d: {  	v3 =	vsel vm9, v3, v45;
	v49, _, _ =	vpop (xrf2);
	v0 =	vsel vm5, v0, v5;
	v2 =	vbroadcast v47, $0xF  }
0x59e: {  	v8 =	vbroadcast v58, $0xF;
	v51, _, _ =	vpop (xrf2);
	v0 =	vsel vm6, v0, v48;
	v52 =	vbroadcast v49, $0xF  }
0x59f: {  	v3 =	vsel vm10, v3, v50;
	v53, _, _ =	vpop (xrf2);
	v0 =	vsel vm7, v0, v2;
	v54 =	vbroadcast v51, $0xF  }
0x5a0: {  	v58 =	vbroadcast v60, $0xF;
	v55, _, _ =	vpop (xrf2);
	v0 =	vsel vm8, v0, v52;
	v56 =	vbroadcast v53, $0xF  }
0x5a1: {  	v3 =	vsel vm11, v3, v8;
	v57, _, _ =	vpop (xrf2);
	v0 =	vsel vm9, v0, v54;
	v59 =	vbroadcast v55, $0xF  }
0x5a2: {  	p1 =	por p0, p0;
	v1 =	vbroadcast v1, $0xF;
	v60, _, _ =	vpop (xrf2);
	v0 =	vsel vm10, v0, v56;
	v61 =	vbroadcast v57, $0xF  }
.Ltmp3:
0x5a3: {  	v3 =	vsel vm12, v3, v58;
	v0 =	vsel vm11, v0, v59;
	v62 =	vbroadcast v60, $0xF;
	(pc) =	sbr.rel @p1 .LBB2_8-.Ltmp3, $4  }
0x5a4: {  	s31 =	sshll.u32 s22, $0x4;
	v1 =	vsel vm13, v3, v1;
	v0 =	vsel vm12, v0, v61  }
0x5a5: {  	s22 =	sand.u32 $0x3FFFFFF0, s31;
	v1 =	vsel vm14, v1, v23;
	v63, _, _ =	vpop (xrf2);
	v0 =	vsel vm13, v0, v62  }
0x5a6: {  	[tilespmem:s22+$0xC4E0] =	vst v1;
	v0 =	vsel vm14, v0, v63  }
0x5a7: {  	p0 =	por $0x0, $0x0;
	[tilespmem:s22+$0xC4F0] =	vst v0;
	s22 =	simm.s32 $0x2  }
0x5a8: {  	v0 =	vld [tilespmem:$0x5E20]  }
0x5a9: {  	v1 =	vld [tilespmem:$0x7220]  }
0x5aa: {  	v2 =	vld [tilespmem:$0x5E30]  }
0x5ab: {  	v3 =	vld [tilespmem:$0x7230]  }
0x5ac: {  	v4 =	vld [tilespmem:$0x5E40]  }
0x5ad: {  	v5 =	vld [tilespmem:$0x7240]  }
0x5ae: {  	v6 =	vld [tilespmem:$0x5E50]  }
0x5af: {  	v7 =	vld [tilespmem:$0x7250]  }
0x5b0: {  	v8 =	vld [tilespmem:$0x5E60]  }
0x5b1: {  	v9 =	vld [tilespmem:$0x7260]  }
0x5b2: {  	v10 =	vld [tilespmem:$0x5E70]  }
0x5b3: {  	v11 =	vld [tilespmem:$0x7270]  }
0x5b4: {  	v12 =	vld [tilespmem:$0x5E80]  }
0x5b5: {  	v13 =	vld [tilespmem:$0x7280]  }
0x5b6: {  	v14 =	vld [tilespmem:$0x5E90]  }
0x5b7: {  	v15 =	vld [tilespmem:$0x7290]  }
0x5b8: {  	v16 =	vld [tilespmem:$0x5EA0]  }
0x5b9: {  	v17 =	vld [tilespmem:$0x72A0]  }
0x5ba: {  	v18 =	vld [tilespmem:$0x5EB0]  }
0x5bb: {  	v19 =	vld [tilespmem:$0x72B0]  }
0x5bc: {  	v20 =	vld [tilespmem:$0x5EC0]  }
0x5bd: {  	v21 =	vld [tilespmem:$0x72C0]  }
0x5be: {  	v22 =	vld [tilespmem:$0x5ED0]  }
0x5bf: {  	v23 =	vld [tilespmem:$0x72D0]  }
0x5c0: {  	v24 =	vld [tilespmem:$0x5EE0]  }
0x5c1: {  	v25 =	vld [tilespmem:$0x72E0]  }
0x5c2: {  	v26 =	vld [tilespmem:$0x5EF0]  }
0x5c3: {  	v27 =	vld [tilespmem:$0x72F0]  }
0x5c4: {  	v28 =	vld [tilespmem:$0x5F00]  }
0x5c5: {  	v29 =	vld [tilespmem:$0x7300]  }
0x5c6: {  	v30 =	vld [tilespmem:$0x5F10]  }
0x5c7: {  	v31 =	vld [tilespmem:$0x7310]  }
0x5c8: {  	v32 =	vld [tilespmem:$0x5F20]  }
0x5c9: {  	v33 =	vld [tilespmem:$0x7320]  }
0x5ca: {  	v34 =	vld [tilespmem:$0x5F30]  }
0x5cb: {  	v35 =	vld [tilespmem:$0x7330]  }
0x5cc: {  	v36 =	vld [tilespmem:$0x5F40]  }
0x5cd: {  	v37 =	vld [tilespmem:$0x7340]  }
0x5ce: {  	v38 =	vld [tilespmem:$0x5F50]  }
0x5cf: {  	v39 =	vld [tilespmem:$0x7350]  }
0x5d0: {  	v40 =	vld [tilespmem:$0x5F60]  }
0x5d1: {  	v41 =	vld [tilespmem:$0x7360]  }
0x5d2: {  	v42 =	vld [tilespmem:$0x5F70]  }
0x5d3: {  	v43 =	vld [tilespmem:$0x7370]  }
0x5d4: {  	v44 =	vld [tilespmem:$0x5F80]  }
0x5d5: {  	v45 =	vld [tilespmem:$0x7380]  }
0x5d6: {  	v46 =	vld [tilespmem:$0x5F90]  }
0x5d7: {  	v47 =	vld [tilespmem:$0x7390]  }
0x5d8: {  	v48 =	vld [tilespmem:$0x5FA0]  }
0x5d9: {  	v49 =	vld [tilespmem:$0x73A0]  }
0x5da: {  	v50 =	vld [tilespmem:$0x5FB0]  }
0x5db: {  	v51 =	vld [tilespmem:$0x73B0]  }
0x5dc: {  	v52 =	vld [tilespmem:$0x5FC0]  }
0x5dd: {  	v53 =	vld [tilespmem:$0x73C0]  }
0x5de: {  	v54 =	vld [tilespmem:$0x5FD0]  }
0x5df: {  	v55 =	vld [tilespmem:$0x73D0]  }
0x5e0: {  	v56 =	vld [tilespmem:$0x5FE0]  }
0x5e1: {  	v57 =	vld [tilespmem:$0x73E0]  }
0x5e2: {  	v58 =	vld [tilespmem:$0x5FF0]  }
0x5e3: {  	v59 =	vld [tilespmem:$0x73F0]  }
0x5e4: {  	v60 =	vld [tilespmem:$0x6000]  }
0x5e5: {  	v61 =	vld [tilespmem:$0x7400]  }
0x5e6: {  	v62 =	vmul.bf16 v5, v4;
	v5 =	vld [tilespmem:$0x6010]  }
0x5e7: {  	v63 =	vmul.bf16 v7, v6;
	v6 =	vld [tilespmem:$0x7410]  }
0x5e8: {  	v7 =	vld [tilespmem:$0x6020]  }
0x5e9: {  	v4 =	vmul.bf16 v11, v10;
	v11 =	vld [tilespmem:$0x7430]  }
0x5ea: {  	v10 =	vld [tilespmem:$0x7440]  }
0x5eb: {  	v25 =	vmul.bf16 v25, v24;
	v24 =	vld [tilespmem:$0x7490]  }
0x5ec: {  	v35 =	vmul.bf16 v35, v34;
	v34 =	vld [tilespmem:$0x74E0]  }
0x5ed: {  	v45 =	vmul.bf16 v45, v44;
	v44 =	vld [tilespmem:$0x6110]  }
0x5ee: {  	v0 =	vmul.bf16 v1, v0;
	v47 =	vmul.bf16 v47, v46;
	v46 =	vld [tilespmem:$0x7510]  }
0x5ef: {  	v1 =	vmul.bf16 v3, v2;
	v2 =	vadd.bf16 v63, v62;
	v62 =	vmul.bf16 v13, v12;
	v12 =	vld [tilespmem:$0x6040]  }
0x5f0: {  	v32 =	vmul.bf16 v33, v32;
	v13 =	vld [tilespmem:$0x6050]  }
0x5f1: {  	v36 =	vmul.bf16 v37, v36;
	v63 =	vmul.bf16 v15, v14;
	v14 =	vld [tilespmem:$0x6060]  }
0x5f2: {  	v37 =	vmul.bf16 v39, v38;
	v15 =	vmul.bf16 v19, v18;
	v19 =	vld [tilespmem:$0x6070]  }
0x5f3: {  	v48 =	vmul.bf16 v49, v48;
	v49 =	vmul.bf16 v51, v50;
	v18 =	vld [tilespmem:$0x6080]  }
0x5f4: {  	v51 =	vmul.bf16 v53, v52;
	v52 =	vmul.bf16 v55, v54;
	v38 =	vadd.bf16 v35, v32;
	v32 =	vld [tilespmem:$0x74D0]  }
0x5f5: {  	v55 =	vmul.bf16 v57, v56;
	v57 =	vmul.bf16 v59, v58;
	v39 =	vadd.bf16 v37, v36;
	v36 =	vld [tilespmem:$0x60E0]  }
0x5f6: {  	v0 =	vadd.bf16 v1, v0;
	v35 =	vld [tilespmem:$0x60F0]  }
0x5f7: {  	v26 =	vmul.bf16 v27, v26;
	v58 =	vmul.bf16 v61, v60;
	v60 =	vadd.bf16 v57, v55;
	v37 =	vld [tilespmem:$0x7520]  }
0x5f8: {  	v57 =	vld [tilespmem:$0x61A0];
	v1 =	vunpack.i.u.bf16.f32 v0;
	v0 =	vunpack.i.l.bf16.f32 v0;
	v3 =	vunpack.i.u.bf16.f32 v2  }
0x5f9: {  	v2 =	vunpack.i.l.bf16.f32 v2;
	v0 =	vadd.f32 v0, v1;
	v1 =	vmul.bf16 v9, v8;
	v8 =	vld [tilespmem:$0x7420]  }
0x5fa: {  	v28 =	vmul.bf16 v29, v28;
	v29 =	vmul.bf16 v31, v30;
	v9 =	vld [tilespmem:$0x6030];
	v2 =	vadd.f32 v2, v3  }
0x5fb: {  	v40 =	vmul.bf16 v41, v40;
	v1 =	vadd.bf16 v4, v1;
	v4 =	vmul.bf16 v17, v16;
	v16 =	vld [tilespmem:$0x7450]  }
0x5fc: {  	v43 =	vmul.bf16 v43, v42;
	v0 =	vadd.f32 v2, v0;
	v2 =	vadd.bf16 v63, v62;
	v17 =	vld [tilespmem:$0x7470]  }
0x5fd: {  	v59 =	vmul.bf16 v6, v5;
	v10 =	vmul.bf16 v10, v12;
	v12 =	vld [tilespmem:$0x7550]  }
0x5fe: {  	v63 =	vunpack.i.u.bf16.f32 v2;
	v2 =	vunpack.i.l.bf16.f32 v2;
	v4 =	vadd.bf16 v15, v4;
	v15 =	vld [tilespmem:$0x7460]  }
0x5ff: {  	v41 =	vunpack.i.u.bf16.f32 v39;
	v2 =	vadd.f32 v2, v63;
	v63 =	vmul.bf16 v23, v22;
	v23 =	vld [tilespmem:$0x7480]  }
0x600: {  	v61 =	vadd.bf16 v59, v58;
	v62 =	vunpack.i.u.bf16.f32 v1;
	v1 =	vunpack.i.l.bf16.f32 v1;
	v22 =	vld [tilespmem:$0x6090]  }
0x601: {  	v1 =	vadd.f32 v1, v62;
	v62 =	vmul.bf16 v21, v20;
	v21 =	vadd.bf16 v29, v28;
	v29 =	vld [tilespmem:$0x74A0]  }
0x602: {  	v42 =	vunpack.i.u.bf16.f32 v61;
	v20 =	vld [tilespmem:$0x60B0];
	v28 =	vadd.bf16 v43, v40;
	v7 =	vmul.bf16 v8, v7  }
0x603: {  	v40 =	vld [tilespmem:$0x74F0];
	v9 =	vmul.bf16 v11, v9;
	v27 =	vunpack.i.u.bf16.f32 v4;
	v1 =	vadd.f32 v2, v1  }
0x604: {  	v8 =	vld [tilespmem:$0x6130];
	v4 =	vunpack.i.l.bf16.f32 v4;
	v3 =	vadd.bf16 v63, v62;
	v2 =	vadd.bf16 v26, v25  }
0x605: {  	v11 =	vld [tilespmem:$0x7530];
	v4 =	vadd.f32 v4, v27;
	v33 =	vunpack.i.u.bf16.f32 v21;
	v21 =	vunpack.i.l.bf16.f32 v21  }
0x606: {  	v27 =	vld [tilespmem:$0x60A0];
	v26 =	vunpack.i.u.bf16.f32 v38;
	v50 =	vunpack.i.u.bf16.f32 v28;
	v28 =	vunpack.i.l.bf16.f32 v28  }
0x607: {  	v25 =	vld [tilespmem:$0x74B0];
	v62 =	vunpack.i.u.bf16.f32 v60;
	v63 =	vmul.bf16 v16, v13;
	v7 =	vadd.bf16 v9, v7  }
0x608: {  	v9 =	vld [tilespmem:$0x7540];
	v21 =	vadd.f32 v21, v33;
	v28 =	vadd.f32 v28, v50;
	v30 =	vunpack.i.u.bf16.f32 v3  }
0x609: {  	v16 =	vld [tilespmem:$0x6150];
	v3 =	vunpack.i.l.bf16.f32 v3;
	v31 =	vunpack.i.u.bf16.f32 v2;
	v2 =	vunpack.i.l.bf16.f32 v2  }
0x60a: {  	v33 =	vld [tilespmem:$0x74C0];
	v14 =	vmul.bf16 v15, v14;
	v10 =	vadd.bf16 v63, v10;
	v63 =	vmul.bf16 v46, v44  }
0x60b: {  	v15 =	vld [tilespmem:$0x6160];
	v3 =	vadd.f32 v3, v30;
	v2 =	vadd.f32 v2, v31;
	v18 =	vmul.bf16 v23, v18  }
0x60c: {  	v46 =	vld [tilespmem:$0x75D0];
	v31 =	vadd.bf16 v47, v45;
	v43 =	vmul.bf16 v24, v22;
	v59 =	vmul.bf16 v40, v35  }
0x60d: {  	v30 =	vld [tilespmem:$0x60C0];
	v8 =	vmul.bf16 v11, v8;
	v45 =	vunpack.i.u.bf16.f32 v10;
	v10 =	vunpack.i.l.bf16.f32 v10  }
0x60e: {  	v22 =	vld [tilespmem:$0x7570];
	v3 =	vadd.f32 v3, v4;
	v2 =	vadd.f32 v21, v2;
	v4 =	vunpack.i.l.bf16.f32 v38  }
0x60f: {  	v24 =	vld [tilespmem:$0x6180];
	v21 =	vunpack.i.l.bf16.f32 v39;
	v53 =	vunpack.i.u.bf16.f32 v31;
	v38 =	vadd.bf16 v52, v51  }
0x610: {  	v40 =	vld [tilespmem:$0x61C0];
	v31 =	vunpack.i.l.bf16.f32 v31;
	v18 =	vadd.bf16 v43, v18;
	v10 =	vadd.f32 v10, v45  }
0x611: {  	v39 =	vld [tilespmem:$0x6100];
	v20 =	vmul.bf16 v25, v20;
	v4 =	vadd.f32 v4, v26;
	v21 =	vadd.f32 v21, v41  }
0x612: {  	v12 =	vmul.bf16 v12, v16;
	v43 =	vld [tilespmem:$0x61D0];
	v31 =	vadd.f32 v31, v53;
	v56 =	vunpack.i.u.bf16.f32 v38  }
0x613: {  	v26 =	vld [tilespmem:$0x60D0];
	v38 =	vunpack.i.l.bf16.f32 v38;
	v4 =	vadd.f32 v21, v4;
	v21 =	vadd.bf16 v49, v48  }
0x614: {  	v41 =	vld [tilespmem:$0x7500];
	v38 =	vadd.f32 v38, v56;
	v5 =	vadd.f32 v31, v28;
	v28 =	vunpack.i.l.bf16.f32 v60  }
0x615: {  	v31 =	vld [tilespmem:$0x6120];
	v48 =	vmul.bf16 v29, v27;
	v49 =	vunpack.i.u.bf16.f32 v18;
	v18 =	vunpack.i.l.bf16.f32 v18  }
0x616: {  	v56 =	vmul.bf16 v34, v36;
	v60 =	vld [tilespmem:$0x75A0];
	v28 =	vadd.f32 v28, v62;
	v18 =	vadd.f32 v18, v49  }
0x617: {  	v36 =	vld [tilespmem:$0x75B0];
	v54 =	vunpack.i.u.bf16.f32 v21;
	v21 =	vunpack.i.l.bf16.f32 v21;
	v52 =	vadd.bf16 v20, v48  }
0x618: {  	v50 =	vmul.bf16 v33, v30;
	v49 =	vld [tilespmem:$0x75E0];
	v25 =	vadd.bf16 v59, v56;
	v21 =	vadd.f32 v21, v54  }
0x619: {  	v48 =	vld [tilespmem:$0x61E0];
	v51 =	vmul.bf16 v32, v26;
	v62 =	vmul.bf16 v41, v39;
	v55 =	vunpack.i.u.bf16.f32 v52  }
0x61a: {  	v26 =	vld [tilespmem:$0x7580];
	v41 =	vunpack.i.u.bf16.f32 v25;
	v25 =	vunpack.i.l.bf16.f32 v25;
	v6 =	vadd.f32 v38, v21  }
0x61b: {  	v54 =	vld [tilespmem:$0x7590];
	v21 =	vunpack.i.l.bf16.f32 v61;
	v53 =	vadd.bf16 v51, v50;
	v39 =	vmul.bf16 v37, v31  }
0x61c: {  	v38 =	vld [tilespmem:$0x6140];
	v21 =	vadd.f32 v21, v42;
	v42 =	vunpack.i.u.bf16.f32 v7;
	v7 =	vunpack.i.l.bf16.f32 v7  }
0x61d: {  	v61 =	vld [tilespmem:$0x61B0];
	v44 =	vadd.f32 v25, v41;
	v56 =	vmul.bf16 v60, v57;
	v7 =	vadd.f32 v7, v42  }
0x61e: {  	v57 =	vld [tilespmem:$0x7600];
	v58 =	vunpack.i.u.bf16.f32 v53;
	v13 =	vadd.f32 v21, v28;
	v28 =	vmul.bf16 v17, v19  }
0x61f: {  	v42 =	vld [tilespmem:$0x75C0];
	v8 =	vadd.bf16 v8, v39;
	v27 =	vmul.bf16 v49, v48;
	v7 =	vadd.f32 v10, v7  }
0x620: {  	v21 =	vld [tilespmem:$0x7560];
	v10 =	vunpack.i.l.bf16.f32 v52;
	v52 =	vmul.bf16 v26, v24;
	v14 =	vadd.bf16 v28, v14  }
0x621: {  	v19 =	vld [tilespmem:$0x6170];
	v10 =	vadd.f32 v10, v55;
	v28 =	vadd.bf16 v63, v62;
	v9 =	vmul.bf16 v9, v38  }
0x622: {  	(xrf2) =	vadd.scan.msk.f32 $0xffff, v0;
	v60 =	vld [tilespmem:$0x6210];
	v59 =	vmul.bf16 v36, v61;
	v63 =	vmul.bf16 v46, v43;
	v47 =	vunpack.i.u.bf16.f32 v14  }
0x623: {  	(xrf2) =	vadd.scan.msk.f32 $0xffff, v1;
	v24 =	vld [tilespmem:$0x7610];
	v14 =	vunpack.i.l.bf16.f32 v14;
	v45 =	vunpack.i.u.bf16.f32 v28;
	v28 =	vunpack.i.l.bf16.f32 v28  }
0x624: {  	v17 =	vld [tilespmem:$0x6190];
	v9 =	vadd.bf16 v12, v9;
	v62 =	vmul.bf16 v42, v40;
	v14 =	vadd.f32 v14, v47  }
0x625: {  	v55 =	vld [tilespmem:$0x6200];
	v47 =	vunpack.i.u.bf16.f32 v8;
	v8 =	vunpack.i.l.bf16.f32 v8;
	v25 =	vadd.f32 v28, v45  }
0x626: {  	v15 =	vmul.bf16 v21, v15;
	v19 =	vmul.bf16 v22, v19;
	v8 =	vadd.f32 v8, v47  }
0x627: {  	(xrf2) =	vadd.scan.msk.f32 $0xffff, v3;
	v50 =	vunpack.i.u.bf16.f32 v9;
	v9 =	vunpack.i.l.bf16.f32 v9;
	v3 =	vadd.bf16 v63, v62  }
0x628: {  	v32 =	vmul.bf16 v24, v60;
	v14 =	vadd.f32 v18, v14;
	v18 =	vunpack.i.l.bf16.f32 v53  }
0x629: {  	v51 =	vld [tilespmem:$0x61F0];
	v0 =	vadd.f32 v9, v50;
	v53 =	vmul.bf16 v54, v17;
	v15 =	vadd.bf16 v19, v15  }
0x62a: {  	(xrf2) =	vadd.scan.msk.f32 $0xffff, v2;
	v54 =	vld [tilespmem:$0x75F0];
	v30 =	vmul.bf16 v57, v55;
	v18 =	vadd.f32 v18, v58;
	v11 =	vunpack.i.u.bf16.f32 v3  }
0x62b: {  	(xrf2) =	vadd.scan.msk.f32 $0xffff, v4;
	v3 =	vunpack.i.l.bf16.f32 v3;
	v0 =	vadd.f32 v0, v8;
	v1 =	vadd.bf16 v53, v52  }
0x62c: {  	(xrf2) =	vadd.scan.msk.f32 $0xffff, v5;
	v31, _, _ =	vpop (xrf2);
	v58 =	vunpack.i.u.bf16.f32 v15;
	v3 =	vadd.f32 v3, v11;
	v8 =	vadd.bf16 v32, v30  }
0x62d: {  	v33, _, _ =	vpop (xrf2);
	(xrf2) =	vadd.scan.msk.f32 $0xffff, v6;
	v15 =	vunpack.i.l.bf16.f32 v15;
	v10 =	vadd.f32 v18, v10;
	v18 =	vadd.f32 v25, v44  }
0x62e: {  	v6 =	vbroadcast v33, $0xF;
	(xrf2) =	vadd.scan.msk.f32 $0xffff, v13;
	v61 =	vadd.f32 v15, v58;
	v25 =	vadd.bf16 v59, v56  }
0x62f: {  	(xrf2) =	vadd.scan.msk.f32 $0xffff, v7;
	v26 =	vunpack.i.u.bf16.f32 v1;
	v1 =	vunpack.i.l.bf16.f32 v1;
	v29 =	vmul.bf16 v54, v51  }
0x630: {  	(xrf2) =	vadd.scan.msk.f32 $0xffff, v14;
	v1 =	vadd.f32 v1, v26;
	v28 =	vunpack.i.u.bf16.f32 v25;
	v4 =	vunpack.i.l.bf16.f32 v25  }
0x631: {  	v7 =	vbroadcast v31, $0xF;
	(xrf2) =	vadd.scan.msk.f32 $0xffff, v10;
	v4 =	vadd.f32 v4, v28;
	v5 =	vadd.bf16 v29, v27  }
0x632: {  	v38 =	vunpack.i.u.bf16.f32 v8;
	v8 =	vunpack.i.l.bf16.f32 v8;
	(xrf2) =	vadd.scan.msk.f32 $0xffff, v18;
	v1 =	vadd.f32 v1, v61  }
0x633: {  	v36, _, _ =	vpop (xrf2);
	(xrf2) =	vadd.scan.msk.f32 $0xffff, v0;
	v34 =	vadd.f32 v3, v4;
	v35 =	vunpack.i.u.bf16.f32 v5;
	v37 =	vunpack.i.l.bf16.f32 v5  }
0x634: {  	v39, _, _ =	vpop (xrf2);
	v41 =	vbroadcast v36, $0xF;
	v40 =	vadd.f32 v8, v38;
	(xrf2) =	vadd.scan.msk.f32 $0xffff, v1;
	v0 =	vadd.f32 v37, v35  }
0x635: {  	v43 =	vbroadcast v39, $0xF;
	v42 =	vsel vm0, v7, v6;
	v44, _, _ =	vpop (xrf2);
	(xrf2) =	vadd.scan.msk.f32 $0xffff, v34  }
0x636: {  	v45, _, _ =	vpop (xrf2);
	v46 =	vbroadcast v44, $0xF;
	v3 =	vsel vm1, v42, v41;
	v0 =	vadd.f32 v40, v0  }
0x637: {  	v47, _, _ =	vpop (xrf2);
	v2 =	vbroadcast v45, $0xF;
	v3 =	vsel vm2, v3, v43  }
0x638: {  	v48, _, _ =	vpop (xrf2);
	v1 =	vbroadcast v47, $0xF;
	v3 =	vsel vm3, v3, v46;
	(xrf2) =	vadd.scan.msk.f32 $0xffff, v0  }
0x639: {  	v49, _, _ =	vpop (xrf2);
	v50 =	vbroadcast v48, $0xF;
	v2 =	vsel vm4, v3, v2  }
0x63a: {  	v51, _, _ =	vpop (xrf2);
	v1 =	vsel vm5, v2, v1;
	v0 =	vbroadcast v49, $0xF  }
0x63b: {  	v1 =	vsel vm6, v1, v50;
	v53 =	vbroadcast v51, $0xF;
	v52, _, _ =	vpop (xrf2)  }
0x63c: {  	v54, _, _ =	vpop (xrf2);
	v0 =	vsel vm7, v1, v0;
	v55 =	vbroadcast v52, $0xF  }
0x63d: {  	v56, _, _ =	vpop (xrf2);
	v0 =	vsel vm8, v0, v53;
	v57 =	vbroadcast v54, $0xF  }
0x63e: {  	v0 =	vsel vm9, v0, v55;
	v59 =	vbroadcast v56, $0xF;
	v58, _, _ =	vpop (xrf2)  }
0x63f: {  	v0 =	vsel vm10, v0, v57;
	v60, _, _ =	vpop (xrf2);
	v61 =	vbroadcast v58, $0xF  }
0x640: {  	v0 =	vsel vm11, v0, v59;
	v62 =	vbroadcast v60, $0xF  }
0x641: {  	v0 =	vsel vm12, v0, v61  }
0x642: {  	s21 =	sadd.s32 $0x1, s21;
	v0 =	vsel vm13, v0, v62;
	v63, _, _ =	vpop (xrf2)  }
0x643: {  	p0 =	sne.s32 s21, s8;
	v0 =	vsel vm14, v0, v63  }
.Ltmp4:
0x644: {  	[tilespmem:$0xC520] =	vst v0;
	(pc) =	sbr.rel @p0 .LBB2_1-.Ltmp4, $4  }
0x645: {  	[hbm4b:s7+s2] =	stream.linear.scatter [tilespmem:s20], [sflag:$0x5], $0x2710, $0x38;
	[tilespmem:$0xC530] =	vst v63  }
0x646: {  	_ =	swait.ge [sflag:s9], $0x2710  }
0x647: {  	[sflag:s9] =	ssyncset.done $0x0  }
0x648: {  	[sflag:s9] =	ssyncadd.s32 $0xFFFFD8F0  }
0x649: {  	_ =	sfence.sel $0x180000  }
0x64a: {  	[bflag:$0x0] =	sbarrier.arrive $0xFFFF  }
0x64b: {  	p0 =	sne.s32 s1, $0x0;
	_ =	strace $0x90000047  }
0x64c: {  	s0 =	sadd.s32 @!p0 $0x100000, s0;
	[bflag:$0x2] =	sbarrier.arrive $0xFFFF  }
0x64d: {  	[sflag:s0] =	ssyncadd.tile.s32 @!p0 $0x1;
	_ =	shalt  }
.Lfunc_end2:
_tile_overlayer_lowered:
.L_overlay_start_2:
0x64e: {  	(tag) =	ssettag $0x2  }
0x64f: {  	s0 =	rddreg [dreg:$0x0];
	s2 =	stileid.u32  }
0x650: {  	s1 =	rddreg [dreg:$0x1];
	p0 =	sne.s32 s2, $0x0  }
0x651: {  	s3 =	rddreg [dreg:$0x2];
	[bflag:$0x3] =	sbarrier.arrive $0xFFFF;
	s2 =	simm.s32 @!p0 $0x1C05  }
0x652: {  	[timem:s3], [sflag:s2] =	dma.local @!p0 [hbm:s0], s1  }
0x653: {  	s0 =	simm.s32 @!p0 $0x5  }
0x654: {  	_ =	swait.ge @!p0 [sflag:s0], s1  }
0x655: {  	s1 =	ssub.s32 @!p0 $0x0, s1;
	[sflag:s0] =	ssyncset.done @!p0 $0x0  }
0x656: {  	[sflag:s0] =	ssyncadd.s32 @!p0 s1  }
0x657: {  	[bflag:$0x3] =	sbarrier.arrive $0xFFFF  }
0x658: {  	_ =	shalt  }

</sc_bundles>
